<compile_context>
chip_gen: v7x
topology: tpu7x:2x2x1
jax: 0.10.2.dev20260603
libtpu: 0.0.44.dev20260713+nightly
codegen_flags: <defaults>
</compile_context>

<pallas_src>
import functools

import jax
import jax.numpy as jnp
from jax import lax
from jax.experimental import pallas as pl
from jax.experimental.pallas import tpu as pltpu
from jax.experimental.pallas import tpu_sc as plsc

N = 10000
E1 = 320000
J = 5000
E2 = 160000
D = 128
I = 1000

NC = 2
NS = 16
NW = NC * NS
C = 80

ACC1 = 5120
ACC2 = 1024

def _sc_segsum_body(x_hbm, src_hbm, dst_hbm, agg_out, cnt_out,
                    src_buf, dst_buf, src_ch, dst_ch, src_ch2, dst_ch2,
                    rows, rows2, ones, co_idx, co_rows, sem, sem2, acc_sp,
                    *args, n_chunks, thresh, acc_rows, cp, fused):
    cnt_sp = args[0] if fused else None
    """Per-tile body: segment-sum x[src] and ones over dst (dst<thresh).

    Two passes over one shared Spmem accumulator: pass A scatter-adds the
    gathered feature rows and exports them; pass B re-zeros, scatter-adds
    128-wide one-rows (pure TileSpmem->Spmem traffic) and exports counts.
    """
    c = lax.axis_index("c")
    s = lax.axis_index("s")
    rpt = acc_rows // NS
    npieces = rpt // cp

    pltpu.sync_copy(src_hbm.at[c, s], src_buf)
    pltpu.sync_copy(dst_hbm.at[c, s], dst_buf)

    z16 = jnp.zeros((16,), jnp.float32)
    o16 = jnp.ones((16,), jnp.float32)

    def _ofill(r, carry):
        for k in range(D // 16):
            ones[r, pl.ds(16 * k, 16)] = o16
        return carry

    lax.fori_loop(0, C, _ofill, 0)
    iota16 = lax.iota(jnp.int32, 16)
    base = s * rpt

    def _zero_acc():
        def _zco(r, carry):
            for k in range(D // 16):
                co_rows[r, pl.ds(16 * k, 16)] = z16
            return carry

        lax.fori_loop(0, cp, _zco, 0)
        for p in range(npieces):
            for k in range(cp // 16):
                co_idx[pl.ds(16 * k, 16)] = base + p * cp + 16 * k + iota16
            pltpu.sync_copy(co_rows, acc_sp.at[co_idx])
            if fused:
                pltpu.sync_copy(co_rows, cnt_sp.at[co_idx])

    def _remap_dst(ch):
        for k in range(C // 16):
            dv = dst_buf[ch, pl.ds(16 * k, 16)]
            dst_ch[pl.ds(16 * k, 16)] = jnp.where(dv < thresh, dv, thresh)

    def _export_from(buf, out):
        for p in range(npieces):
            for k in range(cp // 16):
                co_idx[pl.ds(16 * k, 16)] = base + p * cp + 16 * k + iota16
            pltpu.async_copy(buf.at[co_idx], co_rows, sem).wait()
            pltpu.sync_copy(co_rows, out.at[c, pl.ds(base + p * cp, cp)])

    def _export(out):
        _export_from(acc_sp, out)

    _zero_acc()
    plsc.subcore_barrier()

    def _load_idx(ch, sc, dc):
        for k in range(C // 16):
            sc[pl.ds(16 * k, 16)] = src_buf[ch, pl.ds(16 * k, 16)]
            dv = dst_buf[ch, pl.ds(16 * k, 16)]
            dc[pl.ds(16 * k, 16)] = jnp.where(dv < thresh, dv, thresh)

    _load_idx(0, src_ch, dst_ch)
    pltpu.async_copy(x_hbm.at[src_ch], rows, sem)

    def _chunk_a(ch, carry):
        @pl.when(ch % 2 == 0)
        def _():
            @pl.when(ch + 1 < n_chunks)
            def _():
                _load_idx(ch + 1, src_ch2, dst_ch2)
                pltpu.async_copy(x_hbm.at[src_ch2], rows2, sem2)
            pltpu.make_async_copy(x_hbm.at[src_ch], rows, sem).wait()
            pltpu.sync_copy(rows, acc_sp.at[dst_ch], add=True)
            if fused:
                pltpu.sync_copy(ones, cnt_sp.at[dst_ch], add=True)

        @pl.when(ch % 2 == 1)
        def _():
            @pl.when(ch + 1 < n_chunks)
            def _():
                _load_idx(ch + 1, src_ch, dst_ch)
                pltpu.async_copy(x_hbm.at[src_ch], rows, sem)
            pltpu.make_async_copy(x_hbm.at[src_ch2], rows2, sem2).wait()
            pltpu.sync_copy(rows2, acc_sp.at[dst_ch2], add=True)
            if fused:
                pltpu.sync_copy(ones, cnt_sp.at[dst_ch2], add=True)

        return carry

    lax.fori_loop(0, n_chunks, _chunk_a, 0)
    plsc.subcore_barrier()
    _export(agg_out)

    if fused:
        _export_from(cnt_sp, cnt_out)
        return

    _zero_acc()
    plsc.subcore_barrier()

    def _chunk_b(ch, carry):
        _remap_dst(ch)
        pltpu.sync_copy(ones, acc_sp.at[dst_ch], add=True)
        return carry

    lax.fori_loop(0, n_chunks, _chunk_b, 0)
    plsc.subcore_barrier()
    _export(cnt_out)


def _sc_segsum(x, src, dst, *, n_chunks, thresh, acc_rows, cp):
    mesh = plsc.VectorSubcoreMesh(core_axis_name="c", subcore_axis_name="s")
    fused = acc_rows <= 2048
    body = functools.partial(_sc_segsum_body, n_chunks=n_chunks,
                             thresh=thresh, acc_rows=acc_rows, cp=cp,
                             fused=fused)
    return pl.kernel(
        body,
        out_type=[
            jax.ShapeDtypeStruct((NC, acc_rows, D), jnp.float32),
            jax.ShapeDtypeStruct((NC, acc_rows, D), jnp.float32),
        ],
        mesh=mesh,
        scratch_types=[
            pltpu.VMEM((n_chunks, C), jnp.int32),
            pltpu.VMEM((n_chunks, C), jnp.int32),
            pltpu.VMEM((C,), jnp.int32),
            pltpu.VMEM((C,), jnp.int32),
            pltpu.VMEM((C,), jnp.int32),
            pltpu.VMEM((C,), jnp.int32),
            pltpu.VMEM((C, D), jnp.float32),
            pltpu.VMEM((C, D), jnp.float32),
            pltpu.VMEM((C, D), jnp.float32),
            pltpu.VMEM((cp,), jnp.int32),
            pltpu.VMEM((cp, D), jnp.float32),
            pltpu.SemaphoreType.DMA,
            pltpu.SemaphoreType.DMA,
            pltpu.VMEM_SHARED((acc_rows, D), jnp.float32),
        ] + ([pltpu.VMEM_SHARED((acc_rows, D), jnp.float32)] if fused
             else []),
    )(x, src, dst)


def _tc_sage_body(agg_ref, cnt_ref, x_ref, wl_ref, wr_ref, b_ref, out_ref,
                  *, relu):
    agg = agg_ref[0] + agg_ref[1]
    cnt = cnt_ref[0] + cnt_ref[1]
    mean = agg * (1.0 / jnp.maximum(cnt, 1.0))
    y = (jnp.dot(mean, wl_ref[...], preferred_element_type=jnp.float32)
         + jnp.dot(x_ref[...], wr_ref[...], preferred_element_type=jnp.float32)
         + b_ref[...])
    if relu:
        y = jnp.maximum(y, 0.0)
    out_ref[...] = y


def _tc_sage(agg, cnt, x, wl, wr, b, *, n_rows, blk, relu):
    grid = n_rows // blk
    body = functools.partial(_tc_sage_body, relu=relu)
    return pl.pallas_call(
        body,
        grid=(grid,),
        in_specs=[
            pl.BlockSpec((NC, blk, D), lambda i: (0, i, 0)),
            pl.BlockSpec((NC, blk, D), lambda i: (0, i, 0)),
            pl.BlockSpec((blk, D), lambda i: (i, 0)),
            pl.BlockSpec((D, D), lambda i: (0, 0)),
            pl.BlockSpec((D, D), lambda i: (0, 0)),
            pl.BlockSpec((1, D), lambda i: (0, 0)),
        ],
        out_specs=pl.BlockSpec((blk, D), lambda i: (i, 0)),
        out_shape=jax.ShapeDtypeStruct((n_rows, D), jnp.float32),
    )(agg, cnt, x, wl, wr, b)


def kernel(feat, t_adj, n_adj, i, j, W1_l, W1_r, b1, W2_l, W2_r, b2):
    ch1 = E1 // (NW * C)
    src1 = t_adj[0].reshape(NC, NS, ch1, C)
    dst1 = t_adj[1].reshape(NC, NS, ch1, C)
    agg1, cnt1 = _sc_segsum(feat, src1, dst1,
                            n_chunks=ch1, thresh=J, acc_rows=ACC1, cp=80)
    x1 = _tc_sage(agg1, cnt1, feat, W1_l, W1_r,
                  b1.reshape(1, D), n_rows=J, blk=1000, relu=True)

    ep2 = NW * C * ((E2 + NW * C - 1) // (NW * C))
    pad = ep2 - E2
    ch2 = ep2 // (NW * C)
    src2 = jnp.concatenate(
        [n_adj[0], jnp.zeros((pad,), jnp.int32)]).reshape(NC, NS, ch2, C)
    dst2 = jnp.concatenate(
        [n_adj[1], jnp.full((pad,), J, jnp.int32)]).reshape(NC, NS, ch2, C)
    agg2, cnt2 = _sc_segsum(x1, src2, dst2,
                            n_chunks=ch2, thresh=I, acc_rows=ACC2, cp=64)
    x2 = _tc_sage(agg2, cnt2, x1[:I], W2_l, W2_r,
                  b2.reshape(1, D), n_rows=I, blk=1000, relu=False)
    return x2

# --- scband reference (transcript-rebuilt; emitter-appended) ---
"""Pipeline reference for scband-t-sage-70746701300059 (READ-ONLY COPY).

The authoritative reference and input builder live on the scoring server;
editing this copy changes nothing except your own understanding.
"""

import jax, jax.numpy as jnp
import numpy as np

N = 10000
E1 = 320000
J = 5000
E2 = 160000
D = 128
I = 1000


def _glorot(key, shape):
    lim = float(np.sqrt(6.0 / (shape[0] + shape[1])))
    return jax.random.uniform(key, shape, dtype=jnp.float32, minval=-lim, maxval=lim)


def setup_inputs(seed: int = 0) -> dict:
    key = jax.random.key(seed)
    ks = jax.random.split(key, 10)
    feat = jax.random.normal(ks[0], (N, D), dtype=jnp.float32)
    t_adj = jax.random.randint(ks[1], (2, E1), 0, N, dtype=jnp.int32)
    n_adj = jax.random.randint(ks[2], (2, E2), 0, J, dtype=jnp.int32)
    W1_l = _glorot(ks[3], (D, D))
    W1_r = _glorot(ks[4], (D, D))
    b1 = jnp.zeros((D,), dtype=jnp.float32)
    W2_l = _glorot(ks[5], (D, D))
    W2_r = _glorot(ks[6], (D, D))
    b2 = jnp.zeros((D,), dtype=jnp.float32)
    return {
        "feat": feat,
        "t_adj": t_adj,
        "n_adj": n_adj,
        "i": 1000,
        "j": 5000,
        "W1_l": W1_l,
        "W1_r": W1_r,
        "b1": b1,
        "W2_l": W2_l,
        "W2_r": W2_r,
        "b2": b2,
    }


def _sage_conv(x, edge_index, W_l, W_r, b):
    # PyG SAGEConv with aggr='mean', root_weight=True:
    # out = mean_{src->dst} x[src] @ W_l + x @ W_r + b
    src = edge_index[0]
    dst = edge_index[1]
    n = x.shape[0]
    msg = jnp.take(x, src, axis=0)                      # gather (SparseCore)
    agg = jax.ops.segment_sum(msg, dst, num_segments=n)  # scatter-add
    cnt = jax.ops.segment_sum(jnp.ones((edge_index.shape[1],), jnp.float32), dst, num_segments=n)
    mean = agg / jnp.clip(cnt, 1.0)[:, None]
    return mean @ W_l + x @ W_r + b


def reference(feat, t_adj, n_adj, i, j, W1_l, W1_r, b1, W2_l, W2_r, b2):
    h1 = _sage_conv(feat, t_adj, W1_l, W1_r, b1)
    x1 = jax.nn.relu(jax.lax.dynamic_slice_in_dim(h1, j - J, J, axis=0))
    # F.dropout omitted for deterministic reference (identity)
    h2 = _sage_conv(x1, n_adj, W2_l, W2_r, b2)
    x2 = jax.lax.dynamic_slice_in_dim(h2, i - I, I, axis=0)
    return x2

if __name__ == "__main__":
    import jax
    _d = setup_inputs()
    print(jax.jit(kernel)(*tuple(_d.values())))

</pallas_src>

<mosaic_0001>
#map = affine_map<(d0, d1) -> (0, 0)>
#map1 = affine_map<(d0, d1) -> (0, 0, 0, 0)>
#map2 = affine_map<(d0, d1) -> (0, 0, 0)>
module attributes {stable_mosaic.version = 14 : i64} {
  func.func @_sc_segsum_body(%arg0: i32, %arg1: i32, %arg2: memref<10000x128xf32, #tpu.memory_space<hbm>>, %arg3: memref<2x16x125x80xi32, #tpu.memory_space<hbm>>, %arg4: memref<2x16x125x80xi32, #tpu.memory_space<hbm>>, %arg5: memref<2x5120x128xf32, #tpu.memory_space<hbm>>, %arg6: memref<2x5120x128xf32, #tpu.memory_space<hbm>>, %arg7: memref<125x80xi32, #tpu.memory_space<vmem>>, %arg8: memref<125x80xi32, #tpu.memory_space<vmem>>, %arg9: memref<80xi32, #tpu.memory_space<vmem>>, %arg10: memref<80xi32, #tpu.memory_space<vmem>>, %arg11: memref<80xi32, #tpu.memory_space<vmem>>, %arg12: memref<80xi32, #tpu.memory_space<vmem>>, %arg13: memref<80x128xf32, #tpu.memory_space<vmem>>, %arg14: memref<80x128xf32, #tpu.memory_space<vmem>>, %arg15: memref<80x128xf32, #tpu.memory_space<vmem>>, %arg16: memref<80xi32, #tpu.memory_space<vmem>>, %arg17: memref<80x128xf32, #tpu.memory_space<vmem>>, %arg18: memref<!tpu.dma_semaphore, #tpu.memory_space<semaphore_mem>>, %arg19: memref<!tpu.dma_semaphore, #tpu.memory_space<semaphore_mem>>, %arg20: memref<5120x128xf32, #tpu.memory_space<vmem_shared>>) attributes {dimension_semantics = [#tpu.dimension_semantics<core_parallel>, #tpu.dimension_semantics<subcore_parallel>], iteration_bounds = array<i64: 2, 16>, scalar_prefetch = 0 : i64, scratch_operands = 14 : i64, tpu.core_type = #tpu.core_type<sc_vector_subcore>, window_params = [{transform_indices = #map}, {transform_indices = #map1}, {transform_indices = #map1}, {transform_indices = #map2}, {transform_indices = #map2}]} {
    "tpu.region"() ({
      %run_scoped3A = tpu.sem_alloc : memref<!tpu.dma_semaphore, #tpu.memory_space<semaphore_mem>>
      %dma_start3A_1015 = arith.constant 0 : i32
      %dma_start3A_1016 = arith.constant 0 : i32
      %dma_start3A_1017 = tpu.memref_slice %arg3[%arg0, %arg1, %dma_start3A_1015, %dma_start3A_1016] : memref<2x16x125x80xi32, #tpu.memory_space<hbm>> -> memref<1x1x125x80xi32, #tpu.memory_space<hbm>>
      %dma_start3A_1018 = tpu.memref_squeeze %dma_start3A_1017 : memref<1x1x125x80xi32, #tpu.memory_space<hbm>> -> memref<125x80xi32, #tpu.memory_space<hbm>>
      %dma_start3A_1019 = arith.constant 0 : i32
      %dma_start3A_1020 = arith.constant 0 : i32
      %dma_start3A_1021 = tpu.memref_slice %arg3[%arg0, %arg1, %dma_start3A_1019, %dma_start3A_1020] : memref<2x16x125x80xi32, #tpu.memory_space<hbm>> -> memref<1x1x125x80xi32, #tpu.memory_space<hbm>>
      %dma_start3A_1022 = tpu.memref_squeeze %dma_start3A_1021 : memref<1x1x125x80xi32, #tpu.memory_space<hbm>> -> memref<125x80xi32, #tpu.memory_space<hbm>>
      tpu.enqueue_dma source(%dma_start3A_1022 : memref<125x80xi32, #tpu.memory_space<hbm>>) target(%arg7 : memref<125x80xi32, #tpu.memory_space<vmem>>) target_semaphore(%run_scoped3A : memref<!tpu.dma_semaphore, #tpu.memory_space<semaphore_mem>>)
      %dma_wait3A_1023 = arith.constant 0 : i32
      %dma_wait3A_1024 = arith.constant 0 : i32
      %dma_wait3A_1025 = tpu.memref_slice %arg3[%arg0, %arg1, %dma_wait3A_1023, %dma_wait3A_1024] : memref<2x16x125x80xi32, #tpu.memory_space<hbm>> -> memref<1x1x125x80xi32, #tpu.memory_space<hbm>>
      %dma_wait3A_1026 = tpu.memref_squeeze %dma_wait3A_1025 : memref<1x1x125x80xi32, #tpu.memory_space<hbm>> -> memref<125x80xi32, #tpu.memory_space<hbm>>
      %dma_wait3A_1027 = arith.constant 0 : i32
      %dma_wait3A_1028 = arith.constant 0 : i32
      %dma_wait3A_1029 = tpu.memref_slice %arg3[%arg0, %arg1, %dma_wait3A_1027, %dma_wait3A_1028] : memref<2x16x125x80xi32, #tpu.memory_space<hbm>> -> memref<1x1x125x80xi32, #tpu.memory_space<hbm>>
      %dma_wait3A_1030 = tpu.memref_squeeze %dma_wait3A_1029 : memref<1x1x125x80xi32, #tpu.memory_space<hbm>> -> memref<125x80xi32, #tpu.memory_space<hbm>>
      tpu.wait_dma2 semaphore(%run_scoped3A : memref<!tpu.dma_semaphore, #tpu.memory_space<semaphore_mem>>) src(%dma_wait3A_1030 : memref<125x80xi32, #tpu.memory_space<hbm>>) dst(%arg7 : memref<125x80xi32, #tpu.memory_space<vmem>>)
      tpu.yield
    }) : () -> ()
    "tpu.region"() ({
      %run_scoped3A = tpu.sem_alloc : memref<!tpu.dma_semaphore, #tpu.memory_space<semaphore_mem>>
      %dma_start3A_1015 = arith.constant 0 : i32
      %dma_start3A_1016 = arith.constant 0 : i32
      %dma_start3A_1017 = tpu.memref_slice %arg4[%arg0, %arg1, %dma_start3A_1015, %dma_start3A_1016] : memref<2x16x125x80xi32, #tpu.memory_space<hbm>> -> memref<1x1x125x80xi32, #tpu.memory_space<hbm>>
      %dma_start3A_1018 = tpu.memref_squeeze %dma_start3A_1017 : memref<1x1x125x80xi32, #tpu.memory_space<hbm>> -> memref<125x80xi32, #tpu.memory_space<hbm>>
      %dma_start3A_1019 = arith.constant 0 : i32
      %dma_start3A_1020 = arith.constant 0 : i32
      %dma_start3A_1021 = tpu.memref_slice %arg4[%arg0, %arg1, %dma_start3A_1019, %dma_start3A_1020] : memref<2x16x125x80xi32, #tpu.memory_space<hbm>> -> memref<1x1x125x80xi32, #tpu.memory_space<hbm>>
      %dma_start3A_1022 = tpu.memref_squeeze %dma_start3A_1021 : memref<1x1x125x80xi32, #tpu.memory_space<hbm>> -> memref<125x80xi32, #tpu.memory_space<hbm>>
      tpu.enqueue_dma source(%dma_start3A_1022 : memref<125x80xi32, #tpu.memory_space<hbm>>) target(%arg8 : memref<125x80xi32, #tpu.memory_space<vmem>>) target_semaphore(%run_scoped3A : memref<!tpu.dma_semaphore, #tpu.memory_space<semaphore_mem>>)
      %dma_wait3A_1023 = arith.constant 0 : i32
      %dma_wait3A_1024 = arith.constant 0 : i32
      %dma_wait3A_1025 = tpu.memref_slice %arg4[%arg0, %arg1, %dma_wait3A_1023, %dma_wait3A_1024] : memref<2x16x125x80xi32, #tpu.memory_space<hbm>> -> memref<1x1x125x80xi32, #tpu.memory_space<hbm>>
      %dma_wait3A_1026 = tpu.memref_squeeze %dma_wait3A_1025 : memref<1x1x125x80xi32, #tpu.memory_space<hbm>> -> memref<125x80xi32, #tpu.memory_space<hbm>>
      %dma_wait3A_1027 = arith.constant 0 : i32
      %dma_wait3A_1028 = arith.constant 0 : i32
      %dma_wait3A_1029 = tpu.memref_slice %arg4[%arg0, %arg1, %dma_wait3A_1027, %dma_wait3A_1028] : memref<2x16x125x80xi32, #tpu.memory_space<hbm>> -> memref<1x1x125x80xi32, #tpu.memory_space<hbm>>
      %dma_wait3A_1030 = tpu.memref_squeeze %dma_wait3A_1029 : memref<1x1x125x80xi32, #tpu.memory_space<hbm>> -> memref<125x80xi32, #tpu.memory_space<hbm>>
      tpu.wait_dma2 semaphore(%run_scoped3A : memref<!tpu.dma_semaphore, #tpu.memory_space<semaphore_mem>>) src(%dma_wait3A_1030 : memref<125x80xi32, #tpu.memory_space<hbm>>) dst(%arg8 : memref<125x80xi32, #tpu.memory_space<vmem>>)
      tpu.yield
    }) : () -> ()
    %broadcast_in_dim3A = arith.constant 0.000000e+00 : f32
    %broadcast_in_dim3A_0 = vector.broadcast %broadcast_in_dim3A : f32 to vector<16xf32>
    %broadcast_in_dim3A_1 = arith.constant 1.000000e+00 : f32
    %broadcast_in_dim3A_2 = vector.broadcast %broadcast_in_dim3A_1 : f32 to vector<16xf32>
    %scan3A = arith.constant 0 : i32
    %scan3A_3 = arith.constant 0 : i32
    %scan3A_4 = arith.constant 80 : i32
    %scan3A_5 = arith.addi %scan3A_3, %scan3A_4 : i32
    %scan3A_6 = arith.constant 1 : i32
    scf.for %scan3A_1015 = %scan3A_3 to %scan3A_5 step %scan3A_6  : i32 {
      %swap3A_1016 = arith.index_cast %scan3A_1015 : i32 to index
      %swap3A_1017 = arith.constant 0 : index
      %swap3A_1018 = tpu.vector_load %arg15[%swap3A_1016, %swap3A_1017] {strides = array<i32>} : memref<80x128xf32, #tpu.memory_space<vmem>>, vector<1x16xf32>,
      %swap3A_1019 = vector.shape_cast %swap3A_1018 : vector<1x16xf32> to vector<16xf32>
      %swap3A_1020 = vector.shape_cast %broadcast_in_dim3A_2 : vector<16xf32> to vector<1x16xf32>
      tpu.vector_store %arg15[%swap3A_1016, %swap3A_1017], %swap3A_1020 {strides = array<i32>} : memref<80x128xf32, #tpu.memory_space<vmem>>, vector<1x16xf32>,
      %swap3A_1021 = arith.index_cast %scan3A_1015 : i32 to index
      %swap3A_1022 = arith.constant 16 : index
      %swap3A_1023 = tpu.vector_load %arg15[%swap3A_1021, %swap3A_1022] {strides = array<i32>} : memref<80x128xf32, #tpu.memory_space<vmem>>, vector<1x16xf32>,
      %swap3A_1024 = vector.shape_cast %swap3A_1023 : vector<1x16xf32> to vector<16xf32>
      %swap3A_1025 = vector.shape_cast %broadcast_in_dim3A_2 : vector<16xf32> to vector<1x16xf32>
      tpu.vector_store %arg15[%swap3A_1021, %swap3A_1022], %swap3A_1025 {strides = array<i32>} : memref<80x128xf32, #tpu.memory_space<vmem>>, vector<1x16xf32>,
      %swap3A_1026 = arith.index_cast %scan3A_1015 : i32 to index
      %swap3A_1027 = arith.constant 32 : index
      %swap3A_1028 = tpu.vector_load %arg15[%swap3A_1026, %swap3A_1027] {strides = array<i32>} : memref<80x128xf32, #tpu.memory_space<vmem>>, vector<1x16xf32>,
      %swap3A_1029 = vector.shape_cast %swap3A_1028 : vector<1x16xf32> to vector<16xf32>
      %swap3A_1030 = vector.shape_cast %broadcast_in_dim3A_2 : vector<16xf32> to vector<1x16xf32>
      tpu.vector_store %arg15[%swap3A_1026, %swap3A_1027], %swap3A_1030 {strides = array<i32>} : memref<80x128xf32, #tpu.memory_space<vmem>>, vector<1x16xf32>,
      %swap3A_1031 = arith.index_cast %scan3A_1015 : i32 to index
      %swap3A_1032 = arith.constant 48 : index
      %swap3A_1033 = tpu.vector_load %arg15[%swap3A_1031, %swap3A_1032] {strides = array<i32>} : memref<80x128xf32, #tpu.memory_space<vmem>>, vector<1x16xf32>,
      %swap3A_1034 = vector.shape_cast %swap3A_1033 : vector<1x16xf32> to vector<16xf32>
      %swap3A_1035 = vector.shape_cast %broadcast_in_dim3A_2 : vector<16xf32> to vector<1x16xf32>
      tpu.vector_store %arg15[%swap3A_1031, %swap3A_1032], %swap3A_1035 {strides = array<i32>} : memref<80x128xf32, #tpu.memory_space<vmem>>, vector<1x16xf32>,
      %swap3A_1036 = arith.index_cast %scan3A_1015 : i32 to index
      %swap3A_1037 = arith.constant 64 : index
      %swap3A_1038 = tpu.vector_load %arg15[%swap3A_1036, %swap3A_1037] {strides = array<i32>} : memref<80x128xf32, #tpu.memory_space<vmem>>, vector<1x16xf32>,
      %swap3A_1039 = vector.shape_cast %swap3A_1038 : vector<1x16xf32> to vector<16xf32>
      %swap3A_1040 = vector.shape_cast %broadcast_in_dim3A_2 : vector<16xf32> to vector<1x16xf32>
      tpu.vector_store %arg15[%swap3A_1036, %swap3A_1037], %swap3A_1040 {strides = array<i32>} : memref<80x128xf32, #tpu.memory_space<vmem>>, vector<1x16xf32>,
      %swap3A_1041 = arith.index_cast %scan3A_1015 : i32 to index
      %swap3A_1042 = arith.constant 80 : index
      %swap3A_1043 = tpu.vector_load %arg15[%swap3A_1041, %swap3A_1042] {strides = array<i32>} : memref<80x128xf32, #tpu.memory_space<vmem>>, vector<1x16xf32>,
      %swap3A_1044 = vector.shape_cast %swap3A_1043 : vector<1x16xf32> to vector<16xf32>
      %swap3A_1045 = vector.shape_cast %broadcast_in_dim3A_2 : vector<16xf32> to vector<1x16xf32>
      tpu.vector_store %arg15[%swap3A_1041, %swap3A_1042], %swap3A_1045 {strides = array<i32>} : memref<80x128xf32, #tpu.memory_space<vmem>>, vector<1x16xf32>,
      %swap3A_1046 = arith.index_cast %scan3A_1015 : i32 to index
      %swap3A_1047 = arith.constant 96 : index
      %swap3A_1048 = tpu.vector_load %arg15[%swap3A_1046, %swap3A_1047] {strides = array<i32>} : memref<80x128xf32, #tpu.memory_space<vmem>>, vector<1x16xf32>,
      %swap3A_1049 = vector.shape_cast %swap3A_1048 : vector<1x16xf32> to vector<16xf32>
      %swap3A_1050 = vector.shape_cast %broadcast_in_dim3A_2 : vector<16xf32> to vector<1x16xf32>
      tpu.vector_store %arg15[%swap3A_1046, %swap3A_1047], %swap3A_1050 {strides = array<i32>} : memref<80x128xf32, #tpu.memory_space<vmem>>, vector<1x16xf32>,
      %swap3A_1051 = arith.index_cast %scan3A_1015 : i32 to index
      %swap3A_1052 = arith.constant 112 : index
      %swap3A_1053 = tpu.vector_load %arg15[%swap3A_1051, %swap3A_1052] {strides = array<i32>} : memref<80x128xf32, #tpu.memory_space<vmem>>, vector<1x16xf32>,
      %swap3A_1054 = vector.shape_cast %swap3A_1053 : vector<1x16xf32> to vector<16xf32>
      %swap3A_1055 = vector.shape_cast %broadcast_in_dim3A_2 : vector<16xf32> to vector<1x16xf32>
      tpu.vector_store %arg15[%swap3A_1051, %swap3A_1052], %swap3A_1055 {strides = array<i32>} : memref<80x128xf32, #tpu.memory_space<vmem>>, vector<1x16xf32>,
    }
    %scan3A_7 = arith.constant 80 : i32
    %iota3A = tpu.iota {dimensions = array<i32: 0>} : vector<16xi32>
    %mul3A = arith.constant 320 : i32
    %mul3A_8 = arith.muli %arg1, %mul3A : i32
    %scan3A_9 = arith.constant 0 : i32
    %scan3A_10 = arith.constant 0 : i32
    %scan3A_11 = arith.constant 80 : i32
    %scan3A_12 = arith.addi %scan3A_10, %scan3A_11 : i32
    %scan3A_13 = arith.constant 1 : i32
    scf.for %scan3A_1015 = %scan3A_10 to %scan3A_12 step %scan3A_13  : i32 {
      %swap3A_1016 = arith.index_cast %scan3A_1015 : i32 to index
      %swap3A_1017 = arith.constant 0 : index
      %swap3A_1018 = tpu.vector_load %arg17[%swap3A_1016, %swap3A_1017] {strides = array<i32>} : memref<80x128xf32, #tpu.memory_space<vmem>>, vector<1x16xf32>,
      %swap3A_1019 = vector.shape_cast %swap3A_1018 : vector<1x16xf32> to vector<16xf32>
      %swap3A_1020 = vector.shape_cast %broadcast_in_dim3A_0 : vector<16xf32> to vector<1x16xf32>
      tpu.vector_store %arg17[%swap3A_1016, %swap3A_1017], %swap3A_1020 {strides = array<i32>} : memref<80x128xf32, #tpu.memory_space<vmem>>, vector<1x16xf32>,
      %swap3A_1021 = arith.index_cast %scan3A_1015 : i32 to index
      %swap3A_1022 = arith.constant 16 : index
      %swap3A_1023 = tpu.vector_load %arg17[%swap3A_1021, %swap3A_1022] {strides = array<i32>} : memref<80x128xf32, #tpu.memory_space<vmem>>, vector<1x16xf32>,
      %swap3A_1024 = vector.shape_cast %swap3A_1023 : vector<1x16xf32> to vector<16xf32>
      %swap3A_1025 = vector.shape_cast %broadcast_in_dim3A_0 : vector<16xf32> to vector<1x16xf32>
      tpu.vector_store %arg17[%swap3A_1021, %swap3A_1022], %swap3A_1025 {strides = array<i32>} : memref<80x128xf32, #tpu.memory_space<vmem>>, vector<1x16xf32>,
      %swap3A_1026 = arith.index_cast %scan3A_1015 : i32 to index
      %swap3A_1027 = arith.constant 32 : index
      %swap3A_1028 = tpu.vector_load %arg17[%swap3A_1026, %swap3A_1027] {strides = array<i32>} : memref<80x128xf32, #tpu.memory_space<vmem>>, vector<1x16xf32>,
      %swap3A_1029 = vector.shape_cast %swap3A_1028 : vector<1x16xf32> to vector<16xf32>
      %swap3A_1030 = vector.shape_cast %broadcast_in_dim3A_0 : vector<16xf32> to vector<1x16xf32>
      tpu.vector_store %arg17[%swap3A_1026, %swap3A_1027], %swap3A_1030 {strides = array<i32>} : memref<80x128xf32, #tpu.memory_space<vmem>>, vector<1x16xf32>,
      %swap3A_1031 = arith.index_cast %scan3A_1015 : i32 to index
      %swap3A_1032 = arith.constant 48 : index
      %swap3A_1033 = tpu.vector_load %arg17[%swap3A_1031, %swap3A_1032] {strides = array<i32>} : memref<80x128xf32, #tpu.memory_space<vmem>>, vector<1x16xf32>,
      %swap3A_1034 = vector.shape_cast %swap3A_1033 : vector<1x16xf32> to vector<16xf32>
      %swap3A_1035 = vector.shape_cast %broadcast_in_dim3A_0 : vector<16xf32> to vector<1x16xf32>
      tpu.vector_store %arg17[%swap3A_1031, %swap3A_1032], %swap3A_1035 {strides = array<i32>} : memref<80x128xf32, #tpu.memory_space<vmem>>, vector<1x16xf32>,
      %swap3A_1036 = arith.index_cast %scan3A_1015 : i32 to index
      %swap3A_1037 = arith.constant 64 : index
      %swap3A_1038 = tpu.vector_load %arg17[%swap3A_1036, %swap3A_1037] {strides = array<i32>} : memref<80x128xf32, #tpu.memory_space<vmem>>, vector<1x16xf32>,
      %swap3A_1039 = vector.shape_cast %swap3A_1038 : vector<1x16xf32> to vector<16xf32>
      %swap3A_1040 = vector.shape_cast %broadcast_in_dim3A_0 : vector<16xf32> to vector<1x16xf32>
      tpu.vector_store %arg17[%swap3A_1036, %swap3A_1037], %swap3A_1040 {strides = array<i32>} : memref<80x128xf32, #tpu.memory_space<vmem>>, vector<1x16xf32>,
      %swap3A_1041 = arith.index_cast %scan3A_1015 : i32 to index
      %swap3A_1042 = arith.constant 80 : index
      %swap3A_1043 = tpu.vector_load %arg17[%swap3A_1041, %swap3A_1042] {strides = array<i32>} : memref<80x128xf32, #tpu.memory_space<vmem>>, vector<1x16xf32>,
      %swap3A_1044 = vector.shape_cast %swap3A_1043 : vector<1x16xf32> to vector<16xf32>
      %swap3A_1045 = vector.shape_cast %broadcast_in_dim3A_0 : vector<16xf32> to vector<1x16xf32>
      tpu.vector_store %arg17[%swap3A_1041, %swap3A_1042], %swap3A_1045 {strides = array<i32>} : memref<80x128xf32, #tpu.memory_space<vmem>>, vector<1x16xf32>,
      %swap3A_1046 = arith.index_cast %scan3A_1015 : i32 to index
      %swap3A_1047 = arith.constant 96 : index
      %swap3A_1048 = tpu.vector_load %arg17[%swap3A_1046, %swap3A_1047] {strides = array<i32>} : memref<80x128xf32, #tpu.memory_space<vmem>>, vector<1x16xf32>,
      %swap3A_1049 = vector.shape_cast %swap3A_1048 : vector<1x16xf32> to vector<16xf32>
      %swap3A_1050 = vector.shape_cast %broadcast_in_dim3A_0 : vector<16xf32> to vector<1x16xf32>
      tpu.vector_store %arg17[%swap3A_1046, %swap3A_1047], %swap3A_1050 {strides = array<i32>} : memref<80x128xf32, #tpu.memory_space<vmem>>, vector<1x16xf32>,
      %swap3A_1051 = arith.index_cast %scan3A_1015 : i32 to index
      %swap3A_1052 = arith.constant 112 : index
      %swap3A_1053 = tpu.vector_load %arg17[%swap3A_1051, %swap3A_1052] {strides = array<i32>} : memref<80x128xf32, #tpu.memory_space<vmem>>, vector<1x16xf32>,
      %swap3A_1054 = vector.shape_cast %swap3A_1053 : vector<1x16xf32> to vector<16xf32>
      %swap3A_1055 = vector.shape_cast %broadcast_in_dim3A_0 : vector<16xf32> to vector<1x16xf32>
      tpu.vector_store %arg17[%swap3A_1051, %swap3A_1052], %swap3A_1055 {strides = array<i32>} : memref<80x128xf32, #tpu.memory_space<vmem>>, vector<1x16xf32>,
    }
    %scan3A_14 = arith.constant 80 : i32
    %add3A = arith.constant 0 : i32
    %add3A_15 = arith.addi %mul3A_8, %add3A : i32
    %add3A_16 = arith.constant 0 : i32
    %add3A_17 = arith.addi %add3A_15, %add3A_16 : i32
    %add3A_18 = vector.broadcast %add3A_17 : i32 to vector<16xi32>
    %add3A_19 = arith.addi %add3A_18, %iota3A : vector<16xi32>
    %swap3A = arith.constant 0 : index
    %swap3A_20 = tpu.vector_load %arg16[%swap3A] {strides = array<i32>} : memref<80xi32, #tpu.memory_space<vmem>>, vector<16xi32>,
    %swap3A_21 = vector.shape_cast %swap3A_20 : vector<16xi32> to vector<16xi32>
    %swap3A_22 = vector.shape_cast %add3A_19 : vector<16xi32> to vector<16xi32>
    tpu.vector_store %arg16[%swap3A], %swap3A_22 {strides = array<i32>} : memref<80xi32, #tpu.memory_space<vmem>>, vector<16xi32>,
    %add3A_23 = arith.constant 0 : i32
    %add3A_24 = arith.addi %mul3A_8, %add3A_23 : i32
    %add3A_25 = arith.constant 16 : i32
    %add3A_26 = arith.addi %add3A_24, %add3A_25 : i32
    %add3A_27 = vector.broadcast %add3A_26 : i32 to vector<16xi32>
    %add3A_28 = arith.addi %add3A_27, %iota3A : vector<16xi32>
    %swap3A_29 = arith.constant 16 : index
    %swap3A_30 = tpu.vector_load %arg16[%swap3A_29] {strides = array<i32>} : memref<80xi32, #tpu.memory_space<vmem>>, vector<16xi32>,
    %swap3A_31 = vector.shape_cast %swap3A_30 : vector<16xi32> to vector<16xi32>
    %swap3A_32 = vector.shape_cast %add3A_28 : vector<16xi32> to vector<16xi32>
    tpu.vector_store %arg16[%swap3A_29], %swap3A_32 {strides = array<i32>} : memref<80xi32, #tpu.memory_space<vmem>>, vector<16xi32>,
    %add3A_33 = arith.constant 0 : i32
    %add3A_34 = arith.addi %mul3A_8, %add3A_33 : i32
    %add3A_35 = arith.constant 32 : i32
    %add3A_36 = arith.addi %add3A_34, %add3A_35 : i32
    %add3A_37 = vector.broadcast %add3A_36 : i32 to vector<16xi32>
    %add3A_38 = arith.addi %add3A_37, %iota3A : vector<16xi32>
    %swap3A_39 = arith.constant 32 : index
    %swap3A_40 = tpu.vector_load %arg16[%swap3A_39] {strides = array<i32>} : memref<80xi32, #tpu.memory_space<vmem>>, vector<16xi32>,
    %swap3A_41 = vector.shape_cast %swap3A_40 : vector<16xi32> to vector<16xi32>
    %swap3A_42 = vector.shape_cast %add3A_38 : vector<16xi32> to vector<16xi32>
    tpu.vector_store %arg16[%swap3A_39], %swap3A_42 {strides = array<i32>} : memref<80xi32, #tpu.memory_space<vmem>>, vector<16xi32>,
    %add3A_43 = arith.constant 0 : i32
    %add3A_44 = arith.addi %mul3A_8, %add3A_43 : i32
    %add3A_45 = arith.constant 48 : i32
    %add3A_46 = arith.addi %add3A_44, %add3A_45 : i32
    %add3A_47 = vector.broadcast %add3A_46 : i32 to vector<16xi32>
    %add3A_48 = arith.addi %add3A_47, %iota3A : vector<16xi32>
    %swap3A_49 = arith.constant 48 : index
    %swap3A_50 = tpu.vector_load %arg16[%swap3A_49] {strides = array<i32>} : memref<80xi32, #tpu.memory_space<vmem>>, vector<16xi32>,
    %swap3A_51 = vector.shape_cast %swap3A_50 : vector<16xi32> to vector<16xi32>
    %swap3A_52 = vector.shape_cast %add3A_48 : vector<16xi32> to vector<16xi32>
    tpu.vector_store %arg16[%swap3A_49], %swap3A_52 {strides = array<i32>} : memref<80xi32, #tpu.memory_space<vmem>>, vector<16xi32>,
    %add3A_53 = arith.constant 0 : i32
    %add3A_54 = arith.addi %mul3A_8, %add3A_53 : i32
    %add3A_55 = arith.constant 64 : i32
    %add3A_56 = arith.addi %add3A_54, %add3A_55 : i32
    %add3A_57 = vector.broadcast %add3A_56 : i32 to vector<16xi32>
    %add3A_58 = arith.addi %add3A_57, %iota3A : vector<16xi32>
    %swap3A_59 = arith.constant 64 : index
    %swap3A_60 = tpu.vector_load %arg16[%swap3A_59] {strides = array<i32>} : memref<80xi32, #tpu.memory_space<vmem>>, vector<16xi32>,
    %swap3A_61 = vector.shape_cast %swap3A_60 : vector<16xi32> to vector<16xi32>
    %swap3A_62 = vector.shape_cast %add3A_58 : vector<16xi32> to vector<16xi32>
    tpu.vector_store %arg16[%swap3A_59], %swap3A_62 {strides = array<i32>} : memref<80xi32, #tpu.memory_space<vmem>>, vector<16xi32>,
    "tpu.region"() ({
      %run_scoped3A = tpu.sem_alloc : memref<!tpu.dma_semaphore, #tpu.memory_space<semaphore_mem>>
      %dma_start3A_1015 = arith.constant 0 : i32
      %dma_start3A_1016 = arith.constant 0 : i32
      %dma_start3A_1017 = tpu.memref_slice %arg20[%dma_start3A_1015, %dma_start3A_1016] : memref<5120x128xf32, #tpu.memory_space<vmem_shared>> -> memref<5120x128xf32, #tpu.memory_space<vmem_shared>>
      tpu.enqueue_indirect_dma source(%arg17 : memref<80x128xf32, #tpu.memory_space<vmem>>) target(%dma_start3A_1017 : memref<5120x128xf32, #tpu.memory_space<vmem_shared>>) offsets(%arg16 : memref<80xi32, #tpu.memory_space<vmem>>) semaphore(%run_scoped3A : memref<!tpu.dma_semaphore, #tpu.memory_space<semaphore_mem>>)
      %dma_wait3A_1018 = arith.constant 0 : i32
      %dma_wait3A_1019 = arith.constant 0 : i32
      %dma_wait3A_1020 = tpu.memref_slice %arg20[%dma_wait3A_1018, %dma_wait3A_1019] : memref<5120x128xf32, #tpu.memory_space<vmem_shared>> -> memref<5120x128xf32, #tpu.memory_space<vmem_shared>>
      tpu.wait_indirect_dma semaphore(%run_scoped3A : memref<!tpu.dma_semaphore, #tpu.memory_space<semaphore_mem>>) src(%arg17 : memref<80x128xf32, #tpu.memory_space<vmem>>) dst(%dma_wait3A_1020 : memref<5120x128xf32, #tpu.memory_space<vmem_shared>>)
      tpu.yield
    }) : () -> ()
    %add3A_63 = arith.constant 80 : i32
    %add3A_64 = arith.addi %mul3A_8, %add3A_63 : i32
    %add3A_65 = arith.constant 0 : i32
    %add3A_66 = arith.addi %add3A_64, %add3A_65 : i32
    %add3A_67 = vector.broadcast %add3A_66 : i32 to vector<16xi32>
    %add3A_68 = arith.addi %add3A_67, %iota3A : vector<16xi32>
    %swap3A_69 = arith.constant 0 : index
    %swap3A_70 = tpu.vector_load %arg16[%swap3A_69] {strides = array<i32>} : memref<80xi32, #tpu.memory_space<vmem>>, vector<16xi32>,
    %swap3A_71 = vector.shape_cast %swap3A_70 : vector<16xi32> to vector<16xi32>
    %swap3A_72 = vector.shape_cast %add3A_68 : vector<16xi32> to vector<16xi32>
    tpu.vector_store %arg16[%swap3A_69], %swap3A_72 {strides = array<i32>} : memref<80xi32, #tpu.memory_space<vmem>>, vector<16xi32>,
    %add3A_73 = arith.constant 80 : i32
    %add3A_74 = arith.addi %mul3A_8, %add3A_73 : i32
    %add3A_75 = arith.constant 16 : i32
    %add3A_76 = arith.addi %add3A_74, %add3A_75 : i32
    %add3A_77 = vector.broadcast %add3A_76 : i32 to vector<16xi32>
    %add3A_78 = arith.addi %add3A_77, %iota3A : vector<16xi32>
    %swap3A_79 = arith.constant 16 : index
    %swap3A_80 = tpu.vector_load %arg16[%swap3A_79] {strides = array<i32>} : memref<80xi32, #tpu.memory_space<vmem>>, vector<16xi32>,
    %swap3A_81 = vector.shape_cast %swap3A_80 : vector<16xi32> to vector<16xi32>
    %swap3A_82 = vector.shape_cast %add3A_78 : vector<16xi32> to vector<16xi32>
    tpu.vector_store %arg16[%swap3A_79], %swap3A_82 {strides = array<i32>} : memref<80xi32, #tpu.memory_space<vmem>>, vector<16xi32>,
    %add3A_83 = arith.constant 80 : i32
    %add3A_84 = arith.addi %mul3A_8, %add3A_83 : i32
    %add3A_85 = arith.constant 32 : i32
    %add3A_86 = arith.addi %add3A_84, %add3A_85 : i32
    %add3A_87 = vector.broadcast %add3A_86 : i32 to vector<16xi32>
    %add3A_88 = arith.addi %add3A_87, %iota3A : vector<16xi32>
    %swap3A_89 = arith.constant 32 : index
    %swap3A_90 = tpu.vector_load %arg16[%swap3A_89] {strides = array<i32>} : memref<80xi32, #tpu.memory_space<vmem>>, vector<16xi32>,
    %swap3A_91 = vector.shape_cast %swap3A_90 : vector<16xi32> to vector<16xi32>
    %swap3A_92 = vector.shape_cast %add3A_88 : vector<16xi32> to vector<16xi32>
    tpu.vector_store %arg16[%swap3A_89], %swap3A_92 {strides = array<i32>} : memref<80xi32, #tpu.memory_space<vmem>>, vector<16xi32>,
    %add3A_93 = arith.constant 80 : i32
    %add3A_94 = arith.addi %mul3A_8, %add3A_93 : i32
    %add3A_95 = arith.constant 48 : i32
    %add3A_96 = arith.addi %add3A_94, %add3A_95 : i32
    %add3A_97 = vector.broadcast %add3A_96 : i32 to vector<16xi32>
    %add3A_98 = arith.addi %add3A_97, %iota3A : vector<16xi32>
    %swap3A_99 = arith.constant 48 : index
    %swap3A_100 = tpu.vector_load %arg16[%swap3A_99] {strides = array<i32>} : memref<80xi32, #tpu.memory_space<vmem>>, vector<16xi32>,
    %swap3A_101 = vector.shape_cast %swap3A_100 : vector<16xi32> to vector<16xi32>
    %swap3A_102 = vector.shape_cast %add3A_98 : vector<16xi32> to vector<16xi32>
    tpu.vector_store %arg16[%swap3A_99], %swap3A_102 {strides = array<i32>} : memref<80xi32, #tpu.memory_space<vmem>>, vector<16xi32>,
    %add3A_103 = arith.constant 80 : i32
    %add3A_104 = arith.addi %mul3A_8, %add3A_103 : i32
    %add3A_105 = arith.constant 64 : i32
    %add3A_106 = arith.addi %add3A_104, %add3A_105 : i32
    %add3A_107 = vector.broadcast %add3A_106 : i32 to vector<16xi32>
    %add3A_108 = arith.addi %add3A_107, %iota3A : vector<16xi32>
    %swap3A_109 = arith.constant 64 : index
    %swap3A_110 = tpu.vector_load %arg16[%swap3A_109] {strides = array<i32>} : memref<80xi32, #tpu.memory_space<vmem>>, vector<16xi32>,
    %swap3A_111 = vector.shape_cast %swap3A_110 : vector<16xi32> to vector<16xi32>
    %swap3A_112 = vector.shape_cast %add3A_108 : vector<16xi32> to vector<16xi32>
    tpu.vector_store %arg16[%swap3A_109], %swap3A_112 {strides = array<i32>} : memref<80xi32, #tpu.memory_space<vmem>>, vector<16xi32>,
    "tpu.region"() ({
      %run_scoped3A = tpu.sem_alloc : memref<!tpu.dma_semaphore, #tpu.memory_space<semaphore_mem>>
      %dma_start3A_1015 = arith.constant 0 : i32
      %dma_start3A_1016 = arith.constant 0 : i32
      %dma_start3A_1017 = tpu.memref_slice %arg20[%dma_start3A_1015, %dma_start3A_1016] : memref<5120x128xf32, #tpu.memory_space<vmem_shared>> -> memref<5120x128xf32, #tpu.memory_space<vmem_shared>>
      tpu.enqueue_indirect_dma source(%arg17 : memref<80x128xf32, #tpu.memory_space<vmem>>) target(%dma_start3A_1017 : memref<5120x128xf32, #tpu.memory_space<vmem_shared>>) offsets(%arg16 : memref<80xi32, #tpu.memory_space<vmem>>) semaphore(%run_scoped3A : memref<!tpu.dma_semaphore, #tpu.memory_space<semaphore_mem>>)
      %dma_wait3A_1018 = arith.constant 0 : i32
      %dma_wait3A_1019 = arith.constant 0 : i32
      %dma_wait3A_1020 = tpu.memref_slice %arg20[%dma_wait3A_1018, %dma_wait3A_1019] : memref<5120x128xf32, #tpu.memory_space<vmem_shared>> -> memref<5120x128xf32, #tpu.memory_space<vmem_shared>>
      tpu.wait_indirect_dma semaphore(%run_scoped3A : memref<!tpu.dma_semaphore, #tpu.memory_space<semaphore_mem>>) src(%arg17 : memref<80x128xf32, #tpu.memory_space<vmem>>) dst(%dma_wait3A_1020 : memref<5120x128xf32, #tpu.memory_space<vmem_shared>>)
      tpu.yield
    }) : () -> ()
    %add3A_113 = arith.constant 160 : i32
    %add3A_114 = arith.addi %mul3A_8, %add3A_113 : i32
    %add3A_115 = arith.constant 0 : i32
    %add3A_116 = arith.addi %add3A_114, %add3A_115 : i32
    %add3A_117 = vector.broadcast %add3A_116 : i32 to vector<16xi32>
    %add3A_118 = arith.addi %add3A_117, %iota3A : vector<16xi32>
    %swap3A_119 = arith.constant 0 : index
    %swap3A_120 = tpu.vector_load %arg16[%swap3A_119] {strides = array<i32>} : memref<80xi32, #tpu.memory_space<vmem>>, vector<16xi32>,
    %swap3A_121 = vector.shape_cast %swap3A_120 : vector<16xi32> to vector<16xi32>
    %swap3A_122 = vector.shape_cast %add3A_118 : vector<16xi32> to vector<16xi32>
    tpu.vector_store %arg16[%swap3A_119], %swap3A_122 {strides = array<i32>} : memref<80xi32, #tpu.memory_space<vmem>>, vector<16xi32>,
    %add3A_123 = arith.constant 160 : i32
    %add3A_124 = arith.addi %mul3A_8, %add3A_123 : i32
    %add3A_125 = arith.constant 16 : i32
    %add3A_126 = arith.addi %add3A_124, %add3A_125 : i32
    %add3A_127 = vector.broadcast %add3A_126 : i32 to vector<16xi32>
    %add3A_128 = arith.addi %add3A_127, %iota3A : vector<16xi32>
    %swap3A_129 = arith.constant 16 : index
    %swap3A_130 = tpu.vector_load %arg16[%swap3A_129] {strides = array<i32>} : memref<80xi32, #tpu.memory_space<vmem>>, vector<16xi32>,
    %swap3A_131 = vector.shape_cast %swap3A_130 : vector<16xi32> to vector<16xi32>
    %swap3A_132 = vector.shape_cast %add3A_128 : vector<16xi32> to vector<16xi32>
    tpu.vector_store %arg16[%swap3A_129], %swap3A_132 {strides = array<i32>} : memref<80xi32, #tpu.memory_space<vmem>>, vector<16xi32>,
    %add3A_133 = arith.constant 160 : i32
    %add3A_134 = arith.addi %mul3A_8, %add3A_133 : i32
    %add3A_135 = arith.constant 32 : i32
    %add3A_136 = arith.addi %add3A_134, %add3A_135 : i32
    %add3A_137 = vector.broadcast %add3A_136 : i32 to vector<16xi32>
    %add3A_138 = arith.addi %add3A_137, %iota3A : vector<16xi32>
    %swap3A_139 = arith.constant 32 : index
    %swap3A_140 = tpu.vector_load %arg16[%swap3A_139] {strides = array<i32>} : memref<80xi32, #tpu.memory_space<vmem>>, vector<16xi32>,
    %swap3A_141 = vector.shape_cast %swap3A_140 : vector<16xi32> to vector<16xi32>
    %swap3A_142 = vector.shape_cast %add3A_138 : vector<16xi32> to vector<16xi32>
    tpu.vector_store %arg16[%swap3A_139], %swap3A_142 {strides = array<i32>} : memref<80xi32, #tpu.memory_space<vmem>>, vector<16xi32>,
    %add3A_143 = arith.constant 160 : i32
    %add3A_144 = arith.addi %mul3A_8, %add3A_143 : i32
    %add3A_145 = arith.constant 48 : i32
    %add3A_146 = arith.addi %add3A_144, %add3A_145 : i32
    %add3A_147 = vector.broadcast %add3A_146 : i32 to vector<16xi32>
    %add3A_148 = arith.addi %add3A_147, %iota3A : vector<16xi32>
    %swap3A_149 = arith.constant 48 : index
    %swap3A_150 = tpu.vector_load %arg16[%swap3A_149] {strides = array<i32>} : memref<80xi32, #tpu.memory_space<vmem>>, vector<16xi32>,
    %swap3A_151 = vector.shape_cast %swap3A_150 : vector<16xi32> to vector<16xi32>
    %swap3A_152 = vector.shape_cast %add3A_148 : vector<16xi32> to vector<16xi32>
    tpu.vector_store %arg16[%swap3A_149], %swap3A_152 {strides = array<i32>} : memref<80xi32, #tpu.memory_space<vmem>>, vector<16xi32>,
    %add3A_153 = arith.constant 160 : i32
    %add3A_154 = arith.addi %mul3A_8, %add3A_153 : i32
    %add3A_155 = arith.constant 64 : i32
    %add3A_156 = arith.addi %add3A_154, %add3A_155 : i32
    %add3A_157 = vector.broadcast %add3A_156 : i32 to vector<16xi32>
    %add3A_158 = arith.addi %add3A_157, %iota3A : vector<16xi32>
    %swap3A_159 = arith.constant 64 : index
    %swap3A_160 = tpu.vector_load %arg16[%swap3A_159] {strides = array<i32>} : memref<80xi32, #tpu.memory_space<vmem>>, vector<16xi32>,
    %swap3A_161 = vector.shape_cast %swap3A_160 : vector<16xi32> to vector<16xi32>
    %swap3A_162 = vector.shape_cast %add3A_158 : vector<16xi32> to vector<16xi32>
    tpu.vector_store %arg16[%swap3A_159], %swap3A_162 {strides = array<i32>} : memref<80xi32, #tpu.memory_space<vmem>>, vector<16xi32>,
    "tpu.region"() ({
      %run_scoped3A = tpu.sem_alloc : memref<!tpu.dma_semaphore, #tpu.memory_space<semaphore_mem>>
      %dma_start3A_1015 = arith.constant 0 : i32
      %dma_start3A_1016 = arith.constant 0 : i32
      %dma_start3A_1017 = tpu.memref_slice %arg20[%dma_start3A_1015, %dma_start3A_1016] : memref<5120x128xf32, #tpu.memory_space<vmem_shared>> -> memref<5120x128xf32, #tpu.memory_space<vmem_shared>>
      tpu.enqueue_indirect_dma source(%arg17 : memref<80x128xf32, #tpu.memory_space<vmem>>) target(%dma_start3A_1017 : memref<5120x128xf32, #tpu.memory_space<vmem_shared>>) offsets(%arg16 : memref<80xi32, #tpu.memory_space<vmem>>) semaphore(%run_scoped3A : memref<!tpu.dma_semaphore, #tpu.memory_space<semaphore_mem>>)
      %dma_wait3A_1018 = arith.constant 0 : i32
      %dma_wait3A_1019 = arith.constant 0 : i32
      %dma_wait3A_1020 = tpu.memref_slice %arg20[%dma_wait3A_1018, %dma_wait3A_1019] : memref<5120x128xf32, #tpu.memory_space<vmem_shared>> -> memref<5120x128xf32, #tpu.memory_space<vmem_shared>>
      tpu.wait_indirect_dma semaphore(%run_scoped3A : memref<!tpu.dma_semaphore, #tpu.memory_space<semaphore_mem>>) src(%arg17 : memref<80x128xf32, #tpu.memory_space<vmem>>) dst(%dma_wait3A_1020 : memref<5120x128xf32, #tpu.memory_space<vmem_shared>>)
      tpu.yield
    }) : () -> ()
    %add3A_163 = arith.constant 240 : i32
    %add3A_164 = arith.addi %mul3A_8, %add3A_163 : i32
    %add3A_165 = arith.constant 0 : i32
    %add3A_166 = arith.addi %add3A_164, %add3A_165 : i32
    %add3A_167 = vector.broadcast %add3A_166 : i32 to vector<16xi32>
    %add3A_168 = arith.addi %add3A_167, %iota3A : vector<16xi32>
    %swap3A_169 = arith.constant 0 : index
    %swap3A_170 = tpu.vector_load %arg16[%swap3A_169] {strides = array<i32>} : memref<80xi32, #tpu.memory_space<vmem>>, vector<16xi32>,
    %swap3A_171 = vector.shape_cast %swap3A_170 : vector<16xi32> to vector<16xi32>
    %swap3A_172 = vector.shape_cast %add3A_168 : vector<16xi32> to vector<16xi32>
    tpu.vector_store %arg16[%swap3A_169], %swap3A_172 {strides = array<i32>} : memref<80xi32, #tpu.memory_space<vmem>>, vector<16xi32>,
    %add3A_173 = arith.constant 240 : i32
    %add3A_174 = arith.addi %mul3A_8, %add3A_173 : i32
    %add3A_175 = arith.constant 16 : i32
    %add3A_176 = arith.addi %add3A_174, %add3A_175 : i32
    %add3A_177 = vector.broadcast %add3A_176 : i32 to vector<16xi32>
    %add3A_178 = arith.addi %add3A_177, %iota3A : vector<16xi32>
    %swap3A_179 = arith.constant 16 : index
    %swap3A_180 = tpu.vector_load %arg16[%swap3A_179] {strides = array<i32>} : memref<80xi32, #tpu.memory_space<vmem>>, vector<16xi32>,
    %swap3A_181 = vector.shape_cast %swap3A_180 : vector<16xi32> to vector<16xi32>
    %swap3A_182 = vector.shape_cast %add3A_178 : vector<16xi32> to vector<16xi32>
    tpu.vector_store %arg16[%swap3A_179], %swap3A_182 {strides = array<i32>} : memref<80xi32, #tpu.memory_space<vmem>>, vector<16xi32>,
    %add3A_183 = arith.constant 240 : i32
    %add3A_184 = arith.addi %mul3A_8, %add3A_183 : i32
    %add3A_185 = arith.constant 32 : i32
    %add3A_186 = arith.addi %add3A_184, %add3A_185 : i32
    %add3A_187 = vector.broadcast %add3A_186 : i32 to vector<16xi32>
    %add3A_188 = arith.addi %add3A_187, %iota3A : vector<16xi32>
    %swap3A_189 = arith.constant 32 : index
    %swap3A_190 = tpu.vector_load %arg16[%swap3A_189] {strides = array<i32>} : memref<80xi32, #tpu.memory_space<vmem>>, vector<16xi32>,
    %swap3A_191 = vector.shape_cast %swap3A_190 : vector<16xi32> to vector<16xi32>
    %swap3A_192 = vector.shape_cast %add3A_188 : vector<16xi32> to vector<16xi32>
    tpu.vector_store %arg16[%swap3A_189], %swap3A_192 {strides = array<i32>} : memref<80xi32, #tpu.memory_space<vmem>>, vector<16xi32>,
    %add3A_193 = arith.constant 240 : i32
    %add3A_194 = arith.addi %mul3A_8, %add3A_193 : i32
    %add3A_195 = arith.constant 48 : i32
    %add3A_196 = arith.addi %add3A_194, %add3A_195 : i32
    %add3A_197 = vector.broadcast %add3A_196 : i32 to vector<16xi32>
    %add3A_198 = arith.addi %add3A_197, %iota3A : vector<16xi32>
    %swap3A_199 = arith.constant 48 : index
    %swap3A_200 = tpu.vector_load %arg16[%swap3A_199] {strides = array<i32>} : memref<80xi32, #tpu.memory_space<vmem>>, vector<16xi32>,
    %swap3A_201 = vector.shape_cast %swap3A_200 : vector<16xi32> to vector<16xi32>
    %swap3A_202 = vector.shape_cast %add3A_198 : vector<16xi32> to vector<16xi32>
    tpu.vector_store %arg16[%swap3A_199], %swap3A_202 {strides = array<i32>} : memref<80xi32, #tpu.memory_space<vmem>>, vector<16xi32>,
    %add3A_203 = arith.constant 240 : i32
    %add3A_204 = arith.addi %mul3A_8, %add3A_203 : i32
    %add3A_205 = arith.constant 64 : i32
    %add3A_206 = arith.addi %add3A_204, %add3A_205 : i32
    %add3A_207 = vector.broadcast %add3A_206 : i32 to vector<16xi32>
    %add3A_208 = arith.addi %add3A_207, %iota3A : vector<16xi32>
    %swap3A_209 = arith.constant 64 : index
    %swap3A_210 = tpu.vector_load %arg16[%swap3A_209] {strides = array<i32>} : memref<80xi32, #tpu.memory_space<vmem>>, vector<16xi32>,
    %swap3A_211 = vector.shape_cast %swap3A_210 : vector<16xi32> to vector<16xi32>
    %swap3A_212 = vector.shape_cast %add3A_208 : vector<16xi32> to vector<16xi32>
    tpu.vector_store %arg16[%swap3A_209], %swap3A_212 {strides = array<i32>} : memref<80xi32, #tpu.memory_space<vmem>>, vector<16xi32>,
    "tpu.region"() ({
      %run_scoped3A = tpu.sem_alloc : memref<!tpu.dma_semaphore, #tpu.memory_space<semaphore_mem>>
      %dma_start3A_1015 = arith.constant 0 : i32
      %dma_start3A_1016 = arith.constant 0 : i32
      %dma_start3A_1017 = tpu.memref_slice %arg20[%dma_start3A_1015, %dma_start3A_1016] : memref<5120x128xf32, #tpu.memory_space<vmem_shared>> -> memref<5120x128xf32, #tpu.memory_space<vmem_shared>>
      tpu.enqueue_indirect_dma source(%arg17 : memref<80x128xf32, #tpu.memory_space<vmem>>) target(%dma_start3A_1017 : memref<5120x128xf32, #tpu.memory_space<vmem_shared>>) offsets(%arg16 : memref<80xi32, #tpu.memory_space<vmem>>) semaphore(%run_scoped3A : memref<!tpu.dma_semaphore, #tpu.memory_space<semaphore_mem>>)
      %dma_wait3A_1018 = arith.constant 0 : i32
      %dma_wait3A_1019 = arith.constant 0 : i32
      %dma_wait3A_1020 = tpu.memref_slice %arg20[%dma_wait3A_1018, %dma_wait3A_1019] : memref<5120x128xf32, #tpu.memory_space<vmem_shared>> -> memref<5120x128xf32, #tpu.memory_space<vmem_shared>>
      tpu.wait_indirect_dma semaphore(%run_scoped3A : memref<!tpu.dma_semaphore, #tpu.memory_space<semaphore_mem>>) src(%arg17 : memref<80x128xf32, #tpu.memory_space<vmem>>) dst(%dma_wait3A_1020 : memref<5120x128xf32, #tpu.memory_space<vmem_shared>>)
      tpu.yield
    }) : () -> ()
    %barrier3A = arith.constant 0 : index
    tpu.barrier barrier_id(%barrier3A)
    %get3A = arith.constant 0 : i32
    %get3A_213 = arith.index_cast %get3A : i32 to index
    %get3A_214 = arith.constant 0 : index
    %get3A_215 = tpu.vector_load %arg7[%get3A_213, %get3A_214] {strides = array<i32>} : memref<125x80xi32, #tpu.memory_space<vmem>>, vector<1x16xi32>,
    %get3A_216 = vector.shape_cast %get3A_215 : vector<1x16xi32> to vector<16xi32>
    %swap3A_217 = arith.constant 0 : index
    %swap3A_218 = tpu.vector_load %arg9[%swap3A_217] {strides = array<i32>} : memref<80xi32, #tpu.memory_space<vmem>>, vector<16xi32>,
    %swap3A_219 = vector.shape_cast %swap3A_218 : vector<16xi32> to vector<16xi32>
    %swap3A_220 = vector.shape_cast %get3A_216 : vector<16xi32> to vector<16xi32>
    tpu.vector_store %arg9[%swap3A_217], %swap3A_220 {strides = array<i32>} : memref<80xi32, #tpu.memory_space<vmem>>, vector<16xi32>,
    %get3A_221 = arith.constant 0 : i32
    %get3A_222 = arith.index_cast %get3A_221 : i32 to index
    %get3A_223 = arith.constant 0 : index
    %get3A_224 = tpu.vector_load %arg8[%get3A_222, %get3A_223] {strides = array<i32>} : memref<125x80xi32, #tpu.memory_space<vmem>>, vector<1x16xi32>,
    %get3A_225 = vector.shape_cast %get3A_224 : vector<1x16xi32> to vector<16xi32>
    %lt3A = arith.constant 5000 : i32
    %lt3A_226 = vector.broadcast %lt3A : i32 to vector<16xi32>
    %lt3A_227 = arith.cmpi slt, %get3A_225, %lt3A_226 : vector<16xi32>
    %jit3A = arith.constant 5000 : i32
    %broadcast_in_dim3A_228 = vector.broadcast %jit3A : i32 to vector<16xi32>
    %select_n3A = arith.select %lt3A_227, %get3A_225, %broadcast_in_dim3A_228 : vector<16xi1>, vector<16xi32>
    %swap3A_229 = arith.constant 0 : index
    %swap3A_230 = tpu.vector_load %arg10[%swap3A_229] {strides = array<i32>} : memref<80xi32, #tpu.memory_space<vmem>>, vector<16xi32>,
    %swap3A_231 = vector.shape_cast %swap3A_230 : vector<16xi32> to vector<16xi32>
    %swap3A_232 = vector.shape_cast %select_n3A : vector<16xi32> to vector<16xi32>
    tpu.vector_store %arg10[%swap3A_229], %swap3A_232 {strides = array<i32>} : memref<80xi32, #tpu.memory_space<vmem>>, vector<16xi32>,
    %get3A_233 = arith.constant 0 : i32
    %get3A_234 = arith.index_cast %get3A_233 : i32 to index
    %get3A_235 = arith.constant 16 : index
    %get3A_236 = tpu.vector_load %arg7[%get3A_234, %get3A_235] {strides = array<i32>} : memref<125x80xi32, #tpu.memory_space<vmem>>, vector<1x16xi32>,
    %get3A_237 = vector.shape_cast %get3A_236 : vector<1x16xi32> to vector<16xi32>
    %swap3A_238 = arith.constant 16 : index
    %swap3A_239 = tpu.vector_load %arg9[%swap3A_238] {strides = array<i32>} : memref<80xi32, #tpu.memory_space<vmem>>, vector<16xi32>,
    %swap3A_240 = vector.shape_cast %swap3A_239 : vector<16xi32> to vector<16xi32>
    %swap3A_241 = vector.shape_cast %get3A_237 : vector<16xi32> to vector<16xi32>
    tpu.vector_store %arg9[%swap3A_238], %swap3A_241 {strides = array<i32>} : memref<80xi32, #tpu.memory_space<vmem>>, vector<16xi32>,
    %get3A_242 = arith.constant 0 : i32
    %get3A_243 = arith.index_cast %get3A_242 : i32 to index
    %get3A_244 = arith.constant 16 : index
    %get3A_245 = tpu.vector_load %arg8[%get3A_243, %get3A_244] {strides = array<i32>} : memref<125x80xi32, #tpu.memory_space<vmem>>, vector<1x16xi32>,
    %get3A_246 = vector.shape_cast %get3A_245 : vector<1x16xi32> to vector<16xi32>
    %lt3A_247 = arith.constant 5000 : i32
    %lt3A_248 = vector.broadcast %lt3A_247 : i32 to vector<16xi32>
    %lt3A_249 = arith.cmpi slt, %get3A_246, %lt3A_248 : vector<16xi32>
    %jit3A_250 = arith.constant 5000 : i32
    %broadcast_in_dim3A_251 = vector.broadcast %jit3A_250 : i32 to vector<16xi32>
    %select_n3A_252 = arith.select %lt3A_249, %get3A_246, %broadcast_in_dim3A_251 : vector<16xi1>, vector<16xi32>
    %swap3A_253 = arith.constant 16 : index
    %swap3A_254 = tpu.vector_load %arg10[%swap3A_253] {strides = array<i32>} : memref<80xi32, #tpu.memory_space<vmem>>, vector<16xi32>,
    %swap3A_255 = vector.shape_cast %swap3A_254 : vector<16xi32> to vector<16xi32>
    %swap3A_256 = vector.shape_cast %select_n3A_252 : vector<16xi32> to vector<16xi32>
    tpu.vector_store %arg10[%swap3A_253], %swap3A_256 {strides = array<i32>} : memref<80xi32, #tpu.memory_space<vmem>>, vector<16xi32>,
    %get3A_257 = arith.constant 0 : i32
    %get3A_258 = arith.index_cast %get3A_257 : i32 to index
    %get3A_259 = arith.constant 32 : index
    %get3A_260 = tpu.vector_load %arg7[%get3A_258, %get3A_259] {strides = array<i32>} : memref<125x80xi32, #tpu.memory_space<vmem>>, vector<1x16xi32>,
    %get3A_261 = vector.shape_cast %get3A_260 : vector<1x16xi32> to vector<16xi32>
    %swap3A_262 = arith.constant 32 : index
    %swap3A_263 = tpu.vector_load %arg9[%swap3A_262] {strides = array<i32>} : memref<80xi32, #tpu.memory_space<vmem>>, vector<16xi32>,
    %swap3A_264 = vector.shape_cast %swap3A_263 : vector<16xi32> to vector<16xi32>
    %swap3A_265 = vector.shape_cast %get3A_261 : vector<16xi32> to vector<16xi32>
    tpu.vector_store %arg9[%swap3A_262], %swap3A_265 {strides = array<i32>} : memref<80xi32, #tpu.memory_space<vmem>>, vector<16xi32>,
    %get3A_266 = arith.constant 0 : i32
    %get3A_267 = arith.index_cast %get3A_266 : i32 to index
    %get3A_268 = arith.constant 32 : index
    %get3A_269 = tpu.vector_load %arg8[%get3A_267, %get3A_268] {strides = array<i32>} : memref<125x80xi32, #tpu.memory_space<vmem>>, vector<1x16xi32>,
    %get3A_270 = vector.shape_cast %get3A_269 : vector<1x16xi32> to vector<16xi32>
    %lt3A_271 = arith.constant 5000 : i32
    %lt3A_272 = vector.broadcast %lt3A_271 : i32 to vector<16xi32>
    %lt3A_273 = arith.cmpi slt, %get3A_270, %lt3A_272 : vector<16xi32>
    %jit3A_274 = arith.constant 5000 : i32
    %broadcast_in_dim3A_275 = vector.broadcast %jit3A_274 : i32 to vector<16xi32>
    %select_n3A_276 = arith.select %lt3A_273, %get3A_270, %broadcast_in_dim3A_275 : vector<16xi1>, vector<16xi32>
    %swap3A_277 = arith.constant 32 : index
    %swap3A_278 = tpu.vector_load %arg10[%swap3A_277] {strides = array<i32>} : memref<80xi32, #tpu.memory_space<vmem>>, vector<16xi32>,
    %swap3A_279 = vector.shape_cast %swap3A_278 : vector<16xi32> to vector<16xi32>
    %swap3A_280 = vector.shape_cast %select_n3A_276 : vector<16xi32> to vector<16xi32>
    tpu.vector_store %arg10[%swap3A_277], %swap3A_280 {strides = array<i32>} : memref<80xi32, #tpu.memory_space<vmem>>, vector<16xi32>,
    %get3A_281 = arith.constant 0 : i32
    %get3A_282 = arith.index_cast %get3A_281 : i32 to index
    %get3A_283 = arith.constant 48 : index
    %get3A_284 = tpu.vector_load %arg7[%get3A_282, %get3A_283] {strides = array<i32>} : memref<125x80xi32, #tpu.memory_space<vmem>>, vector<1x16xi32>,
    %get3A_285 = vector.shape_cast %get3A_284 : vector<1x16xi32> to vector<16xi32>
    %swap3A_286 = arith.constant 48 : index
    %swap3A_287 = tpu.vector_load %arg9[%swap3A_286] {strides = array<i32>} : memref<80xi32, #tpu.memory_space<vmem>>, vector<16xi32>,
    %swap3A_288 = vector.shape_cast %swap3A_287 : vector<16xi32> to vector<16xi32>
    %swap3A_289 = vector.shape_cast %get3A_285 : vector<16xi32> to vector<16xi32>
    tpu.vector_store %arg9[%swap3A_286], %swap3A_289 {strides = array<i32>} : memref<80xi32, #tpu.memory_space<vmem>>, vector<16xi32>,
    %get3A_290 = arith.constant 0 : i32
    %get3A_291 = arith.index_cast %get3A_290 : i32 to index
    %get3A_292 = arith.constant 48 : index
    %get3A_293 = tpu.vector_load %arg8[%get3A_291, %get3A_292] {strides = array<i32>} : memref<125x80xi32, #tpu.memory_space<vmem>>, vector<1x16xi32>,
    %get3A_294 = vector.shape_cast %get3A_293 : vector<1x16xi32> to vector<16xi32>
    %lt3A_295 = arith.constant 5000 : i32
    %lt3A_296 = vector.broadcast %lt3A_295 : i32 to vector<16xi32>
    %lt3A_297 = arith.cmpi slt, %get3A_294, %lt3A_296 : vector<16xi32>
    %jit3A_298 = arith.constant 5000 : i32
    %broadcast_in_dim3A_299 = vector.broadcast %jit3A_298 : i32 to vector<16xi32>
    %select_n3A_300 = arith.select %lt3A_297, %get3A_294, %broadcast_in_dim3A_299 : vector<16xi1>, vector<16xi32>
    %swap3A_301 = arith.constant 48 : index
    %swap3A_302 = tpu.vector_load %arg10[%swap3A_301] {strides = array<i32>} : memref<80xi32, #tpu.memory_space<vmem>>, vector<16xi32>,
    %swap3A_303 = vector.shape_cast %swap3A_302 : vector<16xi32> to vector<16xi32>
    %swap3A_304 = vector.shape_cast %select_n3A_300 : vector<16xi32> to vector<16xi32>
    tpu.vector_store %arg10[%swap3A_301], %swap3A_304 {strides = array<i32>} : memref<80xi32, #tpu.memory_space<vmem>>, vector<16xi32>,
    %get3A_305 = arith.constant 0 : i32
    %get3A_306 = arith.index_cast %get3A_305 : i32 to index
    %get3A_307 = arith.constant 64 : index
    %get3A_308 = tpu.vector_load %arg7[%get3A_306, %get3A_307] {strides = array<i32>} : memref<125x80xi32, #tpu.memory_space<vmem>>, vector<1x16xi32>,
    %get3A_309 = vector.shape_cast %get3A_308 : vector<1x16xi32> to vector<16xi32>
    %swap3A_310 = arith.constant 64 : index
    %swap3A_311 = tpu.vector_load %arg9[%swap3A_310] {strides = array<i32>} : memref<80xi32, #tpu.memory_space<vmem>>, vector<16xi32>,
    %swap3A_312 = vector.shape_cast %swap3A_311 : vector<16xi32> to vector<16xi32>
    %swap3A_313 = vector.shape_cast %get3A_309 : vector<16xi32> to vector<16xi32>
    tpu.vector_store %arg9[%swap3A_310], %swap3A_313 {strides = array<i32>} : memref<80xi32, #tpu.memory_space<vmem>>, vector<16xi32>,
    %get3A_314 = arith.constant 0 : i32
    %get3A_315 = arith.index_cast %get3A_314 : i32 to index
    %get3A_316 = arith.constant 64 : index
    %get3A_317 = tpu.vector_load %arg8[%get3A_315, %get3A_316] {strides = array<i32>} : memref<125x80xi32, #tpu.memory_space<vmem>>, vector<1x16xi32>,
    %get3A_318 = vector.shape_cast %get3A_317 : vector<1x16xi32> to vector<16xi32>
    %lt3A_319 = arith.constant 5000 : i32
    %lt3A_320 = vector.broadcast %lt3A_319 : i32 to vector<16xi32>
    %lt3A_321 = arith.cmpi slt, %get3A_318, %lt3A_320 : vector<16xi32>
    %jit3A_322 = arith.constant 5000 : i32
    %broadcast_in_dim3A_323 = vector.broadcast %jit3A_322 : i32 to vector<16xi32>
    %select_n3A_324 = arith.select %lt3A_321, %get3A_318, %broadcast_in_dim3A_323 : vector<16xi1>, vector<16xi32>
    %swap3A_325 = arith.constant 64 : index
    %swap3A_326 = tpu.vector_load %arg10[%swap3A_325] {strides = array<i32>} : memref<80xi32, #tpu.memory_space<vmem>>, vector<16xi32>,
    %swap3A_327 = vector.shape_cast %swap3A_326 : vector<16xi32> to vector<16xi32>
    %swap3A_328 = vector.shape_cast %select_n3A_324 : vector<16xi32> to vector<16xi32>
    tpu.vector_store %arg10[%swap3A_325], %swap3A_328 {strides = array<i32>} : memref<80xi32, #tpu.memory_space<vmem>>, vector<16xi32>,
    %dma_start3A = arith.constant 0 : i32
    %dma_start3A_329 = arith.constant 0 : i32
    %dma_start3A_330 = tpu.memref_slice %arg2[%dma_start3A, %dma_start3A_329] : memref<10000x128xf32, #tpu.memory_space<hbm>> -> memref<10000x128xf32, #tpu.memory_space<hbm>>
    tpu.enqueue_indirect_dma source(%dma_start3A_330 : memref<10000x128xf32, #tpu.memory_space<hbm>>) target(%arg13 : memref<80x128xf32, #tpu.memory_space<vmem>>) offsets(%arg9 : memref<80xi32, #tpu.memory_space<vmem>>) semaphore(%arg18 : memref<!tpu.dma_semaphore, #tpu.memory_space<semaphore_mem>>)
    %scan3A_331 = arith.constant 0 : i32
    %scan3A_332 = arith.constant 0 : i32
    %scan3A_333 = arith.constant 125 : i32
    %scan3A_334 = arith.addi %scan3A_332, %scan3A_333 : i32
    %scan3A_335 = arith.constant 1 : i32
    scf.for %scan3A_1015 = %scan3A_332 to %scan3A_334 step %scan3A_335  : i32 {
      %jit3A_1016 = arith.constant 2 : i32
      %eq3A = arith.constant 0 : i32
      %eq3A_1017 = arith.cmpi eq, %jit3A_1016, %eq3A : i32
      %jit3A_1018 = arith.constant 1 : i32
      %select_n3A_1019 = arith.select %eq3A_1017, %jit3A_1018, %jit3A_1016 : i32
      %rem3A = arith.remsi %scan3A_1015, %select_n3A_1019 : i32
      %ne3A = arith.constant 0 : i32
      %ne3A_1020 = arith.cmpi ne, %rem3A, %ne3A : i32
      %lt3A_1021 = arith.constant 0 : i32
      %lt3A_1022 = arith.cmpi slt, %rem3A, %lt3A_1021 : i32
      %lt3A_1023 = arith.constant 0 : i32
      %lt3A_1024 = arith.cmpi slt, %select_n3A_1019, %lt3A_1023 : i32
      %ne3A_1025 = arith.xori %lt3A_1022, %lt3A_1024 : i1
      %and3A = arith.andi %ne3A_1025, %ne3A_1020 : i1
      %add3A_1026 = arith.addi %rem3A, %select_n3A_1019 : i32
      %select_n3A_1027 = arith.select %and3A, %add3A_1026, %rem3A : i32
      %eq3A_1028 = arith.constant 0 : i32
      %eq3A_1029 = arith.cmpi eq, %select_n3A_1027, %eq3A_1028 : i32
      %convert_element_type3A = arith.extui %eq3A_1029 : i1 to i32
      %cond3A = arith.constant 0 : i32
      %cond3A_1030 = arith.cmpi ne, %convert_element_type3A, %cond3A : i32
      scf.if %cond3A_1030 {
        %add3A_1052 = arith.constant 1 : i32
        %add3A_1053 = arith.addi %scan3A_1015, %add3A_1052 : i32
        %lt3A_1054 = arith.constant 125 : i32
        %lt3A_1055 = arith.cmpi slt, %add3A_1053, %lt3A_1054 : i32
        %convert_element_type3A_1056 = arith.extui %lt3A_1055 : i1 to i32
        %cond3A_1057 = arith.constant 0 : i32
        %cond3A_1058 = arith.cmpi ne, %convert_element_type3A_1056, %cond3A_1057 : i32
        scf.if %cond3A_1058 {
          %add3A_1062 = arith.constant 1 : i32
          %add3A_1063 = arith.addi %scan3A_1015, %add3A_1062 : i32
          %get3A_1064 = arith.index_cast %add3A_1063 : i32 to index
          %get3A_1065 = arith.constant 0 : index
          %get3A_1066 = tpu.vector_load %arg7[%get3A_1064, %get3A_1065] {strides = array<i32>} : memref<125x80xi32, #tpu.memory_space<vmem>>, vector<1x16xi32>,
          %get3A_1067 = vector.shape_cast %get3A_1066 : vector<1x16xi32> to vector<16xi32>
          %swap3A_1068 = arith.constant 0 : index
          %swap3A_1069 = tpu.vector_load %arg11[%swap3A_1068] {strides = array<i32>} : memref<80xi32, #tpu.memory_space<vmem>>, vector<16xi32>,
          %swap3A_1070 = vector.shape_cast %swap3A_1069 : vector<16xi32> to vector<16xi32>
          %swap3A_1071 = vector.shape_cast %get3A_1067 : vector<16xi32> to vector<16xi32>
          tpu.vector_store %arg11[%swap3A_1068], %swap3A_1071 {strides = array<i32>} : memref<80xi32, #tpu.memory_space<vmem>>, vector<16xi32>,
          %get3A_1072 = arith.index_cast %add3A_1063 : i32 to index
          %get3A_1073 = arith.constant 0 : index
          %get3A_1074 = tpu.vector_load %arg8[%get3A_1072, %get3A_1073] {strides = array<i32>} : memref<125x80xi32, #tpu.memory_space<vmem>>, vector<1x16xi32>,
          %get3A_1075 = vector.shape_cast %get3A_1074 : vector<1x16xi32> to vector<16xi32>
          %lt3A_1076 = arith.constant 5000 : i32
          %lt3A_1077 = vector.broadcast %lt3A_1076 : i32 to vector<16xi32>
          %lt3A_1078 = arith.cmpi slt, %get3A_1075, %lt3A_1077 : vector<16xi32>
          %jit3A_1079 = arith.constant 5000 : i32
          %broadcast_in_dim3A_1080 = vector.broadcast %jit3A_1079 : i32 to vector<16xi32>
          %select_n3A_1081 = arith.select %lt3A_1078, %get3A_1075, %broadcast_in_dim3A_1080 : vector<16xi1>, vector<16xi32>
          %swap3A_1082 = arith.constant 0 : index
          %swap3A_1083 = tpu.vector_load %arg12[%swap3A_1082] {strides = array<i32>} : memref<80xi32, #tpu.memory_space<vmem>>, vector<16xi32>,
          %swap3A_1084 = vector.shape_cast %swap3A_1083 : vector<16xi32> to vector<16xi32>
          %swap3A_1085 = vector.shape_cast %select_n3A_1081 : vector<16xi32> to vector<16xi32>
          tpu.vector_store %arg12[%swap3A_1082], %swap3A_1085 {strides = array<i32>} : memref<80xi32, #tpu.memory_space<vmem>>, vector<16xi32>,
          %get3A_1086 = arith.index_cast %add3A_1063 : i32 to index
          %get3A_1087 = arith.constant 16 : index
          %get3A_1088 = tpu.vector_load %arg7[%get3A_1086, %get3A_1087] {strides = array<i32>} : memref<125x80xi32, #tpu.memory_space<vmem>>, vector<1x16xi32>,
          %get3A_1089 = vector.shape_cast %get3A_1088 : vector<1x16xi32> to vector<16xi32>
          %swap3A_1090 = arith.constant 16 : index
          %swap3A_1091 = tpu.vector_load %arg11[%swap3A_1090] {strides = array<i32>} : memref<80xi32, #tpu.memory_space<vmem>>, vector<16xi32>,
          %swap3A_1092 = vector.shape_cast %swap3A_1091 : vector<16xi32> to vector<16xi32>
          %swap3A_1093 = vector.shape_cast %get3A_1089 : vector<16xi32> to vector<16xi32>
          tpu.vector_store %arg11[%swap3A_1090], %swap3A_1093 {strides = array<i32>} : memref<80xi32, #tpu.memory_space<vmem>>, vector<16xi32>,
          %get3A_1094 = arith.index_cast %add3A_1063 : i32 to index
          %get3A_1095 = arith.constant 16 : index
          %get3A_1096 = tpu.vector_load %arg8[%get3A_1094, %get3A_1095] {strides = array<i32>} : memref<125x80xi32, #tpu.memory_space<vmem>>, vector<1x16xi32>,
          %get3A_1097 = vector.shape_cast %get3A_1096 : vector<1x16xi32> to vector<16xi32>
          %lt3A_1098 = arith.constant 5000 : i32
          %lt3A_1099 = vector.broadcast %lt3A_1098 : i32 to vector<16xi32>
          %lt3A_1100 = arith.cmpi slt, %get3A_1097, %lt3A_1099 : vector<16xi32>
          %jit3A_1101 = arith.constant 5000 : i32
          %broadcast_in_dim3A_1102 = vector.broadcast %jit3A_1101 : i32 to vector<16xi32>
          %select_n3A_1103 = arith.select %lt3A_1100, %get3A_1097, %broadcast_in_dim3A_1102 : vector<16xi1>, vector<16xi32>
          %swap3A_1104 = arith.constant 16 : index
          %swap3A_1105 = tpu.vector_load %arg12[%swap3A_1104] {strides = array<i32>} : memref<80xi32, #tpu.memory_space<vmem>>, vector<16xi32>,
          %swap3A_1106 = vector.shape_cast %swap3A_1105 : vector<16xi32> to vector<16xi32>
          %swap3A_1107 = vector.shape_cast %select_n3A_1103 : vector<16xi32> to vector<16xi32>
          tpu.vector_store %arg12[%swap3A_1104], %swap3A_1107 {strides = array<i32>} : memref<80xi32, #tpu.memory_space<vmem>>, vector<16xi32>,
          %get3A_1108 = arith.index_cast %add3A_1063 : i32 to index
          %get3A_1109 = arith.constant 32 : index
          %get3A_1110 = tpu.vector_load %arg7[%get3A_1108, %get3A_1109] {strides = array<i32>} : memref<125x80xi32, #tpu.memory_space<vmem>>, vector<1x16xi32>,
          %get3A_1111 = vector.shape_cast %get3A_1110 : vector<1x16xi32> to vector<16xi32>
          %swap3A_1112 = arith.constant 32 : index
          %swap3A_1113 = tpu.vector_load %arg11[%swap3A_1112] {strides = array<i32>} : memref<80xi32, #tpu.memory_space<vmem>>, vector<16xi32>,
          %swap3A_1114 = vector.shape_cast %swap3A_1113 : vector<16xi32> to vector<16xi32>
          %swap3A_1115 = vector.shape_cast %get3A_1111 : vector<16xi32> to vector<16xi32>
          tpu.vector_store %arg11[%swap3A_1112], %swap3A_1115 {strides = array<i32>} : memref<80xi32, #tpu.memory_space<vmem>>, vector<16xi32>,
          %get3A_1116 = arith.index_cast %add3A_1063 : i32 to index
          %get3A_1117 = arith.constant 32 : index
          %get3A_1118 = tpu.vector_load %arg8[%get3A_1116, %get3A_1117] {strides = array<i32>} : memref<125x80xi32, #tpu.memory_space<vmem>>, vector<1x16xi32>,
          %get3A_1119 = vector.shape_cast %get3A_1118 : vector<1x16xi32> to vector<16xi32>
          %lt3A_1120 = arith.constant 5000 : i32
          %lt3A_1121 = vector.broadcast %lt3A_1120 : i32 to vector<16xi32>
          %lt3A_1122 = arith.cmpi slt, %get3A_1119, %lt3A_1121 : vector<16xi32>
          %jit3A_1123 = arith.constant 5000 : i32
          %broadcast_in_dim3A_1124 = vector.broadcast %jit3A_1123 : i32 to vector<16xi32>
          %select_n3A_1125 = arith.select %lt3A_1122, %get3A_1119, %broadcast_in_dim3A_1124 : vector<16xi1>, vector<16xi32>
          %swap3A_1126 = arith.constant 32 : index
          %swap3A_1127 = tpu.vector_load %arg12[%swap3A_1126] {strides = array<i32>} : memref<80xi32, #tpu.memory_space<vmem>>, vector<16xi32>,
          %swap3A_1128 = vector.shape_cast %swap3A_1127 : vector<16xi32> to vector<16xi32>
          %swap3A_1129 = vector.shape_cast %select_n3A_1125 : vector<16xi32> to vector<16xi32>
          tpu.vector_store %arg12[%swap3A_1126], %swap3A_1129 {strides = array<i32>} : memref<80xi32, #tpu.memory_space<vmem>>, vector<16xi32>,
          %get3A_1130 = arith.index_cast %add3A_1063 : i32 to index
          %get3A_1131 = arith.constant 48 : index
          %get3A_1132 = tpu.vector_load %arg7[%get3A_1130, %get3A_1131] {strides = array<i32>} : memref<125x80xi32, #tpu.memory_space<vmem>>, vector<1x16xi32>,
          %get3A_1133 = vector.shape_cast %get3A_1132 : vector<1x16xi32> to vector<16xi32>
          %swap3A_1134 = arith.constant 48 : index
          %swap3A_1135 = tpu.vector_load %arg11[%swap3A_1134] {strides = array<i32>} : memref<80xi32, #tpu.memory_space<vmem>>, vector<16xi32>,
          %swap3A_1136 = vector.shape_cast %swap3A_1135 : vector<16xi32> to vector<16xi32>
          %swap3A_1137 = vector.shape_cast %get3A_1133 : vector<16xi32> to vector<16xi32>
          tpu.vector_store %arg11[%swap3A_1134], %swap3A_1137 {strides = array<i32>} : memref<80xi32, #tpu.memory_space<vmem>>, vector<16xi32>,
          %get3A_1138 = arith.index_cast %add3A_1063 : i32 to index
          %get3A_1139 = arith.constant 48 : index
          %get3A_1140 = tpu.vector_load %arg8[%get3A_1138, %get3A_1139] {strides = array<i32>} : memref<125x80xi32, #tpu.memory_space<vmem>>, vector<1x16xi32>,
          %get3A_1141 = vector.shape_cast %get3A_1140 : vector<1x16xi32> to vector<16xi32>
          %lt3A_1142 = arith.constant 5000 : i32
          %lt3A_1143 = vector.broadcast %lt3A_1142 : i32 to vector<16xi32>
          %lt3A_1144 = arith.cmpi slt, %get3A_1141, %lt3A_1143 : vector<16xi32>
          %jit3A_1145 = arith.constant 5000 : i32
          %broadcast_in_dim3A_1146 = vector.broadcast %jit3A_1145 : i32 to vector<16xi32>
          %select_n3A_1147 = arith.select %lt3A_1144, %get3A_1141, %broadcast_in_dim3A_1146 : vector<16xi1>, vector<16xi32>
          %swap3A_1148 = arith.constant 48 : index
          %swap3A_1149 = tpu.vector_load %arg12[%swap3A_1148] {strides = array<i32>} : memref<80xi32, #tpu.memory_space<vmem>>, vector<16xi32>,
          %swap3A_1150 = vector.shape_cast %swap3A_1149 : vector<16xi32> to vector<16xi32>
          %swap3A_1151 = vector.shape_cast %select_n3A_1147 : vector<16xi32> to vector<16xi32>
          tpu.vector_store %arg12[%swap3A_1148], %swap3A_1151 {strides = array<i32>} : memref<80xi32, #tpu.memory_space<vmem>>, vector<16xi32>,
          %get3A_1152 = arith.index_cast %add3A_1063 : i32 to index
          %get3A_1153 = arith.constant 64 : index
          %get3A_1154 = tpu.vector_load %arg7[%get3A_1152, %get3A_1153] {strides = array<i32>} : memref<125x80xi32, #tpu.memory_space<vmem>>, vector<1x16xi32>,
          %get3A_1155 = vector.shape_cast %get3A_1154 : vector<1x16xi32> to vector<16xi32>
          %swap3A_1156 = arith.constant 64 : index
          %swap3A_1157 = tpu.vector_load %arg11[%swap3A_1156] {strides = array<i32>} : memref<80xi32, #tpu.memory_space<vmem>>, vector<16xi32>,
          %swap3A_1158 = vector.shape_cast %swap3A_1157 : vector<16xi32> to vector<16xi32>
          %swap3A_1159 = vector.shape_cast %get3A_1155 : vector<16xi32> to vector<16xi32>
          tpu.vector_store %arg11[%swap3A_1156], %swap3A_1159 {strides = array<i32>} : memref<80xi32, #tpu.memory_space<vmem>>, vector<16xi32>,
          %get3A_1160 = arith.index_cast %add3A_1063 : i32 to index
          %get3A_1161 = arith.constant 64 : index
          %get3A_1162 = tpu.vector_load %arg8[%get3A_1160, %get3A_1161] {strides = array<i32>} : memref<125x80xi32, #tpu.memory_space<vmem>>, vector<1x16xi32>,
          %get3A_1163 = vector.shape_cast %get3A_1162 : vector<1x16xi32> to vector<16xi32>
          %lt3A_1164 = arith.constant 5000 : i32
          %lt3A_1165 = vector.broadcast %lt3A_1164 : i32 to vector<16xi32>
          %lt3A_1166 = arith.cmpi slt, %get3A_1163, %lt3A_1165 : vector<16xi32>
          %jit3A_1167 = arith.constant 5000 : i32
          %broadcast_in_dim3A_1168 = vector.broadcast %jit3A_1167 : i32 to vector<16xi32>
          %select_n3A_1169 = arith.select %lt3A_1166, %get3A_1163, %broadcast_in_dim3A_1168 : vector<16xi1>, vector<16xi32>
          %swap3A_1170 = arith.constant 64 : index
          %swap3A_1171 = tpu.vector_load %arg12[%swap3A_1170] {strides = array<i32>} : memref<80xi32, #tpu.memory_space<vmem>>, vector<16xi32>,
          %swap3A_1172 = vector.shape_cast %swap3A_1171 : vector<16xi32> to vector<16xi32>
          %swap3A_1173 = vector.shape_cast %select_n3A_1169 : vector<16xi32> to vector<16xi32>
          tpu.vector_store %arg12[%swap3A_1170], %swap3A_1173 {strides = array<i32>} : memref<80xi32, #tpu.memory_space<vmem>>, vector<16xi32>,
          %dma_start3A_1174 = arith.constant 0 : i32
          %dma_start3A_1175 = arith.constant 0 : i32
          %dma_start3A_1176 = tpu.memref_slice %arg2[%dma_start3A_1174, %dma_start3A_1175] : memref<10000x128xf32, #tpu.memory_space<hbm>> -> memref<10000x128xf32, #tpu.memory_space<hbm>>
          tpu.enqueue_indirect_dma source(%dma_start3A_1176 : memref<10000x128xf32, #tpu.memory_space<hbm>>) target(%arg14 : memref<80x128xf32, #tpu.memory_space<vmem>>) offsets(%arg11 : memref<80xi32, #tpu.memory_space<vmem>>) semaphore(%arg19 : memref<!tpu.dma_semaphore, #tpu.memory_space<semaphore_mem>>)
        } else {
        }
        %dma_wait3A_1059 = arith.constant 0 : i32
        %dma_wait3A_1060 = arith.constant 0 : i32
        %dma_wait3A_1061 = tpu.memref_slice %arg2[%dma_wait3A_1059, %dma_wait3A_1060] : memref<10000x128xf32, #tpu.memory_space<hbm>> -> memref<10000x128xf32, #tpu.memory_space<hbm>>
        tpu.wait_indirect_dma semaphore(%arg18 : memref<!tpu.dma_semaphore, #tpu.memory_space<semaphore_mem>>) src(%dma_wait3A_1061 : memref<10000x128xf32, #tpu.memory_space<hbm>>) dst(%arg13 : memref<80x128xf32, #tpu.memory_space<vmem>>)
        "tpu.region"() ({
          %run_scoped3A = tpu.sem_alloc : memref<!tpu.dma_semaphore, #tpu.memory_space<semaphore_mem>>
          %dma_start3A_1062 = arith.constant 0 : i32
          %dma_start3A_1063 = arith.constant 0 : i32
          %dma_start3A_1064 = tpu.memref_slice %arg20[%dma_start3A_1062, %dma_start3A_1063] : memref<5120x128xf32, #tpu.memory_space<vmem_shared>> -> memref<5120x128xf32, #tpu.memory_space<vmem_shared>>
          tpu.enqueue_indirect_dma source(%arg13 : memref<80x128xf32, #tpu.memory_space<vmem>>) target(%dma_start3A_1064 : memref<5120x128xf32, #tpu.memory_space<vmem_shared>>) offsets(%arg10 : memref<80xi32, #tpu.memory_space<vmem>>) semaphore(%run_scoped3A : memref<!tpu.dma_semaphore, #tpu.memory_space<semaphore_mem>>) {add = true}
          %dma_wait3A_1065 = arith.constant 0 : i32
          %dma_wait3A_1066 = arith.constant 0 : i32
          %dma_wait3A_1067 = tpu.memref_slice %arg20[%dma_wait3A_1065, %dma_wait3A_1066] : memref<5120x128xf32, #tpu.memory_space<vmem_shared>> -> memref<5120x128xf32, #tpu.memory_space<vmem_shared>>
          tpu.wait_indirect_dma semaphore(%run_scoped3A : memref<!tpu.dma_semaphore, #tpu.memory_space<semaphore_mem>>) src(%arg13 : memref<80x128xf32, #tpu.memory_space<vmem>>) dst(%dma_wait3A_1067 : memref<5120x128xf32, #tpu.memory_space<vmem_shared>>)
          tpu.yield
        }) : () -> ()
      } else {
      }
      %jit3A_1031 = arith.constant 2 : i32
      %eq3A_1032 = arith.constant 0 : i32
      %eq3A_1033 = arith.cmpi eq, %jit3A_1031, %eq3A_1032 : i32
      %jit3A_1034 = arith.constant 1 : i32
      %select_n3A_1035 = arith.select %eq3A_1033, %jit3A_1034, %jit3A_1031 : i32
      %rem3A_1036 = arith.remsi %scan3A_1015, %select_n3A_1035 : i32
      %ne3A_1037 = arith.constant 0 : i32
      %ne3A_1038 = arith.cmpi ne, %rem3A_1036, %ne3A_1037 : i32
      %lt3A_1039 = arith.constant 0 : i32
      %lt3A_1040 = arith.cmpi slt, %rem3A_1036, %lt3A_1039 : i32
      %lt3A_1041 = arith.constant 0 : i32
      %lt3A_1042 = arith.cmpi slt, %select_n3A_1035, %lt3A_1041 : i32
      %ne3A_1043 = arith.xori %lt3A_1040, %lt3A_1042 : i1
      %and3A_1044 = arith.andi %ne3A_1043, %ne3A_1038 : i1
      %add3A_1045 = arith.addi %rem3A_1036, %select_n3A_1035 : i32
      %select_n3A_1046 = arith.select %and3A_1044, %add3A_1045, %rem3A_1036 : i32
      %eq3A_1047 = arith.constant 1 : i32
      %eq3A_1048 = arith.cmpi eq, %select_n3A_1046, %eq3A_1047 : i32
      %convert_element_type3A_1049 = arith.extui %eq3A_1048 : i1 to i32
      %cond3A_1050 = arith.constant 0 : i32
      %cond3A_1051 = arith.cmpi ne, %convert_element_type3A_1049, %cond3A_1050 : i32
      scf.if %cond3A_1051 {
        %add3A_1052 = arith.constant 1 : i32
        %add3A_1053 = arith.addi %scan3A_1015, %add3A_1052 : i32
        %lt3A_1054 = arith.constant 125 : i32
        %lt3A_1055 = arith.cmpi slt, %add3A_1053, %lt3A_1054 : i32
        %convert_element_type3A_1056 = arith.extui %lt3A_1055 : i1 to i32
        %cond3A_1057 = arith.constant 0 : i32
        %cond3A_1058 = arith.cmpi ne, %convert_element_type3A_1056, %cond3A_1057 : i32
        scf.if %cond3A_1058 {
          %add3A_1062 = arith.constant 1 : i32
          %add3A_1063 = arith.addi %scan3A_1015, %add3A_1062 : i32
          %get3A_1064 = arith.index_cast %add3A_1063 : i32 to index
          %get3A_1065 = arith.constant 0 : index
          %get3A_1066 = tpu.vector_load %arg7[%get3A_1064, %get3A_1065] {strides = array<i32>} : memref<125x80xi32, #tpu.memory_space<vmem>>, vector<1x16xi32>,
          %get3A_1067 = vector.shape_cast %get3A_1066 : vector<1x16xi32> to vector<16xi32>
          %swap3A_1068 = arith.constant 0 : index
          %swap3A_1069 = tpu.vector_load %arg9[%swap3A_1068] {strides = array<i32>} : memref<80xi32, #tpu.memory_space<vmem>>, vector<16xi32>,
          %swap3A_1070 = vector.shape_cast %swap3A_1069 : vector<16xi32> to vector<16xi32>
          %swap3A_1071 = vector.shape_cast %get3A_1067 : vector<16xi32> to vector<16xi32>
          tpu.vector_store %arg9[%swap3A_1068], %swap3A_1071 {strides = array<i32>} : memref<80xi32, #tpu.memory_space<vmem>>, vector<16xi32>,
          %get3A_1072 = arith.index_cast %add3A_1063 : i32 to index
          %get3A_1073 = arith.constant 0 : index
          %get3A_1074 = tpu.vector_load %arg8[%get3A_1072, %get3A_1073] {strides = array<i32>} : memref<125x80xi32, #tpu.memory_space<vmem>>, vector<1x16xi32>,
          %get3A_1075 = vector.shape_cast %get3A_1074 : vector<1x16xi32> to vector<16xi32>
          %lt3A_1076 = arith.constant 5000 : i32
          %lt3A_1077 = vector.broadcast %lt3A_1076 : i32 to vector<16xi32>
          %lt3A_1078 = arith.cmpi slt, %get3A_1075, %lt3A_1077 : vector<16xi32>
          %jit3A_1079 = arith.constant 5000 : i32
          %broadcast_in_dim3A_1080 = vector.broadcast %jit3A_1079 : i32 to vector<16xi32>
          %select_n3A_1081 = arith.select %lt3A_1078, %get3A_1075, %broadcast_in_dim3A_1080 : vector<16xi1>, vector<16xi32>
          %swap3A_1082 = arith.constant 0 : index
          %swap3A_1083 = tpu.vector_load %arg10[%swap3A_1082] {strides = array<i32>} : memref<80xi32, #tpu.memory_space<vmem>>, vector<16xi32>,
          %swap3A_1084 = vector.shape_cast %swap3A_1083 : vector<16xi32> to vector<16xi32>
          %swap3A_1085 = vector.shape_cast %select_n3A_1081 : vector<16xi32> to vector<16xi32>
          tpu.vector_store %arg10[%swap3A_1082], %swap3A_1085 {strides = array<i32>} : memref<80xi32, #tpu.memory_space<vmem>>, vector<16xi32>,
          %get3A_1086 = arith.index_cast %add3A_1063 : i32 to index
          %get3A_1087 = arith.constant 16 : index
          %get3A_1088 = tpu.vector_load %arg7[%get3A_1086, %get3A_1087] {strides = array<i32>} : memref<125x80xi32, #tpu.memory_space<vmem>>, vector<1x16xi32>,
          %get3A_1089 = vector.shape_cast %get3A_1088 : vector<1x16xi32> to vector<16xi32>
          %swap3A_1090 = arith.constant 16 : index
          %swap3A_1091 = tpu.vector_load %arg9[%swap3A_1090] {strides = array<i32>} : memref<80xi32, #tpu.memory_space<vmem>>, vector<16xi32>,
          %swap3A_1092 = vector.shape_cast %swap3A_1091 : vector<16xi32> to vector<16xi32>
          %swap3A_1093 = vector.shape_cast %get3A_1089 : vector<16xi32> to vector<16xi32>
          tpu.vector_store %arg9[%swap3A_1090], %swap3A_1093 {strides = array<i32>} : memref<80xi32, #tpu.memory_space<vmem>>, vector<16xi32>,
          %get3A_1094 = arith.index_cast %add3A_1063 : i32 to index
          %get3A_1095 = arith.constant 16 : index
          %get3A_1096 = tpu.vector_load %arg8[%get3A_1094, %get3A_1095] {strides = array<i32>} : memref<125x80xi32, #tpu.memory_space<vmem>>, vector<1x16xi32>,
          %get3A_1097 = vector.shape_cast %get3A_1096 : vector<1x16xi32> to vector<16xi32>
          %lt3A_1098 = arith.constant 5000 : i32
          %lt3A_1099 = vector.broadcast %lt3A_1098 : i32 to vector<16xi32>
          %lt3A_1100 = arith.cmpi slt, %get3A_1097, %lt3A_1099 : vector<16xi32>
          %jit3A_1101 = arith.constant 5000 : i32
          %broadcast_in_dim3A_1102 = vector.broadcast %jit3A_1101 : i32 to vector<16xi32>
          %select_n3A_1103 = arith.select %lt3A_1100, %get3A_1097, %broadcast_in_dim3A_1102 : vector<16xi1>, vector<16xi32>
          %swap3A_1104 = arith.constant 16 : index
          %swap3A_1105 = tpu.vector_load %arg10[%swap3A_1104] {strides = array<i32>} : memref<80xi32, #tpu.memory_space<vmem>>, vector<16xi32>,
          %swap3A_1106 = vector.shape_cast %swap3A_1105 : vector<16xi32> to vector<16xi32>
          %swap3A_1107 = vector.shape_cast %select_n3A_1103 : vector<16xi32> to vector<16xi32>
          tpu.vector_store %arg10[%swap3A_1104], %swap3A_1107 {strides = array<i32>} : memref<80xi32, #tpu.memory_space<vmem>>, vector<16xi32>,
          %get3A_1108 = arith.index_cast %add3A_1063 : i32 to index
          %get3A_1109 = arith.constant 32 : index
          %get3A_1110 = tpu.vector_load %arg7[%get3A_1108, %get3A_1109] {strides = array<i32>} : memref<125x80xi32, #tpu.memory_space<vmem>>, vector<1x16xi32>,
          %get3A_1111 = vector.shape_cast %get3A_1110 : vector<1x16xi32> to vector<16xi32>
          %swap3A_1112 = arith.constant 32 : index
          %swap3A_1113 = tpu.vector_load %arg9[%swap3A_1112] {strides = array<i32>} : memref<80xi32, #tpu.memory_space<vmem>>, vector<16xi32>,
          %swap3A_1114 = vector.shape_cast %swap3A_1113 : vector<16xi32> to vector<16xi32>
          %swap3A_1115 = vector.shape_cast %get3A_1111 : vector<16xi32> to vector<16xi32>
          tpu.vector_store %arg9[%swap3A_1112], %swap3A_1115 {strides = array<i32>} : memref<80xi32, #tpu.memory_space<vmem>>, vector<16xi32>,
          %get3A_1116 = arith.index_cast %add3A_1063 : i32 to index
          %get3A_1117 = arith.constant 32 : index
          %get3A_1118 = tpu.vector_load %arg8[%get3A_1116, %get3A_1117] {strides = array<i32>} : memref<125x80xi32, #tpu.memory_space<vmem>>, vector<1x16xi32>,
          %get3A_1119 = vector.shape_cast %get3A_1118 : vector<1x16xi32> to vector<16xi32>
          %lt3A_1120 = arith.constant 5000 : i32
          %lt3A_1121 = vector.broadcast %lt3A_1120 : i32 to vector<16xi32>
          %lt3A_1122 = arith.cmpi slt, %get3A_1119, %lt3A_1121 : vector<16xi32>
          %jit3A_1123 = arith.constant 5000 : i32
          %broadcast_in_dim3A_1124 = vector.broadcast %jit3A_1123 : i32 to vector<16xi32>
          %select_n3A_1125 = arith.select %lt3A_1122, %get3A_1119, %broadcast_in_dim3A_1124 : vector<16xi1>, vector<16xi32>
          %swap3A_1126 = arith.constant 32 : index
          %swap3A_1127 = tpu.vector_load %arg10[%swap3A_1126] {strides = array<i32>} : memref<80xi32, #tpu.memory_space<vmem>>, vector<16xi32>,
          %swap3A_1128 = vector.shape_cast %swap3A_1127 : vector<16xi32> to vector<16xi32>
          %swap3A_1129 = vector.shape_cast %select_n3A_1125 : vector<16xi32> to vector<16xi32>
          tpu.vector_store %arg10[%swap3A_1126], %swap3A_1129 {strides = array<i32>} : memref<80xi32, #tpu.memory_space<vmem>>, vector<16xi32>,
          %get3A_1130 = arith.index_cast %add3A_1063 : i32 to index
          %get3A_1131 = arith.constant 48 : index
          %get3A_1132 = tpu.vector_load %arg7[%get3A_1130, %get3A_1131] {strides = array<i32>} : memref<125x80xi32, #tpu.memory_space<vmem>>, vector<1x16xi32>,
          %get3A_1133 = vector.shape_cast %get3A_1132 : vector<1x16xi32> to vector<16xi32>
          %swap3A_1134 = arith.constant 48 : index
          %swap3A_1135 = tpu.vector_load %arg9[%swap3A_1134] {strides = array<i32>} : memref<80xi32, #tpu.memory_space<vmem>>, vector<16xi32>,
          %swap3A_1136 = vector.shape_cast %swap3A_1135 : vector<16xi32> to vector<16xi32>
          %swap3A_1137 = vector.shape_cast %get3A_1133 : vector<16xi32> to vector<16xi32>
          tpu.vector_store %arg9[%swap3A_1134], %swap3A_1137 {strides = array<i32>} : memref<80xi32, #tpu.memory_space<vmem>>, vector<16xi32>,
          %get3A_1138 = arith.index_cast %add3A_1063 : i32 to index
          %get3A_1139 = arith.constant 48 : index
          %get3A_1140 = tpu.vector_load %arg8[%get3A_1138, %get3A_1139] {strides = array<i32>} : memref<125x80xi32, #tpu.memory_space<vmem>>, vector<1x16xi32>,
          %get3A_1141 = vector.shape_cast %get3A_1140 : vector<1x16xi32> to vector<16xi32>
          %lt3A_1142 = arith.constant 5000 : i32
          %lt3A_1143 = vector.broadcast %lt3A_1142 : i32 to vector<16xi32>
          %lt3A_1144 = arith.cmpi slt, %get3A_1141, %lt3A_1143 : vector<16xi32>
          %jit3A_1145 = arith.constant 5000 : i32
          %broadcast_in_dim3A_1146 = vector.broadcast %jit3A_1145 : i32 to vector<16xi32>
          %select_n3A_1147 = arith.select %lt3A_1144, %get3A_1141, %broadcast_in_dim3A_1146 : vector<16xi1>, vector<16xi32>
          %swap3A_1148 = arith.constant 48 : index
          %swap3A_1149 = tpu.vector_load %arg10[%swap3A_1148] {strides = array<i32>} : memref<80xi32, #tpu.memory_space<vmem>>, vector<16xi32>,
          %swap3A_1150 = vector.shape_cast %swap3A_1149 : vector<16xi32> to vector<16xi32>
          %swap3A_1151 = vector.shape_cast %select_n3A_1147 : vector<16xi32> to vector<16xi32>
          tpu.vector_store %arg10[%swap3A_1148], %swap3A_1151 {strides = array<i32>} : memref<80xi32, #tpu.memory_space<vmem>>, vector<16xi32>,
          %get3A_1152 = arith.index_cast %add3A_1063 : i32 to index
          %get3A_1153 = arith.constant 64 : index
          %get3A_1154 = tpu.vector_load %arg7[%get3A_1152, %get3A_1153] {strides = array<i32>} : memref<125x80xi32, #tpu.memory_space<vmem>>, vector<1x16xi32>,
          %get3A_1155 = vector.shape_cast %get3A_1154 : vector<1x16xi32> to vector<16xi32>
          %swap3A_1156 = arith.constant 64 : index
          %swap3A_1157 = tpu.vector_load %arg9[%swap3A_1156] {strides = array<i32>} : memref<80xi32, #tpu.memory_space<vmem>>, vector<16xi32>,
          %swap3A_1158 = vector.shape_cast %swap3A_1157 : vector<16xi32> to vector<16xi32>
          %swap3A_1159 = vector.shape_cast %get3A_1155 : vector<16xi32> to vector<16xi32>
          tpu.vector_store %arg9[%swap3A_1156], %swap3A_1159 {strides = array<i32>} : memref<80xi32, #tpu.memory_space<vmem>>, vector<16xi32>,
          %get3A_1160 = arith.index_cast %add3A_1063 : i32 to index
          %get3A_1161 = arith.constant 64 : index
          %get3A_1162 = tpu.vector_load %arg8[%get3A_1160, %get3A_1161] {strides = array<i32>} : memref<125x80xi32, #tpu.memory_space<vmem>>, vector<1x16xi32>,
          %get3A_1163 = vector.shape_cast %get3A_1162 : vector<1x16xi32> to vector<16xi32>
          %lt3A_1164 = arith.constant 5000 : i32
          %lt3A_1165 = vector.broadcast %lt3A_1164 : i32 to vector<16xi32>
          %lt3A_1166 = arith.cmpi slt, %get3A_1163, %lt3A_1165 : vector<16xi32>
          %jit3A_1167 = arith.constant 5000 : i32
          %broadcast_in_dim3A_1168 = vector.broadcast %jit3A_1167 : i32 to vector<16xi32>
          %select_n3A_1169 = arith.select %lt3A_1166, %get3A_1163, %broadcast_in_dim3A_1168 : vector<16xi1>, vector<16xi32>
          %swap3A_1170 = arith.constant 64 : index
          %swap3A_1171 = tpu.vector_load %arg10[%swap3A_1170] {strides = array<i32>} : memref<80xi32, #tpu.memory_space<vmem>>, vector<16xi32>,
          %swap3A_1172 = vector.shape_cast %swap3A_1171 : vector<16xi32> to vector<16xi32>
          %swap3A_1173 = vector.shape_cast %select_n3A_1169 : vector<16xi32> to vector<16xi32>
          tpu.vector_store %arg10[%swap3A_1170], %swap3A_1173 {strides = array<i32>} : memref<80xi32, #tpu.memory_space<vmem>>, vector<16xi32>,
          %dma_start3A_1174 = arith.constant 0 : i32
          %dma_start3A_1175 = arith.constant 0 : i32
          %dma_start3A_1176 = tpu.memref_slice %arg2[%dma_start3A_1174, %dma_start3A_1175] : memref<10000x128xf32, #tpu.memory_space<hbm>> -> memref<10000x128xf32, #tpu.memory_space<hbm>>
          tpu.enqueue_indirect_dma source(%dma_start3A_1176 : memref<10000x128xf32, #tpu.memory_space<hbm>>) target(%arg13 : memref<80x128xf32, #tpu.memory_space<vmem>>) offsets(%arg9 : memref<80xi32, #tpu.memory_space<vmem>>) semaphore(%arg18 : memref<!tpu.dma_semaphore, #tpu.memory_space<semaphore_mem>>)
        } else {
        }
        %dma_wait3A_1059 = arith.constant 0 : i32
        %dma_wait3A_1060 = arith.constant 0 : i32
        %dma_wait3A_1061 = tpu.memref_slice %arg2[%dma_wait3A_1059, %dma_wait3A_1060] : memref<10000x128xf32, #tpu.memory_space<hbm>> -> memref<10000x128xf32, #tpu.memory_space<hbm>>
        tpu.wait_indirect_dma semaphore(%arg19 : memref<!tpu.dma_semaphore, #tpu.memory_space<semaphore_mem>>) src(%dma_wait3A_1061 : memref<10000x128xf32, #tpu.memory_space<hbm>>) dst(%arg14 : memref<80x128xf32, #tpu.memory_space<vmem>>)
        "tpu.region"() ({
          %run_scoped3A = tpu.sem_alloc : memref<!tpu.dma_semaphore, #tpu.memory_space<semaphore_mem>>
          %dma_start3A_1062 = arith.constant 0 : i32
          %dma_start3A_1063 = arith.constant 0 : i32
          %dma_start3A_1064 = tpu.memref_slice %arg20[%dma_start3A_1062, %dma_start3A_1063] : memref<5120x128xf32, #tpu.memory_space<vmem_shared>> -> memref<5120x128xf32, #tpu.memory_space<vmem_shared>>
          tpu.enqueue_indirect_dma source(%arg14 : memref<80x128xf32, #tpu.memory_space<vmem>>) target(%dma_start3A_1064 : memref<5120x128xf32, #tpu.memory_space<vmem_shared>>) offsets(%arg12 : memref<80xi32, #tpu.memory_space<vmem>>) semaphore(%run_scoped3A : memref<!tpu.dma_semaphore, #tpu.memory_space<semaphore_mem>>) {add = true}
          %dma_wait3A_1065 = arith.constant 0 : i32
          %dma_wait3A_1066 = arith.constant 0 : i32
          %dma_wait3A_1067 = tpu.memref_slice %arg20[%dma_wait3A_1065, %dma_wait3A_1066] : memref<5120x128xf32, #tpu.memory_space<vmem_shared>> -> memref<5120x128xf32, #tpu.memory_space<vmem_shared>>
          tpu.wait_indirect_dma semaphore(%run_scoped3A : memref<!tpu.dma_semaphore, #tpu.memory_space<semaphore_mem>>) src(%arg14 : memref<80x128xf32, #tpu.memory_space<vmem>>) dst(%dma_wait3A_1067 : memref<5120x128xf32, #tpu.memory_space<vmem_shared>>)
          tpu.yield
        }) : () -> ()
      } else {
      }
    }
    %scan3A_336 = arith.constant 125 : i32
    %barrier3A_337 = arith.constant 0 : index
    tpu.barrier barrier_id(%barrier3A_337)
    %add3A_338 = arith.constant 0 : i32
    %add3A_339 = arith.addi %mul3A_8, %add3A_338 : i32
    %add3A_340 = arith.constant 0 : i32
    %add3A_341 = arith.addi %add3A_339, %add3A_340 : i32
    %add3A_342 = vector.broadcast %add3A_341 : i32 to vector<16xi32>
    %add3A_343 = arith.addi %add3A_342, %iota3A : vector<16xi32>
    %swap3A_344 = arith.constant 0 : index
    %swap3A_345 = tpu.vector_load %arg16[%swap3A_344] {strides = array<i32>} : memref<80xi32, #tpu.memory_space<vmem>>, vector<16xi32>,
    %swap3A_346 = vector.shape_cast %swap3A_345 : vector<16xi32> to vector<16xi32>
    %swap3A_347 = vector.shape_cast %add3A_343 : vector<16xi32> to vector<16xi32>
    tpu.vector_store %arg16[%swap3A_344], %swap3A_347 {strides = array<i32>} : memref<80xi32, #tpu.memory_space<vmem>>, vector<16xi32>,
    %add3A_348 = arith.constant 0 : i32
    %add3A_349 = arith.addi %mul3A_8, %add3A_348 : i32
    %add3A_350 = arith.constant 16 : i32
    %add3A_351 = arith.addi %add3A_349, %add3A_350 : i32
    %add3A_352 = vector.broadcast %add3A_351 : i32 to vector<16xi32>
    %add3A_353 = arith.addi %add3A_352, %iota3A : vector<16xi32>
    %swap3A_354 = arith.constant 16 : index
    %swap3A_355 = tpu.vector_load %arg16[%swap3A_354] {strides = array<i32>} : memref<80xi32, #tpu.memory_space<vmem>>, vector<16xi32>,
    %swap3A_356 = vector.shape_cast %swap3A_355 : vector<16xi32> to vector<16xi32>
    %swap3A_357 = vector.shape_cast %add3A_353 : vector<16xi32> to vector<16xi32>
    tpu.vector_store %arg16[%swap3A_354], %swap3A_357 {strides = array<i32>} : memref<80xi32, #tpu.memory_space<vmem>>, vector<16xi32>,
    %add3A_358 = arith.constant 0 : i32
    %add3A_359 = arith.addi %mul3A_8, %add3A_358 : i32
    %add3A_360 = arith.constant 32 : i32
    %add3A_361 = arith.addi %add3A_359, %add3A_360 : i32
    %add3A_362 = vector.broadcast %add3A_361 : i32 to vector<16xi32>
    %add3A_363 = arith.addi %add3A_362, %iota3A : vector<16xi32>
    %swap3A_364 = arith.constant 32 : index
    %swap3A_365 = tpu.vector_load %arg16[%swap3A_364] {strides = array<i32>} : memref<80xi32, #tpu.memory_space<vmem>>, vector<16xi32>,
    %swap3A_366 = vector.shape_cast %swap3A_365 : vector<16xi32> to vector<16xi32>
    %swap3A_367 = vector.shape_cast %add3A_363 : vector<16xi32> to vector<16xi32>
    tpu.vector_store %arg16[%swap3A_364], %swap3A_367 {strides = array<i32>} : memref<80xi32, #tpu.memory_space<vmem>>, vector<16xi32>,
    %add3A_368 = arith.constant 0 : i32
    %add3A_369 = arith.addi %mul3A_8, %add3A_368 : i32
    %add3A_370 = arith.constant 48 : i32
    %add3A_371 = arith.addi %add3A_369, %add3A_370 : i32
    %add3A_372 = vector.broadcast %add3A_371 : i32 to vector<16xi32>
    %add3A_373 = arith.addi %add3A_372, %iota3A : vector<16xi32>
    %swap3A_374 = arith.constant 48 : index
    %swap3A_375 = tpu.vector_load %arg16[%swap3A_374] {strides = array<i32>} : memref<80xi32, #tpu.memory_space<vmem>>, vector<16xi32>,
    %swap3A_376 = vector.shape_cast %swap3A_375 : vector<16xi32> to vector<16xi32>
    %swap3A_377 = vector.shape_cast %add3A_373 : vector<16xi32> to vector<16xi32>
    tpu.vector_store %arg16[%swap3A_374], %swap3A_377 {strides = array<i32>} : memref<80xi32, #tpu.memory_space<vmem>>, vector<16xi32>,
    %add3A_378 = arith.constant 0 : i32
    %add3A_379 = arith.addi %mul3A_8, %add3A_378 : i32
    %add3A_380 = arith.constant 64 : i32
    %add3A_381 = arith.addi %add3A_379, %add3A_380 : i32
    %add3A_382 = vector.broadcast %add3A_381 : i32 to vector<16xi32>
    %add3A_383 = arith.addi %add3A_382, %iota3A : vector<16xi32>
    %swap3A_384 = arith.constant 64 : index
    %swap3A_385 = tpu.vector_load %arg16[%swap3A_384] {strides = array<i32>} : memref<80xi32, #tpu.memory_space<vmem>>, vector<16xi32>,
    %swap3A_386 = vector.shape_cast %swap3A_385 : vector<16xi32> to vector<16xi32>
    %swap3A_387 = vector.shape_cast %add3A_383 : vector<16xi32> to vector<16xi32>
    tpu.vector_store %arg16[%swap3A_384], %swap3A_387 {strides = array<i32>} : memref<80xi32, #tpu.memory_space<vmem>>, vector<16xi32>,
    %dma_start3A_388 = arith.constant 0 : i32
    %dma_start3A_389 = arith.constant 0 : i32
    %dma_start3A_390 = tpu.memref_slice %arg20[%dma_start3A_388, %dma_start3A_389] : memref<5120x128xf32, #tpu.memory_space<vmem_shared>> -> memref<5120x128xf32, #tpu.memory_space<vmem_shared>>
    tpu.enqueue_indirect_dma source(%dma_start3A_390 : memref<5120x128xf32, #tpu.memory_space<vmem_shared>>) target(%arg17 : memref<80x128xf32, #tpu.memory_space<vmem>>) offsets(%arg16 : memref<80xi32, #tpu.memory_space<vmem>>) semaphore(%arg18 : memref<!tpu.dma_semaphore, #tpu.memory_space<semaphore_mem>>)
    %dma_wait3A = arith.constant 0 : i32
    %dma_wait3A_391 = arith.constant 0 : i32
    %dma_wait3A_392 = tpu.memref_slice %arg20[%dma_wait3A, %dma_wait3A_391] : memref<5120x128xf32, #tpu.memory_space<vmem_shared>> -> memref<5120x128xf32, #tpu.memory_space<vmem_shared>>
    tpu.wait_indirect_dma semaphore(%arg18 : memref<!tpu.dma_semaphore, #tpu.memory_space<semaphore_mem>>) src(%dma_wait3A_392 : memref<5120x128xf32, #tpu.memory_space<vmem_shared>>) dst(%arg17 : memref<80x128xf32, #tpu.memory_space<vmem>>)
    %add3A_393 = arith.constant 0 : i32
    %add3A_394 = arith.addi %mul3A_8, %add3A_393 : i32
    "tpu.region"() ({
      %run_scoped3A = tpu.sem_alloc : memref<!tpu.dma_semaphore, #tpu.memory_space<semaphore_mem>>
      %dma_start3A_1015 = arith.constant 0 : i32
      %dma_start3A_1016 = tpu.memref_slice %arg5[%arg0, %add3A_394, %dma_start3A_1015] : memref<2x5120x128xf32, #tpu.memory_space<hbm>> -> memref<1x80x128xf32, #tpu.memory_space<hbm>>
      %dma_start3A_1017 = tpu.memref_squeeze %dma_start3A_1016 : memref<1x80x128xf32, #tpu.memory_space<hbm>> -> memref<80x128xf32, #tpu.memory_space<hbm>>
      %dma_start3A_1018 = arith.constant 0 : i32
      %dma_start3A_1019 = tpu.memref_slice %arg5[%arg0, %add3A_394, %dma_start3A_1018] : memref<2x5120x128xf32, #tpu.memory_space<hbm>> -> memref<1x80x128xf32, #tpu.memory_space<hbm>>
      %dma_start3A_1020 = tpu.memref_squeeze %dma_start3A_1019 : memref<1x80x128xf32, #tpu.memory_space<hbm>> -> memref<80x128xf32, #tpu.memory_space<hbm>>
      tpu.enqueue_dma source(%arg17 : memref<80x128xf32, #tpu.memory_space<vmem>>) target(%dma_start3A_1020 : memref<80x128xf32, #tpu.memory_space<hbm>>) target_semaphore(%run_scoped3A : memref<!tpu.dma_semaphore, #tpu.memory_space<semaphore_mem>>)
      %dma_wait3A_1021 = arith.constant 0 : i32
      %dma_wait3A_1022 = tpu.memref_slice %arg5[%arg0, %add3A_394, %dma_wait3A_1021] : memref<2x5120x128xf32, #tpu.memory_space<hbm>> -> memref<1x80x128xf32, #tpu.memory_space<hbm>>
      %dma_wait3A_1023 = tpu.memref_squeeze %dma_wait3A_1022 : memref<1x80x128xf32, #tpu.memory_space<hbm>> -> memref<80x128xf32, #tpu.memory_space<hbm>>
      %dma_wait3A_1024 = arith.constant 0 : i32
      %dma_wait3A_1025 = tpu.memref_slice %arg5[%arg0, %add3A_394, %dma_wait3A_1024] : memref<2x5120x128xf32, #tpu.memory_space<hbm>> -> memref<1x80x128xf32, #tpu.memory_space<hbm>>
      %dma_wait3A_1026 = tpu.memref_squeeze %dma_wait3A_1025 : memref<1x80x128xf32, #tpu.memory_space<hbm>> -> memref<80x128xf32, #tpu.memory_space<hbm>>
      tpu.wait_dma2 semaphore(%run_scoped3A : memref<!tpu.dma_semaphore, #tpu.memory_space<semaphore_mem>>) src(%arg17 : memref<80x128xf32, #tpu.memory_space<vmem>>) dst(%dma_wait3A_1026 : memref<80x128xf32, #tpu.memory_space<hbm>>)
      tpu.yield
    }) : () -> ()
    %add3A_395 = arith.constant 80 : i32
    %add3A_396 = arith.addi %mul3A_8, %add3A_395 : i32
    %add3A_397 = arith.constant 0 : i32
    %add3A_398 = arith.addi %add3A_396, %add3A_397 : i32
    %add3A_399 = vector.broadcast %add3A_398 : i32 to vector<16xi32>
    %add3A_400 = arith.addi %add3A_399, %iota3A : vector<16xi32>
    %swap3A_401 = arith.constant 0 : index
    %swap3A_402 = tpu.vector_load %arg16[%swap3A_401] {strides = array<i32>} : memref<80xi32, #tpu.memory_space<vmem>>, vector<16xi32>,
    %swap3A_403 = vector.shape_cast %swap3A_402 : vector<16xi32> to vector<16xi32>
    %swap3A_404 = vector.shape_cast %add3A_400 : vector<16xi32> to vector<16xi32>
    tpu.vector_store %arg16[%swap3A_401], %swap3A_404 {strides = array<i32>} : memref<80xi32, #tpu.memory_space<vmem>>, vector<16xi32>,
    %add3A_405 = arith.constant 80 : i32
    %add3A_406 = arith.addi %mul3A_8, %add3A_405 : i32
    %add3A_407 = arith.constant 16 : i32
    %add3A_408 = arith.addi %add3A_406, %add3A_407 : i32
    %add3A_409 = vector.broadcast %add3A_408 : i32 to vector<16xi32>
    %add3A_410 = arith.addi %add3A_409, %iota3A : vector<16xi32>
    %swap3A_411 = arith.constant 16 : index
    %swap3A_412 = tpu.vector_load %arg16[%swap3A_411] {strides = array<i32>} : memref<80xi32, #tpu.memory_space<vmem>>, vector<16xi32>,
    %swap3A_413 = vector.shape_cast %swap3A_412 : vector<16xi32> to vector<16xi32>
    %swap3A_414 = vector.shape_cast %add3A_410 : vector<16xi32> to vector<16xi32>
    tpu.vector_store %arg16[%swap3A_411], %swap3A_414 {strides = array<i32>} : memref<80xi32, #tpu.memory_space<vmem>>, vector<16xi32>,
    %add3A_415 = arith.constant 80 : i32
    %add3A_416 = arith.addi %mul3A_8, %add3A_415 : i32
    %add3A_417 = arith.constant 32 : i32
    %add3A_418 = arith.addi %add3A_416, %add3A_417 : i32
    %add3A_419 = vector.broadcast %add3A_418 : i32 to vector<16xi32>
    %add3A_420 = arith.addi %add3A_419, %iota3A : vector<16xi32>
    %swap3A_421 = arith.constant 32 : index
    %swap3A_422 = tpu.vector_load %arg16[%swap3A_421] {strides = array<i32>} : memref<80xi32, #tpu.memory_space<vmem>>, vector<16xi32>,
    %swap3A_423 = vector.shape_cast %swap3A_422 : vector<16xi32> to vector<16xi32>
    %swap3A_424 = vector.shape_cast %add3A_420 : vector<16xi32> to vector<16xi32>
    tpu.vector_store %arg16[%swap3A_421], %swap3A_424 {strides = array<i32>} : memref<80xi32, #tpu.memory_space<vmem>>, vector<16xi32>,
    %add3A_425 = arith.constant 80 : i32
    %add3A_426 = arith.addi %mul3A_8, %add3A_425 : i32
    %add3A_427 = arith.constant 48 : i32
    %add3A_428 = arith.addi %add3A_426, %add3A_427 : i32
    %add3A_429 = vector.broadcast %add3A_428 : i32 to vector<16xi32>
    %add3A_430 = arith.addi %add3A_429, %iota3A : vector<16xi32>
    %swap3A_431 = arith.constant 48 : index
    %swap3A_432 = tpu.vector_load %arg16[%swap3A_431] {strides = array<i32>} : memref<80xi32, #tpu.memory_space<vmem>>, vector<16xi32>,
    %swap3A_433 = vector.shape_cast %swap3A_432 : vector<16xi32> to vector<16xi32>
    %swap3A_434 = vector.shape_cast %add3A_430 : vector<16xi32> to vector<16xi32>
    tpu.vector_store %arg16[%swap3A_431], %swap3A_434 {strides = array<i32>} : memref<80xi32, #tpu.memory_space<vmem>>, vector<16xi32>,
    %add3A_435 = arith.constant 80 : i32
    %add3A_436 = arith.addi %mul3A_8, %add3A_435 : i32
    %add3A_437 = arith.constant 64 : i32
    %add3A_438 = arith.addi %add3A_436, %add3A_437 : i32
    %add3A_439 = vector.broadcast %add3A_438 : i32 to vector<16xi32>
    %add3A_440 = arith.addi %add3A_439, %iota3A : vector<16xi32>
    %swap3A_441 = arith.constant 64 : index
    %swap3A_442 = tpu.vector_load %arg16[%swap3A_441] {strides = array<i32>} : memref<80xi32, #tpu.memory_space<vmem>>, vector<16xi32>,
    %swap3A_443 = vector.shape_cast %swap3A_442 : vector<16xi32> to vector<16xi32>
    %swap3A_444 = vector.shape_cast %add3A_440 : vector<16xi32> to vector<16xi32>
    tpu.vector_store %arg16[%swap3A_441], %swap3A_444 {strides = array<i32>} : memref<80xi32, #tpu.memory_space<vmem>>, vector<16xi32>,
    %dma_start3A_445 = arith.constant 0 : i32
    %dma_start3A_446 = arith.constant 0 : i32
    %dma_start3A_447 = tpu.memref_slice %arg20[%dma_start3A_445, %dma_start3A_446] : memref<5120x128xf32, #tpu.memory_space<vmem_shared>> -> memref<5120x128xf32, #tpu.memory_space<vmem_shared>>
    tpu.enqueue_indirect_dma source(%dma_start3A_447 : memref<5120x128xf32, #tpu.memory_space<vmem_shared>>) target(%arg17 : memref<80x128xf32, #tpu.memory_space<vmem>>) offsets(%arg16 : memref<80xi32, #tpu.memory_space<vmem>>) semaphore(%arg18 : memref<!tpu.dma_semaphore, #tpu.memory_space<semaphore_mem>>)
    %dma_wait3A_448 = arith.constant 0 : i32
    %dma_wait3A_449 = arith.constant 0 : i32
    %dma_wait3A_450 = tpu.memref_slice %arg20[%dma_wait3A_448, %dma_wait3A_449] : memref<5120x128xf32, #tpu.memory_space<vmem_shared>> -> memref<5120x128xf32, #tpu.memory_space<vmem_shared>>
    tpu.wait_indirect_dma semaphore(%arg18 : memref<!tpu.dma_semaphore, #tpu.memory_space<semaphore_mem>>) src(%dma_wait3A_450 : memref<5120x128xf32, #tpu.memory_space<vmem_shared>>) dst(%arg17 : memref<80x128xf32, #tpu.memory_space<vmem>>)
    %add3A_451 = arith.constant 80 : i32
    %add3A_452 = arith.addi %mul3A_8, %add3A_451 : i32
    "tpu.region"() ({
      %run_scoped3A = tpu.sem_alloc : memref<!tpu.dma_semaphore, #tpu.memory_space<semaphore_mem>>
      %dma_start3A_1015 = arith.constant 0 : i32
      %dma_start3A_1016 = tpu.memref_slice %arg5[%arg0, %add3A_452, %dma_start3A_1015] : memref<2x5120x128xf32, #tpu.memory_space<hbm>> -> memref<1x80x128xf32, #tpu.memory_space<hbm>>
      %dma_start3A_1017 = tpu.memref_squeeze %dma_start3A_1016 : memref<1x80x128xf32, #tpu.memory_space<hbm>> -> memref<80x128xf32, #tpu.memory_space<hbm>>
      %dma_start3A_1018 = arith.constant 0 : i32
      %dma_start3A_1019 = tpu.memref_slice %arg5[%arg0, %add3A_452, %dma_start3A_1018] : memref<2x5120x128xf32, #tpu.memory_space<hbm>> -> memref<1x80x128xf32, #tpu.memory_space<hbm>>
      %dma_start3A_1020 = tpu.memref_squeeze %dma_start3A_1019 : memref<1x80x128xf32, #tpu.memory_space<hbm>> -> memref<80x128xf32, #tpu.memory_space<hbm>>
      tpu.enqueue_dma source(%arg17 : memref<80x128xf32, #tpu.memory_space<vmem>>) target(%dma_start3A_1020 : memref<80x128xf32, #tpu.memory_space<hbm>>) target_semaphore(%run_scoped3A : memref<!tpu.dma_semaphore, #tpu.memory_space<semaphore_mem>>)
      %dma_wait3A_1021 = arith.constant 0 : i32
      %dma_wait3A_1022 = tpu.memref_slice %arg5[%arg0, %add3A_452, %dma_wait3A_1021] : memref<2x5120x128xf32, #tpu.memory_space<hbm>> -> memref<1x80x128xf32, #tpu.memory_space<hbm>>
      %dma_wait3A_1023 = tpu.memref_squeeze %dma_wait3A_1022 : memref<1x80x128xf32, #tpu.memory_space<hbm>> -> memref<80x128xf32, #tpu.memory_space<hbm>>
      %dma_wait3A_1024 = arith.constant 0 : i32
      %dma_wait3A_1025 = tpu.memref_slice %arg5[%arg0, %add3A_452, %dma_wait3A_1024] : memref<2x5120x128xf32, #tpu.memory_space<hbm>> -> memref<1x80x128xf32, #tpu.memory_space<hbm>>
      %dma_wait3A_1026 = tpu.memref_squeeze %dma_wait3A_1025 : memref<1x80x128xf32, #tpu.memory_space<hbm>> -> memref<80x128xf32, #tpu.memory_space<hbm>>
      tpu.wait_dma2 semaphore(%run_scoped3A : memref<!tpu.dma_semaphore, #tpu.memory_space<semaphore_mem>>) src(%arg17 : memref<80x128xf32, #tpu.memory_space<vmem>>) dst(%dma_wait3A_1026 : memref<80x128xf32, #tpu.memory_space<hbm>>)
      tpu.yield
    }) : () -> ()
    %add3A_453 = arith.constant 160 : i32
    %add3A_454 = arith.addi %mul3A_8, %add3A_453 : i32
    %add3A_455 = arith.constant 0 : i32
    %add3A_456 = arith.addi %add3A_454, %add3A_455 : i32
    %add3A_457 = vector.broadcast %add3A_456 : i32 to vector<16xi32>
    %add3A_458 = arith.addi %add3A_457, %iota3A : vector<16xi32>
    %swap3A_459 = arith.constant 0 : index
    %swap3A_460 = tpu.vector_load %arg16[%swap3A_459] {strides = array<i32>} : memref<80xi32, #tpu.memory_space<vmem>>, vector<16xi32>,
    %swap3A_461 = vector.shape_cast %swap3A_460 : vector<16xi32> to vector<16xi32>
    %swap3A_462 = vector.shape_cast %add3A_458 : vector<16xi32> to vector<16xi32>
    tpu.vector_store %arg16[%swap3A_459], %swap3A_462 {strides = array<i32>} : memref<80xi32, #tpu.memory_space<vmem>>, vector<16xi32>,
    %add3A_463 = arith.constant 160 : i32
    %add3A_464 = arith.addi %mul3A_8, %add3A_463 : i32
    %add3A_465 = arith.constant 16 : i32
    %add3A_466 = arith.addi %add3A_464, %add3A_465 : i32
    %add3A_467 = vector.broadcast %add3A_466 : i32 to vector<16xi32>
    %add3A_468 = arith.addi %add3A_467, %iota3A : vector<16xi32>
    %swap3A_469 = arith.constant 16 : index
    %swap3A_470 = tpu.vector_load %arg16[%swap3A_469] {strides = array<i32>} : memref<80xi32, #tpu.memory_space<vmem>>, vector<16xi32>,
    %swap3A_471 = vector.shape_cast %swap3A_470 : vector<16xi32> to vector<16xi32>
    %swap3A_472 = vector.shape_cast %add3A_468 : vector<16xi32> to vector<16xi32>
    tpu.vector_store %arg16[%swap3A_469], %swap3A_472 {strides = array<i32>} : memref<80xi32, #tpu.memory_space<vmem>>, vector<16xi32>,
    %add3A_473 = arith.constant 160 : i32
    %add3A_474 = arith.addi %mul3A_8, %add3A_473 : i32
    %add3A_475 = arith.constant 32 : i32
    %add3A_476 = arith.addi %add3A_474, %add3A_475 : i32
    %add3A_477 = vector.broadcast %add3A_476 : i32 to vector<16xi32>
    %add3A_478 = arith.addi %add3A_477, %iota3A : vector<16xi32>
    %swap3A_479 = arith.constant 32 : index
    %swap3A_480 = tpu.vector_load %arg16[%swap3A_479] {strides = array<i32>} : memref<80xi32, #tpu.memory_space<vmem>>, vector<16xi32>,
    %swap3A_481 = vector.shape_cast %swap3A_480 : vector<16xi32> to vector<16xi32>
    %swap3A_482 = vector.shape_cast %add3A_478 : vector<16xi32> to vector<16xi32>
    tpu.vector_store %arg16[%swap3A_479], %swap3A_482 {strides = array<i32>} : memref<80xi32, #tpu.memory_space<vmem>>, vector<16xi32>,
    %add3A_483 = arith.constant 160 : i32
    %add3A_484 = arith.addi %mul3A_8, %add3A_483 : i32
    %add3A_485 = arith.constant 48 : i32
    %add3A_486 = arith.addi %add3A_484, %add3A_485 : i32
    %add3A_487 = vector.broadcast %add3A_486 : i32 to vector<16xi32>
    %add3A_488 = arith.addi %add3A_487, %iota3A : vector<16xi32>
    %swap3A_489 = arith.constant 48 : index
    %swap3A_490 = tpu.vector_load %arg16[%swap3A_489] {strides = array<i32>} : memref<80xi32, #tpu.memory_space<vmem>>, vector<16xi32>,
    %swap3A_491 = vector.shape_cast %swap3A_490 : vector<16xi32> to vector<16xi32>
    %swap3A_492 = vector.shape_cast %add3A_488 : vector<16xi32> to vector<16xi32>
    tpu.vector_store %arg16[%swap3A_489], %swap3A_492 {strides = array<i32>} : memref<80xi32, #tpu.memory_space<vmem>>, vector<16xi32>,
    %add3A_493 = arith.constant 160 : i32
    %add3A_494 = arith.addi %mul3A_8, %add3A_493 : i32
    %add3A_495 = arith.constant 64 : i32
    %add3A_496 = arith.addi %add3A_494, %add3A_495 : i32
    %add3A_497 = vector.broadcast %add3A_496 : i32 to vector<16xi32>
    %add3A_498 = arith.addi %add3A_497, %iota3A : vector<16xi32>
    %swap3A_499 = arith.constant 64 : index
    %swap3A_500 = tpu.vector_load %arg16[%swap3A_499] {strides = array<i32>} : memref<80xi32, #tpu.memory_space<vmem>>, vector<16xi32>,
    %swap3A_501 = vector.shape_cast %swap3A_500 : vector<16xi32> to vector<16xi32>
    %swap3A_502 = vector.shape_cast %add3A_498 : vector<16xi32> to vector<16xi32>
    tpu.vector_store %arg16[%swap3A_499], %swap3A_502 {strides = array<i32>} : memref<80xi32, #tpu.memory_space<vmem>>, vector<16xi32>,
    %dma_start3A_503 = arith.constant 0 : i32
    %dma_start3A_504 = arith.constant 0 : i32
    %dma_start3A_505 = tpu.memref_slice %arg20[%dma_start3A_503, %dma_start3A_504] : memref<5120x128xf32, #tpu.memory_space<vmem_shared>> -> memref<5120x128xf32, #tpu.memory_space<vmem_shared>>
    tpu.enqueue_indirect_dma source(%dma_start3A_505 : memref<5120x128xf32, #tpu.memory_space<vmem_shared>>) target(%arg17 : memref<80x128xf32, #tpu.memory_space<vmem>>) offsets(%arg16 : memref<80xi32, #tpu.memory_space<vmem>>) semaphore(%arg18 : memref<!tpu.dma_semaphore, #tpu.memory_space<semaphore_mem>>)
    %dma_wait3A_506 = arith.constant 0 : i32
    %dma_wait3A_507 = arith.constant 0 : i32
    %dma_wait3A_508 = tpu.memref_slice %arg20[%dma_wait3A_506, %dma_wait3A_507] : memref<5120x128xf32, #tpu.memory_space<vmem_shared>> -> memref<5120x128xf32, #tpu.memory_space<vmem_shared>>
    tpu.wait_indirect_dma semaphore(%arg18 : memref<!tpu.dma_semaphore, #tpu.memory_space<semaphore_mem>>) src(%dma_wait3A_508 : memref<5120x128xf32, #tpu.memory_space<vmem_shared>>) dst(%arg17 : memref<80x128xf32, #tpu.memory_space<vmem>>)
    %add3A_509 = arith.constant 160 : i32
    %add3A_510 = arith.addi %mul3A_8, %add3A_509 : i32
    "tpu.region"() ({
      %run_scoped3A = tpu.sem_alloc : memref<!tpu.dma_semaphore, #tpu.memory_space<semaphore_mem>>
      %dma_start3A_1015 = arith.constant 0 : i32
      %dma_start3A_1016 = tpu.memref_slice %arg5[%arg0, %add3A_510, %dma_start3A_1015] : memref<2x5120x128xf32, #tpu.memory_space<hbm>> -> memref<1x80x128xf32, #tpu.memory_space<hbm>>
      %dma_start3A_1017 = tpu.memref_squeeze %dma_start3A_1016 : memref<1x80x128xf32, #tpu.memory_space<hbm>> -> memref<80x128xf32, #tpu.memory_space<hbm>>
      %dma_start3A_1018 = arith.constant 0 : i32
      %dma_start3A_1019 = tpu.memref_slice %arg5[%arg0, %add3A_510, %dma_start3A_1018] : memref<2x5120x128xf32, #tpu.memory_space<hbm>> -> memref<1x80x128xf32, #tpu.memory_space<hbm>>
      %dma_start3A_1020 = tpu.memref_squeeze %dma_start3A_1019 : memref<1x80x128xf32, #tpu.memory_space<hbm>> -> memref<80x128xf32, #tpu.memory_space<hbm>>
      tpu.enqueue_dma source(%arg17 : memref<80x128xf32, #tpu.memory_space<vmem>>) target(%dma_start3A_1020 : memref<80x128xf32, #tpu.memory_space<hbm>>) target_semaphore(%run_scoped3A : memref<!tpu.dma_semaphore, #tpu.memory_space<semaphore_mem>>)
      %dma_wait3A_1021 = arith.constant 0 : i32
      %dma_wait3A_1022 = tpu.memref_slice %arg5[%arg0, %add3A_510, %dma_wait3A_1021] : memref<2x5120x128xf32, #tpu.memory_space<hbm>> -> memref<1x80x128xf32, #tpu.memory_space<hbm>>
      %dma_wait3A_1023 = tpu.memref_squeeze %dma_wait3A_1022 : memref<1x80x128xf32, #tpu.memory_space<hbm>> -> memref<80x128xf32, #tpu.memory_space<hbm>>
      %dma_wait3A_1024 = arith.constant 0 : i32
      %dma_wait3A_1025 = tpu.memref_slice %arg5[%arg0, %add3A_510, %dma_wait3A_1024] : memref<2x5120x128xf32, #tpu.memory_space<hbm>> -> memref<1x80x128xf32, #tpu.memory_space<hbm>>
      %dma_wait3A_1026 = tpu.memref_squeeze %dma_wait3A_1025 : memref<1x80x128xf32, #tpu.memory_space<hbm>> -> memref<80x128xf32, #tpu.memory_space<hbm>>
      tpu.wait_dma2 semaphore(%run_scoped3A : memref<!tpu.dma_semaphore, #tpu.memory_space<semaphore_mem>>) src(%arg17 : memref<80x128xf32, #tpu.memory_space<vmem>>) dst(%dma_wait3A_1026 : memref<80x128xf32, #tpu.memory_space<hbm>>)
      tpu.yield
    }) : () -> ()
    %add3A_511 = arith.constant 240 : i32
    %add3A_512 = arith.addi %mul3A_8, %add3A_511 : i32
    %add3A_513 = arith.constant 0 : i32
    %add3A_514 = arith.addi %add3A_512, %add3A_513 : i32
    %add3A_515 = vector.broadcast %add3A_514 : i32 to vector<16xi32>
    %add3A_516 = arith.addi %add3A_515, %iota3A : vector<16xi32>
    %swap3A_517 = arith.constant 0 : index
    %swap3A_518 = tpu.vector_load %arg16[%swap3A_517] {strides = array<i32>} : memref<80xi32, #tpu.memory_space<vmem>>, vector<16xi32>,
    %swap3A_519 = vector.shape_cast %swap3A_518 : vector<16xi32> to vector<16xi32>
    %swap3A_520 = vector.shape_cast %add3A_516 : vector<16xi32> to vector<16xi32>
    tpu.vector_store %arg16[%swap3A_517], %swap3A_520 {strides = array<i32>} : memref<80xi32, #tpu.memory_space<vmem>>, vector<16xi32>,
    %add3A_521 = arith.constant 240 : i32
    %add3A_522 = arith.addi %mul3A_8, %add3A_521 : i32
    %add3A_523 = arith.constant 16 : i32
    %add3A_524 = arith.addi %add3A_522, %add3A_523 : i32
    %add3A_525 = vector.broadcast %add3A_524 : i32 to vector<16xi32>
    %add3A_526 = arith.addi %add3A_525, %iota3A : vector<16xi32>
    %swap3A_527 = arith.constant 16 : index
    %swap3A_528 = tpu.vector_load %arg16[%swap3A_527] {strides = array<i32>} : memref<80xi32, #tpu.memory_space<vmem>>, vector<16xi32>,
    %swap3A_529 = vector.shape_cast %swap3A_528 : vector<16xi32> to vector<16xi32>
    %swap3A_530 = vector.shape_cast %add3A_526 : vector<16xi32> to vector<16xi32>
    tpu.vector_store %arg16[%swap3A_527], %swap3A_530 {strides = array<i32>} : memref<80xi32, #tpu.memory_space<vmem>>, vector<16xi32>,
    %add3A_531 = arith.constant 240 : i32
    %add3A_532 = arith.addi %mul3A_8, %add3A_531 : i32
    %add3A_533 = arith.constant 32 : i32
    %add3A_534 = arith.addi %add3A_532, %add3A_533 : i32
    %add3A_535 = vector.broadcast %add3A_534 : i32 to vector<16xi32>
    %add3A_536 = arith.addi %add3A_535, %iota3A : vector<16xi32>
    %swap3A_537 = arith.constant 32 : index
    %swap3A_538 = tpu.vector_load %arg16[%swap3A_537] {strides = array<i32>} : memref<80xi32, #tpu.memory_space<vmem>>, vector<16xi32>,
    %swap3A_539 = vector.shape_cast %swap3A_538 : vector<16xi32> to vector<16xi32>
    %swap3A_540 = vector.shape_cast %add3A_536 : vector<16xi32> to vector<16xi32>
    tpu.vector_store %arg16[%swap3A_537], %swap3A_540 {strides = array<i32>} : memref<80xi32, #tpu.memory_space<vmem>>, vector<16xi32>,
    %add3A_541 = arith.constant 240 : i32
    %add3A_542 = arith.addi %mul3A_8, %add3A_541 : i32
    %add3A_543 = arith.constant 48 : i32
    %add3A_544 = arith.addi %add3A_542, %add3A_543 : i32
    %add3A_545 = vector.broadcast %add3A_544 : i32 to vector<16xi32>
    %add3A_546 = arith.addi %add3A_545, %iota3A : vector<16xi32>
    %swap3A_547 = arith.constant 48 : index
    %swap3A_548 = tpu.vector_load %arg16[%swap3A_547] {strides = array<i32>} : memref<80xi32, #tpu.memory_space<vmem>>, vector<16xi32>,
    %swap3A_549 = vector.shape_cast %swap3A_548 : vector<16xi32> to vector<16xi32>
    %swap3A_550 = vector.shape_cast %add3A_546 : vector<16xi32> to vector<16xi32>
    tpu.vector_store %arg16[%swap3A_547], %swap3A_550 {strides = array<i32>} : memref<80xi32, #tpu.memory_space<vmem>>, vector<16xi32>,
    %add3A_551 = arith.constant 240 : i32
    %add3A_552 = arith.addi %mul3A_8, %add3A_551 : i32
    %add3A_553 = arith.constant 64 : i32
    %add3A_554 = arith.addi %add3A_552, %add3A_553 : i32
    %add3A_555 = vector.broadcast %add3A_554 : i32 to vector<16xi32>
    %add3A_556 = arith.addi %add3A_555, %iota3A : vector<16xi32>
    %swap3A_557 = arith.constant 64 : index
    %swap3A_558 = tpu.vector_load %arg16[%swap3A_557] {strides = array<i32>} : memref<80xi32, #tpu.memory_space<vmem>>, vector<16xi32>,
    %swap3A_559 = vector.shape_cast %swap3A_558 : vector<16xi32> to vector<16xi32>
    %swap3A_560 = vector.shape_cast %add3A_556 : vector<16xi32> to vector<16xi32>
    tpu.vector_store %arg16[%swap3A_557], %swap3A_560 {strides = array<i32>} : memref<80xi32, #tpu.memory_space<vmem>>, vector<16xi32>,
    %dma_start3A_561 = arith.constant 0 : i32
    %dma_start3A_562 = arith.constant 0 : i32
    %dma_start3A_563 = tpu.memref_slice %arg20[%dma_start3A_561, %dma_start3A_562] : memref<5120x128xf32, #tpu.memory_space<vmem_shared>> -> memref<5120x128xf32, #tpu.memory_space<vmem_shared>>
    tpu.enqueue_indirect_dma source(%dma_start3A_563 : memref<5120x128xf32, #tpu.memory_space<vmem_shared>>) target(%arg17 : memref<80x128xf32, #tpu.memory_space<vmem>>) offsets(%arg16 : memref<80xi32, #tpu.memory_space<vmem>>) semaphore(%arg18 : memref<!tpu.dma_semaphore, #tpu.memory_space<semaphore_mem>>)
    %dma_wait3A_564 = arith.constant 0 : i32
    %dma_wait3A_565 = arith.constant 0 : i32
    %dma_wait3A_566 = tpu.memref_slice %arg20[%dma_wait3A_564, %dma_wait3A_565] : memref<5120x128xf32, #tpu.memory_space<vmem_shared>> -> memref<5120x128xf32, #tpu.memory_space<vmem_shared>>
    tpu.wait_indirect_dma semaphore(%arg18 : memref<!tpu.dma_semaphore, #tpu.memory_space<semaphore_mem>>) src(%dma_wait3A_566 : memref<5120x128xf32, #tpu.memory_space<vmem_shared>>) dst(%arg17 : memref<80x128xf32, #tpu.memory_space<vmem>>)
    %add3A_567 = arith.constant 240 : i32
    %add3A_568 = arith.addi %mul3A_8, %add3A_567 : i32
    "tpu.region"() ({
      %run_scoped3A = tpu.sem_alloc : memref<!tpu.dma_semaphore, #tpu.memory_space<semaphore_mem>>
      %dma_start3A_1015 = arith.constant 0 : i32
      %dma_start3A_1016 = tpu.memref_slice %arg5[%arg0, %add3A_568, %dma_start3A_1015] : memref<2x5120x128xf32, #tpu.memory_space<hbm>> -> memref<1x80x128xf32, #tpu.memory_space<hbm>>
      %dma_start3A_1017 = tpu.memref_squeeze %dma_start3A_1016 : memref<1x80x128xf32, #tpu.memory_space<hbm>> -> memref<80x128xf32, #tpu.memory_space<hbm>>
      %dma_start3A_1018 = arith.constant 0 : i32
      %dma_start3A_1019 = tpu.memref_slice %arg5[%arg0, %add3A_568, %dma_start3A_1018] : memref<2x5120x128xf32, #tpu.memory_space<hbm>> -> memref<1x80x128xf32, #tpu.memory_space<hbm>>
      %dma_start3A_1020 = tpu.memref_squeeze %dma_start3A_1019 : memref<1x80x128xf32, #tpu.memory_space<hbm>> -> memref<80x128xf32, #tpu.memory_space<hbm>>
      tpu.enqueue_dma source(%arg17 : memref<80x128xf32, #tpu.memory_space<vmem>>) target(%dma_start3A_1020 : memref<80x128xf32, #tpu.memory_space<hbm>>) target_semaphore(%run_scoped3A : memref<!tpu.dma_semaphore, #tpu.memory_space<semaphore_mem>>)
      %dma_wait3A_1021 = arith.constant 0 : i32
      %dma_wait3A_1022 = tpu.memref_slice %arg5[%arg0, %add3A_568, %dma_wait3A_1021] : memref<2x5120x128xf32, #tpu.memory_space<hbm>> -> memref<1x80x128xf32, #tpu.memory_space<hbm>>
      %dma_wait3A_1023 = tpu.memref_squeeze %dma_wait3A_1022 : memref<1x80x128xf32, #tpu.memory_space<hbm>> -> memref<80x128xf32, #tpu.memory_space<hbm>>
      %dma_wait3A_1024 = arith.constant 0 : i32
      %dma_wait3A_1025 = tpu.memref_slice %arg5[%arg0, %add3A_568, %dma_wait3A_1024] : memref<2x5120x128xf32, #tpu.memory_space<hbm>> -> memref<1x80x128xf32, #tpu.memory_space<hbm>>
      %dma_wait3A_1026 = tpu.memref_squeeze %dma_wait3A_1025 : memref<1x80x128xf32, #tpu.memory_space<hbm>> -> memref<80x128xf32, #tpu.memory_space<hbm>>
      tpu.wait_dma2 semaphore(%run_scoped3A : memref<!tpu.dma_semaphore, #tpu.memory_space<semaphore_mem>>) src(%arg17 : memref<80x128xf32, #tpu.memory_space<vmem>>) dst(%dma_wait3A_1026 : memref<80x128xf32, #tpu.memory_space<hbm>>)
      tpu.yield
    }) : () -> ()
    %scan3A_569 = arith.constant 0 : i32
    %scan3A_570 = arith.constant 0 : i32
    %scan3A_571 = arith.constant 80 : i32
    %scan3A_572 = arith.addi %scan3A_570, %scan3A_571 : i32
    %scan3A_573 = arith.constant 1 : i32
    scf.for %scan3A_1015 = %scan3A_570 to %scan3A_572 step %scan3A_573  : i32 {
      %swap3A_1016 = arith.index_cast %scan3A_1015 : i32 to index
      %swap3A_1017 = arith.constant 0 : index
      %swap3A_1018 = tpu.vector_load %arg17[%swap3A_1016, %swap3A_1017] {strides = array<i32>} : memref<80x128xf32, #tpu.memory_space<vmem>>, vector<1x16xf32>,
      %swap3A_1019 = vector.shape_cast %swap3A_1018 : vector<1x16xf32> to vector<16xf32>
      %swap3A_1020 = vector.shape_cast %broadcast_in_dim3A_0 : vector<16xf32> to vector<1x16xf32>
      tpu.vector_store %arg17[%swap3A_1016, %swap3A_1017], %swap3A_1020 {strides = array<i32>} : memref<80x128xf32, #tpu.memory_space<vmem>>, vector<1x16xf32>,
      %swap3A_1021 = arith.index_cast %scan3A_1015 : i32 to index
      %swap3A_1022 = arith.constant 16 : index
      %swap3A_1023 = tpu.vector_load %arg17[%swap3A_1021, %swap3A_1022] {strides = array<i32>} : memref<80x128xf32, #tpu.memory_space<vmem>>, vector<1x16xf32>,
      %swap3A_1024 = vector.shape_cast %swap3A_1023 : vector<1x16xf32> to vector<16xf32>
      %swap3A_1025 = vector.shape_cast %broadcast_in_dim3A_0 : vector<16xf32> to vector<1x16xf32>
      tpu.vector_store %arg17[%swap3A_1021, %swap3A_1022], %swap3A_1025 {strides = array<i32>} : memref<80x128xf32, #tpu.memory_space<vmem>>, vector<1x16xf32>,
      %swap3A_1026 = arith.index_cast %scan3A_1015 : i32 to index
      %swap3A_1027 = arith.constant 32 : index
      %swap3A_1028 = tpu.vector_load %arg17[%swap3A_1026, %swap3A_1027] {strides = array<i32>} : memref<80x128xf32, #tpu.memory_space<vmem>>, vector<1x16xf32>,
      %swap3A_1029 = vector.shape_cast %swap3A_1028 : vector<1x16xf32> to vector<16xf32>
      %swap3A_1030 = vector.shape_cast %broadcast_in_dim3A_0 : vector<16xf32> to vector<1x16xf32>
      tpu.vector_store %arg17[%swap3A_1026, %swap3A_1027], %swap3A_1030 {strides = array<i32>} : memref<80x128xf32, #tpu.memory_space<vmem>>, vector<1x16xf32>,
      %swap3A_1031 = arith.index_cast %scan3A_1015 : i32 to index
      %swap3A_1032 = arith.constant 48 : index
      %swap3A_1033 = tpu.vector_load %arg17[%swap3A_1031, %swap3A_1032] {strides = array<i32>} : memref<80x128xf32, #tpu.memory_space<vmem>>, vector<1x16xf32>,
      %swap3A_1034 = vector.shape_cast %swap3A_1033 : vector<1x16xf32> to vector<16xf32>
      %swap3A_1035 = vector.shape_cast %broadcast_in_dim3A_0 : vector<16xf32> to vector<1x16xf32>
      tpu.vector_store %arg17[%swap3A_1031, %swap3A_1032], %swap3A_1035 {strides = array<i32>} : memref<80x128xf32, #tpu.memory_space<vmem>>, vector<1x16xf32>,
      %swap3A_1036 = arith.index_cast %scan3A_1015 : i32 to index
      %swap3A_1037 = arith.constant 64 : index
      %swap3A_1038 = tpu.vector_load %arg17[%swap3A_1036, %swap3A_1037] {strides = array<i32>} : memref<80x128xf32, #tpu.memory_space<vmem>>, vector<1x16xf32>,
      %swap3A_1039 = vector.shape_cast %swap3A_1038 : vector<1x16xf32> to vector<16xf32>
      %swap3A_1040 = vector.shape_cast %broadcast_in_dim3A_0 : vector<16xf32> to vector<1x16xf32>
      tpu.vector_store %arg17[%swap3A_1036, %swap3A_1037], %swap3A_1040 {strides = array<i32>} : memref<80x128xf32, #tpu.memory_space<vmem>>, vector<1x16xf32>,
      %swap3A_1041 = arith.index_cast %scan3A_1015 : i32 to index
      %swap3A_1042 = arith.constant 80 : index
      %swap3A_1043 = tpu.vector_load %arg17[%swap3A_1041, %swap3A_1042] {strides = array<i32>} : memref<80x128xf32, #tpu.memory_space<vmem>>, vector<1x16xf32>,
      %swap3A_1044 = vector.shape_cast %swap3A_1043 : vector<1x16xf32> to vector<16xf32>
      %swap3A_1045 = vector.shape_cast %broadcast_in_dim3A_0 : vector<16xf32> to vector<1x16xf32>
      tpu.vector_store %arg17[%swap3A_1041, %swap3A_1042], %swap3A_1045 {strides = array<i32>} : memref<80x128xf32, #tpu.memory_space<vmem>>, vector<1x16xf32>,
      %swap3A_1046 = arith.index_cast %scan3A_1015 : i32 to index
      %swap3A_1047 = arith.constant 96 : index
      %swap3A_1048 = tpu.vector_load %arg17[%swap3A_1046, %swap3A_1047] {strides = array<i32>} : memref<80x128xf32, #tpu.memory_space<vmem>>, vector<1x16xf32>,
      %swap3A_1049 = vector.shape_cast %swap3A_1048 : vector<1x16xf32> to vector<16xf32>
      %swap3A_1050 = vector.shape_cast %broadcast_in_dim3A_0 : vector<16xf32> to vector<1x16xf32>
      tpu.vector_store %arg17[%swap3A_1046, %swap3A_1047], %swap3A_1050 {strides = array<i32>} : memref<80x128xf32, #tpu.memory_space<vmem>>, vector<1x16xf32>,
      %swap3A_1051 = arith.index_cast %scan3A_1015 : i32 to index
      %swap3A_1052 = arith.constant 112 : index
      %swap3A_1053 = tpu.vector_load %arg17[%swap3A_1051, %swap3A_1052] {strides = array<i32>} : memref<80x128xf32, #tpu.memory_space<vmem>>, vector<1x16xf32>,
      %swap3A_1054 = vector.shape_cast %swap3A_1053 : vector<1x16xf32> to vector<16xf32>
      %swap3A_1055 = vector.shape_cast %broadcast_in_dim3A_0 : vector<16xf32> to vector<1x16xf32>
      tpu.vector_store %arg17[%swap3A_1051, %swap3A_1052], %swap3A_1055 {strides = array<i32>} : memref<80x128xf32, #tpu.memory_space<vmem>>, vector<1x16xf32>,
    }
    %scan3A_574 = arith.constant 80 : i32
    %add3A_575 = arith.constant 0 : i32
    %add3A_576 = arith.addi %mul3A_8, %add3A_575 : i32
    %add3A_577 = arith.constant 0 : i32
    %add3A_578 = arith.addi %add3A_576, %add3A_577 : i32
    %add3A_579 = vector.broadcast %add3A_578 : i32 to vector<16xi32>
    %add3A_580 = arith.addi %add3A_579, %iota3A : vector<16xi32>
    %swap3A_581 = arith.constant 0 : index
    %swap3A_582 = tpu.vector_load %arg16[%swap3A_581] {strides = array<i32>} : memref<80xi32, #tpu.memory_space<vmem>>, vector<16xi32>,
    %swap3A_583 = vector.shape_cast %swap3A_582 : vector<16xi32> to vector<16xi32>
    %swap3A_584 = vector.shape_cast %add3A_580 : vector<16xi32> to vector<16xi32>
    tpu.vector_store %arg16[%swap3A_581], %swap3A_584 {strides = array<i32>} : memref<80xi32, #tpu.memory_space<vmem>>, vector<16xi32>,
    %add3A_585 = arith.constant 0 : i32
    %add3A_586 = arith.addi %mul3A_8, %add3A_585 : i32
    %add3A_587 = arith.constant 16 : i32
    %add3A_588 = arith.addi %add3A_586, %add3A_587 : i32
    %add3A_589 = vector.broadcast %add3A_588 : i32 to vector<16xi32>
    %add3A_590 = arith.addi %add3A_589, %iota3A : vector<16xi32>
    %swap3A_591 = arith.constant 16 : index
    %swap3A_592 = tpu.vector_load %arg16[%swap3A_591] {strides = array<i32>} : memref<80xi32, #tpu.memory_space<vmem>>, vector<16xi32>,
    %swap3A_593 = vector.shape_cast %swap3A_592 : vector<16xi32> to vector<16xi32>
    %swap3A_594 = vector.shape_cast %add3A_590 : vector<16xi32> to vector<16xi32>
    tpu.vector_store %arg16[%swap3A_591], %swap3A_594 {strides = array<i32>} : memref<80xi32, #tpu.memory_space<vmem>>, vector<16xi32>,
    %add3A_595 = arith.constant 0 : i32
    %add3A_596 = arith.addi %mul3A_8, %add3A_595 : i32
    %add3A_597 = arith.constant 32 : i32
    %add3A_598 = arith.addi %add3A_596, %add3A_597 : i32
    %add3A_599 = vector.broadcast %add3A_598 : i32 to vector<16xi32>
    %add3A_600 = arith.addi %add3A_599, %iota3A : vector<16xi32>
    %swap3A_601 = arith.constant 32 : index
    %swap3A_602 = tpu.vector_load %arg16[%swap3A_601] {strides = array<i32>} : memref<80xi32, #tpu.memory_space<vmem>>, vector<16xi32>,
    %swap3A_603 = vector.shape_cast %swap3A_602 : vector<16xi32> to vector<16xi32>
    %swap3A_604 = vector.shape_cast %add3A_600 : vector<16xi32> to vector<16xi32>
    tpu.vector_store %arg16[%swap3A_601], %swap3A_604 {strides = array<i32>} : memref<80xi32, #tpu.memory_space<vmem>>, vector<16xi32>,
    %add3A_605 = arith.constant 0 : i32
    %add3A_606 = arith.addi %mul3A_8, %add3A_605 : i32
    %add3A_607 = arith.constant 48 : i32
    %add3A_608 = arith.addi %add3A_606, %add3A_607 : i32
    %add3A_609 = vector.broadcast %add3A_608 : i32 to vector<16xi32>
    %add3A_610 = arith.addi %add3A_609, %iota3A : vector<16xi32>
    %swap3A_611 = arith.constant 48 : index
    %swap3A_612 = tpu.vector_load %arg16[%swap3A_611] {strides = array<i32>} : memref<80xi32, #tpu.memory_space<vmem>>, vector<16xi32>,
    %swap3A_613 = vector.shape_cast %swap3A_612 : vector<16xi32> to vector<16xi32>
    %swap3A_614 = vector.shape_cast %add3A_610 : vector<16xi32> to vector<16xi32>
    tpu.vector_store %arg16[%swap3A_611], %swap3A_614 {strides = array<i32>} : memref<80xi32, #tpu.memory_space<vmem>>, vector<16xi32>,
    %add3A_615 = arith.constant 0 : i32
    %add3A_616 = arith.addi %mul3A_8, %add3A_615 : i32
    %add3A_617 = arith.constant 64 : i32
    %add3A_618 = arith.addi %add3A_616, %add3A_617 : i32
    %add3A_619 = vector.broadcast %add3A_618 : i32 to vector<16xi32>
    %add3A_620 = arith.addi %add3A_619, %iota3A : vector<16xi32>
    %swap3A_621 = arith.constant 64 : index
    %swap3A_622 = tpu.vector_load %arg16[%swap3A_621] {strides = array<i32>} : memref<80xi32, #tpu.memory_space<vmem>>, vector<16xi32>,
    %swap3A_623 = vector.shape_cast %swap3A_622 : vector<16xi32> to vector<16xi32>
    %swap3A_624 = vector.shape_cast %add3A_620 : vector<16xi32> to vector<16xi32>
    tpu.vector_store %arg16[%swap3A_621], %swap3A_624 {strides = array<i32>} : memref<80xi32, #tpu.memory_space<vmem>>, vector<16xi32>,
    "tpu.region"() ({
      %run_scoped3A = tpu.sem_alloc : memref<!tpu.dma_semaphore, #tpu.memory_space<semaphore_mem>>
      %dma_start3A_1015 = arith.constant 0 : i32
      %dma_start3A_1016 = arith.constant 0 : i32
      %dma_start3A_1017 = tpu.memref_slice %arg20[%dma_start3A_1015, %dma_start3A_1016] : memref<5120x128xf32, #tpu.memory_space<vmem_shared>> -> memref<5120x128xf32, #tpu.memory_space<vmem_shared>>
      tpu.enqueue_indirect_dma source(%arg17 : memref<80x128xf32, #tpu.memory_space<vmem>>) target(%dma_start3A_1017 : memref<5120x128xf32, #tpu.memory_space<vmem_shared>>) offsets(%arg16 : memref<80xi32, #tpu.memory_space<vmem>>) semaphore(%run_scoped3A : memref<!tpu.dma_semaphore, #tpu.memory_space<semaphore_mem>>)
      %dma_wait3A_1018 = arith.constant 0 : i32
      %dma_wait3A_1019 = arith.constant 0 : i32
      %dma_wait3A_1020 = tpu.memref_slice %arg20[%dma_wait3A_1018, %dma_wait3A_1019] : memref<5120x128xf32, #tpu.memory_space<vmem_shared>> -> memref<5120x128xf32, #tpu.memory_space<vmem_shared>>
      tpu.wait_indirect_dma semaphore(%run_scoped3A : memref<!tpu.dma_semaphore, #tpu.memory_space<semaphore_mem>>) src(%arg17 : memref<80x128xf32, #tpu.memory_space<vmem>>) dst(%dma_wait3A_1020 : memref<5120x128xf32, #tpu.memory_space<vmem_shared>>)
      tpu.yield
    }) : () -> ()
    %add3A_625 = arith.constant 80 : i32
    %add3A_626 = arith.addi %mul3A_8, %add3A_625 : i32
    %add3A_627 = arith.constant 0 : i32
    %add3A_628 = arith.addi %add3A_626, %add3A_627 : i32
    %add3A_629 = vector.broadcast %add3A_628 : i32 to vector<16xi32>
    %add3A_630 = arith.addi %add3A_629, %iota3A : vector<16xi32>
    %swap3A_631 = arith.constant 0 : index
    %swap3A_632 = tpu.vector_load %arg16[%swap3A_631] {strides = array<i32>} : memref<80xi32, #tpu.memory_space<vmem>>, vector<16xi32>,
    %swap3A_633 = vector.shape_cast %swap3A_632 : vector<16xi32> to vector<16xi32>
    %swap3A_634 = vector.shape_cast %add3A_630 : vector<16xi32> to vector<16xi32>
    tpu.vector_store %arg16[%swap3A_631], %swap3A_634 {strides = array<i32>} : memref<80xi32, #tpu.memory_space<vmem>>, vector<16xi32>,
    %add3A_635 = arith.constant 80 : i32
    %add3A_636 = arith.addi %mul3A_8, %add3A_635 : i32
    %add3A_637 = arith.constant 16 : i32
    %add3A_638 = arith.addi %add3A_636, %add3A_637 : i32
    %add3A_639 = vector.broadcast %add3A_638 : i32 to vector<16xi32>
    %add3A_640 = arith.addi %add3A_639, %iota3A : vector<16xi32>
    %swap3A_641 = arith.constant 16 : index
    %swap3A_642 = tpu.vector_load %arg16[%swap3A_641] {strides = array<i32>} : memref<80xi32, #tpu.memory_space<vmem>>, vector<16xi32>,
    %swap3A_643 = vector.shape_cast %swap3A_642 : vector<16xi32> to vector<16xi32>
    %swap3A_644 = vector.shape_cast %add3A_640 : vector<16xi32> to vector<16xi32>
    tpu.vector_store %arg16[%swap3A_641], %swap3A_644 {strides = array<i32>} : memref<80xi32, #tpu.memory_space<vmem>>, vector<16xi32>,
    %add3A_645 = arith.constant 80 : i32
    %add3A_646 = arith.addi %mul3A_8, %add3A_645 : i32
    %add3A_647 = arith.constant 32 : i32
    %add3A_648 = arith.addi %add3A_646, %add3A_647 : i32
    %add3A_649 = vector.broadcast %add3A_648 : i32 to vector<16xi32>
    %add3A_650 = arith.addi %add3A_649, %iota3A : vector<16xi32>
    %swap3A_651 = arith.constant 32 : index
    %swap3A_652 = tpu.vector_load %arg16[%swap3A_651] {strides = array<i32>} : memref<80xi32, #tpu.memory_space<vmem>>, vector<16xi32>,
    %swap3A_653 = vector.shape_cast %swap3A_652 : vector<16xi32> to vector<16xi32>
    %swap3A_654 = vector.shape_cast %add3A_650 : vector<16xi32> to vector<16xi32>
    tpu.vector_store %arg16[%swap3A_651], %swap3A_654 {strides = array<i32>} : memref<80xi32, #tpu.memory_space<vmem>>, vector<16xi32>,
    %add3A_655 = arith.constant 80 : i32
    %add3A_656 = arith.addi %mul3A_8, %add3A_655 : i32
    %add3A_657 = arith.constant 48 : i32
    %add3A_658 = arith.addi %add3A_656, %add3A_657 : i32
    %add3A_659 = vector.broadcast %add3A_658 : i32 to vector<16xi32>
    %add3A_660 = arith.addi %add3A_659, %iota3A : vector<16xi32>
    %swap3A_661 = arith.constant 48 : index
    %swap3A_662 = tpu.vector_load %arg16[%swap3A_661] {strides = array<i32>} : memref<80xi32, #tpu.memory_space<vmem>>, vector<16xi32>,
    %swap3A_663 = vector.shape_cast %swap3A_662 : vector<16xi32> to vector<16xi32>
    %swap3A_664 = vector.shape_cast %add3A_660 : vector<16xi32> to vector<16xi32>
    tpu.vector_store %arg16[%swap3A_661], %swap3A_664 {strides = array<i32>} : memref<80xi32, #tpu.memory_space<vmem>>, vector<16xi32>,
    %add3A_665 = arith.constant 80 : i32
    %add3A_666 = arith.addi %mul3A_8, %add3A_665 : i32
    %add3A_667 = arith.constant 64 : i32
    %add3A_668 = arith.addi %add3A_666, %add3A_667 : i32
    %add3A_669 = vector.broadcast %add3A_668 : i32 to vector<16xi32>
    %add3A_670 = arith.addi %add3A_669, %iota3A : vector<16xi32>
    %swap3A_671 = arith.constant 64 : index
    %swap3A_672 = tpu.vector_load %arg16[%swap3A_671] {strides = array<i32>} : memref<80xi32, #tpu.memory_space<vmem>>, vector<16xi32>,
    %swap3A_673 = vector.shape_cast %swap3A_672 : vector<16xi32> to vector<16xi32>
    %swap3A_674 = vector.shape_cast %add3A_670 : vector<16xi32> to vector<16xi32>
    tpu.vector_store %arg16[%swap3A_671], %swap3A_674 {strides = array<i32>} : memref<80xi32, #tpu.memory_space<vmem>>, vector<16xi32>,
    "tpu.region"() ({
      %run_scoped3A = tpu.sem_alloc : memref<!tpu.dma_semaphore, #tpu.memory_space<semaphore_mem>>
      %dma_start3A_1015 = arith.constant 0 : i32
      %dma_start3A_1016 = arith.constant 0 : i32
      %dma_start3A_1017 = tpu.memref_slice %arg20[%dma_start3A_1015, %dma_start3A_1016] : memref<5120x128xf32, #tpu.memory_space<vmem_shared>> -> memref<5120x128xf32, #tpu.memory_space<vmem_shared>>
      tpu.enqueue_indirect_dma source(%arg17 : memref<80x128xf32, #tpu.memory_space<vmem>>) target(%dma_start3A_1017 : memref<5120x128xf32, #tpu.memory_space<vmem_shared>>) offsets(%arg16 : memref<80xi32, #tpu.memory_space<vmem>>) semaphore(%run_scoped3A : memref<!tpu.dma_semaphore, #tpu.memory_space<semaphore_mem>>)
      %dma_wait3A_1018 = arith.constant 0 : i32
      %dma_wait3A_1019 = arith.constant 0 : i32
      %dma_wait3A_1020 = tpu.memref_slice %arg20[%dma_wait3A_1018, %dma_wait3A_1019] : memref<5120x128xf32, #tpu.memory_space<vmem_shared>> -> memref<5120x128xf32, #tpu.memory_space<vmem_shared>>
      tpu.wait_indirect_dma semaphore(%run_scoped3A : memref<!tpu.dma_semaphore, #tpu.memory_space<semaphore_mem>>) src(%arg17 : memref<80x128xf32, #tpu.memory_space<vmem>>) dst(%dma_wait3A_1020 : memref<5120x128xf32, #tpu.memory_space<vmem_shared>>)
      tpu.yield
    }) : () -> ()
    %add3A_675 = arith.constant 160 : i32
    %add3A_676 = arith.addi %mul3A_8, %add3A_675 : i32
    %add3A_677 = arith.constant 0 : i32
    %add3A_678 = arith.addi %add3A_676, %add3A_677 : i32
    %add3A_679 = vector.broadcast %add3A_678 : i32 to vector<16xi32>
    %add3A_680 = arith.addi %add3A_679, %iota3A : vector<16xi32>
    %swap3A_681 = arith.constant 0 : index
    %swap3A_682 = tpu.vector_load %arg16[%swap3A_681] {strides = array<i32>} : memref<80xi32, #tpu.memory_space<vmem>>, vector<16xi32>,
    %swap3A_683 = vector.shape_cast %swap3A_682 : vector<16xi32> to vector<16xi32>
    %swap3A_684 = vector.shape_cast %add3A_680 : vector<16xi32> to vector<16xi32>
    tpu.vector_store %arg16[%swap3A_681], %swap3A_684 {strides = array<i32>} : memref<80xi32, #tpu.memory_space<vmem>>, vector<16xi32>,
    %add3A_685 = arith.constant 160 : i32
    %add3A_686 = arith.addi %mul3A_8, %add3A_685 : i32
    %add3A_687 = arith.constant 16 : i32
    %add3A_688 = arith.addi %add3A_686, %add3A_687 : i32
    %add3A_689 = vector.broadcast %add3A_688 : i32 to vector<16xi32>
    %add3A_690 = arith.addi %add3A_689, %iota3A : vector<16xi32>
    %swap3A_691 = arith.constant 16 : index
    %swap3A_692 = tpu.vector_load %arg16[%swap3A_691] {strides = array<i32>} : memref<80xi32, #tpu.memory_space<vmem>>, vector<16xi32>,
    %swap3A_693 = vector.shape_cast %swap3A_692 : vector<16xi32> to vector<16xi32>
    %swap3A_694 = vector.shape_cast %add3A_690 : vector<16xi32> to vector<16xi32>
    tpu.vector_store %arg16[%swap3A_691], %swap3A_694 {strides = array<i32>} : memref<80xi32, #tpu.memory_space<vmem>>, vector<16xi32>,
    %add3A_695 = arith.constant 160 : i32
    %add3A_696 = arith.addi %mul3A_8, %add3A_695 : i32
    %add3A_697 = arith.constant 32 : i32
    %add3A_698 = arith.addi %add3A_696, %add3A_697 : i32
    %add3A_699 = vector.broadcast %add3A_698 : i32 to vector<16xi32>
    %add3A_700 = arith.addi %add3A_699, %iota3A : vector<16xi32>
    %swap3A_701 = arith.constant 32 : index
    %swap3A_702 = tpu.vector_load %arg16[%swap3A_701] {strides = array<i32>} : memref<80xi32, #tpu.memory_space<vmem>>, vector<16xi32>,
    %swap3A_703 = vector.shape_cast %swap3A_702 : vector<16xi32> to vector<16xi32>
    %swap3A_704 = vector.shape_cast %add3A_700 : vector<16xi32> to vector<16xi32>
    tpu.vector_store %arg16[%swap3A_701], %swap3A_704 {strides = array<i32>} : memref<80xi32, #tpu.memory_space<vmem>>, vector<16xi32>,
    %add3A_705 = arith.constant 160 : i32
    %add3A_706 = arith.addi %mul3A_8, %add3A_705 : i32
    %add3A_707 = arith.constant 48 : i32
    %add3A_708 = arith.addi %add3A_706, %add3A_707 : i32
    %add3A_709 = vector.broadcast %add3A_708 : i32 to vector<16xi32>
    %add3A_710 = arith.addi %add3A_709, %iota3A : vector<16xi32>
    %swap3A_711 = arith.constant 48 : index
    %swap3A_712 = tpu.vector_load %arg16[%swap3A_711] {strides = array<i32>} : memref<80xi32, #tpu.memory_space<vmem>>, vector<16xi32>,
    %swap3A_713 = vector.shape_cast %swap3A_712 : vector<16xi32> to vector<16xi32>
    %swap3A_714 = vector.shape_cast %add3A_710 : vector<16xi32> to vector<16xi32>
    tpu.vector_store %arg16[%swap3A_711], %swap3A_714 {strides = array<i32>} : memref<80xi32, #tpu.memory_space<vmem>>, vector<16xi32>,
    %add3A_715 = arith.constant 160 : i32
    %add3A_716 = arith.addi %mul3A_8, %add3A_715 : i32
    %add3A_717 = arith.constant 64 : i32
    %add3A_718 = arith.addi %add3A_716, %add3A_717 : i32
    %add3A_719 = vector.broadcast %add3A_718 : i32 to vector<16xi32>
    %add3A_720 = arith.addi %add3A_719, %iota3A : vector<16xi32>
    %swap3A_721 = arith.constant 64 : index
    %swap3A_722 = tpu.vector_load %arg16[%swap3A_721] {strides = array<i32>} : memref<80xi32, #tpu.memory_space<vmem>>, vector<16xi32>,
    %swap3A_723 = vector.shape_cast %swap3A_722 : vector<16xi32> to vector<16xi32>
    %swap3A_724 = vector.shape_cast %add3A_720 : vector<16xi32> to vector<16xi32>
    tpu.vector_store %arg16[%swap3A_721], %swap3A_724 {strides = array<i32>} : memref<80xi32, #tpu.memory_space<vmem>>, vector<16xi32>,
    "tpu.region"() ({
      %run_scoped3A = tpu.sem_alloc : memref<!tpu.dma_semaphore, #tpu.memory_space<semaphore_mem>>
      %dma_start3A_1015 = arith.constant 0 : i32
      %dma_start3A_1016 = arith.constant 0 : i32
      %dma_start3A_1017 = tpu.memref_slice %arg20[%dma_start3A_1015, %dma_start3A_1016] : memref<5120x128xf32, #tpu.memory_space<vmem_shared>> -> memref<5120x128xf32, #tpu.memory_space<vmem_shared>>
      tpu.enqueue_indirect_dma source(%arg17 : memref<80x128xf32, #tpu.memory_space<vmem>>) target(%dma_start3A_1017 : memref<5120x128xf32, #tpu.memory_space<vmem_shared>>) offsets(%arg16 : memref<80xi32, #tpu.memory_space<vmem>>) semaphore(%run_scoped3A : memref<!tpu.dma_semaphore, #tpu.memory_space<semaphore_mem>>)
      %dma_wait3A_1018 = arith.constant 0 : i32
      %dma_wait3A_1019 = arith.constant 0 : i32
      %dma_wait3A_1020 = tpu.memref_slice %arg20[%dma_wait3A_1018, %dma_wait3A_1019] : memref<5120x128xf32, #tpu.memory_space<vmem_shared>> -> memref<5120x128xf32, #tpu.memory_space<vmem_shared>>
      tpu.wait_indirect_dma semaphore(%run_scoped3A : memref<!tpu.dma_semaphore, #tpu.memory_space<semaphore_mem>>) src(%arg17 : memref<80x128xf32, #tpu.memory_space<vmem>>) dst(%dma_wait3A_1020 : memref<5120x128xf32, #tpu.memory_space<vmem_shared>>)
      tpu.yield
    }) : () -> ()
    %add3A_725 = arith.constant 240 : i32
    %add3A_726 = arith.addi %mul3A_8, %add3A_725 : i32
    %add3A_727 = arith.constant 0 : i32
    %add3A_728 = arith.addi %add3A_726, %add3A_727 : i32
    %add3A_729 = vector.broadcast %add3A_728 : i32 to vector<16xi32>
    %add3A_730 = arith.addi %add3A_729, %iota3A : vector<16xi32>
    %swap3A_731 = arith.constant 0 : index
    %swap3A_732 = tpu.vector_load %arg16[%swap3A_731] {strides = array<i32>} : memref<80xi32, #tpu.memory_space<vmem>>, vector<16xi32>,
    %swap3A_733 = vector.shape_cast %swap3A_732 : vector<16xi32> to vector<16xi32>
    %swap3A_734 = vector.shape_cast %add3A_730 : vector<16xi32> to vector<16xi32>
    tpu.vector_store %arg16[%swap3A_731], %swap3A_734 {strides = array<i32>} : memref<80xi32, #tpu.memory_space<vmem>>, vector<16xi32>,
    %add3A_735 = arith.constant 240 : i32
    %add3A_736 = arith.addi %mul3A_8, %add3A_735 : i32
    %add3A_737 = arith.constant 16 : i32
    %add3A_738 = arith.addi %add3A_736, %add3A_737 : i32
    %add3A_739 = vector.broadcast %add3A_738 : i32 to vector<16xi32>
    %add3A_740 = arith.addi %add3A_739, %iota3A : vector<16xi32>
    %swap3A_741 = arith.constant 16 : index
    %swap3A_742 = tpu.vector_load %arg16[%swap3A_741] {strides = array<i32>} : memref<80xi32, #tpu.memory_space<vmem>>, vector<16xi32>,
    %swap3A_743 = vector.shape_cast %swap3A_742 : vector<16xi32> to vector<16xi32>
    %swap3A_744 = vector.shape_cast %add3A_740 : vector<16xi32> to vector<16xi32>
    tpu.vector_store %arg16[%swap3A_741], %swap3A_744 {strides = array<i32>} : memref<80xi32, #tpu.memory_space<vmem>>, vector<16xi32>,
    %add3A_745 = arith.constant 240 : i32
    %add3A_746 = arith.addi %mul3A_8, %add3A_745 : i32
    %add3A_747 = arith.constant 32 : i32
    %add3A_748 = arith.addi %add3A_746, %add3A_747 : i32
    %add3A_749 = vector.broadcast %add3A_748 : i32 to vector<16xi32>
    %add3A_750 = arith.addi %add3A_749, %iota3A : vector<16xi32>
    %swap3A_751 = arith.constant 32 : index
    %swap3A_752 = tpu.vector_load %arg16[%swap3A_751] {strides = array<i32>} : memref<80xi32, #tpu.memory_space<vmem>>, vector<16xi32>,
    %swap3A_753 = vector.shape_cast %swap3A_752 : vector<16xi32> to vector<16xi32>
    %swap3A_754 = vector.shape_cast %add3A_750 : vector<16xi32> to vector<16xi32>
    tpu.vector_store %arg16[%swap3A_751], %swap3A_754 {strides = array<i32>} : memref<80xi32, #tpu.memory_space<vmem>>, vector<16xi32>,
    %add3A_755 = arith.constant 240 : i32
    %add3A_756 = arith.addi %mul3A_8, %add3A_755 : i32
    %add3A_757 = arith.constant 48 : i32
    %add3A_758 = arith.addi %add3A_756, %add3A_757 : i32
    %add3A_759 = vector.broadcast %add3A_758 : i32 to vector<16xi32>
    %add3A_760 = arith.addi %add3A_759, %iota3A : vector<16xi32>
    %swap3A_761 = arith.constant 48 : index
    %swap3A_762 = tpu.vector_load %arg16[%swap3A_761] {strides = array<i32>} : memref<80xi32, #tpu.memory_space<vmem>>, vector<16xi32>,
    %swap3A_763 = vector.shape_cast %swap3A_762 : vector<16xi32> to vector<16xi32>
    %swap3A_764 = vector.shape_cast %add3A_760 : vector<16xi32> to vector<16xi32>
    tpu.vector_store %arg16[%swap3A_761], %swap3A_764 {strides = array<i32>} : memref<80xi32, #tpu.memory_space<vmem>>, vector<16xi32>,
    %add3A_765 = arith.constant 240 : i32
    %add3A_766 = arith.addi %mul3A_8, %add3A_765 : i32
    %add3A_767 = arith.constant 64 : i32
    %add3A_768 = arith.addi %add3A_766, %add3A_767 : i32
    %add3A_769 = vector.broadcast %add3A_768 : i32 to vector<16xi32>
    %add3A_770 = arith.addi %add3A_769, %iota3A : vector<16xi32>
    %swap3A_771 = arith.constant 64 : index
    %swap3A_772 = tpu.vector_load %arg16[%swap3A_771] {strides = array<i32>} : memref<80xi32, #tpu.memory_space<vmem>>, vector<16xi32>,
    %swap3A_773 = vector.shape_cast %swap3A_772 : vector<16xi32> to vector<16xi32>
    %swap3A_774 = vector.shape_cast %add3A_770 : vector<16xi32> to vector<16xi32>
    tpu.vector_store %arg16[%swap3A_771], %swap3A_774 {strides = array<i32>} : memref<80xi32, #tpu.memory_space<vmem>>, vector<16xi32>,
    "tpu.region"() ({
      %run_scoped3A = tpu.sem_alloc : memref<!tpu.dma_semaphore, #tpu.memory_space<semaphore_mem>>
      %dma_start3A_1015 = arith.constant 0 : i32
      %dma_start3A_1016 = arith.constant 0 : i32
      %dma_start3A_1017 = tpu.memref_slice %arg20[%dma_start3A_1015, %dma_start3A_1016] : memref<5120x128xf32, #tpu.memory_space<vmem_shared>> -> memref<5120x128xf32, #tpu.memory_space<vmem_shared>>
      tpu.enqueue_indirect_dma source(%arg17 : memref<80x128xf32, #tpu.memory_space<vmem>>) target(%dma_start3A_1017 : memref<5120x128xf32, #tpu.memory_space<vmem_shared>>) offsets(%arg16 : memref<80xi32, #tpu.memory_space<vmem>>) semaphore(%run_scoped3A : memref<!tpu.dma_semaphore, #tpu.memory_space<semaphore_mem>>)
      %dma_wait3A_1018 = arith.constant 0 : i32
      %dma_wait3A_1019 = arith.constant 0 : i32
      %dma_wait3A_1020 = tpu.memref_slice %arg20[%dma_wait3A_1018, %dma_wait3A_1019] : memref<5120x128xf32, #tpu.memory_space<vmem_shared>> -> memref<5120x128xf32, #tpu.memory_space<vmem_shared>>
      tpu.wait_indirect_dma semaphore(%run_scoped3A : memref<!tpu.dma_semaphore, #tpu.memory_space<semaphore_mem>>) src(%arg17 : memref<80x128xf32, #tpu.memory_space<vmem>>) dst(%dma_wait3A_1020 : memref<5120x128xf32, #tpu.memory_space<vmem_shared>>)
      tpu.yield
    }) : () -> ()
    %barrier3A_775 = arith.constant 0 : index
    tpu.barrier barrier_id(%barrier3A_775)
    %scan3A_776 = arith.constant 0 : i32
    %scan3A_777 = arith.constant 0 : i32
    %scan3A_778 = arith.constant 125 : i32
    %scan3A_779 = arith.addi %scan3A_777, %scan3A_778 : i32
    %scan3A_780 = arith.constant 1 : i32
    scf.for %scan3A_1015 = %scan3A_777 to %scan3A_779 step %scan3A_780  : i32 {
      %get3A_1016 = arith.index_cast %scan3A_1015 : i32 to index
      %get3A_1017 = arith.constant 0 : index
      %get3A_1018 = tpu.vector_load %arg8[%get3A_1016, %get3A_1017] {strides = array<i32>} : memref<125x80xi32, #tpu.memory_space<vmem>>, vector<1x16xi32>,
      %get3A_1019 = vector.shape_cast %get3A_1018 : vector<1x16xi32> to vector<16xi32>
      %lt3A_1020 = arith.constant 5000 : i32
      %lt3A_1021 = vector.broadcast %lt3A_1020 : i32 to vector<16xi32>
      %lt3A_1022 = arith.cmpi slt, %get3A_1019, %lt3A_1021 : vector<16xi32>
      %jit3A_1023 = arith.constant 5000 : i32
      %broadcast_in_dim3A_1024 = vector.broadcast %jit3A_1023 : i32 to vector<16xi32>
      %select_n3A_1025 = arith.select %lt3A_1022, %get3A_1019, %broadcast_in_dim3A_1024 : vector<16xi1>, vector<16xi32>
      %swap3A_1026 = arith.constant 0 : index
      %swap3A_1027 = tpu.vector_load %arg10[%swap3A_1026] {strides = array<i32>} : memref<80xi32, #tpu.memory_space<vmem>>, vector<16xi32>,
      %swap3A_1028 = vector.shape_cast %swap3A_1027 : vector<16xi32> to vector<16xi32>
      %swap3A_1029 = vector.shape_cast %select_n3A_1025 : vector<16xi32> to vector<16xi32>
      tpu.vector_store %arg10[%swap3A_1026], %swap3A_1029 {strides = array<i32>} : memref<80xi32, #tpu.memory_space<vmem>>, vector<16xi32>,
      %get3A_1030 = arith.index_cast %scan3A_1015 : i32 to index
      %get3A_1031 = arith.constant 16 : index
      %get3A_1032 = tpu.vector_load %arg8[%get3A_1030, %get3A_1031] {strides = array<i32>} : memref<125x80xi32, #tpu.memory_space<vmem>>, vector<1x16xi32>,
      %get3A_1033 = vector.shape_cast %get3A_1032 : vector<1x16xi32> to vector<16xi32>
      %lt3A_1034 = arith.constant 5000 : i32
      %lt3A_1035 = vector.broadcast %lt3A_1034 : i32 to vector<16xi32>
      %lt3A_1036 = arith.cmpi slt, %get3A_1033, %lt3A_1035 : vector<16xi32>
      %jit3A_1037 = arith.constant 5000 : i32
      %broadcast_in_dim3A_1038 = vector.broadcast %jit3A_1037 : i32 to vector<16xi32>
      %select_n3A_1039 = arith.select %lt3A_1036, %get3A_1033, %broadcast_in_dim3A_1038 : vector<16xi1>, vector<16xi32>
      %swap3A_1040 = arith.constant 16 : index
      %swap3A_1041 = tpu.vector_load %arg10[%swap3A_1040] {strides = array<i32>} : memref<80xi32, #tpu.memory_space<vmem>>, vector<16xi32>,
      %swap3A_1042 = vector.shape_cast %swap3A_1041 : vector<16xi32> to vector<16xi32>
      %swap3A_1043 = vector.shape_cast %select_n3A_1039 : vector<16xi32> to vector<16xi32>
      tpu.vector_store %arg10[%swap3A_1040], %swap3A_1043 {strides = array<i32>} : memref<80xi32, #tpu.memory_space<vmem>>, vector<16xi32>,
      %get3A_1044 = arith.index_cast %scan3A_1015 : i32 to index
      %get3A_1045 = arith.constant 32 : index
      %get3A_1046 = tpu.vector_load %arg8[%get3A_1044, %get3A_1045] {strides = array<i32>} : memref<125x80xi32, #tpu.memory_space<vmem>>, vector<1x16xi32>,
      %get3A_1047 = vector.shape_cast %get3A_1046 : vector<1x16xi32> to vector<16xi32>
      %lt3A_1048 = arith.constant 5000 : i32
      %lt3A_1049 = vector.broadcast %lt3A_1048 : i32 to vector<16xi32>
      %lt3A_1050 = arith.cmpi slt, %get3A_1047, %lt3A_1049 : vector<16xi32>
      %jit3A_1051 = arith.constant 5000 : i32
      %broadcast_in_dim3A_1052 = vector.broadcast %jit3A_1051 : i32 to vector<16xi32>
      %select_n3A_1053 = arith.select %lt3A_1050, %get3A_1047, %broadcast_in_dim3A_1052 : vector<16xi1>, vector<16xi32>
      %swap3A_1054 = arith.constant 32 : index
      %swap3A_1055 = tpu.vector_load %arg10[%swap3A_1054] {strides = array<i32>} : memref<80xi32, #tpu.memory_space<vmem>>, vector<16xi32>,
      %swap3A_1056 = vector.shape_cast %swap3A_1055 : vector<16xi32> to vector<16xi32>
      %swap3A_1057 = vector.shape_cast %select_n3A_1053 : vector<16xi32> to vector<16xi32>
      tpu.vector_store %arg10[%swap3A_1054], %swap3A_1057 {strides = array<i32>} : memref<80xi32, #tpu.memory_space<vmem>>, vector<16xi32>,
      %get3A_1058 = arith.index_cast %scan3A_1015 : i32 to index
      %get3A_1059 = arith.constant 48 : index
      %get3A_1060 = tpu.vector_load %arg8[%get3A_1058, %get3A_1059] {strides = array<i32>} : memref<125x80xi32, #tpu.memory_space<vmem>>, vector<1x16xi32>,
      %get3A_1061 = vector.shape_cast %get3A_1060 : vector<1x16xi32> to vector<16xi32>
      %lt3A_1062 = arith.constant 5000 : i32
      %lt3A_1063 = vector.broadcast %lt3A_1062 : i32 to vector<16xi32>
      %lt3A_1064 = arith.cmpi slt, %get3A_1061, %lt3A_1063 : vector<16xi32>
      %jit3A_1065 = arith.constant 5000 : i32
      %broadcast_in_dim3A_1066 = vector.broadcast %jit3A_1065 : i32 to vector<16xi32>
      %select_n3A_1067 = arith.select %lt3A_1064, %get3A_1061, %broadcast_in_dim3A_1066 : vector<16xi1>, vector<16xi32>
      %swap3A_1068 = arith.constant 48 : index
      %swap3A_1069 = tpu.vector_load %arg10[%swap3A_1068] {strides = array<i32>} : memref<80xi32, #tpu.memory_space<vmem>>, vector<16xi32>,
      %swap3A_1070 = vector.shape_cast %swap3A_1069 : vector<16xi32> to vector<16xi32>
      %swap3A_1071 = vector.shape_cast %select_n3A_1067 : vector<16xi32> to vector<16xi32>
      tpu.vector_store %arg10[%swap3A_1068], %swap3A_1071 {strides = array<i32>} : memref<80xi32, #tpu.memory_space<vmem>>, vector<16xi32>,
      %get3A_1072 = arith.index_cast %scan3A_1015 : i32 to index
      %get3A_1073 = arith.constant 64 : index
      %get3A_1074 = tpu.vector_load %arg8[%get3A_1072, %get3A_1073] {strides = array<i32>} : memref<125x80xi32, #tpu.memory_space<vmem>>, vector<1x16xi32>,
      %get3A_1075 = vector.shape_cast %get3A_1074 : vector<1x16xi32> to vector<16xi32>
      %lt3A_1076 = arith.constant 5000 : i32
      %lt3A_1077 = vector.broadcast %lt3A_1076 : i32 to vector<16xi32>
      %lt3A_1078 = arith.cmpi slt, %get3A_1075, %lt3A_1077 : vector<16xi32>
      %jit3A_1079 = arith.constant 5000 : i32
      %broadcast_in_dim3A_1080 = vector.broadcast %jit3A_1079 : i32 to vector<16xi32>
      %select_n3A_1081 = arith.select %lt3A_1078, %get3A_1075, %broadcast_in_dim3A_1080 : vector<16xi1>, vector<16xi32>
      %swap3A_1082 = arith.constant 64 : index
      %swap3A_1083 = tpu.vector_load %arg10[%swap3A_1082] {strides = array<i32>} : memref<80xi32, #tpu.memory_space<vmem>>, vector<16xi32>,
      %swap3A_1084 = vector.shape_cast %swap3A_1083 : vector<16xi32> to vector<16xi32>
      %swap3A_1085 = vector.shape_cast %select_n3A_1081 : vector<16xi32> to vector<16xi32>
      tpu.vector_store %arg10[%swap3A_1082], %swap3A_1085 {strides = array<i32>} : memref<80xi32, #tpu.memory_space<vmem>>, vector<16xi32>,
      "tpu.region"() ({
        %run_scoped3A = tpu.sem_alloc : memref<!tpu.dma_semaphore, #tpu.memory_space<semaphore_mem>>
        %dma_start3A_1086 = arith.constant 0 : i32
        %dma_start3A_1087 = arith.constant 0 : i32
        %dma_start3A_1088 = tpu.memref_slice %arg20[%dma_start3A_1086, %dma_start3A_1087] : memref<5120x128xf32, #tpu.memory_space<vmem_shared>> -> memref<5120x128xf32, #tpu.memory_space<vmem_shared>>
        tpu.enqueue_indirect_dma source(%arg15 : memref<80x128xf32, #tpu.memory_space<vmem>>) target(%dma_start3A_1088 : memref<5120x128xf32, #tpu.memory_space<vmem_shared>>) offsets(%arg10 : memref<80xi32, #tpu.memory_space<vmem>>) semaphore(%run_scoped3A : memref<!tpu.dma_semaphore, #tpu.memory_space<semaphore_mem>>) {add = true}
        %dma_wait3A_1089 = arith.constant 0 : i32
        %dma_wait3A_1090 = arith.constant 0 : i32
        %dma_wait3A_1091 = tpu.memref_slice %arg20[%dma_wait3A_1089, %dma_wait3A_1090] : memref<5120x128xf32, #tpu.memory_space<vmem_shared>> -> memref<5120x128xf32, #tpu.memory_space<vmem_shared>>
        tpu.wait_indirect_dma semaphore(%run_scoped3A : memref<!tpu.dma_semaphore, #tpu.memory_space<semaphore_mem>>) src(%arg15 : memref<80x128xf32, #tpu.memory_space<vmem>>) dst(%dma_wait3A_1091 : memref<5120x128xf32, #tpu.memory_space<vmem_shared>>)
        tpu.yield
      }) : () -> ()
    }
    %scan3A_781 = arith.constant 125 : i32
    %barrier3A_782 = arith.constant 0 : index
    tpu.barrier barrier_id(%barrier3A_782)
    %add3A_783 = arith.constant 0 : i32
    %add3A_784 = arith.addi %mul3A_8, %add3A_783 : i32
    %add3A_785 = arith.constant 0 : i32
    %add3A_786 = arith.addi %add3A_784, %add3A_785 : i32
    %add3A_787 = vector.broadcast %add3A_786 : i32 to vector<16xi32>
    %add3A_788 = arith.addi %add3A_787, %iota3A : vector<16xi32>
    %swap3A_789 = arith.constant 0 : index
    %swap3A_790 = tpu.vector_load %arg16[%swap3A_789] {strides = array<i32>} : memref<80xi32, #tpu.memory_space<vmem>>, vector<16xi32>,
    %swap3A_791 = vector.shape_cast %swap3A_790 : vector<16xi32> to vector<16xi32>
    %swap3A_792 = vector.shape_cast %add3A_788 : vector<16xi32> to vector<16xi32>
    tpu.vector_store %arg16[%swap3A_789], %swap3A_792 {strides = array<i32>} : memref<80xi32, #tpu.memory_space<vmem>>, vector<16xi32>,
    %add3A_793 = arith.constant 0 : i32
    %add3A_794 = arith.addi %mul3A_8, %add3A_793 : i32
    %add3A_795 = arith.constant 16 : i32
    %add3A_796 = arith.addi %add3A_794, %add3A_795 : i32
    %add3A_797 = vector.broadcast %add3A_796 : i32 to vector<16xi32>
    %add3A_798 = arith.addi %add3A_797, %iota3A : vector<16xi32>
    %swap3A_799 = arith.constant 16 : index
    %swap3A_800 = tpu.vector_load %arg16[%swap3A_799] {strides = array<i32>} : memref<80xi32, #tpu.memory_space<vmem>>, vector<16xi32>,
    %swap3A_801 = vector.shape_cast %swap3A_800 : vector<16xi32> to vector<16xi32>
    %swap3A_802 = vector.shape_cast %add3A_798 : vector<16xi32> to vector<16xi32>
    tpu.vector_store %arg16[%swap3A_799], %swap3A_802 {strides = array<i32>} : memref<80xi32, #tpu.memory_space<vmem>>, vector<16xi32>,
    %add3A_803 = arith.constant 0 : i32
    %add3A_804 = arith.addi %mul3A_8, %add3A_803 : i32
    %add3A_805 = arith.constant 32 : i32
    %add3A_806 = arith.addi %add3A_804, %add3A_805 : i32
    %add3A_807 = vector.broadcast %add3A_806 : i32 to vector<16xi32>
    %add3A_808 = arith.addi %add3A_807, %iota3A : vector<16xi32>
    %swap3A_809 = arith.constant 32 : index
    %swap3A_810 = tpu.vector_load %arg16[%swap3A_809] {strides = array<i32>} : memref<80xi32, #tpu.memory_space<vmem>>, vector<16xi32>,
    %swap3A_811 = vector.shape_cast %swap3A_810 : vector<16xi32> to vector<16xi32>
    %swap3A_812 = vector.shape_cast %add3A_808 : vector<16xi32> to vector<16xi32>
    tpu.vector_store %arg16[%swap3A_809], %swap3A_812 {strides = array<i32>} : memref<80xi32, #tpu.memory_space<vmem>>, vector<16xi32>,
    %add3A_813 = arith.constant 0 : i32
    %add3A_814 = arith.addi %mul3A_8, %add3A_813 : i32
    %add3A_815 = arith.constant 48 : i32
    %add3A_816 = arith.addi %add3A_814, %add3A_815 : i32
    %add3A_817 = vector.broadcast %add3A_816 : i32 to vector<16xi32>
    %add3A_818 = arith.addi %add3A_817, %iota3A : vector<16xi32>
    %swap3A_819 = arith.constant 48 : index
    %swap3A_820 = tpu.vector_load %arg16[%swap3A_819] {strides = array<i32>} : memref<80xi32, #tpu.memory_space<vmem>>, vector<16xi32>,
    %swap3A_821 = vector.shape_cast %swap3A_820 : vector<16xi32> to vector<16xi32>
    %swap3A_822 = vector.shape_cast %add3A_818 : vector<16xi32> to vector<16xi32>
    tpu.vector_store %arg16[%swap3A_819], %swap3A_822 {strides = array<i32>} : memref<80xi32, #tpu.memory_space<vmem>>, vector<16xi32>,
    %add3A_823 = arith.constant 0 : i32
    %add3A_824 = arith.addi %mul3A_8, %add3A_823 : i32
    %add3A_825 = arith.constant 64 : i32
    %add3A_826 = arith.addi %add3A_824, %add3A_825 : i32
    %add3A_827 = vector.broadcast %add3A_826 : i32 to vector<16xi32>
    %add3A_828 = arith.addi %add3A_827, %iota3A : vector<16xi32>
    %swap3A_829 = arith.constant 64 : index
    %swap3A_830 = tpu.vector_load %arg16[%swap3A_829] {strides = array<i32>} : memref<80xi32, #tpu.memory_space<vmem>>, vector<16xi32>,
    %swap3A_831 = vector.shape_cast %swap3A_830 : vector<16xi32> to vector<16xi32>
    %swap3A_832 = vector.shape_cast %add3A_828 : vector<16xi32> to vector<16xi32>
    tpu.vector_store %arg16[%swap3A_829], %swap3A_832 {strides = array<i32>} : memref<80xi32, #tpu.memory_space<vmem>>, vector<16xi32>,
    %dma_start3A_833 = arith.constant 0 : i32
    %dma_start3A_834 = arith.constant 0 : i32
    %dma_start3A_835 = tpu.memref_slice %arg20[%dma_start3A_833, %dma_start3A_834] : memref<5120x128xf32, #tpu.memory_space<vmem_shared>> -> memref<5120x128xf32, #tpu.memory_space<vmem_shared>>
    tpu.enqueue_indirect_dma source(%dma_start3A_835 : memref<5120x128xf32, #tpu.memory_space<vmem_shared>>) target(%arg17 : memref<80x128xf32, #tpu.memory_space<vmem>>) offsets(%arg16 : memref<80xi32, #tpu.memory_space<vmem>>) semaphore(%arg18 : memref<!tpu.dma_semaphore, #tpu.memory_space<semaphore_mem>>)
    %dma_wait3A_836 = arith.constant 0 : i32
    %dma_wait3A_837 = arith.constant 0 : i32
    %dma_wait3A_838 = tpu.memref_slice %arg20[%dma_wait3A_836, %dma_wait3A_837] : memref<5120x128xf32, #tpu.memory_space<vmem_shared>> -> memref<5120x128xf32, #tpu.memory_space<vmem_shared>>
    tpu.wait_indirect_dma semaphore(%arg18 : memref<!tpu.dma_semaphore, #tpu.memory_space<semaphore_mem>>) src(%dma_wait3A_838 : memref<5120x128xf32, #tpu.memory_space<vmem_shared>>) dst(%arg17 : memref<80x128xf32, #tpu.memory_space<vmem>>)
    %add3A_839 = arith.constant 0 : i32
    %add3A_840 = arith.addi %mul3A_8, %add3A_839 : i32
    "tpu.region"() ({
      %run_scoped3A = tpu.sem_alloc : memref<!tpu.dma_semaphore, #tpu.memory_space<semaphore_mem>>
      %dma_start3A_1015 = arith.constant 0 : i32
      %dma_start3A_1016 = tpu.memref_slice %arg6[%arg0, %add3A_840, %dma_start3A_1015] : memref<2x5120x128xf32, #tpu.memory_space<hbm>> -> memref<1x80x128xf32, #tpu.memory_space<hbm>>
      %dma_start3A_1017 = tpu.memref_squeeze %dma_start3A_1016 : memref<1x80x128xf32, #tpu.memory_space<hbm>> -> memref<80x128xf32, #tpu.memory_space<hbm>>
      %dma_start3A_1018 = arith.constant 0 : i32
      %dma_start3A_1019 = tpu.memref_slice %arg6[%arg0, %add3A_840, %dma_start3A_1018] : memref<2x5120x128xf32, #tpu.memory_space<hbm>> -> memref<1x80x128xf32, #tpu.memory_space<hbm>>
      %dma_start3A_1020 = tpu.memref_squeeze %dma_start3A_1019 : memref<1x80x128xf32, #tpu.memory_space<hbm>> -> memref<80x128xf32, #tpu.memory_space<hbm>>
      tpu.enqueue_dma source(%arg17 : memref<80x128xf32, #tpu.memory_space<vmem>>) target(%dma_start3A_1020 : memref<80x128xf32, #tpu.memory_space<hbm>>) target_semaphore(%run_scoped3A : memref<!tpu.dma_semaphore, #tpu.memory_space<semaphore_mem>>)
      %dma_wait3A_1021 = arith.constant 0 : i32
      %dma_wait3A_1022 = tpu.memref_slice %arg6[%arg0, %add3A_840, %dma_wait3A_1021] : memref<2x5120x128xf32, #tpu.memory_space<hbm>> -> memref<1x80x128xf32, #tpu.memory_space<hbm>>
      %dma_wait3A_1023 = tpu.memref_squeeze %dma_wait3A_1022 : memref<1x80x128xf32, #tpu.memory_space<hbm>> -> memref<80x128xf32, #tpu.memory_space<hbm>>
      %dma_wait3A_1024 = arith.constant 0 : i32
      %dma_wait3A_1025 = tpu.memref_slice %arg6[%arg0, %add3A_840, %dma_wait3A_1024] : memref<2x5120x128xf32, #tpu.memory_space<hbm>> -> memref<1x80x128xf32, #tpu.memory_space<hbm>>
      %dma_wait3A_1026 = tpu.memref_squeeze %dma_wait3A_1025 : memref<1x80x128xf32, #tpu.memory_space<hbm>> -> memref<80x128xf32, #tpu.memory_space<hbm>>
      tpu.wait_dma2 semaphore(%run_scoped3A : memref<!tpu.dma_semaphore, #tpu.memory_space<semaphore_mem>>) src(%arg17 : memref<80x128xf32, #tpu.memory_space<vmem>>) dst(%dma_wait3A_1026 : memref<80x128xf32, #tpu.memory_space<hbm>>)
      tpu.yield
    }) : () -> ()
    %add3A_841 = arith.constant 80 : i32
    %add3A_842 = arith.addi %mul3A_8, %add3A_841 : i32
    %add3A_843 = arith.constant 0 : i32
    %add3A_844 = arith.addi %add3A_842, %add3A_843 : i32
    %add3A_845 = vector.broadcast %add3A_844 : i32 to vector<16xi32>
    %add3A_846 = arith.addi %add3A_845, %iota3A : vector<16xi32>
    %swap3A_847 = arith.constant 0 : index
    %swap3A_848 = tpu.vector_load %arg16[%swap3A_847] {strides = array<i32>} : memref<80xi32, #tpu.memory_space<vmem>>, vector<16xi32>,
    %swap3A_849 = vector.shape_cast %swap3A_848 : vector<16xi32> to vector<16xi32>
    %swap3A_850 = vector.shape_cast %add3A_846 : vector<16xi32> to vector<16xi32>
    tpu.vector_store %arg16[%swap3A_847], %swap3A_850 {strides = array<i32>} : memref<80xi32, #tpu.memory_space<vmem>>, vector<16xi32>,
    %add3A_851 = arith.constant 80 : i32
    %add3A_852 = arith.addi %mul3A_8, %add3A_851 : i32
    %add3A_853 = arith.constant 16 : i32
    %add3A_854 = arith.addi %add3A_852, %add3A_853 : i32
    %add3A_855 = vector.broadcast %add3A_854 : i32 to vector<16xi32>
    %add3A_856 = arith.addi %add3A_855, %iota3A : vector<16xi32>
    %swap3A_857 = arith.constant 16 : index
    %swap3A_858 = tpu.vector_load %arg16[%swap3A_857] {strides = array<i32>} : memref<80xi32, #tpu.memory_space<vmem>>, vector<16xi32>,
    %swap3A_859 = vector.shape_cast %swap3A_858 : vector<16xi32> to vector<16xi32>
    %swap3A_860 = vector.shape_cast %add3A_856 : vector<16xi32> to vector<16xi32>
    tpu.vector_store %arg16[%swap3A_857], %swap3A_860 {strides = array<i32>} : memref<80xi32, #tpu.memory_space<vmem>>, vector<16xi32>,
    %add3A_861 = arith.constant 80 : i32
    %add3A_862 = arith.addi %mul3A_8, %add3A_861 : i32
    %add3A_863 = arith.constant 32 : i32
    %add3A_864 = arith.addi %add3A_862, %add3A_863 : i32
    %add3A_865 = vector.broadcast %add3A_864 : i32 to vector<16xi32>
    %add3A_866 = arith.addi %add3A_865, %iota3A : vector<16xi32>
    %swap3A_867 = arith.constant 32 : index
    %swap3A_868 = tpu.vector_load %arg16[%swap3A_867] {strides = array<i32>} : memref<80xi32, #tpu.memory_space<vmem>>, vector<16xi32>,
    %swap3A_869 = vector.shape_cast %swap3A_868 : vector<16xi32> to vector<16xi32>
    %swap3A_870 = vector.shape_cast %add3A_866 : vector<16xi32> to vector<16xi32>
    tpu.vector_store %arg16[%swap3A_867], %swap3A_870 {strides = array<i32>} : memref<80xi32, #tpu.memory_space<vmem>>, vector<16xi32>,
    %add3A_871 = arith.constant 80 : i32
    %add3A_872 = arith.addi %mul3A_8, %add3A_871 : i32
    %add3A_873 = arith.constant 48 : i32
    %add3A_874 = arith.addi %add3A_872, %add3A_873 : i32
    %add3A_875 = vector.broadcast %add3A_874 : i32 to vector<16xi32>
    %add3A_876 = arith.addi %add3A_875, %iota3A : vector<16xi32>
    %swap3A_877 = arith.constant 48 : index
    %swap3A_878 = tpu.vector_load %arg16[%swap3A_877] {strides = array<i32>} : memref<80xi32, #tpu.memory_space<vmem>>, vector<16xi32>,
    %swap3A_879 = vector.shape_cast %swap3A_878 : vector<16xi32> to vector<16xi32>
    %swap3A_880 = vector.shape_cast %add3A_876 : vector<16xi32> to vector<16xi32>
    tpu.vector_store %arg16[%swap3A_877], %swap3A_880 {strides = array<i32>} : memref<80xi32, #tpu.memory_space<vmem>>, vector<16xi32>,
    %add3A_881 = arith.constant 80 : i32
    %add3A_882 = arith.addi %mul3A_8, %add3A_881 : i32
    %add3A_883 = arith.constant 64 : i32
    %add3A_884 = arith.addi %add3A_882, %add3A_883 : i32
    %add3A_885 = vector.broadcast %add3A_884 : i32 to vector<16xi32>
    %add3A_886 = arith.addi %add3A_885, %iota3A : vector<16xi32>
    %swap3A_887 = arith.constant 64 : index
    %swap3A_888 = tpu.vector_load %arg16[%swap3A_887] {strides = array<i32>} : memref<80xi32, #tpu.memory_space<vmem>>, vector<16xi32>,
    %swap3A_889 = vector.shape_cast %swap3A_888 : vector<16xi32> to vector<16xi32>
    %swap3A_890 = vector.shape_cast %add3A_886 : vector<16xi32> to vector<16xi32>
    tpu.vector_store %arg16[%swap3A_887], %swap3A_890 {strides = array<i32>} : memref<80xi32, #tpu.memory_space<vmem>>, vector<16xi32>,
    %dma_start3A_891 = arith.constant 0 : i32
    %dma_start3A_892 = arith.constant 0 : i32
    %dma_start3A_893 = tpu.memref_slice %arg20[%dma_start3A_891, %dma_start3A_892] : memref<5120x128xf32, #tpu.memory_space<vmem_shared>> -> memref<5120x128xf32, #tpu.memory_space<vmem_shared>>
    tpu.enqueue_indirect_dma source(%dma_start3A_893 : memref<5120x128xf32, #tpu.memory_space<vmem_shared>>) target(%arg17 : memref<80x128xf32, #tpu.memory_space<vmem>>) offsets(%arg16 : memref<80xi32, #tpu.memory_space<vmem>>) semaphore(%arg18 : memref<!tpu.dma_semaphore, #tpu.memory_space<semaphore_mem>>)
    %dma_wait3A_894 = arith.constant 0 : i32
    %dma_wait3A_895 = arith.constant 0 : i32
    %dma_wait3A_896 = tpu.memref_slice %arg20[%dma_wait3A_894, %dma_wait3A_895] : memref<5120x128xf32, #tpu.memory_space<vmem_shared>> -> memref<5120x128xf32, #tpu.memory_space<vmem_shared>>
    tpu.wait_indirect_dma semaphore(%arg18 : memref<!tpu.dma_semaphore, #tpu.memory_space<semaphore_mem>>) src(%dma_wait3A_896 : memref<5120x128xf32, #tpu.memory_space<vmem_shared>>) dst(%arg17 : memref<80x128xf32, #tpu.memory_space<vmem>>)
    %add3A_897 = arith.constant 80 : i32
    %add3A_898 = arith.addi %mul3A_8, %add3A_897 : i32
    "tpu.region"() ({
      %run_scoped3A = tpu.sem_alloc : memref<!tpu.dma_semaphore, #tpu.memory_space<semaphore_mem>>
      %dma_start3A_1015 = arith.constant 0 : i32
      %dma_start3A_1016 = tpu.memref_slice %arg6[%arg0, %add3A_898, %dma_start3A_1015] : memref<2x5120x128xf32, #tpu.memory_space<hbm>> -> memref<1x80x128xf32, #tpu.memory_space<hbm>>
      %dma_start3A_1017 = tpu.memref_squeeze %dma_start3A_1016 : memref<1x80x128xf32, #tpu.memory_space<hbm>> -> memref<80x128xf32, #tpu.memory_space<hbm>>
      %dma_start3A_1018 = arith.constant 0 : i32
      %dma_start3A_1019 = tpu.memref_slice %arg6[%arg0, %add3A_898, %dma_start3A_1018] : memref<2x5120x128xf32, #tpu.memory_space<hbm>> -> memref<1x80x128xf32, #tpu.memory_space<hbm>>
      %dma_start3A_1020 = tpu.memref_squeeze %dma_start3A_1019 : memref<1x80x128xf32, #tpu.memory_space<hbm>> -> memref<80x128xf32, #tpu.memory_space<hbm>>
      tpu.enqueue_dma source(%arg17 : memref<80x128xf32, #tpu.memory_space<vmem>>) target(%dma_start3A_1020 : memref<80x128xf32, #tpu.memory_space<hbm>>) target_semaphore(%run_scoped3A : memref<!tpu.dma_semaphore, #tpu.memory_space<semaphore_mem>>)
      %dma_wait3A_1021 = arith.constant 0 : i32
      %dma_wait3A_1022 = tpu.memref_slice %arg6[%arg0, %add3A_898, %dma_wait3A_1021] : memref<2x5120x128xf32, #tpu.memory_space<hbm>> -> memref<1x80x128xf32, #tpu.memory_space<hbm>>
      %dma_wait3A_1023 = tpu.memref_squeeze %dma_wait3A_1022 : memref<1x80x128xf32, #tpu.memory_space<hbm>> -> memref<80x128xf32, #tpu.memory_space<hbm>>
      %dma_wait3A_1024 = arith.constant 0 : i32
      %dma_wait3A_1025 = tpu.memref_slice %arg6[%arg0, %add3A_898, %dma_wait3A_1024] : memref<2x5120x128xf32, #tpu.memory_space<hbm>> -> memref<1x80x128xf32, #tpu.memory_space<hbm>>
      %dma_wait3A_1026 = tpu.memref_squeeze %dma_wait3A_1025 : memref<1x80x128xf32, #tpu.memory_space<hbm>> -> memref<80x128xf32, #tpu.memory_space<hbm>>
      tpu.wait_dma2 semaphore(%run_scoped3A : memref<!tpu.dma_semaphore, #tpu.memory_space<semaphore_mem>>) src(%arg17 : memref<80x128xf32, #tpu.memory_space<vmem>>) dst(%dma_wait3A_1026 : memref<80x128xf32, #tpu.memory_space<hbm>>)
      tpu.yield
    }) : () -> ()
    %add3A_899 = arith.constant 160 : i32
    %add3A_900 = arith.addi %mul3A_8, %add3A_899 : i32
    %add3A_901 = arith.constant 0 : i32
    %add3A_902 = arith.addi %add3A_900, %add3A_901 : i32
    %add3A_903 = vector.broadcast %add3A_902 : i32 to vector<16xi32>
    %add3A_904 = arith.addi %add3A_903, %iota3A : vector<16xi32>
    %swap3A_905 = arith.constant 0 : index
    %swap3A_906 = tpu.vector_load %arg16[%swap3A_905] {strides = array<i32>} : memref<80xi32, #tpu.memory_space<vmem>>, vector<16xi32>,
    %swap3A_907 = vector.shape_cast %swap3A_906 : vector<16xi32> to vector<16xi32>
    %swap3A_908 = vector.shape_cast %add3A_904 : vector<16xi32> to vector<16xi32>
    tpu.vector_store %arg16[%swap3A_905], %swap3A_908 {strides = array<i32>} : memref<80xi32, #tpu.memory_space<vmem>>, vector<16xi32>,
    %add3A_909 = arith.constant 160 : i32
    %add3A_910 = arith.addi %mul3A_8, %add3A_909 : i32
    %add3A_911 = arith.constant 16 : i32
    %add3A_912 = arith.addi %add3A_910, %add3A_911 : i32
    %add3A_913 = vector.broadcast %add3A_912 : i32 to vector<16xi32>
    %add3A_914 = arith.addi %add3A_913, %iota3A : vector<16xi32>
    %swap3A_915 = arith.constant 16 : index
    %swap3A_916 = tpu.vector_load %arg16[%swap3A_915] {strides = array<i32>} : memref<80xi32, #tpu.memory_space<vmem>>, vector<16xi32>,
    %swap3A_917 = vector.shape_cast %swap3A_916 : vector<16xi32> to vector<16xi32>
    %swap3A_918 = vector.shape_cast %add3A_914 : vector<16xi32> to vector<16xi32>
    tpu.vector_store %arg16[%swap3A_915], %swap3A_918 {strides = array<i32>} : memref<80xi32, #tpu.memory_space<vmem>>, vector<16xi32>,
    %add3A_919 = arith.constant 160 : i32
    %add3A_920 = arith.addi %mul3A_8, %add3A_919 : i32
    %add3A_921 = arith.constant 32 : i32
    %add3A_922 = arith.addi %add3A_920, %add3A_921 : i32
    %add3A_923 = vector.broadcast %add3A_922 : i32 to vector<16xi32>
    %add3A_924 = arith.addi %add3A_923, %iota3A : vector<16xi32>
    %swap3A_925 = arith.constant 32 : index
    %swap3A_926 = tpu.vector_load %arg16[%swap3A_925] {strides = array<i32>} : memref<80xi32, #tpu.memory_space<vmem>>, vector<16xi32>,
    %swap3A_927 = vector.shape_cast %swap3A_926 : vector<16xi32> to vector<16xi32>
    %swap3A_928 = vector.shape_cast %add3A_924 : vector<16xi32> to vector<16xi32>
    tpu.vector_store %arg16[%swap3A_925], %swap3A_928 {strides = array<i32>} : memref<80xi32, #tpu.memory_space<vmem>>, vector<16xi32>,
    %add3A_929 = arith.constant 160 : i32
    %add3A_930 = arith.addi %mul3A_8, %add3A_929 : i32
    %add3A_931 = arith.constant 48 : i32
    %add3A_932 = arith.addi %add3A_930, %add3A_931 : i32
    %add3A_933 = vector.broadcast %add3A_932 : i32 to vector<16xi32>
    %add3A_934 = arith.addi %add3A_933, %iota3A : vector<16xi32>
    %swap3A_935 = arith.constant 48 : index
    %swap3A_936 = tpu.vector_load %arg16[%swap3A_935] {strides = array<i32>} : memref<80xi32, #tpu.memory_space<vmem>>, vector<16xi32>,
    %swap3A_937 = vector.shape_cast %swap3A_936 : vector<16xi32> to vector<16xi32>
    %swap3A_938 = vector.shape_cast %add3A_934 : vector<16xi32> to vector<16xi32>
    tpu.vector_store %arg16[%swap3A_935], %swap3A_938 {strides = array<i32>} : memref<80xi32, #tpu.memory_space<vmem>>, vector<16xi32>,
    %add3A_939 = arith.constant 160 : i32
    %add3A_940 = arith.addi %mul3A_8, %add3A_939 : i32
    %add3A_941 = arith.constant 64 : i32
    %add3A_942 = arith.addi %add3A_940, %add3A_941 : i32
    %add3A_943 = vector.broadcast %add3A_942 : i32 to vector<16xi32>
    %add3A_944 = arith.addi %add3A_943, %iota3A : vector<16xi32>
    %swap3A_945 = arith.constant 64 : index
    %swap3A_946 = tpu.vector_load %arg16[%swap3A_945] {strides = array<i32>} : memref<80xi32, #tpu.memory_space<vmem>>, vector<16xi32>,
    %swap3A_947 = vector.shape_cast %swap3A_946 : vector<16xi32> to vector<16xi32>
    %swap3A_948 = vector.shape_cast %add3A_944 : vector<16xi32> to vector<16xi32>
    tpu.vector_store %arg16[%swap3A_945], %swap3A_948 {strides = array<i32>} : memref<80xi32, #tpu.memory_space<vmem>>, vector<16xi32>,
    %dma_start3A_949 = arith.constant 0 : i32
    %dma_start3A_950 = arith.constant 0 : i32
    %dma_start3A_951 = tpu.memref_slice %arg20[%dma_start3A_949, %dma_start3A_950] : memref<5120x128xf32, #tpu.memory_space<vmem_shared>> -> memref<5120x128xf32, #tpu.memory_space<vmem_shared>>
    tpu.enqueue_indirect_dma source(%dma_start3A_951 : memref<5120x128xf32, #tpu.memory_space<vmem_shared>>) target(%arg17 : memref<80x128xf32, #tpu.memory_space<vmem>>) offsets(%arg16 : memref<80xi32, #tpu.memory_space<vmem>>) semaphore(%arg18 : memref<!tpu.dma_semaphore, #tpu.memory_space<semaphore_mem>>)
    %dma_wait3A_952 = arith.constant 0 : i32
    %dma_wait3A_953 = arith.constant 0 : i32
    %dma_wait3A_954 = tpu.memref_slice %arg20[%dma_wait3A_952, %dma_wait3A_953] : memref<5120x128xf32, #tpu.memory_space<vmem_shared>> -> memref<5120x128xf32, #tpu.memory_space<vmem_shared>>
    tpu.wait_indirect_dma semaphore(%arg18 : memref<!tpu.dma_semaphore, #tpu.memory_space<semaphore_mem>>) src(%dma_wait3A_954 : memref<5120x128xf32, #tpu.memory_space<vmem_shared>>) dst(%arg17 : memref<80x128xf32, #tpu.memory_space<vmem>>)
    %add3A_955 = arith.constant 160 : i32
    %add3A_956 = arith.addi %mul3A_8, %add3A_955 : i32
    "tpu.region"() ({
      %run_scoped3A = tpu.sem_alloc : memref<!tpu.dma_semaphore, #tpu.memory_space<semaphore_mem>>
      %dma_start3A_1015 = arith.constant 0 : i32
      %dma_start3A_1016 = tpu.memref_slice %arg6[%arg0, %add3A_956, %dma_start3A_1015] : memref<2x5120x128xf32, #tpu.memory_space<hbm>> -> memref<1x80x128xf32, #tpu.memory_space<hbm>>
      %dma_start3A_1017 = tpu.memref_squeeze %dma_start3A_1016 : memref<1x80x128xf32, #tpu.memory_space<hbm>> -> memref<80x128xf32, #tpu.memory_space<hbm>>
      %dma_start3A_1018 = arith.constant 0 : i32
      %dma_start3A_1019 = tpu.memref_slice %arg6[%arg0, %add3A_956, %dma_start3A_1018] : memref<2x5120x128xf32, #tpu.memory_space<hbm>> -> memref<1x80x128xf32, #tpu.memory_space<hbm>>
      %dma_start3A_1020 = tpu.memref_squeeze %dma_start3A_1019 : memref<1x80x128xf32, #tpu.memory_space<hbm>> -> memref<80x128xf32, #tpu.memory_space<hbm>>
      tpu.enqueue_dma source(%arg17 : memref<80x128xf32, #tpu.memory_space<vmem>>) target(%dma_start3A_1020 : memref<80x128xf32, #tpu.memory_space<hbm>>) target_semaphore(%run_scoped3A : memref<!tpu.dma_semaphore, #tpu.memory_space<semaphore_mem>>)
      %dma_wait3A_1021 = arith.constant 0 : i32
      %dma_wait3A_1022 = tpu.memref_slice %arg6[%arg0, %add3A_956, %dma_wait3A_1021] : memref<2x5120x128xf32, #tpu.memory_space<hbm>> -> memref<1x80x128xf32, #tpu.memory_space<hbm>>
      %dma_wait3A_1023 = tpu.memref_squeeze %dma_wait3A_1022 : memref<1x80x128xf32, #tpu.memory_space<hbm>> -> memref<80x128xf32, #tpu.memory_space<hbm>>
      %dma_wait3A_1024 = arith.constant 0 : i32
      %dma_wait3A_1025 = tpu.memref_slice %arg6[%arg0, %add3A_956, %dma_wait3A_1024] : memref<2x5120x128xf32, #tpu.memory_space<hbm>> -> memref<1x80x128xf32, #tpu.memory_space<hbm>>
      %dma_wait3A_1026 = tpu.memref_squeeze %dma_wait3A_1025 : memref<1x80x128xf32, #tpu.memory_space<hbm>> -> memref<80x128xf32, #tpu.memory_space<hbm>>
      tpu.wait_dma2 semaphore(%run_scoped3A : memref<!tpu.dma_semaphore, #tpu.memory_space<semaphore_mem>>) src(%arg17 : memref<80x128xf32, #tpu.memory_space<vmem>>) dst(%dma_wait3A_1026 : memref<80x128xf32, #tpu.memory_space<hbm>>)
      tpu.yield
    }) : () -> ()
    %add3A_957 = arith.constant 240 : i32
    %add3A_958 = arith.addi %mul3A_8, %add3A_957 : i32
    %add3A_959 = arith.constant 0 : i32
    %add3A_960 = arith.addi %add3A_958, %add3A_959 : i32
    %add3A_961 = vector.broadcast %add3A_960 : i32 to vector<16xi32>
    %add3A_962 = arith.addi %add3A_961, %iota3A : vector<16xi32>
    %swap3A_963 = arith.constant 0 : index
    %swap3A_964 = tpu.vector_load %arg16[%swap3A_963] {strides = array<i32>} : memref<80xi32, #tpu.memory_space<vmem>>, vector<16xi32>,
    %swap3A_965 = vector.shape_cast %swap3A_964 : vector<16xi32> to vector<16xi32>
    %swap3A_966 = vector.shape_cast %add3A_962 : vector<16xi32> to vector<16xi32>
    tpu.vector_store %arg16[%swap3A_963], %swap3A_966 {strides = array<i32>} : memref<80xi32, #tpu.memory_space<vmem>>, vector<16xi32>,
    %add3A_967 = arith.constant 240 : i32
    %add3A_968 = arith.addi %mul3A_8, %add3A_967 : i32
    %add3A_969 = arith.constant 16 : i32
    %add3A_970 = arith.addi %add3A_968, %add3A_969 : i32
    %add3A_971 = vector.broadcast %add3A_970 : i32 to vector<16xi32>
    %add3A_972 = arith.addi %add3A_971, %iota3A : vector<16xi32>
    %swap3A_973 = arith.constant 16 : index
    %swap3A_974 = tpu.vector_load %arg16[%swap3A_973] {strides = array<i32>} : memref<80xi32, #tpu.memory_space<vmem>>, vector<16xi32>,
    %swap3A_975 = vector.shape_cast %swap3A_974 : vector<16xi32> to vector<16xi32>
    %swap3A_976 = vector.shape_cast %add3A_972 : vector<16xi32> to vector<16xi32>
    tpu.vector_store %arg16[%swap3A_973], %swap3A_976 {strides = array<i32>} : memref<80xi32, #tpu.memory_space<vmem>>, vector<16xi32>,
    %add3A_977 = arith.constant 240 : i32
    %add3A_978 = arith.addi %mul3A_8, %add3A_977 : i32
    %add3A_979 = arith.constant 32 : i32
    %add3A_980 = arith.addi %add3A_978, %add3A_979 : i32
    %add3A_981 = vector.broadcast %add3A_980 : i32 to vector<16xi32>
    %add3A_982 = arith.addi %add3A_981, %iota3A : vector<16xi32>
    %swap3A_983 = arith.constant 32 : index
    %swap3A_984 = tpu.vector_load %arg16[%swap3A_983] {strides = array<i32>} : memref<80xi32, #tpu.memory_space<vmem>>, vector<16xi32>,
    %swap3A_985 = vector.shape_cast %swap3A_984 : vector<16xi32> to vector<16xi32>
    %swap3A_986 = vector.shape_cast %add3A_982 : vector<16xi32> to vector<16xi32>
    tpu.vector_store %arg16[%swap3A_983], %swap3A_986 {strides = array<i32>} : memref<80xi32, #tpu.memory_space<vmem>>, vector<16xi32>,
    %add3A_987 = arith.constant 240 : i32
    %add3A_988 = arith.addi %mul3A_8, %add3A_987 : i32
    %add3A_989 = arith.constant 48 : i32
    %add3A_990 = arith.addi %add3A_988, %add3A_989 : i32
    %add3A_991 = vector.broadcast %add3A_990 : i32 to vector<16xi32>
    %add3A_992 = arith.addi %add3A_991, %iota3A : vector<16xi32>
    %swap3A_993 = arith.constant 48 : index
    %swap3A_994 = tpu.vector_load %arg16[%swap3A_993] {strides = array<i32>} : memref<80xi32, #tpu.memory_space<vmem>>, vector<16xi32>,
    %swap3A_995 = vector.shape_cast %swap3A_994 : vector<16xi32> to vector<16xi32>
    %swap3A_996 = vector.shape_cast %add3A_992 : vector<16xi32> to vector<16xi32>
    tpu.vector_store %arg16[%swap3A_993], %swap3A_996 {strides = array<i32>} : memref<80xi32, #tpu.memory_space<vmem>>, vector<16xi32>,
    %add3A_997 = arith.constant 240 : i32
    %add3A_998 = arith.addi %mul3A_8, %add3A_997 : i32
    %add3A_999 = arith.constant 64 : i32
    %add3A_1000 = arith.addi %add3A_998, %add3A_999 : i32
    %add3A_1001 = vector.broadcast %add3A_1000 : i32 to vector<16xi32>
    %add3A_1002 = arith.addi %add3A_1001, %iota3A : vector<16xi32>
    %swap3A_1003 = arith.constant 64 : index
    %swap3A_1004 = tpu.vector_load %arg16[%swap3A_1003] {strides = array<i32>} : memref<80xi32, #tpu.memory_space<vmem>>, vector<16xi32>,
    %swap3A_1005 = vector.shape_cast %swap3A_1004 : vector<16xi32> to vector<16xi32>
    %swap3A_1006 = vector.shape_cast %add3A_1002 : vector<16xi32> to vector<16xi32>
    tpu.vector_store %arg16[%swap3A_1003], %swap3A_1006 {strides = array<i32>} : memref<80xi32, #tpu.memory_space<vmem>>, vector<16xi32>,
    %dma_start3A_1007 = arith.constant 0 : i32
    %dma_start3A_1008 = arith.constant 0 : i32
    %dma_start3A_1009 = tpu.memref_slice %arg20[%dma_start3A_1007, %dma_start3A_1008] : memref<5120x128xf32, #tpu.memory_space<vmem_shared>> -> memref<5120x128xf32, #tpu.memory_space<vmem_shared>>
    tpu.enqueue_indirect_dma source(%dma_start3A_1009 : memref<5120x128xf32, #tpu.memory_space<vmem_shared>>) target(%arg17 : memref<80x128xf32, #tpu.memory_space<vmem>>) offsets(%arg16 : memref<80xi32, #tpu.memory_space<vmem>>) semaphore(%arg18 : memref<!tpu.dma_semaphore, #tpu.memory_space<semaphore_mem>>)
    %dma_wait3A_1010 = arith.constant 0 : i32
    %dma_wait3A_1011 = arith.constant 0 : i32
    %dma_wait3A_1012 = tpu.memref_slice %arg20[%dma_wait3A_1010, %dma_wait3A_1011] : memref<5120x128xf32, #tpu.memory_space<vmem_shared>> -> memref<5120x128xf32, #tpu.memory_space<vmem_shared>>
    tpu.wait_indirect_dma semaphore(%arg18 : memref<!tpu.dma_semaphore, #tpu.memory_space<semaphore_mem>>) src(%dma_wait3A_1012 : memref<5120x128xf32, #tpu.memory_space<vmem_shared>>) dst(%arg17 : memref<80x128xf32, #tpu.memory_space<vmem>>)
    %add3A_1013 = arith.constant 240 : i32
    %add3A_1014 = arith.addi %mul3A_8, %add3A_1013 : i32
    "tpu.region"() ({
      %run_scoped3A = tpu.sem_alloc : memref<!tpu.dma_semaphore, #tpu.memory_space<semaphore_mem>>
      %dma_start3A_1015 = arith.constant 0 : i32
      %dma_start3A_1016 = tpu.memref_slice %arg6[%arg0, %add3A_1014, %dma_start3A_1015] : memref<2x5120x128xf32, #tpu.memory_space<hbm>> -> memref<1x80x128xf32, #tpu.memory_space<hbm>>
      %dma_start3A_1017 = tpu.memref_squeeze %dma_start3A_1016 : memref<1x80x128xf32, #tpu.memory_space<hbm>> -> memref<80x128xf32, #tpu.memory_space<hbm>>
      %dma_start3A_1018 = arith.constant 0 : i32
      %dma_start3A_1019 = tpu.memref_slice %arg6[%arg0, %add3A_1014, %dma_start3A_1018] : memref<2x5120x128xf32, #tpu.memory_space<hbm>> -> memref<1x80x128xf32, #tpu.memory_space<hbm>>
      %dma_start3A_1020 = tpu.memref_squeeze %dma_start3A_1019 : memref<1x80x128xf32, #tpu.memory_space<hbm>> -> memref<80x128xf32, #tpu.memory_space<hbm>>
      tpu.enqueue_dma source(%arg17 : memref<80x128xf32, #tpu.memory_space<vmem>>) target(%dma_start3A_1020 : memref<80x128xf32, #tpu.memory_space<hbm>>) target_semaphore(%run_scoped3A : memref<!tpu.dma_semaphore, #tpu.memory_space<semaphore_mem>>)
      %dma_wait3A_1021 = arith.constant 0 : i32
      %dma_wait3A_1022 = tpu.memref_slice %arg6[%arg0, %add3A_1014, %dma_wait3A_1021] : memref<2x5120x128xf32, #tpu.memory_space<hbm>> -> memref<1x80x128xf32, #tpu.memory_space<hbm>>
      %dma_wait3A_1023 = tpu.memref_squeeze %dma_wait3A_1022 : memref<1x80x128xf32, #tpu.memory_space<hbm>> -> memref<80x128xf32, #tpu.memory_space<hbm>>
      %dma_wait3A_1024 = arith.constant 0 : i32
      %dma_wait3A_1025 = tpu.memref_slice %arg6[%arg0, %add3A_1014, %dma_wait3A_1024] : memref<2x5120x128xf32, #tpu.memory_space<hbm>> -> memref<1x80x128xf32, #tpu.memory_space<hbm>>
      %dma_wait3A_1026 = tpu.memref_squeeze %dma_wait3A_1025 : memref<1x80x128xf32, #tpu.memory_space<hbm>> -> memref<80x128xf32, #tpu.memory_space<hbm>>
      tpu.wait_dma2 semaphore(%run_scoped3A : memref<!tpu.dma_semaphore, #tpu.memory_space<semaphore_mem>>) src(%arg17 : memref<80x128xf32, #tpu.memory_space<vmem>>) dst(%dma_wait3A_1026 : memref<80x128xf32, #tpu.memory_space<hbm>>)
      tpu.yield
    }) : () -> ()
    return
  }
}

#map = affine_map<(d0, d1) -> (0, 0)>
#map1 = affine_map<(d0, d1) -> (0, 0, 0, 0)>
#map2 = affine_map<(d0, d1) -> (0, 0, 0)>
module attributes {stable_mosaic.version = 14 : i64} {
  func.func @_sc_segsum_body(%arg0: i32, %arg1: i32, %arg2: memref<5000x128xf32, #tpu.memory_space<hbm>>, %arg3: memref<2x16x63x80xi32, #tpu.memory_space<hbm>>, %arg4: memref<2x16x63x80xi32, #tpu.memory_space<hbm>>, %arg5: memref<2x1024x128xf32, #tpu.memory_space<hbm>>, %arg6: memref<2x1024x128xf32, #tpu.memory_space<hbm>>, %arg7: memref<63x80xi32, #tpu.memory_space<vmem>>, %arg8: memref<63x80xi32, #tpu.memory_space<vmem>>, %arg9: memref<80xi32, #tpu.memory_space<vmem>>, %arg10: memref<80xi32, #tpu.memory_space<vmem>>, %arg11: memref<80xi32, #tpu.memory_space<vmem>>, %arg12: memref<80xi32, #tpu.memory_space<vmem>>, %arg13: memref<80x128xf32, #tpu.memory_space<vmem>>, %arg14: memref<80x128xf32, #tpu.memory_space<vmem>>, %arg15: memref<80x128xf32, #tpu.memory_space<vmem>>, %arg16: memref<64xi32, #tpu.memory_space<vmem>>, %arg17: memref<64x128xf32, #tpu.memory_space<vmem>>, %arg18: memref<!tpu.dma_semaphore, #tpu.memory_space<semaphore_mem>>, %arg19: memref<!tpu.dma_semaphore, #tpu.memory_space<semaphore_mem>>, %arg20: memref<1024x128xf32, #tpu.memory_space<vmem_shared>>, %arg21: memref<1024x128xf32, #tpu.memory_space<vmem_shared>>) attributes {dimension_semantics = [#tpu.dimension_semantics<core_parallel>, #tpu.dimension_semantics<subcore_parallel>], iteration_bounds = array<i64: 2, 16>, scalar_prefetch = 0 : i64, scratch_operands = 15 : i64, tpu.core_type = #tpu.core_type<sc_vector_subcore>, window_params = [{transform_indices = #map}, {transform_indices = #map1}, {transform_indices = #map1}, {transform_indices = #map2}, {transform_indices = #map2}]} {
    "tpu.region"() ({
      %run_scoped3A = tpu.sem_alloc : memref<!tpu.dma_semaphore, #tpu.memory_space<semaphore_mem>>
      %dma_start3A_273 = arith.constant 0 : i32
      %dma_start3A_274 = arith.constant 0 : i32
      %dma_start3A_275 = tpu.memref_slice %arg3[%arg0, %arg1, %dma_start3A_273, %dma_start3A_274] : memref<2x16x63x80xi32, #tpu.memory_space<hbm>> -> memref<1x1x63x80xi32, #tpu.memory_space<hbm>>
      %dma_start3A_276 = tpu.memref_squeeze %dma_start3A_275 : memref<1x1x63x80xi32, #tpu.memory_space<hbm>> -> memref<63x80xi32, #tpu.memory_space<hbm>>
      %dma_start3A_277 = arith.constant 0 : i32
      %dma_start3A_278 = arith.constant 0 : i32
      %dma_start3A_279 = tpu.memref_slice %arg3[%arg0, %arg1, %dma_start3A_277, %dma_start3A_278] : memref<2x16x63x80xi32, #tpu.memory_space<hbm>> -> memref<1x1x63x80xi32, #tpu.memory_space<hbm>>
      %dma_start3A_280 = tpu.memref_squeeze %dma_start3A_279 : memref<1x1x63x80xi32, #tpu.memory_space<hbm>> -> memref<63x80xi32, #tpu.memory_space<hbm>>
      tpu.enqueue_dma source(%dma_start3A_280 : memref<63x80xi32, #tpu.memory_space<hbm>>) target(%arg7 : memref<63x80xi32, #tpu.memory_space<vmem>>) target_semaphore(%run_scoped3A : memref<!tpu.dma_semaphore, #tpu.memory_space<semaphore_mem>>)
      %dma_wait3A_281 = arith.constant 0 : i32
      %dma_wait3A_282 = arith.constant 0 : i32
      %dma_wait3A_283 = tpu.memref_slice %arg3[%arg0, %arg1, %dma_wait3A_281, %dma_wait3A_282] : memref<2x16x63x80xi32, #tpu.memory_space<hbm>> -> memref<1x1x63x80xi32, #tpu.memory_space<hbm>>
      %dma_wait3A_284 = tpu.memref_squeeze %dma_wait3A_283 : memref<1x1x63x80xi32, #tpu.memory_space<hbm>> -> memref<63x80xi32, #tpu.memory_space<hbm>>
      %dma_wait3A_285 = arith.constant 0 : i32
      %dma_wait3A_286 = arith.constant 0 : i32
      %dma_wait3A_287 = tpu.memref_slice %arg3[%arg0, %arg1, %dma_wait3A_285, %dma_wait3A_286] : memref<2x16x63x80xi32, #tpu.memory_space<hbm>> -> memref<1x1x63x80xi32, #tpu.memory_space<hbm>>
      %dma_wait3A_288 = tpu.memref_squeeze %dma_wait3A_287 : memref<1x1x63x80xi32, #tpu.memory_space<hbm>> -> memref<63x80xi32, #tpu.memory_space<hbm>>
      tpu.wait_dma2 semaphore(%run_scoped3A : memref<!tpu.dma_semaphore, #tpu.memory_space<semaphore_mem>>) src(%dma_wait3A_288 : memref<63x80xi32, #tpu.memory_space<hbm>>) dst(%arg7 : memref<63x80xi32, #tpu.memory_space<vmem>>)
      tpu.yield
    }) : () -> ()
    "tpu.region"() ({
      %run_scoped3A = tpu.sem_alloc : memref<!tpu.dma_semaphore, #tpu.memory_space<semaphore_mem>>
      %dma_start3A_273 = arith.constant 0 : i32
      %dma_start3A_274 = arith.constant 0 : i32
      %dma_start3A_275 = tpu.memref_slice %arg4[%arg0, %arg1, %dma_start3A_273, %dma_start3A_274] : memref<2x16x63x80xi32, #tpu.memory_space<hbm>> -> memref<1x1x63x80xi32, #tpu.memory_space<hbm>>
      %dma_start3A_276 = tpu.memref_squeeze %dma_start3A_275 : memref<1x1x63x80xi32, #tpu.memory_space<hbm>> -> memref<63x80xi32, #tpu.memory_space<hbm>>
      %dma_start3A_277 = arith.constant 0 : i32
      %dma_start3A_278 = arith.constant 0 : i32
      %dma_start3A_279 = tpu.memref_slice %arg4[%arg0, %arg1, %dma_start3A_277, %dma_start3A_278] : memref<2x16x63x80xi32, #tpu.memory_space<hbm>> -> memref<1x1x63x80xi32, #tpu.memory_space<hbm>>
      %dma_start3A_280 = tpu.memref_squeeze %dma_start3A_279 : memref<1x1x63x80xi32, #tpu.memory_space<hbm>> -> memref<63x80xi32, #tpu.memory_space<hbm>>
      tpu.enqueue_dma source(%dma_start3A_280 : memref<63x80xi32, #tpu.memory_space<hbm>>) target(%arg8 : memref<63x80xi32, #tpu.memory_space<vmem>>) target_semaphore(%run_scoped3A : memref<!tpu.dma_semaphore, #tpu.memory_space<semaphore_mem>>)
      %dma_wait3A_281 = arith.constant 0 : i32
      %dma_wait3A_282 = arith.constant 0 : i32
      %dma_wait3A_283 = tpu.memref_slice %arg4[%arg0, %arg1, %dma_wait3A_281, %dma_wait3A_282] : memref<2x16x63x80xi32, #tpu.memory_space<hbm>> -> memref<1x1x63x80xi32, #tpu.memory_space<hbm>>
      %dma_wait3A_284 = tpu.memref_squeeze %dma_wait3A_283 : memref<1x1x63x80xi32, #tpu.memory_space<hbm>> -> memref<63x80xi32, #tpu.memory_space<hbm>>
      %dma_wait3A_285 = arith.constant 0 : i32
      %dma_wait3A_286 = arith.constant 0 : i32
      %dma_wait3A_287 = tpu.memref_slice %arg4[%arg0, %arg1, %dma_wait3A_285, %dma_wait3A_286] : memref<2x16x63x80xi32, #tpu.memory_space<hbm>> -> memref<1x1x63x80xi32, #tpu.memory_space<hbm>>
      %dma_wait3A_288 = tpu.memref_squeeze %dma_wait3A_287 : memref<1x1x63x80xi32, #tpu.memory_space<hbm>> -> memref<63x80xi32, #tpu.memory_space<hbm>>
      tpu.wait_dma2 semaphore(%run_scoped3A : memref<!tpu.dma_semaphore, #tpu.memory_space<semaphore_mem>>) src(%dma_wait3A_288 : memref<63x80xi32, #tpu.memory_space<hbm>>) dst(%arg8 : memref<63x80xi32, #tpu.memory_space<vmem>>)
      tpu.yield
    }) : () -> ()
    %broadcast_in_dim3A = arith.constant 0.000000e+00 : f32
    %broadcast_in_dim3A_0 = vector.broadcast %broadcast_in_dim3A : f32 to vector<16xf32>
    %broadcast_in_dim3A_1 = arith.constant 1.000000e+00 : f32
    %broadcast_in_dim3A_2 = vector.broadcast %broadcast_in_dim3A_1 : f32 to vector<16xf32>
    %scan3A = arith.constant 0 : i32
    %scan3A_3 = arith.constant 0 : i32
    %scan3A_4 = arith.constant 80 : i32
    %scan3A_5 = arith.addi %scan3A_3, %scan3A_4 : i32
    %scan3A_6 = arith.constant 1 : i32
    scf.for %scan3A_273 = %scan3A_3 to %scan3A_5 step %scan3A_6  : i32 {
      %swap3A_274 = arith.index_cast %scan3A_273 : i32 to index
      %swap3A_275 = arith.constant 0 : index
      %swap3A_276 = tpu.vector_load %arg15[%swap3A_274, %swap3A_275] {strides = array<i32>} : memref<80x128xf32, #tpu.memory_space<vmem>>, vector<1x16xf32>,
      %swap3A_277 = vector.shape_cast %swap3A_276 : vector<1x16xf32> to vector<16xf32>
      %swap3A_278 = vector.shape_cast %broadcast_in_dim3A_2 : vector<16xf32> to vector<1x16xf32>
      tpu.vector_store %arg15[%swap3A_274, %swap3A_275], %swap3A_278 {strides = array<i32>} : memref<80x128xf32, #tpu.memory_space<vmem>>, vector<1x16xf32>,
      %swap3A_279 = arith.index_cast %scan3A_273 : i32 to index
      %swap3A_280 = arith.constant 16 : index
      %swap3A_281 = tpu.vector_load %arg15[%swap3A_279, %swap3A_280] {strides = array<i32>} : memref<80x128xf32, #tpu.memory_space<vmem>>, vector<1x16xf32>,
      %swap3A_282 = vector.shape_cast %swap3A_281 : vector<1x16xf32> to vector<16xf32>
      %swap3A_283 = vector.shape_cast %broadcast_in_dim3A_2 : vector<16xf32> to vector<1x16xf32>
      tpu.vector_store %arg15[%swap3A_279, %swap3A_280], %swap3A_283 {strides = array<i32>} : memref<80x128xf32, #tpu.memory_space<vmem>>, vector<1x16xf32>,
      %swap3A_284 = arith.index_cast %scan3A_273 : i32 to index
      %swap3A_285 = arith.constant 32 : index
      %swap3A_286 = tpu.vector_load %arg15[%swap3A_284, %swap3A_285] {strides = array<i32>} : memref<80x128xf32, #tpu.memory_space<vmem>>, vector<1x16xf32>,
      %swap3A_287 = vector.shape_cast %swap3A_286 : vector<1x16xf32> to vector<16xf32>
      %swap3A_288 = vector.shape_cast %broadcast_in_dim3A_2 : vector<16xf32> to vector<1x16xf32>
      tpu.vector_store %arg15[%swap3A_284, %swap3A_285], %swap3A_288 {strides = array<i32>} : memref<80x128xf32, #tpu.memory_space<vmem>>, vector<1x16xf32>,
      %swap3A_289 = arith.index_cast %scan3A_273 : i32 to index
      %swap3A_290 = arith.constant 48 : index
      %swap3A_291 = tpu.vector_load %arg15[%swap3A_289, %swap3A_290] {strides = array<i32>} : memref<80x128xf32, #tpu.memory_space<vmem>>, vector<1x16xf32>,
      %swap3A_292 = vector.shape_cast %swap3A_291 : vector<1x16xf32> to vector<16xf32>
      %swap3A_293 = vector.shape_cast %broadcast_in_dim3A_2 : vector<16xf32> to vector<1x16xf32>
      tpu.vector_store %arg15[%swap3A_289, %swap3A_290], %swap3A_293 {strides = array<i32>} : memref<80x128xf32, #tpu.memory_space<vmem>>, vector<1x16xf32>,
      %swap3A_294 = arith.index_cast %scan3A_273 : i32 to index
      %swap3A_295 = arith.constant 64 : index
      %swap3A_296 = tpu.vector_load %arg15[%swap3A_294, %swap3A_295] {strides = array<i32>} : memref<80x128xf32, #tpu.memory_space<vmem>>, vector<1x16xf32>,
      %swap3A_297 = vector.shape_cast %swap3A_296 : vector<1x16xf32> to vector<16xf32>
      %swap3A_298 = vector.shape_cast %broadcast_in_dim3A_2 : vector<16xf32> to vector<1x16xf32>
      tpu.vector_store %arg15[%swap3A_294, %swap3A_295], %swap3A_298 {strides = array<i32>} : memref<80x128xf32, #tpu.memory_space<vmem>>, vector<1x16xf32>,
      %swap3A_299 = arith.index_cast %scan3A_273 : i32 to index
      %swap3A_300 = arith.constant 80 : index
      %swap3A_301 = tpu.vector_load %arg15[%swap3A_299, %swap3A_300] {strides = array<i32>} : memref<80x128xf32, #tpu.memory_space<vmem>>, vector<1x16xf32>,
      %swap3A_302 = vector.shape_cast %swap3A_301 : vector<1x16xf32> to vector<16xf32>
      %swap3A_303 = vector.shape_cast %broadcast_in_dim3A_2 : vector<16xf32> to vector<1x16xf32>
      tpu.vector_store %arg15[%swap3A_299, %swap3A_300], %swap3A_303 {strides = array<i32>} : memref<80x128xf32, #tpu.memory_space<vmem>>, vector<1x16xf32>,
      %swap3A_304 = arith.index_cast %scan3A_273 : i32 to index
      %swap3A_305 = arith.constant 96 : index
      %swap3A_306 = tpu.vector_load %arg15[%swap3A_304, %swap3A_305] {strides = array<i32>} : memref<80x128xf32, #tpu.memory_space<vmem>>, vector<1x16xf32>,
      %swap3A_307 = vector.shape_cast %swap3A_306 : vector<1x16xf32> to vector<16xf32>
      %swap3A_308 = vector.shape_cast %broadcast_in_dim3A_2 : vector<16xf32> to vector<1x16xf32>
      tpu.vector_store %arg15[%swap3A_304, %swap3A_305], %swap3A_308 {strides = array<i32>} : memref<80x128xf32, #tpu.memory_space<vmem>>, vector<1x16xf32>,
      %swap3A_309 = arith.index_cast %scan3A_273 : i32 to index
      %swap3A_310 = arith.constant 112 : index
      %swap3A_311 = tpu.vector_load %arg15[%swap3A_309, %swap3A_310] {strides = array<i32>} : memref<80x128xf32, #tpu.memory_space<vmem>>, vector<1x16xf32>,
      %swap3A_312 = vector.shape_cast %swap3A_311 : vector<1x16xf32> to vector<16xf32>
      %swap3A_313 = vector.shape_cast %broadcast_in_dim3A_2 : vector<16xf32> to vector<1x16xf32>
      tpu.vector_store %arg15[%swap3A_309, %swap3A_310], %swap3A_313 {strides = array<i32>} : memref<80x128xf32, #tpu.memory_space<vmem>>, vector<1x16xf32>,
    }
    %scan3A_7 = arith.constant 80 : i32
    %iota3A = tpu.iota {dimensions = array<i32: 0>} : vector<16xi32>
    %mul3A = arith.constant 64 : i32
    %mul3A_8 = arith.muli %arg1, %mul3A : i32
    %scan3A_9 = arith.constant 0 : i32
    %scan3A_10 = arith.constant 0 : i32
    %scan3A_11 = arith.constant 64 : i32
    %scan3A_12 = arith.addi %scan3A_10, %scan3A_11 : i32
    %scan3A_13 = arith.constant 1 : i32
    scf.for %scan3A_273 = %scan3A_10 to %scan3A_12 step %scan3A_13  : i32 {
      %swap3A_274 = arith.index_cast %scan3A_273 : i32 to index
      %swap3A_275 = arith.constant 0 : index
      %swap3A_276 = tpu.vector_load %arg17[%swap3A_274, %swap3A_275] {strides = array<i32>} : memref<64x128xf32, #tpu.memory_space<vmem>>, vector<1x16xf32>,
      %swap3A_277 = vector.shape_cast %swap3A_276 : vector<1x16xf32> to vector<16xf32>
      %swap3A_278 = vector.shape_cast %broadcast_in_dim3A_0 : vector<16xf32> to vector<1x16xf32>
      tpu.vector_store %arg17[%swap3A_274, %swap3A_275], %swap3A_278 {strides = array<i32>} : memref<64x128xf32, #tpu.memory_space<vmem>>, vector<1x16xf32>,
      %swap3A_279 = arith.index_cast %scan3A_273 : i32 to index
      %swap3A_280 = arith.constant 16 : index
      %swap3A_281 = tpu.vector_load %arg17[%swap3A_279, %swap3A_280] {strides = array<i32>} : memref<64x128xf32, #tpu.memory_space<vmem>>, vector<1x16xf32>,
      %swap3A_282 = vector.shape_cast %swap3A_281 : vector<1x16xf32> to vector<16xf32>
      %swap3A_283 = vector.shape_cast %broadcast_in_dim3A_0 : vector<16xf32> to vector<1x16xf32>
      tpu.vector_store %arg17[%swap3A_279, %swap3A_280], %swap3A_283 {strides = array<i32>} : memref<64x128xf32, #tpu.memory_space<vmem>>, vector<1x16xf32>,
      %swap3A_284 = arith.index_cast %scan3A_273 : i32 to index
      %swap3A_285 = arith.constant 32 : index
      %swap3A_286 = tpu.vector_load %arg17[%swap3A_284, %swap3A_285] {strides = array<i32>} : memref<64x128xf32, #tpu.memory_space<vmem>>, vector<1x16xf32>,
      %swap3A_287 = vector.shape_cast %swap3A_286 : vector<1x16xf32> to vector<16xf32>
      %swap3A_288 = vector.shape_cast %broadcast_in_dim3A_0 : vector<16xf32> to vector<1x16xf32>
      tpu.vector_store %arg17[%swap3A_284, %swap3A_285], %swap3A_288 {strides = array<i32>} : memref<64x128xf32, #tpu.memory_space<vmem>>, vector<1x16xf32>,
      %swap3A_289 = arith.index_cast %scan3A_273 : i32 to index
      %swap3A_290 = arith.constant 48 : index
      %swap3A_291 = tpu.vector_load %arg17[%swap3A_289, %swap3A_290] {strides = array<i32>} : memref<64x128xf32, #tpu.memory_space<vmem>>, vector<1x16xf32>,
      %swap3A_292 = vector.shape_cast %swap3A_291 : vector<1x16xf32> to vector<16xf32>
      %swap3A_293 = vector.shape_cast %broadcast_in_dim3A_0 : vector<16xf32> to vector<1x16xf32>
      tpu.vector_store %arg17[%swap3A_289, %swap3A_290], %swap3A_293 {strides = array<i32>} : memref<64x128xf32, #tpu.memory_space<vmem>>, vector<1x16xf32>,
      %swap3A_294 = arith.index_cast %scan3A_273 : i32 to index
      %swap3A_295 = arith.constant 64 : index
      %swap3A_296 = tpu.vector_load %arg17[%swap3A_294, %swap3A_295] {strides = array<i32>} : memref<64x128xf32, #tpu.memory_space<vmem>>, vector<1x16xf32>,
      %swap3A_297 = vector.shape_cast %swap3A_296 : vector<1x16xf32> to vector<16xf32>
      %swap3A_298 = vector.shape_cast %broadcast_in_dim3A_0 : vector<16xf32> to vector<1x16xf32>
      tpu.vector_store %arg17[%swap3A_294, %swap3A_295], %swap3A_298 {strides = array<i32>} : memref<64x128xf32, #tpu.memory_space<vmem>>, vector<1x16xf32>,
      %swap3A_299 = arith.index_cast %scan3A_273 : i32 to index
      %swap3A_300 = arith.constant 80 : index
      %swap3A_301 = tpu.vector_load %arg17[%swap3A_299, %swap3A_300] {strides = array<i32>} : memref<64x128xf32, #tpu.memory_space<vmem>>, vector<1x16xf32>,
      %swap3A_302 = vector.shape_cast %swap3A_301 : vector<1x16xf32> to vector<16xf32>
      %swap3A_303 = vector.shape_cast %broadcast_in_dim3A_0 : vector<16xf32> to vector<1x16xf32>
      tpu.vector_store %arg17[%swap3A_299, %swap3A_300], %swap3A_303 {strides = array<i32>} : memref<64x128xf32, #tpu.memory_space<vmem>>, vector<1x16xf32>,
      %swap3A_304 = arith.index_cast %scan3A_273 : i32 to index
      %swap3A_305 = arith.constant 96 : index
      %swap3A_306 = tpu.vector_load %arg17[%swap3A_304, %swap3A_305] {strides = array<i32>} : memref<64x128xf32, #tpu.memory_space<vmem>>, vector<1x16xf32>,
      %swap3A_307 = vector.shape_cast %swap3A_306 : vector<1x16xf32> to vector<16xf32>
      %swap3A_308 = vector.shape_cast %broadcast_in_dim3A_0 : vector<16xf32> to vector<1x16xf32>
      tpu.vector_store %arg17[%swap3A_304, %swap3A_305], %swap3A_308 {strides = array<i32>} : memref<64x128xf32, #tpu.memory_space<vmem>>, vector<1x16xf32>,
      %swap3A_309 = arith.index_cast %scan3A_273 : i32 to index
      %swap3A_310 = arith.constant 112 : index
      %swap3A_311 = tpu.vector_load %arg17[%swap3A_309, %swap3A_310] {strides = array<i32>} : memref<64x128xf32, #tpu.memory_space<vmem>>, vector<1x16xf32>,
      %swap3A_312 = vector.shape_cast %swap3A_311 : vector<1x16xf32> to vector<16xf32>
      %swap3A_313 = vector.shape_cast %broadcast_in_dim3A_0 : vector<16xf32> to vector<1x16xf32>
      tpu.vector_store %arg17[%swap3A_309, %swap3A_310], %swap3A_313 {strides = array<i32>} : memref<64x128xf32, #tpu.memory_space<vmem>>, vector<1x16xf32>,
    }
    %scan3A_14 = arith.constant 64 : i32
    %add3A = arith.constant 0 : i32
    %add3A_15 = arith.addi %mul3A_8, %add3A : i32
    %add3A_16 = arith.constant 0 : i32
    %add3A_17 = arith.addi %add3A_15, %add3A_16 : i32
    %add3A_18 = vector.broadcast %add3A_17 : i32 to vector<16xi32>
    %add3A_19 = arith.addi %add3A_18, %iota3A : vector<16xi32>
    %swap3A = arith.constant 0 : index
    %swap3A_20 = tpu.vector_load %arg16[%swap3A] {strides = array<i32>} : memref<64xi32, #tpu.memory_space<vmem>>, vector<16xi32>,
    %swap3A_21 = vector.shape_cast %swap3A_20 : vector<16xi32> to vector<16xi32>
    %swap3A_22 = vector.shape_cast %add3A_19 : vector<16xi32> to vector<16xi32>
    tpu.vector_store %arg16[%swap3A], %swap3A_22 {strides = array<i32>} : memref<64xi32, #tpu.memory_space<vmem>>, vector<16xi32>,
    %add3A_23 = arith.constant 0 : i32
    %add3A_24 = arith.addi %mul3A_8, %add3A_23 : i32
    %add3A_25 = arith.constant 16 : i32
    %add3A_26 = arith.addi %add3A_24, %add3A_25 : i32
    %add3A_27 = vector.broadcast %add3A_26 : i32 to vector<16xi32>
    %add3A_28 = arith.addi %add3A_27, %iota3A : vector<16xi32>
    %swap3A_29 = arith.constant 16 : index
    %swap3A_30 = tpu.vector_load %arg16[%swap3A_29] {strides = array<i32>} : memref<64xi32, #tpu.memory_space<vmem>>, vector<16xi32>,
    %swap3A_31 = vector.shape_cast %swap3A_30 : vector<16xi32> to vector<16xi32>
    %swap3A_32 = vector.shape_cast %add3A_28 : vector<16xi32> to vector<16xi32>
    tpu.vector_store %arg16[%swap3A_29], %swap3A_32 {strides = array<i32>} : memref<64xi32, #tpu.memory_space<vmem>>, vector<16xi32>,
    %add3A_33 = arith.constant 0 : i32
    %add3A_34 = arith.addi %mul3A_8, %add3A_33 : i32
    %add3A_35 = arith.constant 32 : i32
    %add3A_36 = arith.addi %add3A_34, %add3A_35 : i32
    %add3A_37 = vector.broadcast %add3A_36 : i32 to vector<16xi32>
    %add3A_38 = arith.addi %add3A_37, %iota3A : vector<16xi32>
    %swap3A_39 = arith.constant 32 : index
    %swap3A_40 = tpu.vector_load %arg16[%swap3A_39] {strides = array<i32>} : memref<64xi32, #tpu.memory_space<vmem>>, vector<16xi32>,
    %swap3A_41 = vector.shape_cast %swap3A_40 : vector<16xi32> to vector<16xi32>
    %swap3A_42 = vector.shape_cast %add3A_38 : vector<16xi32> to vector<16xi32>
    tpu.vector_store %arg16[%swap3A_39], %swap3A_42 {strides = array<i32>} : memref<64xi32, #tpu.memory_space<vmem>>, vector<16xi32>,
    %add3A_43 = arith.constant 0 : i32
    %add3A_44 = arith.addi %mul3A_8, %add3A_43 : i32
    %add3A_45 = arith.constant 48 : i32
    %add3A_46 = arith.addi %add3A_44, %add3A_45 : i32
    %add3A_47 = vector.broadcast %add3A_46 : i32 to vector<16xi32>
    %add3A_48 = arith.addi %add3A_47, %iota3A : vector<16xi32>
    %swap3A_49 = arith.constant 48 : index
    %swap3A_50 = tpu.vector_load %arg16[%swap3A_49] {strides = array<i32>} : memref<64xi32, #tpu.memory_space<vmem>>, vector<16xi32>,
    %swap3A_51 = vector.shape_cast %swap3A_50 : vector<16xi32> to vector<16xi32>
    %swap3A_52 = vector.shape_cast %add3A_48 : vector<16xi32> to vector<16xi32>
    tpu.vector_store %arg16[%swap3A_49], %swap3A_52 {strides = array<i32>} : memref<64xi32, #tpu.memory_space<vmem>>, vector<16xi32>,
    "tpu.region"() ({
      %run_scoped3A = tpu.sem_alloc : memref<!tpu.dma_semaphore, #tpu.memory_space<semaphore_mem>>
      %dma_start3A_273 = arith.constant 0 : i32
      %dma_start3A_274 = arith.constant 0 : i32
      %dma_start3A_275 = tpu.memref_slice %arg20[%dma_start3A_273, %dma_start3A_274] : memref<1024x128xf32, #tpu.memory_space<vmem_shared>> -> memref<1024x128xf32, #tpu.memory_space<vmem_shared>>
      tpu.enqueue_indirect_dma source(%arg17 : memref<64x128xf32, #tpu.memory_space<vmem>>) target(%dma_start3A_275 : memref<1024x128xf32, #tpu.memory_space<vmem_shared>>) offsets(%arg16 : memref<64xi32, #tpu.memory_space<vmem>>) semaphore(%run_scoped3A : memref<!tpu.dma_semaphore, #tpu.memory_space<semaphore_mem>>)
      %dma_wait3A_276 = arith.constant 0 : i32
      %dma_wait3A_277 = arith.constant 0 : i32
      %dma_wait3A_278 = tpu.memref_slice %arg20[%dma_wait3A_276, %dma_wait3A_277] : memref<1024x128xf32, #tpu.memory_space<vmem_shared>> -> memref<1024x128xf32, #tpu.memory_space<vmem_shared>>
      tpu.wait_indirect_dma semaphore(%run_scoped3A : memref<!tpu.dma_semaphore, #tpu.memory_space<semaphore_mem>>) src(%arg17 : memref<64x128xf32, #tpu.memory_space<vmem>>) dst(%dma_wait3A_278 : memref<1024x128xf32, #tpu.memory_space<vmem_shared>>)
      tpu.yield
    }) : () -> ()
    "tpu.region"() ({
      %run_scoped3A = tpu.sem_alloc : memref<!tpu.dma_semaphore, #tpu.memory_space<semaphore_mem>>
      %dma_start3A_273 = arith.constant 0 : i32
      %dma_start3A_274 = arith.constant 0 : i32
      %dma_start3A_275 = tpu.memref_slice %arg21[%dma_start3A_273, %dma_start3A_274] : memref<1024x128xf32, #tpu.memory_space<vmem_shared>> -> memref<1024x128xf32, #tpu.memory_space<vmem_shared>>
      tpu.enqueue_indirect_dma source(%arg17 : memref<64x128xf32, #tpu.memory_space<vmem>>) target(%dma_start3A_275 : memref<1024x128xf32, #tpu.memory_space<vmem_shared>>) offsets(%arg16 : memref<64xi32, #tpu.memory_space<vmem>>) semaphore(%run_scoped3A : memref<!tpu.dma_semaphore, #tpu.memory_space<semaphore_mem>>)
      %dma_wait3A_276 = arith.constant 0 : i32
      %dma_wait3A_277 = arith.constant 0 : i32
      %dma_wait3A_278 = tpu.memref_slice %arg21[%dma_wait3A_276, %dma_wait3A_277] : memref<1024x128xf32, #tpu.memory_space<vmem_shared>> -> memref<1024x128xf32, #tpu.memory_space<vmem_shared>>
      tpu.wait_indirect_dma semaphore(%run_scoped3A : memref<!tpu.dma_semaphore, #tpu.memory_space<semaphore_mem>>) src(%arg17 : memref<64x128xf32, #tpu.memory_space<vmem>>) dst(%dma_wait3A_278 : memref<1024x128xf32, #tpu.memory_space<vmem_shared>>)
      tpu.yield
    }) : () -> ()
    %barrier3A = arith.constant 0 : index
    tpu.barrier barrier_id(%barrier3A)
    %get3A = arith.constant 0 : i32
    %get3A_53 = arith.index_cast %get3A : i32 to index
    %get3A_54 = arith.constant 0 : index
    %get3A_55 = tpu.vector_load %arg7[%get3A_53, %get3A_54] {strides = array<i32>} : memref<63x80xi32, #tpu.memory_space<vmem>>, vector<1x16xi32>,
    %get3A_56 = vector.shape_cast %get3A_55 : vector<1x16xi32> to vector<16xi32>
    %swap3A_57 = arith.constant 0 : index
    %swap3A_58 = tpu.vector_load %arg9[%swap3A_57] {strides = array<i32>} : memref<80xi32, #tpu.memory_space<vmem>>, vector<16xi32>,
    %swap3A_59 = vector.shape_cast %swap3A_58 : vector<16xi32> to vector<16xi32>
    %swap3A_60 = vector.shape_cast %get3A_56 : vector<16xi32> to vector<16xi32>
    tpu.vector_store %arg9[%swap3A_57], %swap3A_60 {strides = array<i32>} : memref<80xi32, #tpu.memory_space<vmem>>, vector<16xi32>,
    %get3A_61 = arith.constant 0 : i32
    %get3A_62 = arith.index_cast %get3A_61 : i32 to index
    %get3A_63 = arith.constant 0 : index
    %get3A_64 = tpu.vector_load %arg8[%get3A_62, %get3A_63] {strides = array<i32>} : memref<63x80xi32, #tpu.memory_space<vmem>>, vector<1x16xi32>,
    %get3A_65 = vector.shape_cast %get3A_64 : vector<1x16xi32> to vector<16xi32>
    %lt3A = arith.constant 1000 : i32
    %lt3A_66 = vector.broadcast %lt3A : i32 to vector<16xi32>
    %lt3A_67 = arith.cmpi slt, %get3A_65, %lt3A_66 : vector<16xi32>
    %jit3A = arith.constant 1000 : i32
    %broadcast_in_dim3A_68 = vector.broadcast %jit3A : i32 to vector<16xi32>
    %select_n3A = arith.select %lt3A_67, %get3A_65, %broadcast_in_dim3A_68 : vector<16xi1>, vector<16xi32>
    %swap3A_69 = arith.constant 0 : index
    %swap3A_70 = tpu.vector_load %arg10[%swap3A_69] {strides = array<i32>} : memref<80xi32, #tpu.memory_space<vmem>>, vector<16xi32>,
    %swap3A_71 = vector.shape_cast %swap3A_70 : vector<16xi32> to vector<16xi32>
    %swap3A_72 = vector.shape_cast %select_n3A : vector<16xi32> to vector<16xi32>
    tpu.vector_store %arg10[%swap3A_69], %swap3A_72 {strides = array<i32>} : memref<80xi32, #tpu.memory_space<vmem>>, vector<16xi32>,
    %get3A_73 = arith.constant 0 : i32
    %get3A_74 = arith.index_cast %get3A_73 : i32 to index
    %get3A_75 = arith.constant 16 : index
    %get3A_76 = tpu.vector_load %arg7[%get3A_74, %get3A_75] {strides = array<i32>} : memref<63x80xi32, #tpu.memory_space<vmem>>, vector<1x16xi32>,
    %get3A_77 = vector.shape_cast %get3A_76 : vector<1x16xi32> to vector<16xi32>
    %swap3A_78 = arith.constant 16 : index
    %swap3A_79 = tpu.vector_load %arg9[%swap3A_78] {strides = array<i32>} : memref<80xi32, #tpu.memory_space<vmem>>, vector<16xi32>,
    %swap3A_80 = vector.shape_cast %swap3A_79 : vector<16xi32> to vector<16xi32>
    %swap3A_81 = vector.shape_cast %get3A_77 : vector<16xi32> to vector<16xi32>
    tpu.vector_store %arg9[%swap3A_78], %swap3A_81 {strides = array<i32>} : memref<80xi32, #tpu.memory_space<vmem>>, vector<16xi32>,
    %get3A_82 = arith.constant 0 : i32
    %get3A_83 = arith.index_cast %get3A_82 : i32 to index
    %get3A_84 = arith.constant 16 : index
    %get3A_85 = tpu.vector_load %arg8[%get3A_83, %get3A_84] {strides = array<i32>} : memref<63x80xi32, #tpu.memory_space<vmem>>, vector<1x16xi32>,
    %get3A_86 = vector.shape_cast %get3A_85 : vector<1x16xi32> to vector<16xi32>
    %lt3A_87 = arith.constant 1000 : i32
    %lt3A_88 = vector.broadcast %lt3A_87 : i32 to vector<16xi32>
    %lt3A_89 = arith.cmpi slt, %get3A_86, %lt3A_88 : vector<16xi32>
    %jit3A_90 = arith.constant 1000 : i32
    %broadcast_in_dim3A_91 = vector.broadcast %jit3A_90 : i32 to vector<16xi32>
    %select_n3A_92 = arith.select %lt3A_89, %get3A_86, %broadcast_in_dim3A_91 : vector<16xi1>, vector<16xi32>
    %swap3A_93 = arith.constant 16 : index
    %swap3A_94 = tpu.vector_load %arg10[%swap3A_93] {strides = array<i32>} : memref<80xi32, #tpu.memory_space<vmem>>, vector<16xi32>,
    %swap3A_95 = vector.shape_cast %swap3A_94 : vector<16xi32> to vector<16xi32>
    %swap3A_96 = vector.shape_cast %select_n3A_92 : vector<16xi32> to vector<16xi32>
    tpu.vector_store %arg10[%swap3A_93], %swap3A_96 {strides = array<i32>} : memref<80xi32, #tpu.memory_space<vmem>>, vector<16xi32>,
    %get3A_97 = arith.constant 0 : i32
    %get3A_98 = arith.index_cast %get3A_97 : i32 to index
    %get3A_99 = arith.constant 32 : index
    %get3A_100 = tpu.vector_load %arg7[%get3A_98, %get3A_99] {strides = array<i32>} : memref<63x80xi32, #tpu.memory_space<vmem>>, vector<1x16xi32>,
    %get3A_101 = vector.shape_cast %get3A_100 : vector<1x16xi32> to vector<16xi32>
    %swap3A_102 = arith.constant 32 : index
    %swap3A_103 = tpu.vector_load %arg9[%swap3A_102] {strides = array<i32>} : memref<80xi32, #tpu.memory_space<vmem>>, vector<16xi32>,
    %swap3A_104 = vector.shape_cast %swap3A_103 : vector<16xi32> to vector<16xi32>
    %swap3A_105 = vector.shape_cast %get3A_101 : vector<16xi32> to vector<16xi32>
    tpu.vector_store %arg9[%swap3A_102], %swap3A_105 {strides = array<i32>} : memref<80xi32, #tpu.memory_space<vmem>>, vector<16xi32>,
    %get3A_106 = arith.constant 0 : i32
    %get3A_107 = arith.index_cast %get3A_106 : i32 to index
    %get3A_108 = arith.constant 32 : index
    %get3A_109 = tpu.vector_load %arg8[%get3A_107, %get3A_108] {strides = array<i32>} : memref<63x80xi32, #tpu.memory_space<vmem>>, vector<1x16xi32>,
    %get3A_110 = vector.shape_cast %get3A_109 : vector<1x16xi32> to vector<16xi32>
    %lt3A_111 = arith.constant 1000 : i32
    %lt3A_112 = vector.broadcast %lt3A_111 : i32 to vector<16xi32>
    %lt3A_113 = arith.cmpi slt, %get3A_110, %lt3A_112 : vector<16xi32>
    %jit3A_114 = arith.constant 1000 : i32
    %broadcast_in_dim3A_115 = vector.broadcast %jit3A_114 : i32 to vector<16xi32>
    %select_n3A_116 = arith.select %lt3A_113, %get3A_110, %broadcast_in_dim3A_115 : vector<16xi1>, vector<16xi32>
    %swap3A_117 = arith.constant 32 : index
    %swap3A_118 = tpu.vector_load %arg10[%swap3A_117] {strides = array<i32>} : memref<80xi32, #tpu.memory_space<vmem>>, vector<16xi32>,
    %swap3A_119 = vector.shape_cast %swap3A_118 : vector<16xi32> to vector<16xi32>
    %swap3A_120 = vector.shape_cast %select_n3A_116 : vector<16xi32> to vector<16xi32>
    tpu.vector_store %arg10[%swap3A_117], %swap3A_120 {strides = array<i32>} : memref<80xi32, #tpu.memory_space<vmem>>, vector<16xi32>,
    %get3A_121 = arith.constant 0 : i32
    %get3A_122 = arith.index_cast %get3A_121 : i32 to index
    %get3A_123 = arith.constant 48 : index
    %get3A_124 = tpu.vector_load %arg7[%get3A_122, %get3A_123] {strides = array<i32>} : memref<63x80xi32, #tpu.memory_space<vmem>>, vector<1x16xi32>,
    %get3A_125 = vector.shape_cast %get3A_124 : vector<1x16xi32> to vector<16xi32>
    %swap3A_126 = arith.constant 48 : index
    %swap3A_127 = tpu.vector_load %arg9[%swap3A_126] {strides = array<i32>} : memref<80xi32, #tpu.memory_space<vmem>>, vector<16xi32>,
    %swap3A_128 = vector.shape_cast %swap3A_127 : vector<16xi32> to vector<16xi32>
    %swap3A_129 = vector.shape_cast %get3A_125 : vector<16xi32> to vector<16xi32>
    tpu.vector_store %arg9[%swap3A_126], %swap3A_129 {strides = array<i32>} : memref<80xi32, #tpu.memory_space<vmem>>, vector<16xi32>,
    %get3A_130 = arith.constant 0 : i32
    %get3A_131 = arith.index_cast %get3A_130 : i32 to index
    %get3A_132 = arith.constant 48 : index
    %get3A_133 = tpu.vector_load %arg8[%get3A_131, %get3A_132] {strides = array<i32>} : memref<63x80xi32, #tpu.memory_space<vmem>>, vector<1x16xi32>,
    %get3A_134 = vector.shape_cast %get3A_133 : vector<1x16xi32> to vector<16xi32>
    %lt3A_135 = arith.constant 1000 : i32
    %lt3A_136 = vector.broadcast %lt3A_135 : i32 to vector<16xi32>
    %lt3A_137 = arith.cmpi slt, %get3A_134, %lt3A_136 : vector<16xi32>
    %jit3A_138 = arith.constant 1000 : i32
    %broadcast_in_dim3A_139 = vector.broadcast %jit3A_138 : i32 to vector<16xi32>
    %select_n3A_140 = arith.select %lt3A_137, %get3A_134, %broadcast_in_dim3A_139 : vector<16xi1>, vector<16xi32>
    %swap3A_141 = arith.constant 48 : index
    %swap3A_142 = tpu.vector_load %arg10[%swap3A_141] {strides = array<i32>} : memref<80xi32, #tpu.memory_space<vmem>>, vector<16xi32>,
    %swap3A_143 = vector.shape_cast %swap3A_142 : vector<16xi32> to vector<16xi32>
    %swap3A_144 = vector.shape_cast %select_n3A_140 : vector<16xi32> to vector<16xi32>
    tpu.vector_store %arg10[%swap3A_141], %swap3A_144 {strides = array<i32>} : memref<80xi32, #tpu.memory_space<vmem>>, vector<16xi32>,
    %get3A_145 = arith.constant 0 : i32
    %get3A_146 = arith.index_cast %get3A_145 : i32 to index
    %get3A_147 = arith.constant 64 : index
    %get3A_148 = tpu.vector_load %arg7[%get3A_146, %get3A_147] {strides = array<i32>} : memref<63x80xi32, #tpu.memory_space<vmem>>, vector<1x16xi32>,
    %get3A_149 = vector.shape_cast %get3A_148 : vector<1x16xi32> to vector<16xi32>
    %swap3A_150 = arith.constant 64 : index
    %swap3A_151 = tpu.vector_load %arg9[%swap3A_150] {strides = array<i32>} : memref<80xi32, #tpu.memory_space<vmem>>, vector<16xi32>,
    %swap3A_152 = vector.shape_cast %swap3A_151 : vector<16xi32> to vector<16xi32>
    %swap3A_153 = vector.shape_cast %get3A_149 : vector<16xi32> to vector<16xi32>
    tpu.vector_store %arg9[%swap3A_150], %swap3A_153 {strides = array<i32>} : memref<80xi32, #tpu.memory_space<vmem>>, vector<16xi32>,
    %get3A_154 = arith.constant 0 : i32
    %get3A_155 = arith.index_cast %get3A_154 : i32 to index
    %get3A_156 = arith.constant 64 : index
    %get3A_157 = tpu.vector_load %arg8[%get3A_155, %get3A_156] {strides = array<i32>} : memref<63x80xi32, #tpu.memory_space<vmem>>, vector<1x16xi32>,
    %get3A_158 = vector.shape_cast %get3A_157 : vector<1x16xi32> to vector<16xi32>
    %lt3A_159 = arith.constant 1000 : i32
    %lt3A_160 = vector.broadcast %lt3A_159 : i32 to vector<16xi32>
    %lt3A_161 = arith.cmpi slt, %get3A_158, %lt3A_160 : vector<16xi32>
    %jit3A_162 = arith.constant 1000 : i32
    %broadcast_in_dim3A_163 = vector.broadcast %jit3A_162 : i32 to vector<16xi32>
    %select_n3A_164 = arith.select %lt3A_161, %get3A_158, %broadcast_in_dim3A_163 : vector<16xi1>, vector<16xi32>
    %swap3A_165 = arith.constant 64 : index
    %swap3A_166 = tpu.vector_load %arg10[%swap3A_165] {strides = array<i32>} : memref<80xi32, #tpu.memory_space<vmem>>, vector<16xi32>,
    %swap3A_167 = vector.shape_cast %swap3A_166 : vector<16xi32> to vector<16xi32>
    %swap3A_168 = vector.shape_cast %select_n3A_164 : vector<16xi32> to vector<16xi32>
    tpu.vector_store %arg10[%swap3A_165], %swap3A_168 {strides = array<i32>} : memref<80xi32, #tpu.memory_space<vmem>>, vector<16xi32>,
    %dma_start3A = arith.constant 0 : i32
    %dma_start3A_169 = arith.constant 0 : i32
    %dma_start3A_170 = tpu.memref_slice %arg2[%dma_start3A, %dma_start3A_169] : memref<5000x128xf32, #tpu.memory_space<hbm>> -> memref<5000x128xf32, #tpu.memory_space<hbm>>
    tpu.enqueue_indirect_dma source(%dma_start3A_170 : memref<5000x128xf32, #tpu.memory_space<hbm>>) target(%arg13 : memref<80x128xf32, #tpu.memory_space<vmem>>) offsets(%arg9 : memref<80xi32, #tpu.memory_space<vmem>>) semaphore(%arg18 : memref<!tpu.dma_semaphore, #tpu.memory_space<semaphore_mem>>)
    %scan3A_171 = arith.constant 0 : i32
    %scan3A_172 = arith.constant 0 : i32
    %scan3A_173 = arith.constant 63 : i32
    %scan3A_174 = arith.addi %scan3A_172, %scan3A_173 : i32
    %scan3A_175 = arith.constant 1 : i32
    scf.for %scan3A_273 = %scan3A_172 to %scan3A_174 step %scan3A_175  : i32 {
      %jit3A_274 = arith.constant 2 : i32
      %eq3A = arith.constant 0 : i32
      %eq3A_275 = arith.cmpi eq, %jit3A_274, %eq3A : i32
      %jit3A_276 = arith.constant 1 : i32
      %select_n3A_277 = arith.select %eq3A_275, %jit3A_276, %jit3A_274 : i32
      %rem3A = arith.remsi %scan3A_273, %select_n3A_277 : i32
      %ne3A = arith.constant 0 : i32
      %ne3A_278 = arith.cmpi ne, %rem3A, %ne3A : i32
      %lt3A_279 = arith.constant 0 : i32
      %lt3A_280 = arith.cmpi slt, %rem3A, %lt3A_279 : i32
      %lt3A_281 = arith.constant 0 : i32
      %lt3A_282 = arith.cmpi slt, %select_n3A_277, %lt3A_281 : i32
      %ne3A_283 = arith.xori %lt3A_280, %lt3A_282 : i1
      %and3A = arith.andi %ne3A_283, %ne3A_278 : i1
      %add3A_284 = arith.addi %rem3A, %select_n3A_277 : i32
      %select_n3A_285 = arith.select %and3A, %add3A_284, %rem3A : i32
      %eq3A_286 = arith.constant 0 : i32
      %eq3A_287 = arith.cmpi eq, %select_n3A_285, %eq3A_286 : i32
      %convert_element_type3A = arith.extui %eq3A_287 : i1 to i32
      %cond3A = arith.constant 0 : i32
      %cond3A_288 = arith.cmpi ne, %convert_element_type3A, %cond3A : i32
      scf.if %cond3A_288 {
        %add3A_310 = arith.constant 1 : i32
        %add3A_311 = arith.addi %scan3A_273, %add3A_310 : i32
        %lt3A_312 = arith.constant 63 : i32
        %lt3A_313 = arith.cmpi slt, %add3A_311, %lt3A_312 : i32
        %convert_element_type3A_314 = arith.extui %lt3A_313 : i1 to i32
        %cond3A_315 = arith.constant 0 : i32
        %cond3A_316 = arith.cmpi ne, %convert_element_type3A_314, %cond3A_315 : i32
        scf.if %cond3A_316 {
          %add3A_320 = arith.constant 1 : i32
          %add3A_321 = arith.addi %scan3A_273, %add3A_320 : i32
          %get3A_322 = arith.index_cast %add3A_321 : i32 to index
          %get3A_323 = arith.constant 0 : index
          %get3A_324 = tpu.vector_load %arg7[%get3A_322, %get3A_323] {strides = array<i32>} : memref<63x80xi32, #tpu.memory_space<vmem>>, vector<1x16xi32>,
          %get3A_325 = vector.shape_cast %get3A_324 : vector<1x16xi32> to vector<16xi32>
          %swap3A_326 = arith.constant 0 : index
          %swap3A_327 = tpu.vector_load %arg11[%swap3A_326] {strides = array<i32>} : memref<80xi32, #tpu.memory_space<vmem>>, vector<16xi32>,
          %swap3A_328 = vector.shape_cast %swap3A_327 : vector<16xi32> to vector<16xi32>
          %swap3A_329 = vector.shape_cast %get3A_325 : vector<16xi32> to vector<16xi32>
          tpu.vector_store %arg11[%swap3A_326], %swap3A_329 {strides = array<i32>} : memref<80xi32, #tpu.memory_space<vmem>>, vector<16xi32>,
          %get3A_330 = arith.index_cast %add3A_321 : i32 to index
          %get3A_331 = arith.constant 0 : index
          %get3A_332 = tpu.vector_load %arg8[%get3A_330, %get3A_331] {strides = array<i32>} : memref<63x80xi32, #tpu.memory_space<vmem>>, vector<1x16xi32>,
          %get3A_333 = vector.shape_cast %get3A_332 : vector<1x16xi32> to vector<16xi32>
          %lt3A_334 = arith.constant 1000 : i32
          %lt3A_335 = vector.broadcast %lt3A_334 : i32 to vector<16xi32>
          %lt3A_336 = arith.cmpi slt, %get3A_333, %lt3A_335 : vector<16xi32>
          %jit3A_337 = arith.constant 1000 : i32
          %broadcast_in_dim3A_338 = vector.broadcast %jit3A_337 : i32 to vector<16xi32>
          %select_n3A_339 = arith.select %lt3A_336, %get3A_333, %broadcast_in_dim3A_338 : vector<16xi1>, vector<16xi32>
          %swap3A_340 = arith.constant 0 : index
          %swap3A_341 = tpu.vector_load %arg12[%swap3A_340] {strides = array<i32>} : memref<80xi32, #tpu.memory_space<vmem>>, vector<16xi32>,
          %swap3A_342 = vector.shape_cast %swap3A_341 : vector<16xi32> to vector<16xi32>
          %swap3A_343 = vector.shape_cast %select_n3A_339 : vector<16xi32> to vector<16xi32>
          tpu.vector_store %arg12[%swap3A_340], %swap3A_343 {strides = array<i32>} : memref<80xi32, #tpu.memory_space<vmem>>, vector<16xi32>,
          %get3A_344 = arith.index_cast %add3A_321 : i32 to index
          %get3A_345 = arith.constant 16 : index
          %get3A_346 = tpu.vector_load %arg7[%get3A_344, %get3A_345] {strides = array<i32>} : memref<63x80xi32, #tpu.memory_space<vmem>>, vector<1x16xi32>,
          %get3A_347 = vector.shape_cast %get3A_346 : vector<1x16xi32> to vector<16xi32>
          %swap3A_348 = arith.constant 16 : index
          %swap3A_349 = tpu.vector_load %arg11[%swap3A_348] {strides = array<i32>} : memref<80xi32, #tpu.memory_space<vmem>>, vector<16xi32>,
          %swap3A_350 = vector.shape_cast %swap3A_349 : vector<16xi32> to vector<16xi32>
          %swap3A_351 = vector.shape_cast %get3A_347 : vector<16xi32> to vector<16xi32>
          tpu.vector_store %arg11[%swap3A_348], %swap3A_351 {strides = array<i32>} : memref<80xi32, #tpu.memory_space<vmem>>, vector<16xi32>,
          %get3A_352 = arith.index_cast %add3A_321 : i32 to index
          %get3A_353 = arith.constant 16 : index
          %get3A_354 = tpu.vector_load %arg8[%get3A_352, %get3A_353] {strides = array<i32>} : memref<63x80xi32, #tpu.memory_space<vmem>>, vector<1x16xi32>,
          %get3A_355 = vector.shape_cast %get3A_354 : vector<1x16xi32> to vector<16xi32>
          %lt3A_356 = arith.constant 1000 : i32
          %lt3A_357 = vector.broadcast %lt3A_356 : i32 to vector<16xi32>
          %lt3A_358 = arith.cmpi slt, %get3A_355, %lt3A_357 : vector<16xi32>
          %jit3A_359 = arith.constant 1000 : i32
          %broadcast_in_dim3A_360 = vector.broadcast %jit3A_359 : i32 to vector<16xi32>
          %select_n3A_361 = arith.select %lt3A_358, %get3A_355, %broadcast_in_dim3A_360 : vector<16xi1>, vector<16xi32>
          %swap3A_362 = arith.constant 16 : index
          %swap3A_363 = tpu.vector_load %arg12[%swap3A_362] {strides = array<i32>} : memref<80xi32, #tpu.memory_space<vmem>>, vector<16xi32>,
          %swap3A_364 = vector.shape_cast %swap3A_363 : vector<16xi32> to vector<16xi32>
          %swap3A_365 = vector.shape_cast %select_n3A_361 : vector<16xi32> to vector<16xi32>
          tpu.vector_store %arg12[%swap3A_362], %swap3A_365 {strides = array<i32>} : memref<80xi32, #tpu.memory_space<vmem>>, vector<16xi32>,
          %get3A_366 = arith.index_cast %add3A_321 : i32 to index
          %get3A_367 = arith.constant 32 : index
          %get3A_368 = tpu.vector_load %arg7[%get3A_366, %get3A_367] {strides = array<i32>} : memref<63x80xi32, #tpu.memory_space<vmem>>, vector<1x16xi32>,
          %get3A_369 = vector.shape_cast %get3A_368 : vector<1x16xi32> to vector<16xi32>
          %swap3A_370 = arith.constant 32 : index
          %swap3A_371 = tpu.vector_load %arg11[%swap3A_370] {strides = array<i32>} : memref<80xi32, #tpu.memory_space<vmem>>, vector<16xi32>,
          %swap3A_372 = vector.shape_cast %swap3A_371 : vector<16xi32> to vector<16xi32>
          %swap3A_373 = vector.shape_cast %get3A_369 : vector<16xi32> to vector<16xi32>
          tpu.vector_store %arg11[%swap3A_370], %swap3A_373 {strides = array<i32>} : memref<80xi32, #tpu.memory_space<vmem>>, vector<16xi32>,
          %get3A_374 = arith.index_cast %add3A_321 : i32 to index
          %get3A_375 = arith.constant 32 : index
          %get3A_376 = tpu.vector_load %arg8[%get3A_374, %get3A_375] {strides = array<i32>} : memref<63x80xi32, #tpu.memory_space<vmem>>, vector<1x16xi32>,
          %get3A_377 = vector.shape_cast %get3A_376 : vector<1x16xi32> to vector<16xi32>
          %lt3A_378 = arith.constant 1000 : i32
          %lt3A_379 = vector.broadcast %lt3A_378 : i32 to vector<16xi32>
          %lt3A_380 = arith.cmpi slt, %get3A_377, %lt3A_379 : vector<16xi32>
          %jit3A_381 = arith.constant 1000 : i32
          %broadcast_in_dim3A_382 = vector.broadcast %jit3A_381 : i32 to vector<16xi32>
          %select_n3A_383 = arith.select %lt3A_380, %get3A_377, %broadcast_in_dim3A_382 : vector<16xi1>, vector<16xi32>
          %swap3A_384 = arith.constant 32 : index
          %swap3A_385 = tpu.vector_load %arg12[%swap3A_384] {strides = array<i32>} : memref<80xi32, #tpu.memory_space<vmem>>, vector<16xi32>,
          %swap3A_386 = vector.shape_cast %swap3A_385 : vector<16xi32> to vector<16xi32>
          %swap3A_387 = vector.shape_cast %select_n3A_383 : vector<16xi32> to vector<16xi32>
          tpu.vector_store %arg12[%swap3A_384], %swap3A_387 {strides = array<i32>} : memref<80xi32, #tpu.memory_space<vmem>>, vector<16xi32>,
          %get3A_388 = arith.index_cast %add3A_321 : i32 to index
          %get3A_389 = arith.constant 48 : index
          %get3A_390 = tpu.vector_load %arg7[%get3A_388, %get3A_389] {strides = array<i32>} : memref<63x80xi32, #tpu.memory_space<vmem>>, vector<1x16xi32>,
          %get3A_391 = vector.shape_cast %get3A_390 : vector<1x16xi32> to vector<16xi32>
          %swap3A_392 = arith.constant 48 : index
          %swap3A_393 = tpu.vector_load %arg11[%swap3A_392] {strides = array<i32>} : memref<80xi32, #tpu.memory_space<vmem>>, vector<16xi32>,
          %swap3A_394 = vector.shape_cast %swap3A_393 : vector<16xi32> to vector<16xi32>
          %swap3A_395 = vector.shape_cast %get3A_391 : vector<16xi32> to vector<16xi32>
          tpu.vector_store %arg11[%swap3A_392], %swap3A_395 {strides = array<i32>} : memref<80xi32, #tpu.memory_space<vmem>>, vector<16xi32>,
          %get3A_396 = arith.index_cast %add3A_321 : i32 to index
          %get3A_397 = arith.constant 48 : index
          %get3A_398 = tpu.vector_load %arg8[%get3A_396, %get3A_397] {strides = array<i32>} : memref<63x80xi32, #tpu.memory_space<vmem>>, vector<1x16xi32>,
          %get3A_399 = vector.shape_cast %get3A_398 : vector<1x16xi32> to vector<16xi32>
          %lt3A_400 = arith.constant 1000 : i32
          %lt3A_401 = vector.broadcast %lt3A_400 : i32 to vector<16xi32>
          %lt3A_402 = arith.cmpi slt, %get3A_399, %lt3A_401 : vector<16xi32>
          %jit3A_403 = arith.constant 1000 : i32
          %broadcast_in_dim3A_404 = vector.broadcast %jit3A_403 : i32 to vector<16xi32>
          %select_n3A_405 = arith.select %lt3A_402, %get3A_399, %broadcast_in_dim3A_404 : vector<16xi1>, vector<16xi32>
          %swap3A_406 = arith.constant 48 : index
          %swap3A_407 = tpu.vector_load %arg12[%swap3A_406] {strides = array<i32>} : memref<80xi32, #tpu.memory_space<vmem>>, vector<16xi32>,
          %swap3A_408 = vector.shape_cast %swap3A_407 : vector<16xi32> to vector<16xi32>
          %swap3A_409 = vector.shape_cast %select_n3A_405 : vector<16xi32> to vector<16xi32>
          tpu.vector_store %arg12[%swap3A_406], %swap3A_409 {strides = array<i32>} : memref<80xi32, #tpu.memory_space<vmem>>, vector<16xi32>,
          %get3A_410 = arith.index_cast %add3A_321 : i32 to index
          %get3A_411 = arith.constant 64 : index
          %get3A_412 = tpu.vector_load %arg7[%get3A_410, %get3A_411] {strides = array<i32>} : memref<63x80xi32, #tpu.memory_space<vmem>>, vector<1x16xi32>,
          %get3A_413 = vector.shape_cast %get3A_412 : vector<1x16xi32> to vector<16xi32>
          %swap3A_414 = arith.constant 64 : index
          %swap3A_415 = tpu.vector_load %arg11[%swap3A_414] {strides = array<i32>} : memref<80xi32, #tpu.memory_space<vmem>>, vector<16xi32>,
          %swap3A_416 = vector.shape_cast %swap3A_415 : vector<16xi32> to vector<16xi32>
          %swap3A_417 = vector.shape_cast %get3A_413 : vector<16xi32> to vector<16xi32>
          tpu.vector_store %arg11[%swap3A_414], %swap3A_417 {strides = array<i32>} : memref<80xi32, #tpu.memory_space<vmem>>, vector<16xi32>,
          %get3A_418 = arith.index_cast %add3A_321 : i32 to index
          %get3A_419 = arith.constant 64 : index
          %get3A_420 = tpu.vector_load %arg8[%get3A_418, %get3A_419] {strides = array<i32>} : memref<63x80xi32, #tpu.memory_space<vmem>>, vector<1x16xi32>,
          %get3A_421 = vector.shape_cast %get3A_420 : vector<1x16xi32> to vector<16xi32>
          %lt3A_422 = arith.constant 1000 : i32
          %lt3A_423 = vector.broadcast %lt3A_422 : i32 to vector<16xi32>
          %lt3A_424 = arith.cmpi slt, %get3A_421, %lt3A_423 : vector<16xi32>
          %jit3A_425 = arith.constant 1000 : i32
          %broadcast_in_dim3A_426 = vector.broadcast %jit3A_425 : i32 to vector<16xi32>
          %select_n3A_427 = arith.select %lt3A_424, %get3A_421, %broadcast_in_dim3A_426 : vector<16xi1>, vector<16xi32>
          %swap3A_428 = arith.constant 64 : index
          %swap3A_429 = tpu.vector_load %arg12[%swap3A_428] {strides = array<i32>} : memref<80xi32, #tpu.memory_space<vmem>>, vector<16xi32>,
          %swap3A_430 = vector.shape_cast %swap3A_429 : vector<16xi32> to vector<16xi32>
          %swap3A_431 = vector.shape_cast %select_n3A_427 : vector<16xi32> to vector<16xi32>
          tpu.vector_store %arg12[%swap3A_428], %swap3A_431 {strides = array<i32>} : memref<80xi32, #tpu.memory_space<vmem>>, vector<16xi32>,
          %dma_start3A_432 = arith.constant 0 : i32
          %dma_start3A_433 = arith.constant 0 : i32
          %dma_start3A_434 = tpu.memref_slice %arg2[%dma_start3A_432, %dma_start3A_433] : memref<5000x128xf32, #tpu.memory_space<hbm>> -> memref<5000x128xf32, #tpu.memory_space<hbm>>
          tpu.enqueue_indirect_dma source(%dma_start3A_434 : memref<5000x128xf32, #tpu.memory_space<hbm>>) target(%arg14 : memref<80x128xf32, #tpu.memory_space<vmem>>) offsets(%arg11 : memref<80xi32, #tpu.memory_space<vmem>>) semaphore(%arg19 : memref<!tpu.dma_semaphore, #tpu.memory_space<semaphore_mem>>)
        } else {
        }
        %dma_wait3A_317 = arith.constant 0 : i32
        %dma_wait3A_318 = arith.constant 0 : i32
        %dma_wait3A_319 = tpu.memref_slice %arg2[%dma_wait3A_317, %dma_wait3A_318] : memref<5000x128xf32, #tpu.memory_space<hbm>> -> memref<5000x128xf32, #tpu.memory_space<hbm>>
        tpu.wait_indirect_dma semaphore(%arg18 : memref<!tpu.dma_semaphore, #tpu.memory_space<semaphore_mem>>) src(%dma_wait3A_319 : memref<5000x128xf32, #tpu.memory_space<hbm>>) dst(%arg13 : memref<80x128xf32, #tpu.memory_space<vmem>>)
        "tpu.region"() ({
          %run_scoped3A = tpu.sem_alloc : memref<!tpu.dma_semaphore, #tpu.memory_space<semaphore_mem>>
          %dma_start3A_320 = arith.constant 0 : i32
          %dma_start3A_321 = arith.constant 0 : i32
          %dma_start3A_322 = tpu.memref_slice %arg20[%dma_start3A_320, %dma_start3A_321] : memref<1024x128xf32, #tpu.memory_space<vmem_shared>> -> memref<1024x128xf32, #tpu.memory_space<vmem_shared>>
          tpu.enqueue_indirect_dma source(%arg13 : memref<80x128xf32, #tpu.memory_space<vmem>>) target(%dma_start3A_322 : memref<1024x128xf32, #tpu.memory_space<vmem_shared>>) offsets(%arg10 : memref<80xi32, #tpu.memory_space<vmem>>) semaphore(%run_scoped3A : memref<!tpu.dma_semaphore, #tpu.memory_space<semaphore_mem>>) {add = true}
          %dma_wait3A_323 = arith.constant 0 : i32
          %dma_wait3A_324 = arith.constant 0 : i32
          %dma_wait3A_325 = tpu.memref_slice %arg20[%dma_wait3A_323, %dma_wait3A_324] : memref<1024x128xf32, #tpu.memory_space<vmem_shared>> -> memref<1024x128xf32, #tpu.memory_space<vmem_shared>>
          tpu.wait_indirect_dma semaphore(%run_scoped3A : memref<!tpu.dma_semaphore, #tpu.memory_space<semaphore_mem>>) src(%arg13 : memref<80x128xf32, #tpu.memory_space<vmem>>) dst(%dma_wait3A_325 : memref<1024x128xf32, #tpu.memory_space<vmem_shared>>)
          tpu.yield
        }) : () -> ()
        "tpu.region"() ({
          %run_scoped3A = tpu.sem_alloc : memref<!tpu.dma_semaphore, #tpu.memory_space<semaphore_mem>>
          %dma_start3A_320 = arith.constant 0 : i32
          %dma_start3A_321 = arith.constant 0 : i32
          %dma_start3A_322 = tpu.memref_slice %arg21[%dma_start3A_320, %dma_start3A_321] : memref<1024x128xf32, #tpu.memory_space<vmem_shared>> -> memref<1024x128xf32, #tpu.memory_space<vmem_shared>>
          tpu.enqueue_indirect_dma source(%arg15 : memref<80x128xf32, #tpu.memory_space<vmem>>) target(%dma_start3A_322 : memref<1024x128xf32, #tpu.memory_space<vmem_shared>>) offsets(%arg10 : memref<80xi32, #tpu.memory_space<vmem>>) semaphore(%run_scoped3A : memref<!tpu.dma_semaphore, #tpu.memory_space<semaphore_mem>>) {add = true}
          %dma_wait3A_323 = arith.constant 0 : i32
          %dma_wait3A_324 = arith.constant 0 : i32
          %dma_wait3A_325 = tpu.memref_slice %arg21[%dma_wait3A_323, %dma_wait3A_324] : memref<1024x128xf32, #tpu.memory_space<vmem_shared>> -> memref<1024x128xf32, #tpu.memory_space<vmem_shared>>
          tpu.wait_indirect_dma semaphore(%run_scoped3A : memref<!tpu.dma_semaphore, #tpu.memory_space<semaphore_mem>>) src(%arg15 : memref<80x128xf32, #tpu.memory_space<vmem>>) dst(%dma_wait3A_325 : memref<1024x128xf32, #tpu.memory_space<vmem_shared>>)
          tpu.yield
        }) : () -> ()
      } else {
      }
      %jit3A_289 = arith.constant 2 : i32
      %eq3A_290 = arith.constant 0 : i32
      %eq3A_291 = arith.cmpi eq, %jit3A_289, %eq3A_290 : i32
      %jit3A_292 = arith.constant 1 : i32
      %select_n3A_293 = arith.select %eq3A_291, %jit3A_292, %jit3A_289 : i32
      %rem3A_294 = arith.remsi %scan3A_273, %select_n3A_293 : i32
      %ne3A_295 = arith.constant 0 : i32
      %ne3A_296 = arith.cmpi ne, %rem3A_294, %ne3A_295 : i32
      %lt3A_297 = arith.constant 0 : i32
      %lt3A_298 = arith.cmpi slt, %rem3A_294, %lt3A_297 : i32
      %lt3A_299 = arith.constant 0 : i32
      %lt3A_300 = arith.cmpi slt, %select_n3A_293, %lt3A_299 : i32
      %ne3A_301 = arith.xori %lt3A_298, %lt3A_300 : i1
      %and3A_302 = arith.andi %ne3A_301, %ne3A_296 : i1
      %add3A_303 = arith.addi %rem3A_294, %select_n3A_293 : i32
      %select_n3A_304 = arith.select %and3A_302, %add3A_303, %rem3A_294 : i32
      %eq3A_305 = arith.constant 1 : i32
      %eq3A_306 = arith.cmpi eq, %select_n3A_304, %eq3A_305 : i32
      %convert_element_type3A_307 = arith.extui %eq3A_306 : i1 to i32
      %cond3A_308 = arith.constant 0 : i32
      %cond3A_309 = arith.cmpi ne, %convert_element_type3A_307, %cond3A_308 : i32
      scf.if %cond3A_309 {
        %add3A_310 = arith.constant 1 : i32
        %add3A_311 = arith.addi %scan3A_273, %add3A_310 : i32
        %lt3A_312 = arith.constant 63 : i32
        %lt3A_313 = arith.cmpi slt, %add3A_311, %lt3A_312 : i32
        %convert_element_type3A_314 = arith.extui %lt3A_313 : i1 to i32
        %cond3A_315 = arith.constant 0 : i32
        %cond3A_316 = arith.cmpi ne, %convert_element_type3A_314, %cond3A_315 : i32
        scf.if %cond3A_316 {
          %add3A_320 = arith.constant 1 : i32
          %add3A_321 = arith.addi %scan3A_273, %add3A_320 : i32
          %get3A_322 = arith.index_cast %add3A_321 : i32 to index
          %get3A_323 = arith.constant 0 : index
          %get3A_324 = tpu.vector_load %arg7[%get3A_322, %get3A_323] {strides = array<i32>} : memref<63x80xi32, #tpu.memory_space<vmem>>, vector<1x16xi32>,
          %get3A_325 = vector.shape_cast %get3A_324 : vector<1x16xi32> to vector<16xi32>
          %swap3A_326 = arith.constant 0 : index
          %swap3A_327 = tpu.vector_load %arg9[%swap3A_326] {strides = array<i32>} : memref<80xi32, #tpu.memory_space<vmem>>, vector<16xi32>,
          %swap3A_328 = vector.shape_cast %swap3A_327 : vector<16xi32> to vector<16xi32>
          %swap3A_329 = vector.shape_cast %get3A_325 : vector<16xi32> to vector<16xi32>
          tpu.vector_store %arg9[%swap3A_326], %swap3A_329 {strides = array<i32>} : memref<80xi32, #tpu.memory_space<vmem>>, vector<16xi32>,
          %get3A_330 = arith.index_cast %add3A_321 : i32 to index
          %get3A_331 = arith.constant 0 : index
          %get3A_332 = tpu.vector_load %arg8[%get3A_330, %get3A_331] {strides = array<i32>} : memref<63x80xi32, #tpu.memory_space<vmem>>, vector<1x16xi32>,
          %get3A_333 = vector.shape_cast %get3A_332 : vector<1x16xi32> to vector<16xi32>
          %lt3A_334 = arith.constant 1000 : i32
          %lt3A_335 = vector.broadcast %lt3A_334 : i32 to vector<16xi32>
          %lt3A_336 = arith.cmpi slt, %get3A_333, %lt3A_335 : vector<16xi32>
          %jit3A_337 = arith.constant 1000 : i32
          %broadcast_in_dim3A_338 = vector.broadcast %jit3A_337 : i32 to vector<16xi32>
          %select_n3A_339 = arith.select %lt3A_336, %get3A_333, %broadcast_in_dim3A_338 : vector<16xi1>, vector<16xi32>
          %swap3A_340 = arith.constant 0 : index
          %swap3A_341 = tpu.vector_load %arg10[%swap3A_340] {strides = array<i32>} : memref<80xi32, #tpu.memory_space<vmem>>, vector<16xi32>,
          %swap3A_342 = vector.shape_cast %swap3A_341 : vector<16xi32> to vector<16xi32>
          %swap3A_343 = vector.shape_cast %select_n3A_339 : vector<16xi32> to vector<16xi32>
          tpu.vector_store %arg10[%swap3A_340], %swap3A_343 {strides = array<i32>} : memref<80xi32, #tpu.memory_space<vmem>>, vector<16xi32>,
          %get3A_344 = arith.index_cast %add3A_321 : i32 to index
          %get3A_345 = arith.constant 16 : index
          %get3A_346 = tpu.vector_load %arg7[%get3A_344, %get3A_345] {strides = array<i32>} : memref<63x80xi32, #tpu.memory_space<vmem>>, vector<1x16xi32>,
          %get3A_347 = vector.shape_cast %get3A_346 : vector<1x16xi32> to vector<16xi32>
          %swap3A_348 = arith.constant 16 : index
          %swap3A_349 = tpu.vector_load %arg9[%swap3A_348] {strides = array<i32>} : memref<80xi32, #tpu.memory_space<vmem>>, vector<16xi32>,
          %swap3A_350 = vector.shape_cast %swap3A_349 : vector<16xi32> to vector<16xi32>
          %swap3A_351 = vector.shape_cast %get3A_347 : vector<16xi32> to vector<16xi32>
          tpu.vector_store %arg9[%swap3A_348], %swap3A_351 {strides = array<i32>} : memref<80xi32, #tpu.memory_space<vmem>>, vector<16xi32>,
          %get3A_352 = arith.index_cast %add3A_321 : i32 to index
          %get3A_353 = arith.constant 16 : index
          %get3A_354 = tpu.vector_load %arg8[%get3A_352, %get3A_353] {strides = array<i32>} : memref<63x80xi32, #tpu.memory_space<vmem>>, vector<1x16xi32>,
          %get3A_355 = vector.shape_cast %get3A_354 : vector<1x16xi32> to vector<16xi32>
          %lt3A_356 = arith.constant 1000 : i32
          %lt3A_357 = vector.broadcast %lt3A_356 : i32 to vector<16xi32>
          %lt3A_358 = arith.cmpi slt, %get3A_355, %lt3A_357 : vector<16xi32>
          %jit3A_359 = arith.constant 1000 : i32
          %broadcast_in_dim3A_360 = vector.broadcast %jit3A_359 : i32 to vector<16xi32>
          %select_n3A_361 = arith.select %lt3A_358, %get3A_355, %broadcast_in_dim3A_360 : vector<16xi1>, vector<16xi32>
          %swap3A_362 = arith.constant 16 : index
          %swap3A_363 = tpu.vector_load %arg10[%swap3A_362] {strides = array<i32>} : memref<80xi32, #tpu.memory_space<vmem>>, vector<16xi32>,
          %swap3A_364 = vector.shape_cast %swap3A_363 : vector<16xi32> to vector<16xi32>
          %swap3A_365 = vector.shape_cast %select_n3A_361 : vector<16xi32> to vector<16xi32>
          tpu.vector_store %arg10[%swap3A_362], %swap3A_365 {strides = array<i32>} : memref<80xi32, #tpu.memory_space<vmem>>, vector<16xi32>,
          %get3A_366 = arith.index_cast %add3A_321 : i32 to index
          %get3A_367 = arith.constant 32 : index
          %get3A_368 = tpu.vector_load %arg7[%get3A_366, %get3A_367] {strides = array<i32>} : memref<63x80xi32, #tpu.memory_space<vmem>>, vector<1x16xi32>,
          %get3A_369 = vector.shape_cast %get3A_368 : vector<1x16xi32> to vector<16xi32>
          %swap3A_370 = arith.constant 32 : index
          %swap3A_371 = tpu.vector_load %arg9[%swap3A_370] {strides = array<i32>} : memref<80xi32, #tpu.memory_space<vmem>>, vector<16xi32>,
          %swap3A_372 = vector.shape_cast %swap3A_371 : vector<16xi32> to vector<16xi32>
          %swap3A_373 = vector.shape_cast %get3A_369 : vector<16xi32> to vector<16xi32>
          tpu.vector_store %arg9[%swap3A_370], %swap3A_373 {strides = array<i32>} : memref<80xi32, #tpu.memory_space<vmem>>, vector<16xi32>,
          %get3A_374 = arith.index_cast %add3A_321 : i32 to index
          %get3A_375 = arith.constant 32 : index
          %get3A_376 = tpu.vector_load %arg8[%get3A_374, %get3A_375] {strides = array<i32>} : memref<63x80xi32, #tpu.memory_space<vmem>>, vector<1x16xi32>,
          %get3A_377 = vector.shape_cast %get3A_376 : vector<1x16xi32> to vector<16xi32>
          %lt3A_378 = arith.constant 1000 : i32
          %lt3A_379 = vector.broadcast %lt3A_378 : i32 to vector<16xi32>
          %lt3A_380 = arith.cmpi slt, %get3A_377, %lt3A_379 : vector<16xi32>
          %jit3A_381 = arith.constant 1000 : i32
          %broadcast_in_dim3A_382 = vector.broadcast %jit3A_381 : i32 to vector<16xi32>
          %select_n3A_383 = arith.select %lt3A_380, %get3A_377, %broadcast_in_dim3A_382 : vector<16xi1>, vector<16xi32>
          %swap3A_384 = arith.constant 32 : index
          %swap3A_385 = tpu.vector_load %arg10[%swap3A_384] {strides = array<i32>} : memref<80xi32, #tpu.memory_space<vmem>>, vector<16xi32>,
          %swap3A_386 = vector.shape_cast %swap3A_385 : vector<16xi32> to vector<16xi32>
          %swap3A_387 = vector.shape_cast %select_n3A_383 : vector<16xi32> to vector<16xi32>
          tpu.vector_store %arg10[%swap3A_384], %swap3A_387 {strides = array<i32>} : memref<80xi32, #tpu.memory_space<vmem>>, vector<16xi32>,
          %get3A_388 = arith.index_cast %add3A_321 : i32 to index
          %get3A_389 = arith.constant 48 : index
          %get3A_390 = tpu.vector_load %arg7[%get3A_388, %get3A_389] {strides = array<i32>} : memref<63x80xi32, #tpu.memory_space<vmem>>, vector<1x16xi32>,
          %get3A_391 = vector.shape_cast %get3A_390 : vector<1x16xi32> to vector<16xi32>
          %swap3A_392 = arith.constant 48 : index
          %swap3A_393 = tpu.vector_load %arg9[%swap3A_392] {strides = array<i32>} : memref<80xi32, #tpu.memory_space<vmem>>, vector<16xi32>,
          %swap3A_394 = vector.shape_cast %swap3A_393 : vector<16xi32> to vector<16xi32>
          %swap3A_395 = vector.shape_cast %get3A_391 : vector<16xi32> to vector<16xi32>
          tpu.vector_store %arg9[%swap3A_392], %swap3A_395 {strides = array<i32>} : memref<80xi32, #tpu.memory_space<vmem>>, vector<16xi32>,
          %get3A_396 = arith.index_cast %add3A_321 : i32 to index
          %get3A_397 = arith.constant 48 : index
          %get3A_398 = tpu.vector_load %arg8[%get3A_396, %get3A_397] {strides = array<i32>} : memref<63x80xi32, #tpu.memory_space<vmem>>, vector<1x16xi32>,
          %get3A_399 = vector.shape_cast %get3A_398 : vector<1x16xi32> to vector<16xi32>
          %lt3A_400 = arith.constant 1000 : i32
          %lt3A_401 = vector.broadcast %lt3A_400 : i32 to vector<16xi32>
          %lt3A_402 = arith.cmpi slt, %get3A_399, %lt3A_401 : vector<16xi32>
          %jit3A_403 = arith.constant 1000 : i32
          %broadcast_in_dim3A_404 = vector.broadcast %jit3A_403 : i32 to vector<16xi32>
          %select_n3A_405 = arith.select %lt3A_402, %get3A_399, %broadcast_in_dim3A_404 : vector<16xi1>, vector<16xi32>
          %swap3A_406 = arith.constant 48 : index
          %swap3A_407 = tpu.vector_load %arg10[%swap3A_406] {strides = array<i32>} : memref<80xi32, #tpu.memory_space<vmem>>, vector<16xi32>,
          %swap3A_408 = vector.shape_cast %swap3A_407 : vector<16xi32> to vector<16xi32>
          %swap3A_409 = vector.shape_cast %select_n3A_405 : vector<16xi32> to vector<16xi32>
          tpu.vector_store %arg10[%swap3A_406], %swap3A_409 {strides = array<i32>} : memref<80xi32, #tpu.memory_space<vmem>>, vector<16xi32>,
          %get3A_410 = arith.index_cast %add3A_321 : i32 to index
          %get3A_411 = arith.constant 64 : index
          %get3A_412 = tpu.vector_load %arg7[%get3A_410, %get3A_411] {strides = array<i32>} : memref<63x80xi32, #tpu.memory_space<vmem>>, vector<1x16xi32>,
          %get3A_413 = vector.shape_cast %get3A_412 : vector<1x16xi32> to vector<16xi32>
          %swap3A_414 = arith.constant 64 : index
          %swap3A_415 = tpu.vector_load %arg9[%swap3A_414] {strides = array<i32>} : memref<80xi32, #tpu.memory_space<vmem>>, vector<16xi32>,
          %swap3A_416 = vector.shape_cast %swap3A_415 : vector<16xi32> to vector<16xi32>
          %swap3A_417 = vector.shape_cast %get3A_413 : vector<16xi32> to vector<16xi32>
          tpu.vector_store %arg9[%swap3A_414], %swap3A_417 {strides = array<i32>} : memref<80xi32, #tpu.memory_space<vmem>>, vector<16xi32>,
          %get3A_418 = arith.index_cast %add3A_321 : i32 to index
          %get3A_419 = arith.constant 64 : index
          %get3A_420 = tpu.vector_load %arg8[%get3A_418, %get3A_419] {strides = array<i32>} : memref<63x80xi32, #tpu.memory_space<vmem>>, vector<1x16xi32>,
          %get3A_421 = vector.shape_cast %get3A_420 : vector<1x16xi32> to vector<16xi32>
          %lt3A_422 = arith.constant 1000 : i32
          %lt3A_423 = vector.broadcast %lt3A_422 : i32 to vector<16xi32>
          %lt3A_424 = arith.cmpi slt, %get3A_421, %lt3A_423 : vector<16xi32>
          %jit3A_425 = arith.constant 1000 : i32
          %broadcast_in_dim3A_426 = vector.broadcast %jit3A_425 : i32 to vector<16xi32>
          %select_n3A_427 = arith.select %lt3A_424, %get3A_421, %broadcast_in_dim3A_426 : vector<16xi1>, vector<16xi32>
          %swap3A_428 = arith.constant 64 : index
          %swap3A_429 = tpu.vector_load %arg10[%swap3A_428] {strides = array<i32>} : memref<80xi32, #tpu.memory_space<vmem>>, vector<16xi32>,
          %swap3A_430 = vector.shape_cast %swap3A_429 : vector<16xi32> to vector<16xi32>
          %swap3A_431 = vector.shape_cast %select_n3A_427 : vector<16xi32> to vector<16xi32>
          tpu.vector_store %arg10[%swap3A_428], %swap3A_431 {strides = array<i32>} : memref<80xi32, #tpu.memory_space<vmem>>, vector<16xi32>,
          %dma_start3A_432 = arith.constant 0 : i32
          %dma_start3A_433 = arith.constant 0 : i32
          %dma_start3A_434 = tpu.memref_slice %arg2[%dma_start3A_432, %dma_start3A_433] : memref<5000x128xf32, #tpu.memory_space<hbm>> -> memref<5000x128xf32, #tpu.memory_space<hbm>>
          tpu.enqueue_indirect_dma source(%dma_start3A_434 : memref<5000x128xf32, #tpu.memory_space<hbm>>) target(%arg13 : memref<80x128xf32, #tpu.memory_space<vmem>>) offsets(%arg9 : memref<80xi32, #tpu.memory_space<vmem>>) semaphore(%arg18 : memref<!tpu.dma_semaphore, #tpu.memory_space<semaphore_mem>>)
        } else {
        }
        %dma_wait3A_317 = arith.constant 0 : i32
        %dma_wait3A_318 = arith.constant 0 : i32
        %dma_wait3A_319 = tpu.memref_slice %arg2[%dma_wait3A_317, %dma_wait3A_318] : memref<5000x128xf32, #tpu.memory_space<hbm>> -> memref<5000x128xf32, #tpu.memory_space<hbm>>
        tpu.wait_indirect_dma semaphore(%arg19 : memref<!tpu.dma_semaphore, #tpu.memory_space<semaphore_mem>>) src(%dma_wait3A_319 : memref<5000x128xf32, #tpu.memory_space<hbm>>) dst(%arg14 : memref<80x128xf32, #tpu.memory_space<vmem>>)
        "tpu.region"() ({
          %run_scoped3A = tpu.sem_alloc : memref<!tpu.dma_semaphore, #tpu.memory_space<semaphore_mem>>
          %dma_start3A_320 = arith.constant 0 : i32
          %dma_start3A_321 = arith.constant 0 : i32
          %dma_start3A_322 = tpu.memref_slice %arg20[%dma_start3A_320, %dma_start3A_321] : memref<1024x128xf32, #tpu.memory_space<vmem_shared>> -> memref<1024x128xf32, #tpu.memory_space<vmem_shared>>
          tpu.enqueue_indirect_dma source(%arg14 : memref<80x128xf32, #tpu.memory_space<vmem>>) target(%dma_start3A_322 : memref<1024x128xf32, #tpu.memory_space<vmem_shared>>) offsets(%arg12 : memref<80xi32, #tpu.memory_space<vmem>>) semaphore(%run_scoped3A : memref<!tpu.dma_semaphore, #tpu.memory_space<semaphore_mem>>) {add = true}
          %dma_wait3A_323 = arith.constant 0 : i32
          %dma_wait3A_324 = arith.constant 0 : i32
          %dma_wait3A_325 = tpu.memref_slice %arg20[%dma_wait3A_323, %dma_wait3A_324] : memref<1024x128xf32, #tpu.memory_space<vmem_shared>> -> memref<1024x128xf32, #tpu.memory_space<vmem_shared>>
          tpu.wait_indirect_dma semaphore(%run_scoped3A : memref<!tpu.dma_semaphore, #tpu.memory_space<semaphore_mem>>) src(%arg14 : memref<80x128xf32, #tpu.memory_space<vmem>>) dst(%dma_wait3A_325 : memref<1024x128xf32, #tpu.memory_space<vmem_shared>>)
          tpu.yield
        }) : () -> ()
        "tpu.region"() ({
          %run_scoped3A = tpu.sem_alloc : memref<!tpu.dma_semaphore, #tpu.memory_space<semaphore_mem>>
          %dma_start3A_320 = arith.constant 0 : i32
          %dma_start3A_321 = arith.constant 0 : i32
          %dma_start3A_322 = tpu.memref_slice %arg21[%dma_start3A_320, %dma_start3A_321] : memref<1024x128xf32, #tpu.memory_space<vmem_shared>> -> memref<1024x128xf32, #tpu.memory_space<vmem_shared>>
          tpu.enqueue_indirect_dma source(%arg15 : memref<80x128xf32, #tpu.memory_space<vmem>>) target(%dma_start3A_322 : memref<1024x128xf32, #tpu.memory_space<vmem_shared>>) offsets(%arg12 : memref<80xi32, #tpu.memory_space<vmem>>) semaphore(%run_scoped3A : memref<!tpu.dma_semaphore, #tpu.memory_space<semaphore_mem>>) {add = true}
          %dma_wait3A_323 = arith.constant 0 : i32
          %dma_wait3A_324 = arith.constant 0 : i32
          %dma_wait3A_325 = tpu.memref_slice %arg21[%dma_wait3A_323, %dma_wait3A_324] : memref<1024x128xf32, #tpu.memory_space<vmem_shared>> -> memref<1024x128xf32, #tpu.memory_space<vmem_shared>>
          tpu.wait_indirect_dma semaphore(%run_scoped3A : memref<!tpu.dma_semaphore, #tpu.memory_space<semaphore_mem>>) src(%arg15 : memref<80x128xf32, #tpu.memory_space<vmem>>) dst(%dma_wait3A_325 : memref<1024x128xf32, #tpu.memory_space<vmem_shared>>)
          tpu.yield
        }) : () -> ()
      } else {
      }
    }
    %scan3A_176 = arith.constant 63 : i32
    %barrier3A_177 = arith.constant 0 : index
    tpu.barrier barrier_id(%barrier3A_177)
    %add3A_178 = arith.constant 0 : i32
    %add3A_179 = arith.addi %mul3A_8, %add3A_178 : i32
    %add3A_180 = arith.constant 0 : i32
    %add3A_181 = arith.addi %add3A_179, %add3A_180 : i32
    %add3A_182 = vector.broadcast %add3A_181 : i32 to vector<16xi32>
    %add3A_183 = arith.addi %add3A_182, %iota3A : vector<16xi32>
    %swap3A_184 = arith.constant 0 : index
    %swap3A_185 = tpu.vector_load %arg16[%swap3A_184] {strides = array<i32>} : memref<64xi32, #tpu.memory_space<vmem>>, vector<16xi32>,
    %swap3A_186 = vector.shape_cast %swap3A_185 : vector<16xi32> to vector<16xi32>
    %swap3A_187 = vector.shape_cast %add3A_183 : vector<16xi32> to vector<16xi32>
    tpu.vector_store %arg16[%swap3A_184], %swap3A_187 {strides = array<i32>} : memref<64xi32, #tpu.memory_space<vmem>>, vector<16xi32>,
    %add3A_188 = arith.constant 0 : i32
    %add3A_189 = arith.addi %mul3A_8, %add3A_188 : i32
    %add3A_190 = arith.constant 16 : i32
    %add3A_191 = arith.addi %add3A_189, %add3A_190 : i32
    %add3A_192 = vector.broadcast %add3A_191 : i32 to vector<16xi32>
    %add3A_193 = arith.addi %add3A_192, %iota3A : vector<16xi32>
    %swap3A_194 = arith.constant 16 : index
    %swap3A_195 = tpu.vector_load %arg16[%swap3A_194] {strides = array<i32>} : memref<64xi32, #tpu.memory_space<vmem>>, vector<16xi32>,
    %swap3A_196 = vector.shape_cast %swap3A_195 : vector<16xi32> to vector<16xi32>
    %swap3A_197 = vector.shape_cast %add3A_193 : vector<16xi32> to vector<16xi32>
    tpu.vector_store %arg16[%swap3A_194], %swap3A_197 {strides = array<i32>} : memref<64xi32, #tpu.memory_space<vmem>>, vector<16xi32>,
    %add3A_198 = arith.constant 0 : i32
    %add3A_199 = arith.addi %mul3A_8, %add3A_198 : i32
    %add3A_200 = arith.constant 32 : i32
    %add3A_201 = arith.addi %add3A_199, %add3A_200 : i32
    %add3A_202 = vector.broadcast %add3A_201 : i32 to vector<16xi32>
    %add3A_203 = arith.addi %add3A_202, %iota3A : vector<16xi32>
    %swap3A_204 = arith.constant 32 : index
    %swap3A_205 = tpu.vector_load %arg16[%swap3A_204] {strides = array<i32>} : memref<64xi32, #tpu.memory_space<vmem>>, vector<16xi32>,
    %swap3A_206 = vector.shape_cast %swap3A_205 : vector<16xi32> to vector<16xi32>
    %swap3A_207 = vector.shape_cast %add3A_203 : vector<16xi32> to vector<16xi32>
    tpu.vector_store %arg16[%swap3A_204], %swap3A_207 {strides = array<i32>} : memref<64xi32, #tpu.memory_space<vmem>>, vector<16xi32>,
    %add3A_208 = arith.constant 0 : i32
    %add3A_209 = arith.addi %mul3A_8, %add3A_208 : i32
    %add3A_210 = arith.constant 48 : i32
    %add3A_211 = arith.addi %add3A_209, %add3A_210 : i32
    %add3A_212 = vector.broadcast %add3A_211 : i32 to vector<16xi32>
    %add3A_213 = arith.addi %add3A_212, %iota3A : vector<16xi32>
    %swap3A_214 = arith.constant 48 : index
    %swap3A_215 = tpu.vector_load %arg16[%swap3A_214] {strides = array<i32>} : memref<64xi32, #tpu.memory_space<vmem>>, vector<16xi32>,
    %swap3A_216 = vector.shape_cast %swap3A_215 : vector<16xi32> to vector<16xi32>
    %swap3A_217 = vector.shape_cast %add3A_213 : vector<16xi32> to vector<16xi32>
    tpu.vector_store %arg16[%swap3A_214], %swap3A_217 {strides = array<i32>} : memref<64xi32, #tpu.memory_space<vmem>>, vector<16xi32>,
    %dma_start3A_218 = arith.constant 0 : i32
    %dma_start3A_219 = arith.constant 0 : i32
    %dma_start3A_220 = tpu.memref_slice %arg20[%dma_start3A_218, %dma_start3A_219] : memref<1024x128xf32, #tpu.memory_space<vmem_shared>> -> memref<1024x128xf32, #tpu.memory_space<vmem_shared>>
    tpu.enqueue_indirect_dma source(%dma_start3A_220 : memref<1024x128xf32, #tpu.memory_space<vmem_shared>>) target(%arg17 : memref<64x128xf32, #tpu.memory_space<vmem>>) offsets(%arg16 : memref<64xi32, #tpu.memory_space<vmem>>) semaphore(%arg18 : memref<!tpu.dma_semaphore, #tpu.memory_space<semaphore_mem>>)
    %dma_wait3A = arith.constant 0 : i32
    %dma_wait3A_221 = arith.constant 0 : i32
    %dma_wait3A_222 = tpu.memref_slice %arg20[%dma_wait3A, %dma_wait3A_221] : memref<1024x128xf32, #tpu.memory_space<vmem_shared>> -> memref<1024x128xf32, #tpu.memory_space<vmem_shared>>
    tpu.wait_indirect_dma semaphore(%arg18 : memref<!tpu.dma_semaphore, #tpu.memory_space<semaphore_mem>>) src(%dma_wait3A_222 : memref<1024x128xf32, #tpu.memory_space<vmem_shared>>) dst(%arg17 : memref<64x128xf32, #tpu.memory_space<vmem>>)
    %add3A_223 = arith.constant 0 : i32
    %add3A_224 = arith.addi %mul3A_8, %add3A_223 : i32
    "tpu.region"() ({
      %run_scoped3A = tpu.sem_alloc : memref<!tpu.dma_semaphore, #tpu.memory_space<semaphore_mem>>
      %dma_start3A_273 = arith.constant 0 : i32
      %dma_start3A_274 = tpu.memref_slice %arg5[%arg0, %add3A_224, %dma_start3A_273] : memref<2x1024x128xf32, #tpu.memory_space<hbm>> -> memref<1x64x128xf32, #tpu.memory_space<hbm>>
      %dma_start3A_275 = tpu.memref_squeeze %dma_start3A_274 : memref<1x64x128xf32, #tpu.memory_space<hbm>> -> memref<64x128xf32, #tpu.memory_space<hbm>>
      %dma_start3A_276 = arith.constant 0 : i32
      %dma_start3A_277 = tpu.memref_slice %arg5[%arg0, %add3A_224, %dma_start3A_276] : memref<2x1024x128xf32, #tpu.memory_space<hbm>> -> memref<1x64x128xf32, #tpu.memory_space<hbm>>
      %dma_start3A_278 = tpu.memref_squeeze %dma_start3A_277 : memref<1x64x128xf32, #tpu.memory_space<hbm>> -> memref<64x128xf32, #tpu.memory_space<hbm>>
      tpu.enqueue_dma source(%arg17 : memref<64x128xf32, #tpu.memory_space<vmem>>) target(%dma_start3A_278 : memref<64x128xf32, #tpu.memory_space<hbm>>) target_semaphore(%run_scoped3A : memref<!tpu.dma_semaphore, #tpu.memory_space<semaphore_mem>>)
      %dma_wait3A_279 = arith.constant 0 : i32
      %dma_wait3A_280 = tpu.memref_slice %arg5[%arg0, %add3A_224, %dma_wait3A_279] : memref<2x1024x128xf32, #tpu.memory_space<hbm>> -> memref<1x64x128xf32, #tpu.memory_space<hbm>>
      %dma_wait3A_281 = tpu.memref_squeeze %dma_wait3A_280 : memref<1x64x128xf32, #tpu.memory_space<hbm>> -> memref<64x128xf32, #tpu.memory_space<hbm>>
      %dma_wait3A_282 = arith.constant 0 : i32
      %dma_wait3A_283 = tpu.memref_slice %arg5[%arg0, %add3A_224, %dma_wait3A_282] : memref<2x1024x128xf32, #tpu.memory_space<hbm>> -> memref<1x64x128xf32, #tpu.memory_space<hbm>>
      %dma_wait3A_284 = tpu.memref_squeeze %dma_wait3A_283 : memref<1x64x128xf32, #tpu.memory_space<hbm>> -> memref<64x128xf32, #tpu.memory_space<hbm>>
      tpu.wait_dma2 semaphore(%run_scoped3A : memref<!tpu.dma_semaphore, #tpu.memory_space<semaphore_mem>>) src(%arg17 : memref<64x128xf32, #tpu.memory_space<vmem>>) dst(%dma_wait3A_284 : memref<64x128xf32, #tpu.memory_space<hbm>>)
      tpu.yield
    }) : () -> ()
    %add3A_225 = arith.constant 0 : i32
    %add3A_226 = arith.addi %mul3A_8, %add3A_225 : i32
    %add3A_227 = arith.constant 0 : i32
    %add3A_228 = arith.addi %add3A_226, %add3A_227 : i32
    %add3A_229 = vector.broadcast %add3A_228 : i32 to vector<16xi32>
    %add3A_230 = arith.addi %add3A_229, %iota3A : vector<16xi32>
    %swap3A_231 = arith.constant 0 : index
    %swap3A_232 = tpu.vector_load %arg16[%swap3A_231] {strides = array<i32>} : memref<64xi32, #tpu.memory_space<vmem>>, vector<16xi32>,
    %swap3A_233 = vector.shape_cast %swap3A_232 : vector<16xi32> to vector<16xi32>
    %swap3A_234 = vector.shape_cast %add3A_230 : vector<16xi32> to vector<16xi32>
    tpu.vector_store %arg16[%swap3A_231], %swap3A_234 {strides = array<i32>} : memref<64xi32, #tpu.memory_space<vmem>>, vector<16xi32>,
    %add3A_235 = arith.constant 0 : i32
    %add3A_236 = arith.addi %mul3A_8, %add3A_235 : i32
    %add3A_237 = arith.constant 16 : i32
    %add3A_238 = arith.addi %add3A_236, %add3A_237 : i32
    %add3A_239 = vector.broadcast %add3A_238 : i32 to vector<16xi32>
    %add3A_240 = arith.addi %add3A_239, %iota3A : vector<16xi32>
    %swap3A_241 = arith.constant 16 : index
    %swap3A_242 = tpu.vector_load %arg16[%swap3A_241] {strides = array<i32>} : memref<64xi32, #tpu.memory_space<vmem>>, vector<16xi32>,
    %swap3A_243 = vector.shape_cast %swap3A_242 : vector<16xi32> to vector<16xi32>
    %swap3A_244 = vector.shape_cast %add3A_240 : vector<16xi32> to vector<16xi32>
    tpu.vector_store %arg16[%swap3A_241], %swap3A_244 {strides = array<i32>} : memref<64xi32, #tpu.memory_space<vmem>>, vector<16xi32>,
    %add3A_245 = arith.constant 0 : i32
    %add3A_246 = arith.addi %mul3A_8, %add3A_245 : i32
    %add3A_247 = arith.constant 32 : i32
    %add3A_248 = arith.addi %add3A_246, %add3A_247 : i32
    %add3A_249 = vector.broadcast %add3A_248 : i32 to vector<16xi32>
    %add3A_250 = arith.addi %add3A_249, %iota3A : vector<16xi32>
    %swap3A_251 = arith.constant 32 : index
    %swap3A_252 = tpu.vector_load %arg16[%swap3A_251] {strides = array<i32>} : memref<64xi32, #tpu.memory_space<vmem>>, vector<16xi32>,
    %swap3A_253 = vector.shape_cast %swap3A_252 : vector<16xi32> to vector<16xi32>
    %swap3A_254 = vector.shape_cast %add3A_250 : vector<16xi32> to vector<16xi32>
    tpu.vector_store %arg16[%swap3A_251], %swap3A_254 {strides = array<i32>} : memref<64xi32, #tpu.memory_space<vmem>>, vector<16xi32>,
    %add3A_255 = arith.constant 0 : i32
    %add3A_256 = arith.addi %mul3A_8, %add3A_255 : i32
    %add3A_257 = arith.constant 48 : i32
    %add3A_258 = arith.addi %add3A_256, %add3A_257 : i32
    %add3A_259 = vector.broadcast %add3A_258 : i32 to vector<16xi32>
    %add3A_260 = arith.addi %add3A_259, %iota3A : vector<16xi32>
    %swap3A_261 = arith.constant 48 : index
    %swap3A_262 = tpu.vector_load %arg16[%swap3A_261] {strides = array<i32>} : memref<64xi32, #tpu.memory_space<vmem>>, vector<16xi32>,
    %swap3A_263 = vector.shape_cast %swap3A_262 : vector<16xi32> to vector<16xi32>
    %swap3A_264 = vector.shape_cast %add3A_260 : vector<16xi32> to vector<16xi32>
    tpu.vector_store %arg16[%swap3A_261], %swap3A_264 {strides = array<i32>} : memref<64xi32, #tpu.memory_space<vmem>>, vector<16xi32>,
    %dma_start3A_265 = arith.constant 0 : i32
    %dma_start3A_266 = arith.constant 0 : i32
    %dma_start3A_267 = tpu.memref_slice %arg21[%dma_start3A_265, %dma_start3A_266] : memref<1024x128xf32, #tpu.memory_space<vmem_shared>> -> memref<1024x128xf32, #tpu.memory_space<vmem_shared>>
    tpu.enqueue_indirect_dma source(%dma_start3A_267 : memref<1024x128xf32, #tpu.memory_space<vmem_shared>>) target(%arg17 : memref<64x128xf32, #tpu.memory_space<vmem>>) offsets(%arg16 : memref<64xi32, #tpu.memory_space<vmem>>) semaphore(%arg18 : memref<!tpu.dma_semaphore, #tpu.memory_space<semaphore_mem>>)
    %dma_wait3A_268 = arith.constant 0 : i32
    %dma_wait3A_269 = arith.constant 0 : i32
    %dma_wait3A_270 = tpu.memref_slice %arg21[%dma_wait3A_268, %dma_wait3A_269] : memref<1024x128xf32, #tpu.memory_space<vmem_shared>> -> memref<1024x128xf32, #tpu.memory_space<vmem_shared>>
    tpu.wait_indirect_dma semaphore(%arg18 : memref<!tpu.dma_semaphore, #tpu.memory_space<semaphore_mem>>) src(%dma_wait3A_270 : memref<1024x128xf32, #tpu.memory_space<vmem_shared>>) dst(%arg17 : memref<64x128xf32, #tpu.memory_space<vmem>>)
    %add3A_271 = arith.constant 0 : i32
    %add3A_272 = arith.addi %mul3A_8, %add3A_271 : i32
    "tpu.region"() ({
      %run_scoped3A = tpu.sem_alloc : memref<!tpu.dma_semaphore, #tpu.memory_space<semaphore_mem>>
      %dma_start3A_273 = arith.constant 0 : i32
      %dma_start3A_274 = tpu.memref_slice %arg6[%arg0, %add3A_272, %dma_start3A_273] : memref<2x1024x128xf32, #tpu.memory_space<hbm>> -> memref<1x64x128xf32, #tpu.memory_space<hbm>>
      %dma_start3A_275 = tpu.memref_squeeze %dma_start3A_274 : memref<1x64x128xf32, #tpu.memory_space<hbm>> -> memref<64x128xf32, #tpu.memory_space<hbm>>
      %dma_start3A_276 = arith.constant 0 : i32
      %dma_start3A_277 = tpu.memref_slice %arg6[%arg0, %add3A_272, %dma_start3A_276] : memref<2x1024x128xf32, #tpu.memory_space<hbm>> -> memref<1x64x128xf32, #tpu.memory_space<hbm>>
      %dma_start3A_278 = tpu.memref_squeeze %dma_start3A_277 : memref<1x64x128xf32, #tpu.memory_space<hbm>> -> memref<64x128xf32, #tpu.memory_space<hbm>>
      tpu.enqueue_dma source(%arg17 : memref<64x128xf32, #tpu.memory_space<vmem>>) target(%dma_start3A_278 : memref<64x128xf32, #tpu.memory_space<hbm>>) target_semaphore(%run_scoped3A : memref<!tpu.dma_semaphore, #tpu.memory_space<semaphore_mem>>)
      %dma_wait3A_279 = arith.constant 0 : i32
      %dma_wait3A_280 = tpu.memref_slice %arg6[%arg0, %add3A_272, %dma_wait3A_279] : memref<2x1024x128xf32, #tpu.memory_space<hbm>> -> memref<1x64x128xf32, #tpu.memory_space<hbm>>
      %dma_wait3A_281 = tpu.memref_squeeze %dma_wait3A_280 : memref<1x64x128xf32, #tpu.memory_space<hbm>> -> memref<64x128xf32, #tpu.memory_space<hbm>>
      %dma_wait3A_282 = arith.constant 0 : i32
      %dma_wait3A_283 = tpu.memref_slice %arg6[%arg0, %add3A_272, %dma_wait3A_282] : memref<2x1024x128xf32, #tpu.memory_space<hbm>> -> memref<1x64x128xf32, #tpu.memory_space<hbm>>
      %dma_wait3A_284 = tpu.memref_squeeze %dma_wait3A_283 : memref<1x64x128xf32, #tpu.memory_space<hbm>> -> memref<64x128xf32, #tpu.memory_space<hbm>>
      tpu.wait_dma2 semaphore(%run_scoped3A : memref<!tpu.dma_semaphore, #tpu.memory_space<semaphore_mem>>) src(%arg17 : memref<64x128xf32, #tpu.memory_space<vmem>>) dst(%dma_wait3A_284 : memref<64x128xf32, #tpu.memory_space<hbm>>)
      tpu.yield
    }) : () -> ()
    return
  }
}

module attributes {stable_mosaic.version = 14 : i64} {
  func.func @_tc_sage_body(%arg0: i32, %arg1: memref<2x1000x128xf32, #tpu.memory_space<vmem>>, %arg2: memref<2x1000x128xf32, #tpu.memory_space<vmem>>, %arg3: memref<1000x128xf32, #tpu.memory_space<vmem>>, %arg4: memref<128x128xf32, #tpu.memory_space<vmem>>, %arg5: memref<128x128xf32, #tpu.memory_space<vmem>>, %arg6: memref<1x128xf32, #tpu.memory_space<vmem>>, %arg7: memref<1000x128xf32, #tpu.memory_space<vmem>>) attributes {dimension_semantics = [#tpu.dimension_semantics<arbitrary>], iteration_bounds = array<i64: 5>, scalar_prefetch = 0 : i64, scratch_operands = 0 : i64, tpu.core_type = #tpu.core_type<tc>, window_params = [{transform_indices = @transform_0, window_bounds = array<i64: 2, 1000, 128>}, {transform_indices = @transform_1, window_bounds = array<i64: 2, 1000, 128>}, {transform_indices = @transform_2, window_bounds = array<i64: 1000, 128>}, {pipeline_mode = #tpu.pipeline_mode<synchronous>, transform_indices = @transform_3, window_bounds = array<i64: 128, 128>}, {pipeline_mode = #tpu.pipeline_mode<synchronous>, transform_indices = @transform_4, window_bounds = array<i64: 128, 128>}, {pipeline_mode = #tpu.pipeline_mode<synchronous>, transform_indices = @transform_5, window_bounds = array<i64: 1, 128>}, {transform_indices = @transform_6, window_bounds = array<i64: 1000, 128>}]} {
    %get3A = arith.constant 0 : index
    %get3A_0 = arith.constant 0 : index
    %get3A_1 = arith.constant 0 : index
    %get3A_2 = vector.load %arg1[%get3A, %get3A_0, %get3A_1] : memref<2x1000x128xf32, #tpu.memory_space<vmem>>, vector<1x1000x128xf32>
    %get3A_3 = vector.shape_cast %get3A_2 : vector<1x1000x128xf32> to vector<1000x128xf32>
    %get3A_4 = arith.constant 1 : index
    %get3A_5 = arith.constant 0 : index
    %get3A_6 = arith.constant 0 : index
    %get3A_7 = vector.load %arg1[%get3A_4, %get3A_5, %get3A_6] : memref<2x1000x128xf32, #tpu.memory_space<vmem>>, vector<1x1000x128xf32>
    %get3A_8 = vector.shape_cast %get3A_7 : vector<1x1000x128xf32> to vector<1000x128xf32>
    %add3A = arith.addf %get3A_3, %get3A_8 : vector<1000x128xf32>
    %get3A_9 = arith.constant 0 : index
    %get3A_10 = arith.constant 0 : index
    %get3A_11 = arith.constant 0 : index
    %get3A_12 = vector.load %arg2[%get3A_9, %get3A_10, %get3A_11] : memref<2x1000x128xf32, #tpu.memory_space<vmem>>, vector<1x1000x128xf32>
    %get3A_13 = vector.shape_cast %get3A_12 : vector<1x1000x128xf32> to vector<1000x128xf32>
    %get3A_14 = arith.constant 1 : index
    %get3A_15 = arith.constant 0 : index
    %get3A_16 = arith.constant 0 : index
    %get3A_17 = vector.load %arg2[%get3A_14, %get3A_15, %get3A_16] : memref<2x1000x128xf32, #tpu.memory_space<vmem>>, vector<1x1000x128xf32>
    %get3A_18 = vector.shape_cast %get3A_17 : vector<1x1000x128xf32> to vector<1000x128xf32>
    %add3A_19 = arith.addf %get3A_13, %get3A_18 : vector<1000x128xf32>
    %max3A = arith.constant 1.000000e+00 : f32
    %max3A_20 = vector.broadcast %max3A : f32 to vector<1000x128xf32>
    %max3A_21 = arith.maximumf %add3A_19, %max3A_20 : vector<1000x128xf32>
    %div3A = arith.constant 1.000000e+00 : f32
    %div3A_22 = vector.broadcast %div3A : f32 to vector<1000x128xf32>
    %div3A_23 = arith.divf %div3A_22, %max3A_21 : vector<1000x128xf32>
    %mul3A = arith.mulf %add3A, %div3A_23 : vector<1000x128xf32>
    %get3A_24 = arith.constant 0 : index
    %get3A_25 = arith.constant 0 : index
    %get3A_26 = vector.load %arg4[%get3A_24, %get3A_25] : memref<128x128xf32, #tpu.memory_space<vmem>>, vector<128x128xf32>
    %dot_general3A = arith.constant dense<0.000000e+00> : vector<1000x128xf32>
    %dot_general3A_27 = tpu.matmul %mul3A, %get3A_26, %dot_general3A {dimension_numbers = #tpu.dot_dimension_numbers<[1], [0], [0], [1], [0, 0, 1, 1], [], []>, transpose_lhs_hint = false} : vector<1000x128xf32>, vector<128x128xf32>, vector<1000x128xf32> -> vector<1000x128xf32>
    %get3A_28 = arith.constant 0 : index
    %get3A_29 = arith.constant 0 : index
    %get3A_30 = vector.load %arg3[%get3A_28, %get3A_29] : memref<1000x128xf32, #tpu.memory_space<vmem>>, vector<1000x128xf32>
    %get3A_31 = arith.constant 0 : index
    %get3A_32 = arith.constant 0 : index
    %get3A_33 = vector.load %arg5[%get3A_31, %get3A_32] : memref<128x128xf32, #tpu.memory_space<vmem>>, vector<128x128xf32>
    %dot_general3A_34 = arith.constant dense<0.000000e+00> : vector<1000x128xf32>
    %dot_general3A_35 = tpu.matmul %get3A_30, %get3A_33, %dot_general3A_34 {dimension_numbers = #tpu.dot_dimension_numbers<[1], [0], [0], [1], [0, 0, 1, 1], [], []>, transpose_lhs_hint = false} : vector<1000x128xf32>, vector<128x128xf32>, vector<1000x128xf32> -> vector<1000x128xf32>
    %add3A_36 = arith.addf %dot_general3A_27, %dot_general3A_35 : vector<1000x128xf32>
    %get3A_37 = arith.constant 0 : index
    %get3A_38 = arith.constant 0 : index
    %get3A_39 = vector.load %arg6[%get3A_37, %get3A_38] : memref<1x128xf32, #tpu.memory_space<vmem>>, vector<1x128xf32>
    %add3A_40 = vector.broadcast %get3A_39 : vector<1x128xf32> to vector<1000x128xf32>
    %add3A_41 = arith.addf %add3A_36, %add3A_40 : vector<1000x128xf32>
    %max3A_42 = arith.constant 0.000000e+00 : f32
    %max3A_43 = vector.broadcast %max3A_42 : f32 to vector<1000x128xf32>
    %max3A_44 = arith.maximumf %add3A_41, %max3A_43 : vector<1000x128xf32>
    %swap3A = arith.constant 0 : index
    %swap3A_45 = arith.constant 0 : index
    %swap3A_46 = vector.load %arg7[%swap3A, %swap3A_45] : memref<1000x128xf32, #tpu.memory_space<vmem>>, vector<1000x128xf32>
    tpu.vector_store %arg7[%swap3A, %swap3A_45], %max3A_44 {strides = array<i32>} : memref<1000x128xf32, #tpu.memory_space<vmem>>, vector<1000x128xf32>,
    return
  }
  func.func @transform_0(%arg0: i32) -> (i32, i32, i32) {
    %c0_i32 = arith.constant 0 : i32
    %c0_i32_0 = arith.constant 0 : i32
    %c0_i32_1 = arith.constant 0 : i32
    return %c0_i32, %arg0, %c0_i32_0 : i32, i32, i32
  }
  func.func @transform_1(%arg0: i32) -> (i32, i32, i32) {
    %c0_i32 = arith.constant 0 : i32
    %c0_i32_0 = arith.constant 0 : i32
    %c0_i32_1 = arith.constant 0 : i32
    return %c0_i32, %arg0, %c0_i32_0 : i32, i32, i32
  }
  func.func @transform_2(%arg0: i32) -> (i32, i32) {
    %c0_i32 = arith.constant 0 : i32
    %c0_i32_0 = arith.constant 0 : i32
    return %arg0, %c0_i32 : i32, i32
  }
  func.func @transform_3(%arg0: i32) -> (i32, i32) {
    %c0_i32 = arith.constant 0 : i32
    %c0_i32_0 = arith.constant 0 : i32
    %c0_i32_1 = arith.constant 0 : i32
    return %c0_i32, %c0_i32_0 : i32, i32
  }
  func.func @transform_4(%arg0: i32) -> (i32, i32) {
    %c0_i32 = arith.constant 0 : i32
    %c0_i32_0 = arith.constant 0 : i32
    %c0_i32_1 = arith.constant 0 : i32
    return %c0_i32, %c0_i32_0 : i32, i32
  }
  func.func @transform_5(%arg0: i32) -> (i32, i32) {
    %c0_i32 = arith.constant 0 : i32
    %c0_i32_0 = arith.constant 0 : i32
    %c0_i32_1 = arith.constant 0 : i32
    return %c0_i32, %c0_i32_0 : i32, i32
  }
  func.func @transform_6(%arg0: i32) -> (i32, i32) {
    %c0_i32 = arith.constant 0 : i32
    %c0_i32_0 = arith.constant 0 : i32
    return %arg0, %c0_i32 : i32, i32
  }
}

module attributes {stable_mosaic.version = 14 : i64} {
  func.func @_tc_sage_body(%arg0: i32, %arg1: memref<2x1000x128xf32, #tpu.memory_space<vmem>>, %arg2: memref<2x1000x128xf32, #tpu.memory_space<vmem>>, %arg3: memref<1000x128xf32, #tpu.memory_space<vmem>>, %arg4: memref<128x128xf32, #tpu.memory_space<vmem>>, %arg5: memref<128x128xf32, #tpu.memory_space<vmem>>, %arg6: memref<1x128xf32, #tpu.memory_space<vmem>>, %arg7: memref<1000x128xf32, #tpu.memory_space<vmem>>) attributes {dimension_semantics = [#tpu.dimension_semantics<arbitrary>], iteration_bounds = array<i64: 1>, scalar_prefetch = 0 : i64, scratch_operands = 0 : i64, tpu.core_type = #tpu.core_type<tc>, window_params = [{transform_indices = @transform_0, window_bounds = array<i64: 2, 1000, 128>}, {transform_indices = @transform_1, window_bounds = array<i64: 2, 1000, 128>}, {transform_indices = @transform_2, window_bounds = array<i64: 1000, 128>}, {pipeline_mode = #tpu.pipeline_mode<synchronous>, transform_indices = @transform_3, window_bounds = array<i64: 128, 128>}, {pipeline_mode = #tpu.pipeline_mode<synchronous>, transform_indices = @transform_4, window_bounds = array<i64: 128, 128>}, {pipeline_mode = #tpu.pipeline_mode<synchronous>, transform_indices = @transform_5, window_bounds = array<i64: 1, 128>}, {transform_indices = @transform_6, window_bounds = array<i64: 1000, 128>}]} {
    %get3A = arith.constant 0 : index
    %get3A_0 = arith.constant 0 : index
    %get3A_1 = arith.constant 0 : index
    %get3A_2 = vector.load %arg1[%get3A, %get3A_0, %get3A_1] : memref<2x1000x128xf32, #tpu.memory_space<vmem>>, vector<1x1000x128xf32>
    %get3A_3 = vector.shape_cast %get3A_2 : vector<1x1000x128xf32> to vector<1000x128xf32>
    %get3A_4 = arith.constant 1 : index
    %get3A_5 = arith.constant 0 : index
    %get3A_6 = arith.constant 0 : index
    %get3A_7 = vector.load %arg1[%get3A_4, %get3A_5, %get3A_6] : memref<2x1000x128xf32, #tpu.memory_space<vmem>>, vector<1x1000x128xf32>
    %get3A_8 = vector.shape_cast %get3A_7 : vector<1x1000x128xf32> to vector<1000x128xf32>
    %add3A = arith.addf %get3A_3, %get3A_8 : vector<1000x128xf32>
    %get3A_9 = arith.constant 0 : index
    %get3A_10 = arith.constant 0 : index
    %get3A_11 = arith.constant 0 : index
    %get3A_12 = vector.load %arg2[%get3A_9, %get3A_10, %get3A_11] : memref<2x1000x128xf32, #tpu.memory_space<vmem>>, vector<1x1000x128xf32>
    %get3A_13 = vector.shape_cast %get3A_12 : vector<1x1000x128xf32> to vector<1000x128xf32>
    %get3A_14 = arith.constant 1 : index
    %get3A_15 = arith.constant 0 : index
    %get3A_16 = arith.constant 0 : index
    %get3A_17 = vector.load %arg2[%get3A_14, %get3A_15, %get3A_16] : memref<2x1000x128xf32, #tpu.memory_space<vmem>>, vector<1x1000x128xf32>
    %get3A_18 = vector.shape_cast %get3A_17 : vector<1x1000x128xf32> to vector<1000x128xf32>
    %add3A_19 = arith.addf %get3A_13, %get3A_18 : vector<1000x128xf32>
    %max3A = arith.constant 1.000000e+00 : f32
    %max3A_20 = vector.broadcast %max3A : f32 to vector<1000x128xf32>
    %max3A_21 = arith.maximumf %add3A_19, %max3A_20 : vector<1000x128xf32>
    %div3A = arith.constant 1.000000e+00 : f32
    %div3A_22 = vector.broadcast %div3A : f32 to vector<1000x128xf32>
    %div3A_23 = arith.divf %div3A_22, %max3A_21 : vector<1000x128xf32>
    %mul3A = arith.mulf %add3A, %div3A_23 : vector<1000x128xf32>
    %get3A_24 = arith.constant 0 : index
    %get3A_25 = arith.constant 0 : index
    %get3A_26 = vector.load %arg4[%get3A_24, %get3A_25] : memref<128x128xf32, #tpu.memory_space<vmem>>, vector<128x128xf32>
    %dot_general3A = arith.constant dense<0.000000e+00> : vector<1000x128xf32>
    %dot_general3A_27 = tpu.matmul %mul3A, %get3A_26, %dot_general3A {dimension_numbers = #tpu.dot_dimension_numbers<[1], [0], [0], [1], [0, 0, 1, 1], [], []>, transpose_lhs_hint = false} : vector<1000x128xf32>, vector<128x128xf32>, vector<1000x128xf32> -> vector<1000x128xf32>
    %get3A_28 = arith.constant 0 : index
    %get3A_29 = arith.constant 0 : index
    %get3A_30 = vector.load %arg3[%get3A_28, %get3A_29] : memref<1000x128xf32, #tpu.memory_space<vmem>>, vector<1000x128xf32>
    %get3A_31 = arith.constant 0 : index
    %get3A_32 = arith.constant 0 : index
    %get3A_33 = vector.load %arg5[%get3A_31, %get3A_32] : memref<128x128xf32, #tpu.memory_space<vmem>>, vector<128x128xf32>
    %dot_general3A_34 = arith.constant dense<0.000000e+00> : vector<1000x128xf32>
    %dot_general3A_35 = tpu.matmul %get3A_30, %get3A_33, %dot_general3A_34 {dimension_numbers = #tpu.dot_dimension_numbers<[1], [0], [0], [1], [0, 0, 1, 1], [], []>, transpose_lhs_hint = false} : vector<1000x128xf32>, vector<128x128xf32>, vector<1000x128xf32> -> vector<1000x128xf32>
    %add3A_36 = arith.addf %dot_general3A_27, %dot_general3A_35 : vector<1000x128xf32>
    %get3A_37 = arith.constant 0 : index
    %get3A_38 = arith.constant 0 : index
    %get3A_39 = vector.load %arg6[%get3A_37, %get3A_38] : memref<1x128xf32, #tpu.memory_space<vmem>>, vector<1x128xf32>
    %add3A_40 = vector.broadcast %get3A_39 : vector<1x128xf32> to vector<1000x128xf32>
    %add3A_41 = arith.addf %add3A_36, %add3A_40 : vector<1000x128xf32>
    %swap3A = arith.constant 0 : index
    %swap3A_42 = arith.constant 0 : index
    %swap3A_43 = vector.load %arg7[%swap3A, %swap3A_42] : memref<1000x128xf32, #tpu.memory_space<vmem>>, vector<1000x128xf32>
    tpu.vector_store %arg7[%swap3A, %swap3A_42], %add3A_41 {strides = array<i32>} : memref<1000x128xf32, #tpu.memory_space<vmem>>, vector<1000x128xf32>,
    return
  }
  func.func @transform_0(%arg0: i32) -> (i32, i32, i32) {
    %c0_i32 = arith.constant 0 : i32
    %c0_i32_0 = arith.constant 0 : i32
    %c0_i32_1 = arith.constant 0 : i32
    return %c0_i32, %arg0, %c0_i32_0 : i32, i32, i32
  }
  func.func @transform_1(%arg0: i32) -> (i32, i32, i32) {
    %c0_i32 = arith.constant 0 : i32
    %c0_i32_0 = arith.constant 0 : i32
    %c0_i32_1 = arith.constant 0 : i32
    return %c0_i32, %arg0, %c0_i32_0 : i32, i32, i32
  }
  func.func @transform_2(%arg0: i32) -> (i32, i32) {
    %c0_i32 = arith.constant 0 : i32
    %c0_i32_0 = arith.constant 0 : i32
    return %arg0, %c0_i32 : i32, i32
  }
  func.func @transform_3(%arg0: i32) -> (i32, i32) {
    %c0_i32 = arith.constant 0 : i32
    %c0_i32_0 = arith.constant 0 : i32
    %c0_i32_1 = arith.constant 0 : i32
    return %c0_i32, %c0_i32_0 : i32, i32
  }
  func.func @transform_4(%arg0: i32) -> (i32, i32) {
    %c0_i32 = arith.constant 0 : i32
    %c0_i32_0 = arith.constant 0 : i32
    %c0_i32_1 = arith.constant 0 : i32
    return %c0_i32, %c0_i32_0 : i32, i32
  }
  func.func @transform_5(%arg0: i32) -> (i32, i32) {
    %c0_i32 = arith.constant 0 : i32
    %c0_i32_0 = arith.constant 0 : i32
    %c0_i32_1 = arith.constant 0 : i32
    return %c0_i32, %c0_i32_0 : i32, i32
  }
  func.func @transform_6(%arg0: i32) -> (i32, i32) {
    %c0_i32 = arith.constant 0 : i32
    %c0_i32_0 = arith.constant 0 : i32
    return %arg0, %c0_i32 : i32, i32
  }
}

</mosaic_0001>

<sc_bundles>
// kernel: kernel.6.cloned.1.call-start
scs
__scs_entry_jumppad:
0x0: {  	(pc) =	sbr.rel $0x88, $3  }
0x1: {  	(tag) =	ssettag $0x0;
	lr =	simm.s32 $0x1  }
0x2: {  	[smem:$0x3F98] =	sst lr;
	_ =	strace $0xD0000000  }
0x3: {  	_ = 	snop  }
0x4: {  	_ = 	snop  }
0x5: {  	_ = 	snop  }
0x6: {  	_ = 	snop  }
0x7: {  	_ = 	snop  }
__scs_overlays_trampoline_lowered:
0x8: {  	[smem:$0x3FA7] =	sst s0  }
0x9: {  	[smem:$0x3FA8] =	sst s1  }
0xa: {  	[smem:$0x3FA9] =	sst s2  }
0xb: {  	[smem:$0x3FAA] =	sst s3  }
0xc: {  	[smem:$0x3FAB] =	sst s4  }
0xd: {  	[smem:$0x3FAC] =	sst s5  }
0xe: {  	[smem:$0x3FAD] =	sst s6  }
0xf: {  	[smem:$0x3FAE] =	sst s7  }
0x10: {  	[smem:$0x3FAF] =	sst s8  }
0x11: {  	[smem:$0x3FB0] =	sst s9;
	s0 =	simm.s32 @!p0 $0x0  }
0x12: {  	s1 =	sld [smem:$0x3F96];
	s0 =	simm.s32 @p0 $0x1  }
0x13: {  	[smem:$0x3FB1] =	sst s0;
	s0 =	simm.s32 @!p1 $0x0  }
0x14: {  	s2 =	sld [smem:$0x3F95];
	s0 =	simm.s32 @p1 $0x1  }
0x15: {  	[smem:$0x3FB2] =	sst s0;
	s0 =	simm.s32 @!p2 $0x0  }
0x16: {  	s3 =	sld [smem:$0x3FDB];
	s0 =	simm.s32 @p2 $0x1  }
0x17: {  	s4 =	simm.s32 $0x1BF5;
	[smem:$0x3FB4] =	sst s0  }
0x18: {  	s0 =	sld [smem:$0x3F97];
	_ =	swait.ge [sflag:s4], $0x0  }
0x19: {  	s7 =	sld [smem:$0x3F98]  }
0x1a: {  	s8 =	sadd.s32 $0xFFFFE003, lr  }
0x1b: {  	s9 =	sadd.s32 $0xFFFFFEF7, lr;
	s5 =	simm.s32 $0xFFFFFFFF;
	p2 =	slt.u32 s8, $0xFFFFF086  }
0x1c: {  	p1 =	slt.u32 s9, $0xF7A;
	s5 =	simm.s32 @!p2 $0x0  }
0x1d: {  	s5 =	simm.s32 @p1 $0x1;
	p0 =	seq.s32 s7, s2  }
0x1e: {  	s7 =	smul.u32 @!p0 $0xF7A, s2;
	p2 =	seq.s32 @!p0 s5, $0x0  }
0x1f: {  	s9 =	smul.u32 $0xF7A, s1;
	s8 =	simm.s32 @!p0 $0x1BF5;
	p2 =	por !p2, p0  }
0x20: {  	[sflag:s8] =	ssyncset.s32 @!p0 $0xFFFFF086;
	s6 =	sadd.s32 @!p0 s3, s7;
	s7 =	simm.s32 @!p0 $0x108  }
0x21: {  	s3 =	sadd.s32 s3, s9;
	s6 =	sadd.s32 @!p0 $0x88, s6;
	s7 =	simm.s32 @p2 $0x1082  }
0x22: {  	[simem:s7], [sflag:s8] =	dma.local @!p0 [hbm:s6], $0xF7A  }
0x23: {  	s9 =	sor.u32 $0xD0000000, s2;
	s6 =	simm.s32 $0x108;
	_ =	swait.ge @!p0 [sflag:s8], $0x0  }
0x24: {  	s3 =	sadd.s32 $0x88, s3;
	s6 =	simm.s32 @!p1 $0x1082;
	[sflag:s4] =	ssyncset.s32 $0xFFFFF086  }
0x25: {  	[simem:s6], [sflag:s4] =	dma.local [hbm:s3], $0xF7A  }
0x26: {  	[smem:$0x3F98] =	sst s1;
	(tag) =	ssettag s2;
	_ =	strace s9  }
0x27: {  	s1 =	sld [smem:$0x3FA8]  }
0x28: {  	s2 =	sld [smem:$0x3FA9]  }
0x29: {  	s4 =	sld [smem:$0x3FAB]  }
0x2a: {  	p0 =	seq.s32 s5, $0x0;
	s5 =	sld [smem:$0x3FAC]  }
0x2b: {  	s6 =	sld [smem:$0x3FAD]  }
0x2c: {  	s7 =	sld [smem:$0x3FAE]  }
0x2d: {  	s3 =	simm.s32 $0x108;
	s8 =	sld [smem:$0x3FAF]  }
0x2e: {  	s3 =	simm.s32 @!p0 $0x1082;
	s9 =	sld [smem:$0x3FB0]  }
0x2f: {  	lr =	sadd.s32 s0, s3;
	s0 =	sld [smem:$0x3FA7]  }
0x30: {  	s3 =	sld [smem:$0x3FAA]  }
0x31: {  	[smem:$0x3FB3] =	sst s10  }
0x32: {  	s10 =	sld [smem:$0x3FB1];
	_ =	sdelay $0x3  }
0x33: {  	p0 =	seq.s32 s10, $0x1;
	s10 =	sld [smem:$0x3FB3];
	_ =	sdelay $0x3  }
0x34: {  	[smem:$0x3FB3] =	sst s10  }
0x35: {  	s10 =	sld [smem:$0x3FB2];
	_ =	sdelay $0x3  }
0x36: {  	p1 =	seq.s32 s10, $0x1;
	s10 =	sld [smem:$0x3FB3];
	_ =	sdelay $0x3  }
0x37: {  	[smem:$0x3FB3] =	sst s10  }
0x38: {  	s10 =	sld [smem:$0x3FB4]  }
0x39: {  	_ = 	snop;
	(pc) =	sbr.ind lr, $3  }
0x3a: {  	_ = 	snop  }
0x3b: {  	_ = 	snop  }
0x3c: {  	p2 =	seq.s32 s10, $0x1;
	s10 =	sld [smem:$0x3FB3]  }
0x3d: {  	_ =	shalt  }
0x3e: {  	_ =	shalt  }
0x3f: {  	_ =	shalt  }
0x40: {  	_ =	shalt  }
0x41: {  	_ =	shalt  }
0x42: {  	_ =	shalt  }
0x43: {  	_ =	shalt  }
0x44: {  	_ =	shalt  }
0x45: {  	_ =	shalt  }
0x46: {  	_ =	shalt  }
0x47: {  	_ =	shalt  }
0x48: {  	_ =	shalt  }
0x49: {  	_ =	shalt  }
0x4a: {  	_ =	shalt  }
0x4b: {  	_ =	shalt  }
0x4c: {  	_ =	shalt  }
0x4d: {  	_ =	shalt  }
0x4e: {  	_ =	shalt  }
0x4f: {  	_ =	shalt  }
0x50: {  	_ =	shalt  }
0x51: {  	_ =	shalt  }
0x52: {  	_ =	shalt  }
0x53: {  	_ =	shalt  }
0x54: {  	_ =	shalt  }
0x55: {  	_ =	shalt  }
0x56: {  	_ =	shalt  }
0x57: {  	_ =	shalt  }
0x58: {  	_ =	shalt  }
0x59: {  	_ =	shalt  }
0x5a: {  	_ =	shalt  }
0x5b: {  	_ =	shalt  }
0x5c: {  	_ =	shalt  }
0x5d: {  	_ =	shalt  }
0x5e: {  	_ =	shalt  }
0x5f: {  	_ =	shalt  }
0x60: {  	_ =	shalt  }
0x61: {  	_ =	shalt  }
0x62: {  	_ =	shalt  }
0x63: {  	_ =	shalt  }
0x64: {  	_ =	shalt  }
0x65: {  	_ =	shalt  }
0x66: {  	_ =	shalt  }
0x67: {  	_ =	shalt  }
0x68: {  	_ =	shalt  }
0x69: {  	_ =	shalt  }
0x6a: {  	_ =	shalt  }
0x6b: {  	_ =	shalt  }
0x6c: {  	_ =	shalt  }
0x6d: {  	_ =	shalt  }
0x6e: {  	_ =	shalt  }
0x6f: {  	_ =	shalt  }
0x70: {  	_ =	shalt  }
0x71: {  	_ =	shalt  }
0x72: {  	_ =	shalt  }
0x73: {  	_ =	shalt  }
0x74: {  	_ =	shalt  }
0x75: {  	_ =	shalt  }
0x76: {  	_ =	shalt  }
0x77: {  	_ =	shalt  }
0x78: {  	_ =	shalt  }
0x79: {  	_ =	shalt  }
0x7a: {  	_ =	shalt  }
0x7b: {  	_ =	shalt  }
0x7c: {  	_ =	shalt  }
0x7d: {  	_ =	shalt  }
0x7e: {  	_ =	shalt  }
0x7f: {  	_ =	shalt  }
0x80: {  	_ =	shalt  }
0x81: {  	_ =	shalt  }
0x82: {  	_ =	shalt  }
0x83: {  	_ =	shalt  }
0x84: {  	_ =	shalt  }
0x85: {  	_ =	shalt  }
0x86: {  	_ =	shalt  }
0x87: {  	_ =	shalt  }
.Lfunc_end0:
.L_simem_size_0:
called_computation_lowered:
.L_overlay_start_0:
0x88: {  	s2 =	sld [smem:$0x3FD9]  }
0x89: {  	s3 =	sld [smem:$0x3FFE];
	_ =	sdelay $0x1  }
0x8a: {  	s1 =	srdreg.scid  }
0x8b: {  	s0 =	sand.u32 $0x1, s1  }
0x8c: {  	s17 =	sshll.u32 s0, $0xA;
	s2 =	sadd.s32 s3, s2  }
0x8d: {  	s2 =	sadd.s32 s2, s17  }
0x8e: {  	[smem:$0x3FBF] =	sst s2  }
0x8f: {  	_ = 	snop  }
0x90: {  	s2 =	sld [smem:$0x3FC9];
	(tm) =	ssettm $0x1  }
0x91: {  	s18 =	sld [smem:$0x3FFB];
	_ =	sdelay $0x3  }
0x92: {  	_ =	strace s18  }
0x93: {  	s3 =	sld [smem:$0x3FFC];
	_ =	sdelay $0x3  }
0x94: {  	_ =	strace s3  }
0x95: {  	s3 =	sld [smem:$0x3FFD];
	_ =	sdelay $0x3  }
0x96: {  	_ =	strace s3  }
0x97: {  	_ =	strace $0x8FFFFFFF  }
0x98: {  	s19 =	sld [smem:$0x3FDB];
	_ =	sdelay $0x1  }
0x99: {  	s4 =	simm.s32 $_scs_section_size  }
0x9a: {  	s5 =	simm.s32 $_size__tile_overlayer_lowered;
	s6 =	simm.s32 $_tile_overlayer_lowered  }
0x9b: {  	s22 =	simm.s32 $0x1BFF;
	s21 =	sshll.u32 s6, $0x1;
	s3 =	sadd.s32 s4, s19  }
0x9c: {  	s7 =	simm.s32 $0x0;
	s20 =	sshll.u32 s5, $0x1;
	s5 =	sadd.s32 s21, s3  }
0x9d: {  	[timem:s7], [sflag:s22] =	dma.local [hbm:s5], s20  }
0x9e: {  	_ =	swait.ge [sflag:s22], s20  }
0x9f: {  	s4 =	ssub.s32 $0x0, s20;
	[sflag:s22] =	ssyncset.done $0x0  }
0xa0: {  	[sflag:s22] =	ssyncadd.s32 s4;
	_ =	sdelay $0x1  }
0xa1: {  	s23 =	simm.s32 $0x1B8B  }
0xa2: {  	_ =	swait.ge [sflag:s23], $0x1  }
0xa3: {  	[sflag:s23] =	ssyncset.done $0x0  }
0xa4: {  	s25 =	simm.s32 $0x1B8E;
	s24 =	sld [smem:$0x3FFE];
	[sflag:s23] =	ssyncadd.s32 $0xFFFFFFFF  }
0xa5: {  	s26 =	simm.s32 $execute0_lowered;
	[smem:$0x3FD2] =	sst s25  }
0xa6: {  	s5 =	sshll.u32 s26, $0x1;
	_ =	strace $0x80000046;
	[dreg:$0x1] =	wrdreg $0xFFFFFFFF  }
0xa7: {  	s28 =	simm.s32 $_size_execute0_lowered;
	s3 =	sadd.s32 s3, s5;
	[dreg:$0x0] =	wrdreg $0x0  }
0xa8: {  	s5 =	sshll.u32 s28, $0x1;
	[dreg:$0x2] =	wrdreg s3  }
0xa9: {  	[dreg:$0x3] =	wrdreg s5  }
0xaa: {  	[dreg:$0x4] =	wrdreg $0xC0  }
0xab: {  	_ =	task [dreg:s7], $0x5FFFF  }
0xac: {  	[dreg:$0x1] =	wrdreg $0xFFFFFFFF  }
0xad: {  	[dreg:$0x0] =	wrdreg $0x60  }
0xae: {  	[dreg:$0x2] =	wrdreg s2  }
0xaf: {  	[dreg:$0x3] =	wrdreg s24  }
0xb0: {  	[dreg:$0x4] =	wrdreg $0x122800  }
0xb1: {  	[dreg:$0x5] =	wrdreg $0x9  }
0xb2: {  	_ =	task.clear_ibuf [dreg:s7], $0x6FFFF;
	_ =	strace $0x90000046  }
0xb3: {  	s29 =	simm.s32 $0x9;
	_ =	strace $0x80000048  }
0xb4: {  	_ =	swait.ge [sflag:s29], $0x1  }
0xb5: {  	[sflag:s29] =	ssyncadd.s32 $0xFFFFFFFF  }
0xb6: {  	_ =	strace $0x90000048  }
0xb7: {  	_ =	sfence  }
0xb8: {  	s30 =	sld [smem:$0x0];
	_ =	sdelay $0x2  }
0xb9: {  	s31 =	sshll.u32 s1, $0xD;
	s1 =	sshrl.u32 s1, $0x2  }
0xba: {  	s3 =	sand.u32 $0x4000, s31;
	s1 =	sadd.s32 s1, s30  }
0xbb: {  	s0 =	sor.u32 s3, s0;
	s1 =	sshll.u32 s1, $0x11  }
0xbc: {  	s0 =	sor.u32 s1, s0  }
0xbd: {  	s0 =	sadd.s32 $0x8F2B, s0  }
0xbe: {  	[sflag:s0] =	ssyncadd.remote.s32 $0x1  }
0xbf: {  	_ =	sfence.sel $0xFFFF  }
0xc0: {  	[dreg:$0x0] =	wrdreg $0xFFFFFFFF;
	(pc) =	sbr.abs _section_cstart, $3  }
0xc1: {  	[dreg:$0x1] =	wrdreg $0xFFFFFFFF  }
0xc2: {  	_ =	task.clear_ibuf [dreg:s7], $0x2FFFF;
	_ =	strace $0x9FFFFFFF  }
0xc3: {  	(tm) =	ssettm $0x7FFFFFFF  }
tec
execute0_lowered:
.L_overlay_start_1:
0x0: {  	(tag) =	ssettag $0x1  }
0x1: {  	s1 =	rddreg [dreg:$0x0]  }
0x2: {  	s0 =	rddreg [dreg:$0x1]  }
0x3: {  	s3 =	rddreg [dreg:$0x2];
	s2 =	srdreg.scid  }
0x4: {  	s8 =	stileid.u32;
	s4 =	simm.s32 $0x0;
	s2 =	sand.u32 $0x1, s2  }
0x5: {  	s6 =	sshll.u32 s8, $0xB;
	[smem:$0x7FF] =	sst s4;
	s15 =	smul.u32 $0x140, s8  }
0x6: {  	s10 =	sadd.s32 $0x21E00, s0;
	s26 =	smul.u32 $0xA000, s8;
	s5 =	sshll.u32 s2, $0xF  }
0x7: {  	_ =	strace $0x80000047;
	s25 =	ssub.s32 $0x2, s2;
	s2 =	smul.u32 $0xA0000, s2  }
0x8: {  	s5 =	sor.u32 s6, s5;
	s7 =	sshrl.u32 s25, $0x1;
	s13 =	sor.u32 $0x10, s15  }
0x9: {  	s14 =	sor.u32 $0x20, s15;
	s17 =	sor.u32 $0x30, s15;
	s18 =	sadd.s32 $0x40, s15  }
0xa: {  	s19 =	sadd.s32 $0x50, s15;
	s20 =	sadd.s32 $0x60, s15;
	s21 =	sadd.s32 $0xA0, s15  }
0xb: {  	s22 =	sadd.s32 $0xF0, s15;
	s24 =	sadd.s32 $0x70, s15;
	s30 =	sadd.s32 $0x120, s15  }
0xc: {  	s31 =	sadd.s32 $0x130, s15;
	s6 =	sadd.s32 s5, s0;
	s0 =	sadd.s32 $0x49E00, s0  }
0xd: {  	s16 =	ssub.s32 s25, s7;
	s7 =	sadd.s32 s26, s2;
	s28 =	sshll.u32 s19, $0x7  }
0xe: {  	v19 =	vlaneseq.u32;
	s9 =	sshll.u32 s21, $0x7;
	s12 =	sshll.u32 s22, $0x7;
	s25 =	sadd.s32 $0x80, s15  }
0xf: {  	s26 =	sadd.s32 $0x90, s15;
	v2 =	vor.u32 s17, v19;
	v3 =	vor.u32 s18, v19;
	s17 =	sadd.s32 $0xC0, s15;
	s18 =	sadd.s32 $0xD0, s15  }
0x10: {  	v4 =	vor.u32 s19, v19;
	v5 =	vor.u32 s20, v19;
	v6 =	vor.u32 s24, v19;
	s24 =	sadd.s32 $0x110, s15;
	s19 =	simm.s32 $0xFA00;
	s20 =	simm.s32 $0xFA80  }
0x11: {  	s5 =	sadd.s32 $0x1E00, s6;
	s6 =	sadd.s32 $0x11E00, s6;
	s11 =	sshrl.u32 s7, $0x3  }
0x12: {  	s8 =	sadd.s32 s2, s28;
	s9 =	sadd.s32 s2, s9;
	s2 =	sadd.s32 s2, s12  }
0x13: {  	s28 =	sadd.s32 $0xB0, s15;
	v13 =	vor.u32 s18, v19;
	s18 =	simm.s32 $0x50;
	v17 =	vor.u32 s24, v19;
	s24 =	simm.s32 $0x8080  }
0x14: {  	v7 =	vor.u32 s25, v19;
	v8 =	vor.u32 s26, v19;
	s25 =	simm.s32 $0xD200;
	s26 =	simm.s32 $0x0;
	s7 =	sadd.s32 s10, s11  }
0x15: {  	v20 =	vimm.f32 $1.000000000e+00;
	s29 =	sshrl.u32 s8, $0x3;
	s23 =	sshrl.u32 s9, $0x3;
	s2 =	sshrl.u32 s2, $0x3  }
0x16: {  	v21 =	vimm.f32 $0.0e+00;
	v9 =	vor.u32 s15, v19;
	v0 =	vor.u32 s13, v19;
	s11 =	sadd.s32 s0, s11;
	s8 =	sadd.s32 s10, s29;
	s9 =	sadd.s32 s10, s23  }
0x17: {  	v1 =	vor.u32 s14, v19;
	v10 =	vor.u32 s21, v19;
	v15 =	vor.u32 s22, v19;
	s10 =	sadd.s32 s10, s2;
	s12 =	sadd.s32 s0, s29;
	s29 =	sadd.s32 $0xE0, s15  }
0x18: {  	v18 =	vor.u32 s30, v19;
	v12 =	vor.u32 s17, v19;
	v11 =	vor.u32 s28, v19;
	s13 =	sadd.s32 s0, s23;
	s23 =	sadd.s32 $0x100, s15;
	s14 =	sadd.s32 s0, s2  }
0x19: {  	s15 =	smax.u32 s16, $0x1;
	s16 =	simm.s32 $0x3;
	v14 =	vor.u32 s29, v19;
	v16 =	vor.u32 s23, v19;
	s23 =	simm.s32 $0x1;
	v19 =	vor.u32 s31, v19  }
.LBB2_1:
0x1a: {  	[tilespmem:s4], [sflag:$0x3] =	stream.linear.gather [hbm4b:s5+s4], $0x3E80, $0x38;
	[tilespmem:$0x1C280] =	vst v63  }
0x1b: {  	_ =	swait.ge [sflag:s16], $0x3E80  }
0x1c: {  	[sflag:s16] =	ssyncset.done $0x0  }
0x1d: {  	s0 =	simm.s32 $0x4000;
	[sflag:s16] =	ssyncadd.s32 $0xFFFFC180  }
0x1e: {  	[tilespmem:s0], [sflag:$0x3] =	stream.linear.gather [hbm4b:s6+s4], $0x3E80, $0x38;
	[tilespmem:$0x1C280] =	vst v63  }
0x1f: {  	_ =	swait.ge [sflag:s16], $0x3E80  }
0x20: {  	[sflag:s16] =	ssyncset.done $0x0  }
0x21: {  	s28 =	simm.s32 $0x200;
	s0 =	simm.s32 $0x0;
	[sflag:s16] =	ssyncadd.s32 $0xFFFFC180  }
.LBB2_2:
0x22: {  	p0 =	sne.s32 s28, $0x9E00;
	[tilespmem:s0+$0xD270] =	vst v20  }
0x23: {  	[tilespmem:s0+$0xD200] =	vst v20  }
0x24: {  	[tilespmem:s0+$0xD210] =	vst v20  }
.Ltmp0:
0x25: {  	[tilespmem:s0+$0xD220] =	vst v20;
	(pc) =	sbr.rel @p0 .LBB2_2-.Ltmp0, $4  }
0x26: {  	[tilespmem:s0+$0xD230] =	vst v20  }
0x27: {  	[tilespmem:s0+$0xD240] =	vst v20  }
0x28: {  	[tilespmem:s0+$0xD250] =	vst v20  }
0x29: {  	[tilespmem:s0+$0xD260] =	vst v20;
	s0 =	sshra.s32 s28, $0x2;
	s28 =	sadd.s32 $0x200, s28  }
0x2a: {  	[tilespmem:s0+$0xD270] =	vst v20  }
0x2b: {  	[tilespmem:s0+$0xD200] =	vst v20  }
0x2c: {  	[tilespmem:s0+$0xD210] =	vst v20  }
0x2d: {  	[tilespmem:s0+$0xD220] =	vst v20  }
0x2e: {  	[tilespmem:s0+$0xD230] =	vst v20  }
0x2f: {  	[tilespmem:s0+$0xD240] =	vst v20  }
0x30: {  	[tilespmem:s0+$0xD250] =	vst v20  }
0x31: {  	[tilespmem:s0+$0xD260] =	vst v20;
	s0 =	simm.s32 $0x0;
	s28 =	simm.s32 $0x200  }
.LBB2_4:
0x32: {  	p0 =	sne.s32 s28, $0x9E00;
	[tilespmem:s0+$0xFAF0] =	vst v21  }
0x33: {  	[tilespmem:s0+$0xFA80] =	vst v21  }
0x34: {  	[tilespmem:s0+$0xFA90] =	vst v21  }
.Ltmp1:
0x35: {  	[tilespmem:s0+$0xFAA0] =	vst v21;
	(pc) =	sbr.rel @p0 .LBB2_4-.Ltmp1, $4  }
0x36: {  	[tilespmem:s0+$0xFAB0] =	vst v21  }
0x37: {  	[tilespmem:s0+$0xFAC0] =	vst v21  }
0x38: {  	[tilespmem:s0+$0xFAD0] =	vst v21  }
0x39: {  	[tilespmem:s0+$0xFAE0] =	vst v21;
	s0 =	sshra.s32 s28, $0x2;
	s28 =	sadd.s32 $0x200, s28  }
0x3a: {  	[tilespmem:s0+$0xFAF0] =	vst v21  }
0x3b: {  	[tilespmem:s0+$0xFA80] =	vst v21  }
0x3c: {  	[tilespmem:s0+$0xFA90] =	vst v21  }
0x3d: {  	[tilespmem:s0+$0xFAA0] =	vst v21  }
0x3e: {  	[tilespmem:s0+$0xFAB0] =	vst v21  }
0x3f: {  	[tilespmem:s0+$0xFAC0] =	vst v21  }
0x40: {  	[tilespmem:s0+$0xFAD0] =	vst v21  }
0x41: {  	[tilespmem:s0+$0xFAE0] =	vst v21  }
0x42: {  	[tilespmem:$0xFA00] =	vst v9  }
0x43: {  	[tilespmem:$0xFA10] =	vst v0  }
0x44: {  	[tilespmem:$0xFA20] =	vst v1  }
0x45: {  	[tilespmem:$0xFA30] =	vst v2  }
0x46: {  	[tilespmem:$0xFA40] =	vst v3  }
0x47: {  	[spmem:s3] =	stream.indirect.scatter [tilespmem:s20], [sflag:$0x3], $0x80, s19, s18, $0xb8;
	[tilespmem:$0x1C280] =	vst v63  }
0x48: {  	_ =	swait.ge [sflag:s16], $0x2800  }
0x49: {  	[sflag:s16] =	ssyncset.done $0x0  }
0x4a: {  	[sflag:s16] =	ssyncadd.s32 $0xFFFFD800  }
0x4b: {  	[tilespmem:$0xFA00] =	vst v4  }
0x4c: {  	[tilespmem:$0xFA10] =	vst v5  }
0x4d: {  	[tilespmem:$0xFA20] =	vst v6  }
0x4e: {  	[tilespmem:$0xFA30] =	vst v7  }
0x4f: {  	[tilespmem:$0xFA40] =	vst v8  }
0x50: {  	[spmem:s3] =	stream.indirect.scatter [tilespmem:s20], [sflag:$0x3], $0x80, s19, s18, $0xb8;
	[tilespmem:$0x1C280] =	vst v63  }
0x51: {  	_ =	swait.ge [sflag:s16], $0x2800  }
0x52: {  	[sflag:s16] =	ssyncset.done $0x0  }
0x53: {  	[sflag:s16] =	ssyncadd.s32 $0xFFFFD800  }
0x54: {  	[tilespmem:$0xFA00] =	vst v10  }
0x55: {  	[tilespmem:$0xFA10] =	vst v11  }
0x56: {  	[tilespmem:$0xFA20] =	vst v12  }
0x57: {  	[tilespmem:$0xFA30] =	vst v13  }
0x58: {  	[tilespmem:$0xFA40] =	vst v14  }
0x59: {  	[spmem:s3] =	stream.indirect.scatter [tilespmem:s20], [sflag:$0x3], $0x80, s19, s18, $0xb8;
	[tilespmem:$0x1C280] =	vst v63  }
0x5a: {  	_ =	swait.ge [sflag:s16], $0x2800  }
0x5b: {  	[sflag:s16] =	ssyncset.done $0x0  }
0x5c: {  	[sflag:s16] =	ssyncadd.s32 $0xFFFFD800  }
0x5d: {  	[tilespmem:$0xFA00] =	vst v15  }
0x5e: {  	[tilespmem:$0xFA10] =	vst v16  }
0x5f: {  	[tilespmem:$0xFA20] =	vst v17  }
0x60: {  	[tilespmem:$0xFA30] =	vst v18  }
0x61: {  	[tilespmem:$0xFA40] =	vst v19  }
0x62: {  	[spmem:s3] =	stream.indirect.scatter [tilespmem:s20], [sflag:$0x3], $0x80, s19, s18, $0xb8;
	[tilespmem:$0x1C280] =	vst v63  }
0x63: {  	_ =	swait.ge [sflag:s16], $0x2800  }
0x64: {  	[sflag:s16] =	ssyncset.done $0x0  }
0x65: {  	[sflag:s16] =	ssyncadd.s32 $0xFFFFD800  }
0x66: {  	[bflag:$0x0] =	sbarrier.arrive $0xFFFF  }
0x67: {  	v22 =	vld [tilespmem:$0x4000]  }
0x68: {  	v23 =	vld [tilespmem:$0x0]  }
0x69: {  	v24 =	vld [tilespmem:$0x4010]  }
0x6a: {  	v25 =	vld [tilespmem:$0x10]  }
0x6b: {  	v26 =	vld [tilespmem:$0x4020]  }
0x6c: {  	v27 =	vld [tilespmem:$0x20]  }
0x6d: {  	v63 =	vld [tilespmem:$0x40]  }
0x6e: {  	v62 =	vld [tilespmem:$0x4040];
	vm0 =	vlt.s32 v22, $0x1388;
	[tilespmem:$0x8000] =	vst v23  }
0x6f: {  	v23 =	vld [tilespmem:$0x4030];
	[tilespmem:$0x8010] =	vst v25;
	v22 =	vnsel vm0, $0x1388, v22  }
0x70: {  	[tilespmem:$0x8080] =	vst v22;
	v22 =	vld [tilespmem:$0x30]  }
0x71: {  	vm12 =	vlt.s32 v24, $0x1388;
	[tilespmem:$0x8020] =	vst v27  }
0x72: {  	vm13 =	vlt.s32 v26, $0x1388;
	[tilespmem:$0x8040] =	vst v63;
	v24 =	vnsel vm12, $0x1388, v24  }
0x73: {  	v26 =	vnsel vm13, $0x1388, v26;
	[tilespmem:$0x8090] =	vst v24  }
0x74: {  	[tilespmem:$0x80A0] =	vst v26;
	vm14 =	vlt.s32 v23, $0x1388  }
0x75: {  	s21 =	simm.s32 $0x1;
	vm15 =	vlt.s32 v62, $0x1388;
	[tilespmem:$0x8030] =	vst v22;
	v22 =	vnsel vm14, $0x1388, v23  }
0x76: {  	s17 =	simm.s32 $0x8000;
	s22 =	sand.u32 $0x1, s21;
	[tilespmem:$0x80B0] =	vst v22;
	v22 =	vnsel vm15, $0x1388, v62  }
0x77: {  	s2 =	simm.s32 $0x8200;
	s0 =	simm.s32 $0xC0;
	p0 =	seq.s32 s22, $0x0;
	[tilespmem:$0x80C0] =	vst v22  }
0x78: {  	[tilespmem:s2], [sflag:$0x1] =	stream.indirect.gather [hbm4b:s1+s18], $0x80, s17, s18, $0xb8;
	[tilespmem:$0x1C280] =	vst v63  }
0x79: {  	v22 =	vld @p0 [tilespmem:s0+$0xFFFFFFC0];
	_ =	sdelay $0x4  }
0x7a: {  	s28 =	simm.s32 $0x40C0;
	[tilespmem:$0x8000] =	vst @p0 v22  }
0x7b: {  	v22 =	vld @p0 [tilespmem:s28+$0xFFFFFFC0];
	_ =	sdelay $0x4  }
0x7c: {  	vm0 =	vlt.s32 @p0 v22, $0x1388  }
0x7d: {  	v22 =	vnsel @p0 vm0, $0x1388, v22  }
0x7e: {  	[tilespmem:$0x8080] =	vst @p0 v22  }
0x7f: {  	v22 =	vld @p0 [tilespmem:s0+$0xFFFFFFD0];
	_ =	sdelay $0x4  }
0x80: {  	[tilespmem:$0x8010] =	vst @p0 v22  }
0x81: {  	v22 =	vld @p0 [tilespmem:s28+$0xFFFFFFD0];
	_ =	sdelay $0x4  }
0x82: {  	vm0 =	vlt.s32 @p0 v22, $0x1388  }
0x83: {  	v22 =	vnsel @p0 vm0, $0x1388, v22  }
0x84: {  	[tilespmem:$0x8090] =	vst @p0 v22  }
0x85: {  	v22 =	vld @p0 [tilespmem:s0+$0xFFFFFFE0];
	_ =	sdelay $0x4  }
0x86: {  	[tilespmem:$0x8020] =	vst @p0 v22  }
0x87: {  	v22 =	vld @p0 [tilespmem:s28+$0xFFFFFFE0];
	_ =	sdelay $0x4  }
0x88: {  	vm0 =	vlt.s32 @p0 v22, $0x1388  }
0x89: {  	v22 =	vnsel @p0 vm0, $0x1388, v22  }
0x8a: {  	[tilespmem:$0x80A0] =	vst @p0 v22  }
0x8b: {  	v22 =	vld @p0 [tilespmem:s0+$0xFFFFFFF0];
	_ =	sdelay $0x4  }
0x8c: {  	[tilespmem:$0x8030] =	vst @p0 v22  }
0x8d: {  	v22 =	vld @p0 [tilespmem:s28+$0xFFFFFFF0];
	_ =	sdelay $0x4  }
0x8e: {  	vm0 =	vlt.s32 @p0 v22, $0x1388  }
0x8f: {  	v22 =	vnsel @p0 vm0, $0x1388, v22  }
0x90: {  	[tilespmem:$0x80B0] =	vst @p0 v22  }
0x91: {  	v22 =	vld @p0 [tilespmem:s0+$0x0];
	_ =	sdelay $0x4  }
0x92: {  	[tilespmem:$0x8040] =	vst @p0 v22  }
0x93: {  	v22 =	vld @p0 [tilespmem:s28+$0x0];
	_ =	sdelay $0x4  }
0x94: {  	vm0 =	vlt.s32 @p0 v22, $0x1388  }
0x95: {  	s29 =	simm.s32 @p0 $0x50;
	v22 =	vnsel @p0 vm0, $0x1388, v22  }
0x96: {  	s30 =	simm.s32 @p0 $0x8000;
	s31 =	simm.s32 @p0 $0x8200;
	s2 =	simm.s32 @p0 $0x2;
	[tilespmem:$0x80C0] =	vst @p0 v22  }
0x97: {  	[tilespmem:s31], [sflag:$0x1] =	stream.indirect.gather @p0 [hbm4b:s1+s29], $0x80, s30, s29, $0xb8;
	[tilespmem:$0x1C280] =	vst v63  }
0x98: {  	p1 =	por @!p0 $0x0, $0x0;
	_ =	swait.ge @p0 [sflag:s2], $0x2800  }
0x99: {  	p1 =	por p1, p0;
	[sflag:s2] =	ssyncset.done @p0 $0x0  }
0x9a: {  	s30 =	simm.s32 @p0 $0xAA00;
	[sflag:s2] =	ssyncadd.s32 @p0 $0xFFFFD800;
	s2 =	simm.s32 @p0 $0x8180  }
0x9b: {  	[spmem:s3] =	stream.indirect.scatter.add.f32 @p0 [tilespmem:s30], [sflag:$0x3], $0x80, s2, s29, $0xb8;
	[tilespmem:$0x1C280] =	vst v63  }
0x9c: {  	v22 =	vld @!p1 [tilespmem:s0+$0xFFFFFFC0];
	_ =	sdelay $0x4  }
0x9d: {  	[tilespmem:$0x8100] =	vst @!p1 v22  }
0x9e: {  	v22 =	vld @!p1 [tilespmem:s28+$0xFFFFFFC0];
	_ =	sdelay $0x4  }
0x9f: {  	vm0 =	vlt.s32 @!p1 v22, $0x1388  }
0xa0: {  	v22 =	vnsel @!p1 vm0, $0x1388, v22  }
0xa1: {  	[tilespmem:$0x8180] =	vst @!p1 v22  }
0xa2: {  	v22 =	vld @!p1 [tilespmem:s0+$0xFFFFFFD0];
	_ =	sdelay $0x4  }
0xa3: {  	[tilespmem:$0x8110] =	vst @!p1 v22  }
0xa4: {  	v22 =	vld @!p1 [tilespmem:s28+$0xFFFFFFD0];
	_ =	sdelay $0x4  }
0xa5: {  	vm0 =	vlt.s32 @!p1 v22, $0x1388  }
0xa6: {  	v22 =	vnsel @!p1 vm0, $0x1388, v22  }
0xa7: {  	[tilespmem:$0x8190] =	vst @!p1 v22  }
0xa8: {  	v22 =	vld @!p1 [tilespmem:s0+$0xFFFFFFE0];
	_ =	sdelay $0x4  }
0xa9: {  	[tilespmem:$0x8120] =	vst @!p1 v22  }
0xaa: {  	v22 =	vld @!p1 [tilespmem:s28+$0xFFFFFFE0];
	_ =	sdelay $0x4  }
0xab: {  	vm0 =	vlt.s32 @!p1 v22, $0x1388  }
0xac: {  	v22 =	vnsel @!p1 vm0, $0x1388, v22  }
0xad: {  	[tilespmem:$0x81A0] =	vst @!p1 v22  }
0xae: {  	v22 =	vld @!p1 [tilespmem:s0+$0xFFFFFFF0];
	_ =	sdelay $0x4  }
0xaf: {  	[tilespmem:$0x8130] =	vst @!p1 v22  }
0xb0: {  	v22 =	vld @!p1 [tilespmem:s28+$0xFFFFFFF0];
	_ =	sdelay $0x4  }
0xb1: {  	vm0 =	vlt.s32 @!p1 v22, $0x1388  }
0xb2: {  	v22 =	vnsel @!p1 vm0, $0x1388, v22  }
0xb3: {  	[tilespmem:$0x81B0] =	vst @!p1 v22  }
0xb4: {  	v22 =	vld @!p1 [tilespmem:s0+$0x0];
	_ =	sdelay $0x4  }
0xb5: {  	[tilespmem:$0x8140] =	vst @!p1 v22  }
0xb6: {  	v22 =	vld @!p1 [tilespmem:s28+$0x0];
	_ =	sdelay $0x4  }
0xb7: {  	vm0 =	vlt.s32 @!p1 v22, $0x1388  }
0xb8: {  	s31 =	simm.s32 @!p0 $0x4;
	s2 =	simm.s32 @!p1 $0x50;
	v22 =	vnsel @!p1 vm0, $0x1388, v22  }
0xb9: {  	s29 =	simm.s32 @!p1 $0xAA00;
	s0 =	simm.s32 @!p0 $0x1;
	s28 =	simm.s32 @!p1 $0x8100;
	[tilespmem:$0x81C0] =	vst @!p1 v22  }
0xba: {  	[tilespmem:s29], [sflag:$0x2] =	stream.indirect.gather @!p1 [hbm4b:s1+s2], $0x80, s28, s2, $0xb8;
	[tilespmem:$0x1C280] =	vst v63  }
0xbb: {  	s31 =	simm.s32 @p0 $0x3;
	_ =	swait.ge @!p0 [sflag:s0], $0x2800  }
0xbc: {  	s30 =	simm.s32 $0x2;
	s2 =	simm.s32 @!p0 $0x8200;
	[sflag:s0] =	ssyncset.done @!p0 $0x0  }
0xbd: {  	s28 =	simm.s32 @!p0 $0x8080;
	[sflag:s0] =	ssyncadd.s32 @!p0 $0xFFFFD800;
	s0 =	simm.s32 @!p0 $0x50  }
0xbe: {  	[spmem:s3] =	stream.indirect.scatter.add.f32 @!p0 [tilespmem:s2], [sflag:$0x4], $0x80, s28, s0, $0xb8;
	[tilespmem:$0x1C280] =	vst v63  }
0xbf: {  	s29 =	simm.s32 $0x4140;
	s0 =	simm.s32 $0x3;
	_ =	swait.ge [sflag:s31], $0x2800  }
0xc0: {  	s28 =	simm.s32 $0x140;
	s2 =	sand.u32 $0x1, s30;
	[sflag:s31] =	ssyncset.done $0x0  }
.LBB2_6:
0xc1: {  	p1 =	seq.s32 s2, $0x0  }
0xc2: {  	[sflag:s31] =	ssyncadd.s32 $0xFFFFD800;
	s2 =	smov.u32 s0;
	s0 =	sadd.s32 $0x1, s0  }
0xc3: {  	p0 =	sne.s32 s0, $0x7E;
	v22 =	vld @p1 [tilespmem:s28+$0xFFFFFFC0];
	p2 =	sgt.u32 @!p1 s30, $0x7C;
	s31 =	simm.s32 @!p1 $0x4  }
0xc4: {  	s30 =	smov.u32 s2;
	_ =	sdelay $0x3  }
0xc5: {  	[tilespmem:$0x8000] =	vst @p1 v22  }
0xc6: {  	v22 =	vld @p1 [tilespmem:s29+$0xFFFFFFC0];
	_ =	sdelay $0x4  }
0xc7: {  	vm0 =	vlt.s32 @p1 v22, $0x1388  }
0xc8: {  	v22 =	vnsel @p1 vm0, $0x1388, v22  }
0xc9: {  	[tilespmem:$0x8080] =	vst @p1 v22  }
0xca: {  	v22 =	vld @p1 [tilespmem:s28+$0xFFFFFFD0];
	_ =	sdelay $0x4  }
0xcb: {  	[tilespmem:$0x8010] =	vst @p1 v22  }
0xcc: {  	v22 =	vld @p1 [tilespmem:s29+$0xFFFFFFD0];
	_ =	sdelay $0x4  }
0xcd: {  	vm0 =	vlt.s32 @p1 v22, $0x1388  }
0xce: {  	v22 =	vnsel @p1 vm0, $0x1388, v22  }
0xcf: {  	[tilespmem:$0x8090] =	vst @p1 v22  }
0xd0: {  	v22 =	vld @p1 [tilespmem:s28+$0xFFFFFFE0];
	_ =	sdelay $0x4  }
0xd1: {  	[tilespmem:$0x8020] =	vst @p1 v22  }
0xd2: {  	v22 =	vld @p1 [tilespmem:s29+$0xFFFFFFE0];
	_ =	sdelay $0x4  }
0xd3: {  	vm0 =	vlt.s32 @p1 v22, $0x1388  }
0xd4: {  	v22 =	vnsel @p1 vm0, $0x1388, v22  }
0xd5: {  	[tilespmem:$0x80A0] =	vst @p1 v22  }
0xd6: {  	v22 =	vld @p1 [tilespmem:s28+$0xFFFFFFF0];
	_ =	sdelay $0x4  }
0xd7: {  	[tilespmem:$0x8030] =	vst @p1 v22  }
0xd8: {  	v22 =	vld @p1 [tilespmem:s29+$0xFFFFFFF0];
	_ =	sdelay $0x4  }
0xd9: {  	vm0 =	vlt.s32 @p1 v22, $0x1388  }
0xda: {  	v22 =	vnsel @p1 vm0, $0x1388, v22  }
0xdb: {  	[tilespmem:$0x80B0] =	vst @p1 v22  }
0xdc: {  	v22 =	vld @p1 [tilespmem:s28+$0x0];
	_ =	sdelay $0x4  }
0xdd: {  	[tilespmem:$0x8040] =	vst @p1 v22  }
0xde: {  	v22 =	vld @p1 [tilespmem:s29+$0x0];
	_ =	sdelay $0x4  }
0xdf: {  	vm0 =	vlt.s32 @p1 v22, $0x1388  }
0xe0: {  	s2 =	simm.s32 @p1 $0x2;
	v22 =	vnsel @p1 vm0, $0x1388, v22  }
0xe1: {  	s17 =	simm.s32 @p1 $0x50;
	s21 =	simm.s32 @p1 $0x8000;
	s22 =	simm.s32 @p1 $0x8200;
	[tilespmem:$0x80C0] =	vst @p1 v22  }
0xe2: {  	[tilespmem:s22], [sflag:$0x1] =	stream.indirect.gather @p1 [hbm4b:s1+s17], $0x80, s21, s17, $0xb8;
	[tilespmem:$0x1C280] =	vst v63  }
0xe3: {  	_ =	swait.ge @p1 [sflag:s2], $0x2800  }
0xe4: {  	p2 =	por p2, p1;
	[sflag:s2] =	ssyncset.done @p1 $0x0  }
0xe5: {  	s21 =	simm.s32 @p1 $0xAA00;
	[sflag:s2] =	ssyncadd.s32 @p1 $0xFFFFD800;
	s2 =	simm.s32 @p1 $0x8180  }
0xe6: {  	[spmem:s3] =	stream.indirect.scatter.add.f32 @p1 [tilespmem:s21], [sflag:$0x3], $0x80, s2, s17, $0xb8;
	[tilespmem:$0x1C280] =	vst v63  }
0xe7: {  	v22 =	vld @!p2 [tilespmem:s28+$0xFFFFFFC0];
	_ =	sdelay $0x4  }
0xe8: {  	[tilespmem:$0x8100] =	vst @!p2 v22  }
0xe9: {  	v22 =	vld @!p2 [tilespmem:s29+$0xFFFFFFC0];
	_ =	sdelay $0x4  }
0xea: {  	vm0 =	vlt.s32 @!p2 v22, $0x1388  }
0xeb: {  	v22 =	vnsel @!p2 vm0, $0x1388, v22  }
0xec: {  	[tilespmem:$0x8180] =	vst @!p2 v22  }
0xed: {  	v22 =	vld @!p2 [tilespmem:s28+$0xFFFFFFD0];
	_ =	sdelay $0x4  }
0xee: {  	[tilespmem:$0x8110] =	vst @!p2 v22  }
0xef: {  	v22 =	vld @!p2 [tilespmem:s29+$0xFFFFFFD0];
	_ =	sdelay $0x4  }
0xf0: {  	vm0 =	vlt.s32 @!p2 v22, $0x1388  }
0xf1: {  	v22 =	vnsel @!p2 vm0, $0x1388, v22  }
0xf2: {  	[tilespmem:$0x8190] =	vst @!p2 v22  }
0xf3: {  	v22 =	vld @!p2 [tilespmem:s28+$0xFFFFFFE0];
	_ =	sdelay $0x4  }
0xf4: {  	[tilespmem:$0x8120] =	vst @!p2 v22  }
0xf5: {  	v22 =	vld @!p2 [tilespmem:s29+$0xFFFFFFE0];
	_ =	sdelay $0x4  }
0xf6: {  	vm0 =	vlt.s32 @!p2 v22, $0x1388  }
0xf7: {  	v22 =	vnsel @!p2 vm0, $0x1388, v22  }
0xf8: {  	[tilespmem:$0x81A0] =	vst @!p2 v22  }
0xf9: {  	v22 =	vld @!p2 [tilespmem:s28+$0xFFFFFFF0];
	_ =	sdelay $0x4  }
0xfa: {  	[tilespmem:$0x8130] =	vst @!p2 v22  }
0xfb: {  	v22 =	vld @!p2 [tilespmem:s29+$0xFFFFFFF0];
	_ =	sdelay $0x4  }
0xfc: {  	vm0 =	vlt.s32 @!p2 v22, $0x1388  }
0xfd: {  	v22 =	vnsel @!p2 vm0, $0x1388, v22  }
0xfe: {  	[tilespmem:$0x81B0] =	vst @!p2 v22  }
0xff: {  	v22 =	vld @!p2 [tilespmem:s28+$0x0];
	_ =	sdelay $0x4  }
0x100: {  	[tilespmem:$0x8140] =	vst @!p2 v22  }
0x101: {  	v22 =	vld @!p2 [tilespmem:s29+$0x0];
	_ =	sdelay $0x4  }
0x102: {  	vm0 =	vlt.s32 @!p2 v22, $0x1388  }
0x103: {  	s2 =	simm.s32 @!p1 $0x1;
	v22 =	vnsel @!p2 vm0, $0x1388, v22  }
0x104: {  	s22 =	simm.s32 @!p2 $0xAA00;
	s17 =	simm.s32 @!p2 $0x50;
	s21 =	simm.s32 @!p2 $0x8100;
	[tilespmem:$0x81C0] =	vst @!p2 v22  }
0x105: {  	[tilespmem:s22], [sflag:$0x2] =	stream.indirect.gather @!p2 [hbm4b:s1+s17], $0x80, s21, s17, $0xb8;
	[tilespmem:$0x1C280] =	vst v63  }
0x106: {  	s31 =	simm.s32 @p1 $0x3;
	_ =	swait.ge @!p1 [sflag:s2], $0x2800  }
.Ltmp2:
0x107: {  	s17 =	simm.s32 @!p1 $0x8200;
	[sflag:s2] =	ssyncset.done @!p1 $0x0;
	(pc) =	sbr.rel @p0 .LBB2_6-.Ltmp2, $4  }
0x108: {  	s21 =	simm.s32 @!p1 $0x8080;
	[sflag:s2] =	ssyncadd.s32 @!p1 $0xFFFFD800;
	s2 =	simm.s32 @!p1 $0x50  }
0x109: {  	[spmem:s3] =	stream.indirect.scatter.add.f32 @!p1 [tilespmem:s17], [sflag:$0x4], $0x80, s21, s2, $0xb8;
	[tilespmem:$0x1C280] =	vst v63  }
0x10a: {  	s28 =	sadd.s32 $0x80, s28;
	_ =	swait.ge [sflag:s31], $0x2800  }
0x10b: {  	s29 =	sadd.s32 $0x80, s29;
	s2 =	sand.u32 $0x1, s30;
	[sflag:s31] =	ssyncset.done $0x0  }
0x10c: {  	p0 =	seq.s32 s2, $0x0;
	[sflag:s31] =	ssyncadd.s32 $0xFFFFD800  }
0x10d: {  	v22 =	vld @p0 [tilespmem:s28+$0xFFFFFFC0];
	_ =	sdelay $0x4  }
0x10e: {  	[tilespmem:$0x8000] =	vst @p0 v22  }
0x10f: {  	v22 =	vld @p0 [tilespmem:s29+$0xFFFFFFC0];
	_ =	sdelay $0x4  }
0x110: {  	vm0 =	vlt.s32 @p0 v22, $0x1388  }
0x111: {  	v22 =	vnsel @p0 vm0, $0x1388, v22  }
0x112: {  	[tilespmem:$0x8080] =	vst @p0 v22  }
0x113: {  	v22 =	vld @p0 [tilespmem:s28+$0xFFFFFFD0];
	_ =	sdelay $0x4  }
0x114: {  	[tilespmem:$0x8010] =	vst @p0 v22  }
0x115: {  	v22 =	vld @p0 [tilespmem:s29+$0xFFFFFFD0];
	_ =	sdelay $0x4  }
0x116: {  	vm0 =	vlt.s32 @p0 v22, $0x1388  }
0x117: {  	v22 =	vnsel @p0 vm0, $0x1388, v22  }
0x118: {  	[tilespmem:$0x8090] =	vst @p0 v22  }
0x119: {  	v22 =	vld @p0 [tilespmem:s28+$0xFFFFFFE0];
	_ =	sdelay $0x4  }
0x11a: {  	[tilespmem:$0x8020] =	vst @p0 v22  }
0x11b: {  	v22 =	vld @p0 [tilespmem:s29+$0xFFFFFFE0];
	_ =	sdelay $0x4  }
0x11c: {  	vm0 =	vlt.s32 @p0 v22, $0x1388  }
0x11d: {  	v22 =	vnsel @p0 vm0, $0x1388, v22  }
0x11e: {  	[tilespmem:$0x80A0] =	vst @p0 v22  }
0x11f: {  	v22 =	vld @p0 [tilespmem:s28+$0xFFFFFFF0];
	_ =	sdelay $0x4  }
0x120: {  	[tilespmem:$0x8030] =	vst @p0 v22  }
0x121: {  	v22 =	vld @p0 [tilespmem:s29+$0xFFFFFFF0];
	_ =	sdelay $0x4  }
0x122: {  	vm0 =	vlt.s32 @p0 v22, $0x1388  }
0x123: {  	v22 =	vnsel @p0 vm0, $0x1388, v22  }
0x124: {  	[tilespmem:$0x80B0] =	vst @p0 v22  }
0x125: {  	v22 =	vld @p0 [tilespmem:s28+$0x0];
	_ =	sdelay $0x4  }
0x126: {  	[tilespmem:$0x8040] =	vst @p0 v22  }
0x127: {  	v22 =	vld @p0 [tilespmem:s29+$0x0];
	_ =	sdelay $0x4  }
0x128: {  	vm0 =	vlt.s32 @p0 v22, $0x1388  }
0x129: {  	s0 =	simm.s32 @p0 $0x2;
	v22 =	vnsel @p0 vm0, $0x1388, v22  }
0x12a: {  	s2 =	simm.s32 @p0 $0x50;
	s17 =	simm.s32 @p0 $0x8000;
	s21 =	simm.s32 @p0 $0x8200;
	[tilespmem:$0x80C0] =	vst @p0 v22  }
0x12b: {  	[tilespmem:s21], [sflag:$0x1] =	stream.indirect.gather @p0 [hbm4b:s1+s2], $0x80, s17, s2, $0xb8;
	[tilespmem:$0x1C280] =	vst v63  }
0x12c: {  	p1 =	sgt.u32 @!p0 s30, $0x7C;
	_ =	swait.ge @p0 [sflag:s0], $0x2800  }
0x12d: {  	p1 =	por p1, p0;
	[sflag:s0] =	ssyncset.done @p0 $0x0  }
0x12e: {  	s17 =	simm.s32 @p0 $0xAA00;
	[sflag:s0] =	ssyncadd.s32 @p0 $0xFFFFD800;
	s0 =	simm.s32 @p0 $0x8180  }
0x12f: {  	[spmem:s3] =	stream.indirect.scatter.add.f32 @p0 [tilespmem:s17], [sflag:$0x3], $0x80, s0, s2, $0xb8;
	[tilespmem:$0x1C280] =	vst v63  }
0x130: {  	v22 =	vld @!p1 [tilespmem:s28+$0xFFFFFFC0];
	_ =	sdelay $0x4  }
0x131: {  	[tilespmem:$0x8100] =	vst @!p1 v22  }
0x132: {  	v22 =	vld @!p1 [tilespmem:s29+$0xFFFFFFC0];
	_ =	sdelay $0x4  }
0x133: {  	vm0 =	vlt.s32 @!p1 v22, $0x1388  }
0x134: {  	v22 =	vnsel @!p1 vm0, $0x1388, v22  }
0x135: {  	[tilespmem:$0x8180] =	vst @!p1 v22  }
0x136: {  	v22 =	vld @!p1 [tilespmem:s28+$0xFFFFFFD0];
	_ =	sdelay $0x4  }
0x137: {  	[tilespmem:$0x8110] =	vst @!p1 v22  }
0x138: {  	v22 =	vld @!p1 [tilespmem:s29+$0xFFFFFFD0];
	_ =	sdelay $0x4  }
0x139: {  	vm0 =	vlt.s32 @!p1 v22, $0x1388  }
0x13a: {  	v22 =	vnsel @!p1 vm0, $0x1388, v22  }
0x13b: {  	[tilespmem:$0x8190] =	vst @!p1 v22  }
0x13c: {  	v22 =	vld @!p1 [tilespmem:s28+$0xFFFFFFE0];
	_ =	sdelay $0x4  }
0x13d: {  	[tilespmem:$0x8120] =	vst @!p1 v22  }
0x13e: {  	v22 =	vld @!p1 [tilespmem:s29+$0xFFFFFFE0];
	_ =	sdelay $0x4  }
0x13f: {  	vm0 =	vlt.s32 @!p1 v22, $0x1388  }
0x140: {  	v22 =	vnsel @!p1 vm0, $0x1388, v22  }
0x141: {  	[tilespmem:$0x81A0] =	vst @!p1 v22  }
0x142: {  	v22 =	vld @!p1 [tilespmem:s28+$0xFFFFFFF0];
	_ =	sdelay $0x4  }
0x143: {  	[tilespmem:$0x8130] =	vst @!p1 v22  }
0x144: {  	v22 =	vld @!p1 [tilespmem:s29+$0xFFFFFFF0];
	_ =	sdelay $0x4  }
0x145: {  	vm0 =	vlt.s32 @!p1 v22, $0x1388  }
0x146: {  	v22 =	vnsel @!p1 vm0, $0x1388, v22  }
0x147: {  	[tilespmem:$0x81B0] =	vst @!p1 v22  }
0x148: {  	v22 =	vld @!p1 [tilespmem:s28+$0x0];
	_ =	sdelay $0x4  }
0x149: {  	[tilespmem:$0x8140] =	vst @!p1 v22  }
0x14a: {  	v22 =	vld @!p1 [tilespmem:s29+$0x0];
	_ =	sdelay $0x4  }
0x14b: {  	vm0 =	vlt.s32 @!p1 v22, $0x1388  }
0x14c: {  	s21 =	simm.s32 @!p1 $0xAA00;
	v22 =	vnsel @!p1 vm0, $0x1388, v22  }
0x14d: {  	s0 =	simm.s32 @!p0 $0x1;
	s2 =	simm.s32 @!p1 $0x50;
	s17 =	simm.s32 @!p1 $0x8100;
	[tilespmem:$0x81C0] =	vst @!p1 v22  }
0x14e: {  	[tilespmem:s21], [sflag:$0x2] =	stream.indirect.gather @!p1 [hbm4b:s1+s2], $0x80, s17, s2, $0xb8;
	[tilespmem:$0x1C280] =	vst v63  }
0x14f: {  	s2 =	simm.s32 @!p0 $0x4;
	_ =	swait.ge @!p0 [sflag:s0], $0x2800  }
0x150: {  	s17 =	simm.s32 @!p0 $0x8200;
	s21 =	simm.s32 @!p0 $0x8080;
	[sflag:s0] =	ssyncset.done @!p0 $0x0  }
0x151: {  	s2 =	simm.s32 @p0 $0x3;
	[sflag:s0] =	ssyncadd.s32 @!p0 $0xFFFFD800;
	s0 =	simm.s32 @!p0 $0x50  }
0x152: {  	[spmem:s3] =	stream.indirect.scatter.add.f32 @!p0 [tilespmem:s17], [sflag:$0x4], $0x80, s21, s0, $0xb8;
	[tilespmem:$0x1C280] =	vst v63  }
0x153: {  	_ =	swait.ge [sflag:s2], $0x2800  }
0x154: {  	[sflag:s2] =	ssyncset.done $0x0  }
0x155: {  	[sflag:s2] =	ssyncadd.s32 $0xFFFFD800  }
0x156: {  	[bflag:$0x0] =	sbarrier.arrive $0xFFFF  }
0x157: {  	[tilespmem:$0xFA00] =	vst v9  }
0x158: {  	[tilespmem:$0xFA10] =	vst v0  }
0x159: {  	[tilespmem:$0xFA20] =	vst v1  }
0x15a: {  	[tilespmem:$0xFA30] =	vst v2  }
0x15b: {  	[tilespmem:$0xFA40] =	vst v3  }
0x15c: {  	[tilespmem:s20], [sflag:$0x1] =	stream.indirect.gather [spmem:s3], $0x80, s19, s18, $0xb8;
	[tilespmem:$0x1C280] =	vst v63  }
0x15d: {  	_ =	swait.ge [sflag:s23], $0x2800  }
0x15e: {  	[sflag:s23] =	ssyncset.done $0x0  }
0x15f: {  	s31 =	simm.s32 $0x0;
	[sflag:s23] =	ssyncadd.s32 $0xFFFFD800  }
0x160: {  	[hbm4b:s7+s31] =	stream.linear.scatter [tilespmem:s20], [sflag:$0x3], $0x2800, $0x38;
	[tilespmem:$0x1C280] =	vst v63  }
0x161: {  	_ =	swait.ge [sflag:s16], $0x2800  }
0x162: {  	[sflag:s16] =	ssyncset.done $0x0  }
0x163: {  	[sflag:s16] =	ssyncadd.s32 $0xFFFFD800  }
0x164: {  	[tilespmem:$0xFA00] =	vst v4  }
0x165: {  	[tilespmem:$0xFA10] =	vst v5  }
0x166: {  	[tilespmem:$0xFA20] =	vst v6  }
0x167: {  	[tilespmem:$0xFA30] =	vst v7  }
0x168: {  	[tilespmem:$0xFA40] =	vst v8  }
0x169: {  	[tilespmem:s20], [sflag:$0x1] =	stream.indirect.gather [spmem:s3], $0x80, s19, s18, $0xb8;
	[tilespmem:$0x1C280] =	vst v63  }
0x16a: {  	_ =	swait.ge [sflag:s23], $0x2800  }
0x16b: {  	[sflag:s23] =	ssyncset.done $0x0  }
0x16c: {  	[sflag:s23] =	ssyncadd.s32 $0xFFFFD800  }
0x16d: {  	[hbm4b:s8+s31] =	stream.linear.scatter [tilespmem:s20], [sflag:$0x3], $0x2800, $0x38;
	[tilespmem:$0x1C280] =	vst v63  }
0x16e: {  	_ =	swait.ge [sflag:s16], $0x2800  }
0x16f: {  	[sflag:s16] =	ssyncset.done $0x0  }
0x170: {  	[sflag:s16] =	ssyncadd.s32 $0xFFFFD800  }
0x171: {  	[tilespmem:$0xFA00] =	vst v10  }
0x172: {  	[tilespmem:$0xFA10] =	vst v11  }
0x173: {  	[tilespmem:$0xFA20] =	vst v12  }
0x174: {  	[tilespmem:$0xFA30] =	vst v13  }
0x175: {  	[tilespmem:$0xFA40] =	vst v14  }
0x176: {  	[tilespmem:s20], [sflag:$0x1] =	stream.indirect.gather [spmem:s3], $0x80, s19, s18, $0xb8;
	[tilespmem:$0x1C280] =	vst v63  }
0x177: {  	_ =	swait.ge [sflag:s23], $0x2800  }
0x178: {  	[sflag:s23] =	ssyncset.done $0x0  }
0x179: {  	[sflag:s23] =	ssyncadd.s32 $0xFFFFD800  }
0x17a: {  	[hbm4b:s9+s31] =	stream.linear.scatter [tilespmem:s20], [sflag:$0x3], $0x2800, $0x38;
	[tilespmem:$0x1C280] =	vst v63  }
0x17b: {  	_ =	swait.ge [sflag:s16], $0x2800  }
0x17c: {  	[sflag:s16] =	ssyncset.done $0x0  }
0x17d: {  	[sflag:s16] =	ssyncadd.s32 $0xFFFFD800  }
0x17e: {  	[tilespmem:$0xFA00] =	vst v15  }
0x17f: {  	[tilespmem:$0xFA10] =	vst v16  }
0x180: {  	[tilespmem:$0xFA20] =	vst v17  }
0x181: {  	[tilespmem:$0xFA30] =	vst v18  }
0x182: {  	[tilespmem:$0xFA40] =	vst v19  }
0x183: {  	[tilespmem:s20], [sflag:$0x1] =	stream.indirect.gather [spmem:s3], $0x80, s19, s18, $0xb8;
	[tilespmem:$0x1C280] =	vst v63  }
0x184: {  	_ =	swait.ge [sflag:s23], $0x2800  }
0x185: {  	[sflag:s23] =	ssyncset.done $0x0  }
0x186: {  	[sflag:s23] =	ssyncadd.s32 $0xFFFFD800  }
0x187: {  	[hbm4b:s10+s31] =	stream.linear.scatter [tilespmem:s20], [sflag:$0x3], $0x2800, $0x38;
	[tilespmem:$0x1C280] =	vst v63  }
0x188: {  	_ =	swait.ge [sflag:s16], $0x2800  }
0x189: {  	[sflag:s16] =	ssyncset.done $0x0  }
0x18a: {  	s28 =	simm.s32 $0x200;
	s0 =	simm.s32 $0x0;
	[sflag:s16] =	ssyncadd.s32 $0xFFFFD800  }
.LBB2_8:
0x18b: {  	p0 =	sne.s32 s28, $0x9E00;
	[tilespmem:s0+$0xFAF0] =	vst v21  }
0x18c: {  	[tilespmem:s0+$0xFA80] =	vst v21  }
0x18d: {  	[tilespmem:s0+$0xFA90] =	vst v21  }
.Ltmp3:
0x18e: {  	[tilespmem:s0+$0xFAA0] =	vst v21;
	(pc) =	sbr.rel @p0 .LBB2_8-.Ltmp3, $4  }
0x18f: {  	[tilespmem:s0+$0xFAB0] =	vst v21  }
0x190: {  	[tilespmem:s0+$0xFAC0] =	vst v21  }
0x191: {  	[tilespmem:s0+$0xFAD0] =	vst v21  }
0x192: {  	[tilespmem:s0+$0xFAE0] =	vst v21;
	s0 =	sshra.s32 s28, $0x2;
	s28 =	sadd.s32 $0x200, s28  }
0x193: {  	[tilespmem:s0+$0xFAF0] =	vst v21  }
0x194: {  	[tilespmem:s0+$0xFA80] =	vst v21  }
0x195: {  	[tilespmem:s0+$0xFA90] =	vst v21  }
0x196: {  	[tilespmem:s0+$0xFAA0] =	vst v21  }
0x197: {  	[tilespmem:s0+$0xFAB0] =	vst v21  }
0x198: {  	[tilespmem:s0+$0xFAC0] =	vst v21  }
0x199: {  	[tilespmem:s0+$0xFAD0] =	vst v21  }
0x19a: {  	[tilespmem:s0+$0xFAE0] =	vst v21  }
0x19b: {  	[tilespmem:$0xFA00] =	vst v9  }
0x19c: {  	[tilespmem:$0xFA10] =	vst v0  }
0x19d: {  	[tilespmem:$0xFA20] =	vst v1  }
0x19e: {  	[tilespmem:$0xFA30] =	vst v2  }
0x19f: {  	[tilespmem:$0xFA40] =	vst v3  }
0x1a0: {  	[spmem:s3] =	stream.indirect.scatter [tilespmem:s20], [sflag:$0x3], $0x80, s19, s18, $0xb8;
	[tilespmem:$0x1C280] =	vst v63  }
0x1a1: {  	_ =	swait.ge [sflag:s16], $0x2800  }
0x1a2: {  	[sflag:s16] =	ssyncset.done $0x0  }
0x1a3: {  	[sflag:s16] =	ssyncadd.s32 $0xFFFFD800  }
0x1a4: {  	[tilespmem:$0xFA00] =	vst v4  }
0x1a5: {  	[tilespmem:$0xFA10] =	vst v5  }
0x1a6: {  	[tilespmem:$0xFA20] =	vst v6  }
0x1a7: {  	[tilespmem:$0xFA30] =	vst v7  }
0x1a8: {  	[tilespmem:$0xFA40] =	vst v8  }
0x1a9: {  	[spmem:s3] =	stream.indirect.scatter [tilespmem:s20], [sflag:$0x3], $0x80, s19, s18, $0xb8;
	[tilespmem:$0x1C280] =	vst v63  }
0x1aa: {  	_ =	swait.ge [sflag:s16], $0x2800  }
0x1ab: {  	[sflag:s16] =	ssyncset.done $0x0  }
0x1ac: {  	[sflag:s16] =	ssyncadd.s32 $0xFFFFD800  }
0x1ad: {  	[tilespmem:$0xFA00] =	vst v10  }
0x1ae: {  	[tilespmem:$0xFA10] =	vst v11  }
0x1af: {  	[tilespmem:$0xFA20] =	vst v12  }
0x1b0: {  	[tilespmem:$0xFA30] =	vst v13  }
0x1b1: {  	[tilespmem:$0xFA40] =	vst v14  }
0x1b2: {  	[spmem:s3] =	stream.indirect.scatter [tilespmem:s20], [sflag:$0x3], $0x80, s19, s18, $0xb8;
	[tilespmem:$0x1C280] =	vst v63  }
0x1b3: {  	_ =	swait.ge [sflag:s16], $0x2800  }
0x1b4: {  	[sflag:s16] =	ssyncset.done $0x0  }
0x1b5: {  	[sflag:s16] =	ssyncadd.s32 $0xFFFFD800  }
0x1b6: {  	[tilespmem:$0xFA00] =	vst v15  }
0x1b7: {  	[tilespmem:$0xFA10] =	vst v16  }
0x1b8: {  	[tilespmem:$0xFA20] =	vst v17  }
0x1b9: {  	[tilespmem:$0xFA30] =	vst v18  }
0x1ba: {  	[tilespmem:$0xFA40] =	vst v19  }
0x1bb: {  	[spmem:s3] =	stream.indirect.scatter [tilespmem:s20], [sflag:$0x3], $0x80, s19, s18, $0xb8;
	[tilespmem:$0x1C280] =	vst v63  }
0x1bc: {  	_ =	swait.ge [sflag:s16], $0x2800  }
0x1bd: {  	[sflag:s16] =	ssyncset.done $0x0  }
0x1be: {  	[sflag:s16] =	ssyncadd.s32 $0xFFFFD800  }
0x1bf: {  	s31 =	simm.s32 $0x0;
	[bflag:$0x0] =	sbarrier.arrive $0xFFFF  }
0x1c0: {  	v22 =	vld [tilespmem:s31+$0x4000];
	_ =	sdelay $0x4  }
0x1c1: {  	vm0 =	vlt.s32 v22, $0x1388  }
0x1c2: {  	v22 =	vnsel vm0, $0x1388, v22  }
0x1c3: {  	[tilespmem:$0x8080] =	vst v22  }
0x1c4: {  	v22 =	vld [tilespmem:s31+$0x4010];
	_ =	sdelay $0x4  }
0x1c5: {  	vm12 =	vlt.s32 v22, $0x1388  }
0x1c6: {  	v22 =	vnsel vm12, $0x1388, v22  }
0x1c7: {  	[tilespmem:$0x8090] =	vst v22  }
0x1c8: {  	v22 =	vld [tilespmem:s31+$0x4020];
	_ =	sdelay $0x4  }
0x1c9: {  	vm13 =	vlt.s32 v22, $0x1388  }
0x1ca: {  	v22 =	vnsel vm13, $0x1388, v22  }
0x1cb: {  	[tilespmem:$0x80A0] =	vst v22  }
0x1cc: {  	v22 =	vld [tilespmem:s31+$0x4030];
	_ =	sdelay $0x4  }
0x1cd: {  	vm14 =	vlt.s32 v22, $0x1388  }
0x1ce: {  	v22 =	vnsel vm14, $0x1388, v22  }
0x1cf: {  	[tilespmem:$0x80B0] =	vst v22  }
0x1d0: {  	v22 =	vld [tilespmem:s31+$0x4040];
	_ =	sdelay $0x4  }
0x1d1: {  	vm15 =	vlt.s32 v22, $0x1388  }
0x1d2: {  	v22 =	vnsel vm15, $0x1388, v22  }
0x1d3: {  	[tilespmem:$0x80C0] =	vst v22  }
0x1d4: {  	[spmem:s3] =	stream.indirect.scatter.add.f32 [tilespmem:s25], [sflag:$0x3], $0x80, s24, s18, $0xb8;
	[tilespmem:$0x1C280] =	vst v63  }
0x1d5: {  	_ =	swait.ge [sflag:s16], $0x2800  }
0x1d6: {  	s0 =	simm.s32 $0x200;
	s29 =	simm.s32 $0x400;
	[sflag:s16] =	ssyncset.done $0x0  }
.LBB2_10:
0x1d7: {  	s2 =	sshra.s32 s0, $0x2  }
0x1d8: {  	[sflag:s16] =	ssyncadd.s32 $0xFFFFD800;
	s0 =	smov.u32 s29;
	s28 =	sadd.s32 $0x200, s29  }
0x1d9: {  	p0 =	sne.s32 s29, $0xF800;
	v22 =	vld [tilespmem:s2+$0x4000];
	_ =	sdelay $0x4  }
0x1da: {  	vm0 =	vlt.s32 v22, $0x1388  }
0x1db: {  	v22 =	vnsel vm0, $0x1388, v22  }
0x1dc: {  	[tilespmem:$0x8080] =	vst v22  }
0x1dd: {  	v22 =	vld [tilespmem:s2+$0x4010];
	_ =	sdelay $0x4  }
0x1de: {  	vm0 =	vlt.s32 v22, $0x1388  }
0x1df: {  	v22 =	vnsel vm0, $0x1388, v22  }
0x1e0: {  	[tilespmem:$0x8090] =	vst v22  }
0x1e1: {  	v22 =	vld [tilespmem:s2+$0x4020];
	_ =	sdelay $0x4  }
0x1e2: {  	vm0 =	vlt.s32 v22, $0x1388  }
0x1e3: {  	v22 =	vnsel vm0, $0x1388, v22  }
0x1e4: {  	[tilespmem:$0x80A0] =	vst v22  }
0x1e5: {  	v22 =	vld [tilespmem:s2+$0x4030];
	_ =	sdelay $0x4  }
0x1e6: {  	vm0 =	vlt.s32 v22, $0x1388  }
0x1e7: {  	v22 =	vnsel vm0, $0x1388, v22  }
0x1e8: {  	[tilespmem:$0x80B0] =	vst v22  }
0x1e9: {  	v22 =	vld [tilespmem:s2+$0x4040];
	_ =	sdelay $0x4  }
0x1ea: {  	vm0 =	vlt.s32 v22, $0x1388  }
.Ltmp4:
0x1eb: {  	v22 =	vnsel vm0, $0x1388, v22;
	(pc) =	sbr.rel @p0 .LBB2_10-.Ltmp4, $4  }
0x1ec: {  	[tilespmem:$0x80C0] =	vst v22  }
0x1ed: {  	[spmem:s3] =	stream.indirect.scatter.add.f32 [tilespmem:s25], [sflag:$0x3], $0x80, s24, s18, $0xb8;
	[tilespmem:$0x1C280] =	vst v63  }
0x1ee: {  	_ =	swait.ge [sflag:s16], $0x2800  }
0x1ef: {  	s29 =	smov.u32 s28;
	[sflag:s16] =	ssyncset.done $0x0  }
0x1f0: {  	s0 =	sshra.s32 s0, $0x2;
	[sflag:s16] =	ssyncadd.s32 $0xFFFFD800  }
0x1f1: {  	v22 =	vld [tilespmem:s0+$0x4000];
	_ =	sdelay $0x4  }
0x1f2: {  	vm0 =	vlt.s32 v22, $0x1388  }
0x1f3: {  	v22 =	vnsel vm0, $0x1388, v22  }
0x1f4: {  	[tilespmem:$0x8080] =	vst v22  }
0x1f5: {  	v22 =	vld [tilespmem:s0+$0x4010];
	_ =	sdelay $0x4  }
0x1f6: {  	vm12 =	vlt.s32 v22, $0x1388  }
0x1f7: {  	v22 =	vnsel vm12, $0x1388, v22  }
0x1f8: {  	[tilespmem:$0x8090] =	vst v22  }
0x1f9: {  	v22 =	vld [tilespmem:s0+$0x4020];
	_ =	sdelay $0x4  }
0x1fa: {  	vm13 =	vlt.s32 v22, $0x1388  }
0x1fb: {  	v22 =	vnsel vm13, $0x1388, v22  }
0x1fc: {  	[tilespmem:$0x80A0] =	vst v22  }
0x1fd: {  	v22 =	vld [tilespmem:s0+$0x4030];
	_ =	sdelay $0x4  }
0x1fe: {  	vm14 =	vlt.s32 v22, $0x1388  }
0x1ff: {  	v22 =	vnsel vm14, $0x1388, v22  }
0x200: {  	[tilespmem:$0x80B0] =	vst v22  }
0x201: {  	v22 =	vld [tilespmem:s0+$0x4040];
	_ =	sdelay $0x4  }
0x202: {  	vm15 =	vlt.s32 v22, $0x1388  }
0x203: {  	v22 =	vnsel vm15, $0x1388, v22  }
0x204: {  	[tilespmem:$0x80C0] =	vst v22  }
0x205: {  	[spmem:s3] =	stream.indirect.scatter.add.f32 [tilespmem:s25], [sflag:$0x3], $0x80, s24, s18, $0xb8;
	[tilespmem:$0x1C280] =	vst v63  }
0x206: {  	_ =	swait.ge [sflag:s16], $0x2800  }
0x207: {  	[sflag:s16] =	ssyncset.done $0x0  }
0x208: {  	[sflag:s16] =	ssyncadd.s32 $0xFFFFD800  }
0x209: {  	[bflag:$0x0] =	sbarrier.arrive $0xFFFF  }
0x20a: {  	[tilespmem:$0xFA00] =	vst v9  }
0x20b: {  	[tilespmem:$0xFA10] =	vst v0  }
0x20c: {  	[tilespmem:$0xFA20] =	vst v1  }
0x20d: {  	[tilespmem:$0xFA30] =	vst v2  }
0x20e: {  	[tilespmem:$0xFA40] =	vst v3  }
0x20f: {  	[tilespmem:s20], [sflag:$0x1] =	stream.indirect.gather [spmem:s3], $0x80, s19, s18, $0xb8;
	[tilespmem:$0x1C280] =	vst v63  }
0x210: {  	_ =	swait.ge [sflag:s23], $0x2800  }
0x211: {  	[sflag:s23] =	ssyncset.done $0x0  }
0x212: {  	[sflag:s23] =	ssyncadd.s32 $0xFFFFD800  }
0x213: {  	[hbm4b:s11+s4] =	stream.linear.scatter [tilespmem:s20], [sflag:$0x3], $0x2800, $0x38;
	[tilespmem:$0x1C280] =	vst v63  }
0x214: {  	_ =	swait.ge [sflag:s16], $0x2800  }
0x215: {  	[sflag:s16] =	ssyncset.done $0x0  }
0x216: {  	[sflag:s16] =	ssyncadd.s32 $0xFFFFD800  }
0x217: {  	[tilespmem:$0xFA00] =	vst v4  }
0x218: {  	[tilespmem:$0xFA10] =	vst v5  }
0x219: {  	[tilespmem:$0xFA20] =	vst v6  }
0x21a: {  	[tilespmem:$0xFA30] =	vst v7  }
0x21b: {  	[tilespmem:$0xFA40] =	vst v8  }
0x21c: {  	[tilespmem:s20], [sflag:$0x1] =	stream.indirect.gather [spmem:s3], $0x80, s19, s18, $0xb8;
	[tilespmem:$0x1C280] =	vst v63  }
0x21d: {  	_ =	swait.ge [sflag:s23], $0x2800  }
0x21e: {  	[sflag:s23] =	ssyncset.done $0x0  }
0x21f: {  	[sflag:s23] =	ssyncadd.s32 $0xFFFFD800  }
0x220: {  	[hbm4b:s12+s4] =	stream.linear.scatter [tilespmem:s20], [sflag:$0x3], $0x2800, $0x38;
	[tilespmem:$0x1C280] =	vst v63  }
0x221: {  	_ =	swait.ge [sflag:s16], $0x2800  }
0x222: {  	[sflag:s16] =	ssyncset.done $0x0  }
0x223: {  	[sflag:s16] =	ssyncadd.s32 $0xFFFFD800  }
0x224: {  	[tilespmem:$0xFA00] =	vst v10  }
0x225: {  	[tilespmem:$0xFA10] =	vst v11  }
0x226: {  	[tilespmem:$0xFA20] =	vst v12  }
0x227: {  	[tilespmem:$0xFA30] =	vst v13  }
0x228: {  	[tilespmem:$0xFA40] =	vst v14  }
0x229: {  	[tilespmem:s20], [sflag:$0x1] =	stream.indirect.gather [spmem:s3], $0x80, s19, s18, $0xb8;
	[tilespmem:$0x1C280] =	vst v63  }
0x22a: {  	_ =	swait.ge [sflag:s23], $0x2800  }
0x22b: {  	[sflag:s23] =	ssyncset.done $0x0  }
0x22c: {  	[sflag:s23] =	ssyncadd.s32 $0xFFFFD800  }
0x22d: {  	[hbm4b:s13+s4] =	stream.linear.scatter [tilespmem:s20], [sflag:$0x3], $0x2800, $0x38;
	[tilespmem:$0x1C280] =	vst v63  }
0x22e: {  	_ =	swait.ge [sflag:s16], $0x2800  }
0x22f: {  	[sflag:s16] =	ssyncset.done $0x0  }
0x230: {  	[sflag:s16] =	ssyncadd.s32 $0xFFFFD800  }
0x231: {  	[tilespmem:$0xFA00] =	vst v15  }
0x232: {  	[tilespmem:$0xFA10] =	vst v16  }
0x233: {  	[tilespmem:$0xFA20] =	vst v17  }
0x234: {  	[tilespmem:$0xFA30] =	vst v18  }
0x235: {  	[tilespmem:$0xFA40] =	vst v19  }
0x236: {  	[tilespmem:s20], [sflag:$0x1] =	stream.indirect.gather [spmem:s3], $0x80, s19, s18, $0xb8;
	[tilespmem:$0x1C280] =	vst v63  }
0x237: {  	s26 =	sadd.s32 $0x1, s26;
	_ =	swait.ge [sflag:s23], $0x2800  }
0x238: {  	p0 =	sne.s32 s26, s15;
	[sflag:s23] =	ssyncset.done $0x0  }
.Ltmp5:
0x239: {  	[sflag:s23] =	ssyncadd.s32 $0xFFFFD800;
	(pc) =	sbr.rel @p0 .LBB2_1-.Ltmp5, $4  }
0x23a: {  	[hbm4b:s14+s4] =	stream.linear.scatter [tilespmem:s20], [sflag:$0x3], $0x2800, $0x38;
	[tilespmem:$0x1C280] =	vst v63  }
0x23b: {  	_ =	swait.ge [sflag:s16], $0x2800  }
0x23c: {  	[sflag:s16] =	ssyncset.done $0x0  }
0x23d: {  	[sflag:s16] =	ssyncadd.s32 $0xFFFFD800  }
0x23e: {  	_ =	sfence.sel $0x180000  }
0x23f: {  	[bflag:$0x0] =	sbarrier.arrive $0xFFFF  }
0x240: {  	_ =	strace $0x90000047  }
0x241: {  	s0 =	stileid.u32;
	[bflag:$0x2] =	sbarrier.arrive $0xFFFF  }
0x242: {  	p0 =	sne.s32 s0, $0x0;
	s0 =	rddreg [dreg:$0x3]  }
0x243: {  	s0 =	sadd.s32 @!p0 $0x100000, s0  }
0x244: {  	[sflag:s0] =	ssyncadd.tile.s32 @!p0 $0x1;
	_ =	shalt  }
.Lfunc_end2:
_tile_overlayer_lowered:
.L_overlay_start_2:
0x245: {  	(tag) =	ssettag $0x2  }
0x246: {  	s0 =	rddreg [dreg:$0x0];
	s2 =	stileid.u32  }
0x247: {  	s1 =	rddreg [dreg:$0x1];
	p0 =	sne.s32 s2, $0x0  }
0x248: {  	s3 =	rddreg [dreg:$0x2];
	[bflag:$0x3] =	sbarrier.arrive $0xFFFF;
	s2 =	simm.s32 @!p0 $0x1C03  }
0x249: {  	[timem:s3], [sflag:s2] =	dma.local @!p0 [hbm:s0], s1  }
0x24a: {  	s0 =	simm.s32 @!p0 $0x3  }
0x24b: {  	_ =	swait.ge @!p0 [sflag:s0], s1  }
0x24c: {  	s1 =	ssub.s32 @!p0 $0x0, s1;
	[sflag:s0] =	ssyncset.done @!p0 $0x0  }
0x24d: {  	[sflag:s0] =	ssyncadd.s32 @!p0 s1  }
0x24e: {  	[bflag:$0x3] =	sbarrier.arrive $0xFFFF  }
0x24f: {  	_ =	shalt  }

// kernel: kernel.9.cloned.1.call-start
scs
__scs_entry_jumppad:
0x0: {  	(pc) =	sbr.rel $0x88, $3  }
0x1: {  	(tag) =	ssettag $0x0;
	lr =	simm.s32 $0x1  }
0x2: {  	[smem:$0x3F98] =	sst lr;
	_ =	strace $0xD0000000  }
0x3: {  	_ = 	snop  }
0x4: {  	_ = 	snop  }
0x5: {  	_ = 	snop  }
0x6: {  	_ = 	snop  }
0x7: {  	_ = 	snop  }
__scs_overlays_trampoline_lowered:
0x8: {  	[smem:$0x3FA7] =	sst s0  }
0x9: {  	[smem:$0x3FA8] =	sst s1  }
0xa: {  	[smem:$0x3FA9] =	sst s2  }
0xb: {  	[smem:$0x3FAA] =	sst s3  }
0xc: {  	[smem:$0x3FAB] =	sst s4  }
0xd: {  	[smem:$0x3FAC] =	sst s5  }
0xe: {  	[smem:$0x3FAD] =	sst s6  }
0xf: {  	[smem:$0x3FAE] =	sst s7  }
0x10: {  	[smem:$0x3FAF] =	sst s8  }
0x11: {  	[smem:$0x3FB0] =	sst s9;
	s0 =	simm.s32 @!p0 $0x0  }
0x12: {  	s1 =	sld [smem:$0x3F96];
	s0 =	simm.s32 @p0 $0x1  }
0x13: {  	[smem:$0x3FB1] =	sst s0;
	s0 =	simm.s32 @!p1 $0x0  }
0x14: {  	s2 =	sld [smem:$0x3F95];
	s0 =	simm.s32 @p1 $0x1  }
0x15: {  	[smem:$0x3FB2] =	sst s0;
	s0 =	simm.s32 @!p2 $0x0  }
0x16: {  	s3 =	sld [smem:$0x3FDB];
	s0 =	simm.s32 @p2 $0x1  }
0x17: {  	s4 =	simm.s32 $0x1BF5;
	[smem:$0x3FB4] =	sst s0  }
0x18: {  	s0 =	sld [smem:$0x3F97];
	_ =	swait.ge [sflag:s4], $0x0  }
0x19: {  	s7 =	sld [smem:$0x3F98]  }
0x1a: {  	s8 =	sadd.s32 $0xFFFFE003, lr  }
0x1b: {  	s9 =	sadd.s32 $0xFFFFFEF7, lr;
	s5 =	simm.s32 $0xFFFFFFFF;
	p2 =	slt.u32 s8, $0xFFFFF086  }
0x1c: {  	p1 =	slt.u32 s9, $0xF7A;
	s5 =	simm.s32 @!p2 $0x0  }
0x1d: {  	s5 =	simm.s32 @p1 $0x1;
	p0 =	seq.s32 s7, s2  }
0x1e: {  	s7 =	smul.u32 @!p0 $0xF7A, s2;
	p2 =	seq.s32 @!p0 s5, $0x0  }
0x1f: {  	s9 =	smul.u32 $0xF7A, s1;
	s8 =	simm.s32 @!p0 $0x1BF5;
	p2 =	por !p2, p0  }
0x20: {  	[sflag:s8] =	ssyncset.s32 @!p0 $0xFFFFF086;
	s6 =	sadd.s32 @!p0 s3, s7;
	s7 =	simm.s32 @!p0 $0x108  }
0x21: {  	s3 =	sadd.s32 s3, s9;
	s6 =	sadd.s32 @!p0 $0x88, s6;
	s7 =	simm.s32 @p2 $0x1082  }
0x22: {  	[simem:s7], [sflag:s8] =	dma.local @!p0 [hbm:s6], $0xF7A  }
0x23: {  	s9 =	sor.u32 $0xD0000000, s2;
	s6 =	simm.s32 $0x108;
	_ =	swait.ge @!p0 [sflag:s8], $0x0  }
0x24: {  	s3 =	sadd.s32 $0x88, s3;
	s6 =	simm.s32 @!p1 $0x1082;
	[sflag:s4] =	ssyncset.s32 $0xFFFFF086  }
0x25: {  	[simem:s6], [sflag:s4] =	dma.local [hbm:s3], $0xF7A  }
0x26: {  	[smem:$0x3F98] =	sst s1;
	(tag) =	ssettag s2;
	_ =	strace s9  }
0x27: {  	s1 =	sld [smem:$0x3FA8]  }
0x28: {  	s2 =	sld [smem:$0x3FA9]  }
0x29: {  	s4 =	sld [smem:$0x3FAB]  }
0x2a: {  	p0 =	seq.s32 s5, $0x0;
	s5 =	sld [smem:$0x3FAC]  }
0x2b: {  	s6 =	sld [smem:$0x3FAD]  }
0x2c: {  	s7 =	sld [smem:$0x3FAE]  }
0x2d: {  	s3 =	simm.s32 $0x108;
	s8 =	sld [smem:$0x3FAF]  }
0x2e: {  	s3 =	simm.s32 @!p0 $0x1082;
	s9 =	sld [smem:$0x3FB0]  }
0x2f: {  	lr =	sadd.s32 s0, s3;
	s0 =	sld [smem:$0x3FA7]  }
0x30: {  	s3 =	sld [smem:$0x3FAA]  }
0x31: {  	[smem:$0x3FB3] =	sst s10  }
0x32: {  	s10 =	sld [smem:$0x3FB1];
	_ =	sdelay $0x3  }
0x33: {  	p0 =	seq.s32 s10, $0x1;
	s10 =	sld [smem:$0x3FB3];
	_ =	sdelay $0x3  }
0x34: {  	[smem:$0x3FB3] =	sst s10  }
0x35: {  	s10 =	sld [smem:$0x3FB2];
	_ =	sdelay $0x3  }
0x36: {  	p1 =	seq.s32 s10, $0x1;
	s10 =	sld [smem:$0x3FB3];
	_ =	sdelay $0x3  }
0x37: {  	[smem:$0x3FB3] =	sst s10  }
0x38: {  	s10 =	sld [smem:$0x3FB4]  }
0x39: {  	_ = 	snop;
	(pc) =	sbr.ind lr, $3  }
0x3a: {  	_ = 	snop  }
0x3b: {  	_ = 	snop  }
0x3c: {  	p2 =	seq.s32 s10, $0x1;
	s10 =	sld [smem:$0x3FB3]  }
0x3d: {  	_ =	shalt  }
0x3e: {  	_ =	shalt  }
0x3f: {  	_ =	shalt  }
0x40: {  	_ =	shalt  }
0x41: {  	_ =	shalt  }
0x42: {  	_ =	shalt  }
0x43: {  	_ =	shalt  }
0x44: {  	_ =	shalt  }
0x45: {  	_ =	shalt  }
0x46: {  	_ =	shalt  }
0x47: {  	_ =	shalt  }
0x48: {  	_ =	shalt  }
0x49: {  	_ =	shalt  }
0x4a: {  	_ =	shalt  }
0x4b: {  	_ =	shalt  }
0x4c: {  	_ =	shalt  }
0x4d: {  	_ =	shalt  }
0x4e: {  	_ =	shalt  }
0x4f: {  	_ =	shalt  }
0x50: {  	_ =	shalt  }
0x51: {  	_ =	shalt  }
0x52: {  	_ =	shalt  }
0x53: {  	_ =	shalt  }
0x54: {  	_ =	shalt  }
0x55: {  	_ =	shalt  }
0x56: {  	_ =	shalt  }
0x57: {  	_ =	shalt  }
0x58: {  	_ =	shalt  }
0x59: {  	_ =	shalt  }
0x5a: {  	_ =	shalt  }
0x5b: {  	_ =	shalt  }
0x5c: {  	_ =	shalt  }
0x5d: {  	_ =	shalt  }
0x5e: {  	_ =	shalt  }
0x5f: {  	_ =	shalt  }
0x60: {  	_ =	shalt  }
0x61: {  	_ =	shalt  }
0x62: {  	_ =	shalt  }
0x63: {  	_ =	shalt  }
0x64: {  	_ =	shalt  }
0x65: {  	_ =	shalt  }
0x66: {  	_ =	shalt  }
0x67: {  	_ =	shalt  }
0x68: {  	_ =	shalt  }
0x69: {  	_ =	shalt  }
0x6a: {  	_ =	shalt  }
0x6b: {  	_ =	shalt  }
0x6c: {  	_ =	shalt  }
0x6d: {  	_ =	shalt  }
0x6e: {  	_ =	shalt  }
0x6f: {  	_ =	shalt  }
0x70: {  	_ =	shalt  }
0x71: {  	_ =	shalt  }
0x72: {  	_ =	shalt  }
0x73: {  	_ =	shalt  }
0x74: {  	_ =	shalt  }
0x75: {  	_ =	shalt  }
0x76: {  	_ =	shalt  }
0x77: {  	_ =	shalt  }
0x78: {  	_ =	shalt  }
0x79: {  	_ =	shalt  }
0x7a: {  	_ =	shalt  }
0x7b: {  	_ =	shalt  }
0x7c: {  	_ =	shalt  }
0x7d: {  	_ =	shalt  }
0x7e: {  	_ =	shalt  }
0x7f: {  	_ =	shalt  }
0x80: {  	_ =	shalt  }
0x81: {  	_ =	shalt  }
0x82: {  	_ =	shalt  }
0x83: {  	_ =	shalt  }
0x84: {  	_ =	shalt  }
0x85: {  	_ =	shalt  }
0x86: {  	_ =	shalt  }
0x87: {  	_ =	shalt  }
.Lfunc_end0:
.L_simem_size_0:
called_computation.1_lowered:
.L_overlay_start_0:
0x88: {  	s2 =	sld [smem:$0x3FD9]  }
0x89: {  	s3 =	sld [smem:$0x3FFE];
	_ =	sdelay $0x1  }
0x8a: {  	s1 =	srdreg.scid  }
0x8b: {  	s0 =	sand.u32 $0x1, s1  }
0x8c: {  	s16 =	sshll.u32 s0, $0xA;
	s2 =	sadd.s32 s3, s2  }
0x8d: {  	s2 =	sadd.s32 s2, s16  }
0x8e: {  	[smem:$0x3FBF] =	sst s2  }
0x8f: {  	_ = 	snop  }
0x90: {  	(tm) =	ssettm $0x1  }
0x91: {  	s17 =	sld [smem:$0x3FFB];
	_ =	sdelay $0x3  }
0x92: {  	_ =	strace s17  }
0x93: {  	s2 =	sld [smem:$0x3FFC];
	_ =	sdelay $0x3  }
0x94: {  	_ =	strace s2  }
0x95: {  	s2 =	sld [smem:$0x3FFD];
	_ =	sdelay $0x3  }
0x96: {  	_ =	strace s2  }
0x97: {  	_ =	strace $0x8FFFFFFF  }
0x98: {  	s18 =	sld [smem:$0x3FDB];
	_ =	sdelay $0x1  }
0x99: {  	s19 =	simm.s32 $_scs_section_size  }
0x9a: {  	s4 =	simm.s32 $_size__tile_overlayer_lowered;
	s5 =	simm.s32 $_tile_overlayer_lowered  }
0x9b: {  	s22 =	simm.s32 $0x1BFF;
	s21 =	sshll.u32 s5, $0x1;
	s2 =	sadd.s32 s19, s18  }
0x9c: {  	s6 =	simm.s32 $0x0;
	s20 =	sshll.u32 s4, $0x1;
	s4 =	sadd.s32 s21, s2  }
0x9d: {  	[timem:s6], [sflag:s22] =	dma.local [hbm:s4], s20  }
0x9e: {  	_ =	swait.ge [sflag:s22], s20  }
0x9f: {  	s3 =	ssub.s32 $0x0, s20;
	[sflag:s22] =	ssyncset.done $0x0  }
0xa0: {  	[sflag:s22] =	ssyncadd.s32 s3;
	_ =	sdelay $0x1  }
0xa1: {  	s23 =	simm.s32 $0x1B8B  }
0xa2: {  	_ =	swait.ge [sflag:s23], $0x1  }
0xa3: {  	[sflag:s23] =	ssyncset.done $0x0  }
0xa4: {  	s25 =	simm.s32 $0x1B8E;
	s24 =	sld [smem:$0x3FFE];
	[sflag:s23] =	ssyncadd.s32 $0xFFFFFFFF  }
0xa5: {  	s26 =	simm.s32 $execute0_lowered;
	[smem:$0x3FD2] =	sst s25  }
0xa6: {  	s4 =	sshll.u32 s26, $0x1;
	_ =	strace $0x80000049;
	[dreg:$0x1] =	wrdreg $0xFFFFFFFF  }
0xa7: {  	s28 =	simm.s32 $_size_execute0_lowered;
	s2 =	sadd.s32 s2, s4;
	[dreg:$0x0] =	wrdreg $0x0  }
0xa8: {  	s4 =	sshll.u32 s28, $0x1;
	[dreg:$0x2] =	wrdreg s2  }
0xa9: {  	[dreg:$0x3] =	wrdreg s4  }
0xaa: {  	[dreg:$0x4] =	wrdreg $0xC0  }
0xab: {  	_ =	task [dreg:s6], $0x5FFFF  }
0xac: {  	[dreg:$0x1] =	wrdreg $0xFFFFFFFF  }
0xad: {  	[dreg:$0x0] =	wrdreg $0x60  }
0xae: {  	[dreg:$0x2] =	wrdreg s24  }
0xaf: {  	[dreg:$0x3] =	wrdreg $0xDA800  }
0xb0: {  	[dreg:$0x4] =	wrdreg $0xFA800  }
0xb1: {  	[dreg:$0x5] =	wrdreg $0x9  }
0xb2: {  	_ =	task.clear_ibuf [dreg:s6], $0x6FFFF;
	_ =	strace $0x90000049  }
0xb3: {  	s29 =	simm.s32 $0x9;
	_ =	strace $0x8000004B  }
0xb4: {  	_ =	swait.ge [sflag:s29], $0x1  }
0xb5: {  	[sflag:s29] =	ssyncadd.s32 $0xFFFFFFFF  }
0xb6: {  	_ =	strace $0x9000004B  }
0xb7: {  	_ =	sfence  }
0xb8: {  	s30 =	sld [smem:$0x0];
	_ =	sdelay $0x2  }
0xb9: {  	s31 =	sshll.u32 s1, $0xD;
	s1 =	sshrl.u32 s1, $0x2  }
0xba: {  	s3 =	sand.u32 $0x4000, s31;
	s1 =	sadd.s32 s1, s30  }
0xbb: {  	s0 =	sor.u32 s3, s0;
	s1 =	sshll.u32 s1, $0x11  }
0xbc: {  	s0 =	sor.u32 s1, s0  }
0xbd: {  	s0 =	sadd.s32 $0x8F2B, s0  }
0xbe: {  	[sflag:s0] =	ssyncadd.remote.s32 $0x1  }
0xbf: {  	_ =	sfence.sel $0xFFFF  }
0xc0: {  	[dreg:$0x0] =	wrdreg $0xFFFFFFFF;
	(pc) =	sbr.abs _section_cstart, $3  }
0xc1: {  	[dreg:$0x1] =	wrdreg $0xFFFFFFFF  }
0xc2: {  	_ =	task.clear_ibuf [dreg:s6], $0x2FFFF;
	_ =	strace $0x9FFFFFFF  }
0xc3: {  	(tm) =	ssettm $0x7FFFFFFF  }
tec
execute0_lowered:
.L_overlay_start_1:
0x0: {  	(tag) =	ssettag $0x1  }
0x1: {  	s6 =	rddreg [dreg:$0x0]  }
0x2: {  	s1 =	rddreg [dreg:$0x1]  }
0x3: {  	s2 =	rddreg [dreg:$0x2]  }
0x4: {  	s0 =	rddreg [dreg:$0x3]  }
0x5: {  	s4 =	simm.s32 $0x0;
	s5 =	srdreg.scid;
	s3 =	stileid.u32  }
0x6: {  	s12 =	simm.s32 $0x2000;
	s13 =	simm.s32 $0x40;
	s14 =	simm.s32 $0xBA00  }
0x7: {  	s19 =	simm.s32 $0x1;
	s20 =	simm.s32 $0x0;
	[smem:$0x7FF] =	sst s4  }
0x8: {  	s5 =	sand.u32 $0x1, s5;
	s8 =	sshll.u32 s3, $0xA;
	s15 =	sshll.u32 s3, $0x6  }
0x9: {  	_ =	strace $0x8000004A;
	s7 =	sshll.u32 s5, $0xE;
	s9 =	ssub.s32 $0x2, s5  }
0xa: {  	v3 =	vlaneseq.u32;
	s5 =	sadd.s32 $0x1E00, s6;
	s16 =	sor.u32 $0x10, s15;
	s17 =	sor.u32 $0x20, s15  }
0xb: {  	s18 =	sor.u32 $0x30, s15;
	v0 =	vor.u32 s15, v3;
	s15 =	simm.s32 $0xBA80;
	s7 =	sor.u32 s8, s7  }
0xc: {  	s31 =	sshrl.u32 s9, $0x1;
	v1 =	vor.u32 s16, v3;
	v2 =	vor.u32 s17, v3;
	s16 =	simm.s32 $0x50;
	s17 =	simm.s32 $0x4000  }
0xd: {  	v3 =	vor.u32 s18, v3;
	s18 =	simm.s32 $0x4200;
	s10 =	sadd.s32 s7, s6;
	s11 =	ssub.s32 s9, s31  }
0xe: {  	s6 =	sadd.s32 $0x71E00, s10;
	s7 =	sadd.s32 $0x79E00, s10;
	s8 =	sadd.s32 $0x15800, s10  }
0xf: {  	v4 =	vimm.f32 $1.000000000e+00;
	v5 =	vimm.f32 $0.0e+00;
	s9 =	sadd.s32 $0x1D800, s10;
	s10 =	smax.u32 s11, $0x1;
	s11 =	simm.s32 $0x3  }
.LBB2_1:
0x10: {  	[tilespmem:s4], [sflag:$0x3] =	stream.linear.gather [hbm4b:s6+s4], $0x1F80, $0x38;
	[tilespmem:$0x11A80] =	vst v63  }
0x11: {  	_ =	swait.ge [sflag:s11], $0x1F80  }
0x12: {  	[sflag:s11] =	ssyncset.done $0x0  }
0x13: {  	[sflag:s11] =	ssyncadd.s32 $0xFFFFE080  }
0x14: {  	[tilespmem:s12], [sflag:$0x3] =	stream.linear.gather [hbm4b:s7+s4], $0x1F80, $0x38;
	[tilespmem:$0x11A80] =	vst v63  }
0x15: {  	_ =	swait.ge [sflag:s11], $0x1F80  }
0x16: {  	[sflag:s11] =	ssyncset.done $0x0  }
0x17: {  	s21 =	simm.s32 $0x0;
	s22 =	simm.s32 $0x200;
	[sflag:s11] =	ssyncadd.s32 $0xFFFFE080  }
.LBB2_2:
0x18: {  	p0 =	sne.s32 s22, $0x9E00;
	[tilespmem:s21+$0x9270] =	vst v4  }
0x19: {  	[tilespmem:s21+$0x9200] =	vst v4  }
0x1a: {  	[tilespmem:s21+$0x9210] =	vst v4  }
.Ltmp0:
0x1b: {  	[tilespmem:s21+$0x9220] =	vst v4;
	(pc) =	sbr.rel @p0 .LBB2_2-.Ltmp0, $4  }
0x1c: {  	[tilespmem:s21+$0x9230] =	vst v4  }
0x1d: {  	[tilespmem:s21+$0x9240] =	vst v4  }
0x1e: {  	[tilespmem:s21+$0x9250] =	vst v4  }
0x1f: {  	[tilespmem:s21+$0x9260] =	vst v4;
	s21 =	sshra.s32 s22, $0x2;
	s22 =	sadd.s32 $0x200, s22  }
0x20: {  	[tilespmem:s21+$0x9270] =	vst v4  }
0x21: {  	[tilespmem:s21+$0x9200] =	vst v4  }
0x22: {  	[tilespmem:s21+$0x9210] =	vst v4  }
0x23: {  	[tilespmem:s21+$0x9220] =	vst v4  }
0x24: {  	[tilespmem:s21+$0x9230] =	vst v4  }
0x25: {  	[tilespmem:s21+$0x9240] =	vst v4  }
0x26: {  	[tilespmem:s21+$0x9250] =	vst v4  }
0x27: {  	[tilespmem:s21+$0x9260] =	vst v4;
	s21 =	simm.s32 $0x0;
	s22 =	simm.s32 $0x200  }
.LBB2_4:
0x28: {  	p0 =	sne.s32 s22, $0x7E00;
	[tilespmem:s21+$0xBAF0] =	vst v5  }
0x29: {  	[tilespmem:s21+$0xBA80] =	vst v5  }
0x2a: {  	[tilespmem:s21+$0xBA90] =	vst v5  }
.Ltmp1:
0x2b: {  	[tilespmem:s21+$0xBAA0] =	vst v5;
	(pc) =	sbr.rel @p0 .LBB2_4-.Ltmp1, $4  }
0x2c: {  	[tilespmem:s21+$0xBAB0] =	vst v5  }
0x2d: {  	[tilespmem:s21+$0xBAC0] =	vst v5  }
0x2e: {  	[tilespmem:s21+$0xBAD0] =	vst v5  }
0x2f: {  	[tilespmem:s21+$0xBAE0] =	vst v5;
	s21 =	sshra.s32 s22, $0x2;
	s22 =	sadd.s32 $0x200, s22  }
0x30: {  	[tilespmem:s21+$0xBAF0] =	vst v5  }
0x31: {  	[tilespmem:s21+$0xBA80] =	vst v5  }
0x32: {  	[tilespmem:s21+$0xBA90] =	vst v5  }
0x33: {  	[tilespmem:s21+$0xBAA0] =	vst v5  }
0x34: {  	[tilespmem:s21+$0xBAB0] =	vst v5  }
0x35: {  	[tilespmem:s21+$0xBAC0] =	vst v5  }
0x36: {  	[tilespmem:s21+$0xBAD0] =	vst v5  }
0x37: {  	[tilespmem:s21+$0xBAE0] =	vst v5  }
0x38: {  	[tilespmem:$0xBA00] =	vst v0  }
0x39: {  	[tilespmem:$0xBA10] =	vst v1  }
0x3a: {  	[tilespmem:$0xBA20] =	vst v2  }
0x3b: {  	[tilespmem:$0xBA30] =	vst v3  }
0x3c: {  	[spmem:s1] =	stream.indirect.scatter [tilespmem:s15], [sflag:$0x3], $0x80, s14, s13, $0xb8;
	[tilespmem:$0x11A80] =	vst v63  }
0x3d: {  	_ =	swait.ge [sflag:s11], $0x2000  }
0x3e: {  	[sflag:s11] =	ssyncset.done $0x0  }
0x3f: {  	[sflag:s11] =	ssyncadd.s32 $0xFFFFE000  }
0x40: {  	[spmem:s2] =	stream.indirect.scatter [tilespmem:s15], [sflag:$0x3], $0x80, s14, s13, $0xb8;
	[tilespmem:$0x11A80] =	vst v63  }
0x41: {  	_ =	swait.ge [sflag:s11], $0x2000  }
0x42: {  	[sflag:s11] =	ssyncset.done $0x0  }
0x43: {  	[sflag:s11] =	ssyncadd.s32 $0xFFFFE000  }
0x44: {  	[bflag:$0x0] =	sbarrier.arrive $0xFFFF  }
0x45: {  	v6 =	vld [tilespmem:$0x2000]  }
0x46: {  	v7 =	vld [tilespmem:$0x0]  }
0x47: {  	v8 =	vld [tilespmem:$0x2010]  }
0x48: {  	v9 =	vld [tilespmem:$0x10]  }
0x49: {  	v10 =	vld [tilespmem:$0x2020]  }
0x4a: {  	v11 =	vld [tilespmem:$0x20]  }
0x4b: {  	v63 =	vld [tilespmem:$0x40]  }
0x4c: {  	v62 =	vld [tilespmem:$0x2040];
	vm0 =	vlt.s32 v6, $0x3E8;
	[tilespmem:$0x4000] =	vst v7  }
0x4d: {  	v7 =	vld [tilespmem:$0x2030];
	[tilespmem:$0x4010] =	vst v9;
	v6 =	vnsel vm0, $0x3E8, v6  }
0x4e: {  	[tilespmem:$0x4080] =	vst v6;
	v6 =	vld [tilespmem:$0x30]  }
0x4f: {  	vm12 =	vlt.s32 v8, $0x3E8;
	[tilespmem:$0x4020] =	vst v11  }
0x50: {  	vm13 =	vlt.s32 v10, $0x3E8;
	[tilespmem:$0x4040] =	vst v63;
	v8 =	vnsel vm12, $0x3E8, v8  }
0x51: {  	v10 =	vnsel vm13, $0x3E8, v10;
	[tilespmem:$0x4090] =	vst v8  }
0x52: {  	[tilespmem:$0x40A0] =	vst v10;
	vm14 =	vlt.s32 v7, $0x3E8  }
0x53: {  	s31 =	simm.s32 $0x1;
	vm15 =	vlt.s32 v62, $0x3E8;
	[tilespmem:$0x4030] =	vst v6;
	v6 =	vnsel vm14, $0x3E8, v7  }
0x54: {  	s22 =	sand.u32 $0x1, s31;
	[tilespmem:$0x40B0] =	vst v6;
	v6 =	vnsel vm15, $0x3E8, v62  }
0x55: {  	s21 =	simm.s32 $0xC0;
	p0 =	seq.s32 s22, $0x0;
	[tilespmem:$0x40C0] =	vst v6  }
0x56: {  	[tilespmem:s18], [sflag:$0x1] =	stream.indirect.gather [hbm4b:s5+s16], $0x80, s17, s16, $0xb8;
	[tilespmem:$0x11A80] =	vst v63  }
0x57: {  	v6 =	vld @p0 [tilespmem:s21+$0xFFFFFFC0];
	_ =	sdelay $0x4  }
0x58: {  	s22 =	simm.s32 $0x20C0;
	[tilespmem:$0x4000] =	vst @p0 v6  }
0x59: {  	v6 =	vld @p0 [tilespmem:s22+$0xFFFFFFC0];
	_ =	sdelay $0x4  }
0x5a: {  	vm0 =	vlt.s32 @p0 v6, $0x3E8  }
0x5b: {  	v6 =	vnsel @p0 vm0, $0x3E8, v6  }
0x5c: {  	[tilespmem:$0x4080] =	vst @p0 v6  }
0x5d: {  	v6 =	vld @p0 [tilespmem:s21+$0xFFFFFFD0];
	_ =	sdelay $0x4  }
0x5e: {  	[tilespmem:$0x4010] =	vst @p0 v6  }
0x5f: {  	v6 =	vld @p0 [tilespmem:s22+$0xFFFFFFD0];
	_ =	sdelay $0x4  }
0x60: {  	vm0 =	vlt.s32 @p0 v6, $0x3E8  }
0x61: {  	v6 =	vnsel @p0 vm0, $0x3E8, v6  }
0x62: {  	[tilespmem:$0x4090] =	vst @p0 v6  }
0x63: {  	v6 =	vld @p0 [tilespmem:s21+$0xFFFFFFE0];
	_ =	sdelay $0x4  }
0x64: {  	[tilespmem:$0x4020] =	vst @p0 v6  }
0x65: {  	v6 =	vld @p0 [tilespmem:s22+$0xFFFFFFE0];
	_ =	sdelay $0x4  }
0x66: {  	vm0 =	vlt.s32 @p0 v6, $0x3E8  }
0x67: {  	v6 =	vnsel @p0 vm0, $0x3E8, v6  }
0x68: {  	[tilespmem:$0x40A0] =	vst @p0 v6  }
0x69: {  	v6 =	vld @p0 [tilespmem:s21+$0xFFFFFFF0];
	_ =	sdelay $0x4  }
0x6a: {  	[tilespmem:$0x4030] =	vst @p0 v6  }
0x6b: {  	v6 =	vld @p0 [tilespmem:s22+$0xFFFFFFF0];
	_ =	sdelay $0x4  }
0x6c: {  	vm0 =	vlt.s32 @p0 v6, $0x3E8  }
0x6d: {  	v6 =	vnsel @p0 vm0, $0x3E8, v6  }
0x6e: {  	[tilespmem:$0x40B0] =	vst @p0 v6  }
0x6f: {  	v6 =	vld @p0 [tilespmem:s21+$0x0];
	_ =	sdelay $0x4  }
0x70: {  	[tilespmem:$0x4040] =	vst @p0 v6  }
0x71: {  	v6 =	vld @p0 [tilespmem:s22+$0x0];
	_ =	sdelay $0x4  }
0x72: {  	vm0 =	vlt.s32 @p0 v6, $0x3E8  }
0x73: {  	s23 =	simm.s32 @p0 $0x2;
	v6 =	vnsel @p0 vm0, $0x3E8, v6  }
0x74: {  	s24 =	simm.s32 @p0 $0x50;
	s25 =	simm.s32 @p0 $0x4000;
	s26 =	simm.s32 @p0 $0x4200;
	[tilespmem:$0x40C0] =	vst @p0 v6  }
0x75: {  	[tilespmem:s26], [sflag:$0x1] =	stream.indirect.gather @p0 [hbm4b:s5+s24], $0x80, s25, s24, $0xb8;
	[tilespmem:$0x11A80] =	vst v63  }
0x76: {  	_ =	swait.ge @p0 [sflag:s23], $0x2800  }
0x77: {  	s25 =	simm.s32 @p0 $0x4;
	[sflag:s23] =	ssyncset.done @p0 $0x0  }
0x78: {  	s26 =	simm.s32 @p0 $0x6A00;
	[sflag:s23] =	ssyncadd.s32 @p0 $0xFFFFD800;
	s23 =	simm.s32 @p0 $0x4180  }
0x79: {  	[spmem:s1] =	stream.indirect.scatter.add.f32 @p0 [tilespmem:s26], [sflag:$0x4], $0x80, s23, s24, $0xb8;
	[tilespmem:$0x11A80] =	vst v63  }
0x7a: {  	_ =	swait.ge @p0 [sflag:s25], $0x2800  }
0x7b: {  	p1 =	por @!p0 $0x0, $0x0;
	[sflag:s25] =	ssyncset.done @p0 $0x0  }
0x7c: {  	p1 =	por p1, p0;
	[sflag:s25] =	ssyncadd.s32 @p0 $0xFFFFD800;
	s25 =	simm.s32 @p0 $0x9200  }
0x7d: {  	[spmem:s2] =	stream.indirect.scatter.add.f32 @p0 [tilespmem:s25], [sflag:$0x3], $0x80, s23, s24, $0xb8;
	[tilespmem:$0x11A80] =	vst v63  }
0x7e: {  	v6 =	vld @!p1 [tilespmem:s21+$0xFFFFFFC0];
	_ =	sdelay $0x4  }
0x7f: {  	[tilespmem:$0x4100] =	vst @!p1 v6  }
0x80: {  	v6 =	vld @!p1 [tilespmem:s22+$0xFFFFFFC0];
	_ =	sdelay $0x4  }
0x81: {  	vm0 =	vlt.s32 @!p1 v6, $0x3E8  }
0x82: {  	v6 =	vnsel @!p1 vm0, $0x3E8, v6  }
0x83: {  	[tilespmem:$0x4180] =	vst @!p1 v6  }
0x84: {  	v6 =	vld @!p1 [tilespmem:s21+$0xFFFFFFD0];
	_ =	sdelay $0x4  }
0x85: {  	[tilespmem:$0x4110] =	vst @!p1 v6  }
0x86: {  	v6 =	vld @!p1 [tilespmem:s22+$0xFFFFFFD0];
	_ =	sdelay $0x4  }
0x87: {  	vm0 =	vlt.s32 @!p1 v6, $0x3E8  }
0x88: {  	v6 =	vnsel @!p1 vm0, $0x3E8, v6  }
0x89: {  	[tilespmem:$0x4190] =	vst @!p1 v6  }
0x8a: {  	v6 =	vld @!p1 [tilespmem:s21+$0xFFFFFFE0];
	_ =	sdelay $0x4  }
0x8b: {  	[tilespmem:$0x4120] =	vst @!p1 v6  }
0x8c: {  	v6 =	vld @!p1 [tilespmem:s22+$0xFFFFFFE0];
	_ =	sdelay $0x4  }
0x8d: {  	vm0 =	vlt.s32 @!p1 v6, $0x3E8  }
0x8e: {  	v6 =	vnsel @!p1 vm0, $0x3E8, v6  }
0x8f: {  	[tilespmem:$0x41A0] =	vst @!p1 v6  }
0x90: {  	v6 =	vld @!p1 [tilespmem:s21+$0xFFFFFFF0];
	_ =	sdelay $0x4  }
0x91: {  	[tilespmem:$0x4130] =	vst @!p1 v6  }
0x92: {  	v6 =	vld @!p1 [tilespmem:s22+$0xFFFFFFF0];
	_ =	sdelay $0x4  }
0x93: {  	vm0 =	vlt.s32 @!p1 v6, $0x3E8  }
0x94: {  	v6 =	vnsel @!p1 vm0, $0x3E8, v6  }
0x95: {  	[tilespmem:$0x41B0] =	vst @!p1 v6  }
0x96: {  	v6 =	vld @!p1 [tilespmem:s21+$0x0];
	_ =	sdelay $0x4  }
0x97: {  	[tilespmem:$0x4140] =	vst @!p1 v6  }
0x98: {  	v6 =	vld @!p1 [tilespmem:s22+$0x0];
	_ =	sdelay $0x4  }
0x99: {  	vm0 =	vlt.s32 @!p1 v6, $0x3E8  }
0x9a: {  	s23 =	simm.s32 @!p1 $0x4100;
	v6 =	vnsel @!p1 vm0, $0x3E8, v6  }
0x9b: {  	s24 =	simm.s32 @!p1 $0x6A00;
	s21 =	simm.s32 @!p0 $0x1;
	s22 =	simm.s32 @!p1 $0x50;
	[tilespmem:$0x41C0] =	vst @!p1 v6  }
0x9c: {  	[tilespmem:s24], [sflag:$0x2] =	stream.indirect.gather @!p1 [hbm4b:s5+s22], $0x80, s23, s22, $0xb8;
	[tilespmem:$0x11A80] =	vst v63  }
0x9d: {  	_ =	swait.ge @!p0 [sflag:s21], $0x2800  }
0x9e: {  	s25 =	simm.s32 @!p0 $0x4;
	s22 =	simm.s32 @!p0 $0x4200;
	[sflag:s21] =	ssyncset.done @!p0 $0x0  }
0x9f: {  	s24 =	simm.s32 @!p0 $0x4080;
	[sflag:s21] =	ssyncadd.s32 @!p0 $0xFFFFD800;
	s21 =	simm.s32 @!p0 $0x50  }
0xa0: {  	[spmem:s1] =	stream.indirect.scatter.add.f32 @!p0 [tilespmem:s22], [sflag:$0x4], $0x80, s24, s21, $0xb8;
	[tilespmem:$0x11A80] =	vst v63  }
0xa1: {  	_ =	swait.ge @!p0 [sflag:s25], $0x2800  }
0xa2: {  	s23 =	simm.s32 $0x2;
	[sflag:s25] =	ssyncset.done @!p0 $0x0  }
0xa3: {  	s22 =	simm.s32 @!p0 $0x9200;
	[sflag:s25] =	ssyncadd.s32 @!p0 $0xFFFFD800;
	s25 =	simm.s32 @p0 $0x3  }
0xa4: {  	[spmem:s2] =	stream.indirect.scatter.add.f32 @!p0 [tilespmem:s22], [sflag:$0x4], $0x80, s24, s21, $0xb8;
	[tilespmem:$0x11A80] =	vst v63  }
0xa5: {  	s26 =	sand.u32 $0x1, s23;
	s24 =	simm.s32 $0x3;
	_ =	swait.ge [sflag:s25], $0x2800  }
0xa6: {  	s21 =	simm.s32 $0x140;
	s22 =	simm.s32 $0x2140;
	[sflag:s25] =	ssyncset.done $0x0  }
.LBB2_6:
0xa7: {  	p1 =	seq.s32 s26, $0x0  }
0xa8: {  	[sflag:s25] =	ssyncadd.s32 $0xFFFFD800;
	s25 =	smov.u32 s24;
	s24 =	sadd.s32 $0x1, s24  }
0xa9: {  	p0 =	sne.s32 s24, $0x40;
	v6 =	vld @p1 [tilespmem:s21+$0xFFFFFFC0];
	p2 =	sgt.u32 @!p1 s23, $0x3E;
	s23 =	smov.u32 s25  }
0xaa: {  	_ =	sdelay $0x3  }
0xab: {  	[tilespmem:$0x4000] =	vst @p1 v6  }
0xac: {  	v6 =	vld @p1 [tilespmem:s22+$0xFFFFFFC0];
	_ =	sdelay $0x4  }
0xad: {  	vm0 =	vlt.s32 @p1 v6, $0x3E8  }
0xae: {  	v6 =	vnsel @p1 vm0, $0x3E8, v6  }
0xaf: {  	[tilespmem:$0x4080] =	vst @p1 v6  }
0xb0: {  	v6 =	vld @p1 [tilespmem:s21+$0xFFFFFFD0];
	_ =	sdelay $0x4  }
0xb1: {  	[tilespmem:$0x4010] =	vst @p1 v6  }
0xb2: {  	v6 =	vld @p1 [tilespmem:s22+$0xFFFFFFD0];
	_ =	sdelay $0x4  }
0xb3: {  	vm0 =	vlt.s32 @p1 v6, $0x3E8  }
0xb4: {  	v6 =	vnsel @p1 vm0, $0x3E8, v6  }
0xb5: {  	[tilespmem:$0x4090] =	vst @p1 v6  }
0xb6: {  	v6 =	vld @p1 [tilespmem:s21+$0xFFFFFFE0];
	_ =	sdelay $0x4  }
0xb7: {  	[tilespmem:$0x4020] =	vst @p1 v6  }
0xb8: {  	v6 =	vld @p1 [tilespmem:s22+$0xFFFFFFE0];
	_ =	sdelay $0x4  }
0xb9: {  	vm0 =	vlt.s32 @p1 v6, $0x3E8  }
0xba: {  	v6 =	vnsel @p1 vm0, $0x3E8, v6  }
0xbb: {  	[tilespmem:$0x40A0] =	vst @p1 v6  }
0xbc: {  	v6 =	vld @p1 [tilespmem:s21+$0xFFFFFFF0];
	_ =	sdelay $0x4  }
0xbd: {  	[tilespmem:$0x4030] =	vst @p1 v6  }
0xbe: {  	v6 =	vld @p1 [tilespmem:s22+$0xFFFFFFF0];
	_ =	sdelay $0x4  }
0xbf: {  	vm0 =	vlt.s32 @p1 v6, $0x3E8  }
0xc0: {  	v6 =	vnsel @p1 vm0, $0x3E8, v6  }
0xc1: {  	[tilespmem:$0x40B0] =	vst @p1 v6  }
0xc2: {  	v6 =	vld @p1 [tilespmem:s21+$0x0];
	_ =	sdelay $0x4  }
0xc3: {  	[tilespmem:$0x4040] =	vst @p1 v6  }
0xc4: {  	v6 =	vld @p1 [tilespmem:s22+$0x0];
	_ =	sdelay $0x4  }
0xc5: {  	vm0 =	vlt.s32 @p1 v6, $0x3E8  }
0xc6: {  	s25 =	simm.s32 @p1 $0x2;
	v6 =	vnsel @p1 vm0, $0x3E8, v6  }
0xc7: {  	s26 =	simm.s32 @p1 $0x50;
	s28 =	simm.s32 @p1 $0x4000;
	s29 =	simm.s32 @p1 $0x4200;
	[tilespmem:$0x40C0] =	vst @p1 v6  }
0xc8: {  	[tilespmem:s29], [sflag:$0x1] =	stream.indirect.gather @p1 [hbm4b:s5+s26], $0x80, s28, s26, $0xb8;
	[tilespmem:$0x11A80] =	vst v63  }
0xc9: {  	_ =	swait.ge @p1 [sflag:s25], $0x2800  }
0xca: {  	s28 =	simm.s32 @p1 $0x4;
	[sflag:s25] =	ssyncset.done @p1 $0x0  }
0xcb: {  	s29 =	simm.s32 @p1 $0x6A00;
	[sflag:s25] =	ssyncadd.s32 @p1 $0xFFFFD800;
	s25 =	simm.s32 @p1 $0x4180  }
0xcc: {  	[spmem:s1] =	stream.indirect.scatter.add.f32 @p1 [tilespmem:s29], [sflag:$0x4], $0x80, s25, s26, $0xb8;
	[tilespmem:$0x11A80] =	vst v63  }
0xcd: {  	_ =	swait.ge @p1 [sflag:s28], $0x2800  }
0xce: {  	[sflag:s28] =	ssyncset.done @p1 $0x0  }
0xcf: {  	p2 =	por p2, p1;
	[sflag:s28] =	ssyncadd.s32 @p1 $0xFFFFD800;
	s28 =	simm.s32 @p1 $0x9200  }
0xd0: {  	[spmem:s2] =	stream.indirect.scatter.add.f32 @p1 [tilespmem:s28], [sflag:$0x3], $0x80, s25, s26, $0xb8;
	[tilespmem:$0x11A80] =	vst v63  }
0xd1: {  	v6 =	vld @!p2 [tilespmem:s21+$0xFFFFFFC0];
	_ =	sdelay $0x4  }
0xd2: {  	[tilespmem:$0x4100] =	vst @!p2 v6  }
0xd3: {  	v6 =	vld @!p2 [tilespmem:s22+$0xFFFFFFC0];
	_ =	sdelay $0x4  }
0xd4: {  	vm0 =	vlt.s32 @!p2 v6, $0x3E8  }
0xd5: {  	v6 =	vnsel @!p2 vm0, $0x3E8, v6  }
0xd6: {  	[tilespmem:$0x4180] =	vst @!p2 v6  }
0xd7: {  	v6 =	vld @!p2 [tilespmem:s21+$0xFFFFFFD0];
	_ =	sdelay $0x4  }
0xd8: {  	[tilespmem:$0x4110] =	vst @!p2 v6  }
0xd9: {  	v6 =	vld @!p2 [tilespmem:s22+$0xFFFFFFD0];
	_ =	sdelay $0x4  }
0xda: {  	vm0 =	vlt.s32 @!p2 v6, $0x3E8  }
0xdb: {  	v6 =	vnsel @!p2 vm0, $0x3E8, v6  }
0xdc: {  	[tilespmem:$0x4190] =	vst @!p2 v6  }
0xdd: {  	v6 =	vld @!p2 [tilespmem:s21+$0xFFFFFFE0];
	_ =	sdelay $0x4  }
0xde: {  	[tilespmem:$0x4120] =	vst @!p2 v6  }
0xdf: {  	v6 =	vld @!p2 [tilespmem:s22+$0xFFFFFFE0];
	_ =	sdelay $0x4  }
0xe0: {  	vm0 =	vlt.s32 @!p2 v6, $0x3E8  }
0xe1: {  	v6 =	vnsel @!p2 vm0, $0x3E8, v6  }
0xe2: {  	[tilespmem:$0x41A0] =	vst @!p2 v6  }
0xe3: {  	v6 =	vld @!p2 [tilespmem:s21+$0xFFFFFFF0];
	_ =	sdelay $0x4  }
0xe4: {  	[tilespmem:$0x4130] =	vst @!p2 v6  }
0xe5: {  	v6 =	vld @!p2 [tilespmem:s22+$0xFFFFFFF0];
	_ =	sdelay $0x4  }
0xe6: {  	vm0 =	vlt.s32 @!p2 v6, $0x3E8  }
0xe7: {  	v6 =	vnsel @!p2 vm0, $0x3E8, v6  }
0xe8: {  	[tilespmem:$0x41B0] =	vst @!p2 v6  }
0xe9: {  	v6 =	vld @!p2 [tilespmem:s21+$0x0];
	_ =	sdelay $0x4  }
0xea: {  	[tilespmem:$0x4140] =	vst @!p2 v6  }
0xeb: {  	v6 =	vld @!p2 [tilespmem:s22+$0x0];
	_ =	sdelay $0x4  }
0xec: {  	vm0 =	vlt.s32 @!p2 v6, $0x3E8  }
0xed: {  	s26 =	simm.s32 @!p1 $0x1;
	v6 =	vnsel @!p2 vm0, $0x3E8, v6  }
0xee: {  	s29 =	simm.s32 @!p2 $0x6A00;
	s25 =	simm.s32 @!p2 $0x50;
	s28 =	simm.s32 @!p2 $0x4100;
	[tilespmem:$0x41C0] =	vst @!p2 v6  }
0xef: {  	[tilespmem:s29], [sflag:$0x2] =	stream.indirect.gather @!p2 [hbm4b:s5+s25], $0x80, s28, s25, $0xb8;
	[tilespmem:$0x11A80] =	vst v63  }
0xf0: {  	_ =	swait.ge @!p1 [sflag:s26], $0x2800  }
0xf1: {  	s28 =	simm.s32 @!p1 $0x4200;
	s25 =	simm.s32 @!p1 $0x4;
	[sflag:s26] =	ssyncset.done @!p1 $0x0  }
0xf2: {  	s29 =	simm.s32 @!p1 $0x4080;
	[sflag:s26] =	ssyncadd.s32 @!p1 $0xFFFFD800;
	s26 =	simm.s32 @!p1 $0x50  }
0xf3: {  	[spmem:s1] =	stream.indirect.scatter.add.f32 @!p1 [tilespmem:s28], [sflag:$0x4], $0x80, s29, s26, $0xb8;
	[tilespmem:$0x11A80] =	vst v63  }
0xf4: {  	_ =	swait.ge @!p1 [sflag:s25], $0x2800  }
.Ltmp2:
0xf5: {  	[sflag:s25] =	ssyncset.done @!p1 $0x0;
	(pc) =	sbr.rel @p0 .LBB2_6-.Ltmp2, $4  }
0xf6: {  	s28 =	simm.s32 @!p1 $0x9200;
	[sflag:s25] =	ssyncadd.s32 @!p1 $0xFFFFD800;
	s25 =	simm.s32 @p1 $0x3  }
0xf7: {  	[spmem:s2] =	stream.indirect.scatter.add.f32 @!p1 [tilespmem:s28], [sflag:$0x4], $0x80, s29, s26, $0xb8;
	[tilespmem:$0x11A80] =	vst v63  }
0xf8: {  	s21 =	sadd.s32 $0x80, s21;
	_ =	swait.ge [sflag:s25], $0x2800  }
0xf9: {  	s22 =	sadd.s32 $0x80, s22;
	s26 =	sand.u32 $0x1, s23;
	[sflag:s25] =	ssyncset.done $0x0  }
0xfa: {  	p0 =	seq.s32 s26, $0x0;
	[sflag:s25] =	ssyncadd.s32 $0xFFFFD800  }
0xfb: {  	v6 =	vld @p0 [tilespmem:s21+$0xFFFFFFC0];
	_ =	sdelay $0x4  }
0xfc: {  	[tilespmem:$0x4000] =	vst @p0 v6  }
0xfd: {  	v6 =	vld @p0 [tilespmem:s22+$0xFFFFFFC0];
	_ =	sdelay $0x4  }
0xfe: {  	vm0 =	vlt.s32 @p0 v6, $0x3E8  }
0xff: {  	v6 =	vnsel @p0 vm0, $0x3E8, v6  }
0x100: {  	[tilespmem:$0x4080] =	vst @p0 v6  }
0x101: {  	v6 =	vld @p0 [tilespmem:s21+$0xFFFFFFD0];
	_ =	sdelay $0x4  }
0x102: {  	[tilespmem:$0x4010] =	vst @p0 v6  }
0x103: {  	v6 =	vld @p0 [tilespmem:s22+$0xFFFFFFD0];
	_ =	sdelay $0x4  }
0x104: {  	vm0 =	vlt.s32 @p0 v6, $0x3E8  }
0x105: {  	v6 =	vnsel @p0 vm0, $0x3E8, v6  }
0x106: {  	[tilespmem:$0x4090] =	vst @p0 v6  }
0x107: {  	v6 =	vld @p0 [tilespmem:s21+$0xFFFFFFE0];
	_ =	sdelay $0x4  }
0x108: {  	[tilespmem:$0x4020] =	vst @p0 v6  }
0x109: {  	v6 =	vld @p0 [tilespmem:s22+$0xFFFFFFE0];
	_ =	sdelay $0x4  }
0x10a: {  	vm0 =	vlt.s32 @p0 v6, $0x3E8  }
0x10b: {  	v6 =	vnsel @p0 vm0, $0x3E8, v6  }
0x10c: {  	[tilespmem:$0x40A0] =	vst @p0 v6  }
0x10d: {  	v6 =	vld @p0 [tilespmem:s21+$0xFFFFFFF0];
	_ =	sdelay $0x4  }
0x10e: {  	[tilespmem:$0x4030] =	vst @p0 v6  }
0x10f: {  	v6 =	vld @p0 [tilespmem:s22+$0xFFFFFFF0];
	_ =	sdelay $0x4  }
0x110: {  	vm0 =	vlt.s32 @p0 v6, $0x3E8  }
0x111: {  	v6 =	vnsel @p0 vm0, $0x3E8, v6  }
0x112: {  	[tilespmem:$0x40B0] =	vst @p0 v6  }
0x113: {  	v6 =	vld @p0 [tilespmem:s21+$0x0];
	_ =	sdelay $0x4  }
0x114: {  	[tilespmem:$0x4040] =	vst @p0 v6  }
0x115: {  	v6 =	vld @p0 [tilespmem:s22+$0x0];
	_ =	sdelay $0x4  }
0x116: {  	vm0 =	vlt.s32 @p0 v6, $0x3E8  }
0x117: {  	v6 =	vnsel @p0 vm0, $0x3E8, v6  }
0x118: {  	s24 =	simm.s32 @p0 $0x50;
	s25 =	simm.s32 @p0 $0x4000;
	s26 =	simm.s32 @p0 $0x4200;
	[tilespmem:$0x40C0] =	vst @p0 v6  }
0x119: {  	[tilespmem:s26], [sflag:$0x1] =	stream.indirect.gather @p0 [hbm4b:s5+s24], $0x80, s25, s24, $0xb8;
	[tilespmem:$0x11A80] =	vst v63  }
0x11a: {  	s25 =	simm.s32 @p0 $0x2  }
0x11b: {  	_ =	swait.ge @p0 [sflag:s25], $0x2800  }
0x11c: {  	[sflag:s25] =	ssyncset.done @p0 $0x0  }
0x11d: {  	s26 =	simm.s32 @p0 $0x6A00;
	[sflag:s25] =	ssyncadd.s32 @p0 $0xFFFFD800;
	s25 =	simm.s32 @p0 $0x4180  }
0x11e: {  	[spmem:s1] =	stream.indirect.scatter.add.f32 @p0 [tilespmem:s26], [sflag:$0x4], $0x80, s25, s24, $0xb8;
	[tilespmem:$0x11A80] =	vst v63  }
0x11f: {  	s26 =	simm.s32 @p0 $0x4  }
0x120: {  	_ =	swait.ge @p0 [sflag:s26], $0x2800  }
0x121: {  	p1 =	sgt.u32 @!p0 s23, $0x3E;
	[sflag:s26] =	ssyncset.done @p0 $0x0  }
0x122: {  	s23 =	simm.s32 @p0 $0x9200;
	p1 =	por p1, p0;
	[sflag:s26] =	ssyncadd.s32 @p0 $0xFFFFD800  }
0x123: {  	[spmem:s2] =	stream.indirect.scatter.add.f32 @p0 [tilespmem:s23], [sflag:$0x3], $0x80, s25, s24, $0xb8;
	[tilespmem:$0x11A80] =	vst v63  }
0x124: {  	v6 =	vld @!p1 [tilespmem:s21+$0xFFFFFFC0];
	_ =	sdelay $0x4  }
0x125: {  	[tilespmem:$0x4100] =	vst @!p1 v6  }
0x126: {  	v6 =	vld @!p1 [tilespmem:s22+$0xFFFFFFC0];
	_ =	sdelay $0x4  }
0x127: {  	vm0 =	vlt.s32 @!p1 v6, $0x3E8  }
0x128: {  	v6 =	vnsel @!p1 vm0, $0x3E8, v6  }
0x129: {  	[tilespmem:$0x4180] =	vst @!p1 v6  }
0x12a: {  	v6 =	vld @!p1 [tilespmem:s21+$0xFFFFFFD0];
	_ =	sdelay $0x4  }
0x12b: {  	[tilespmem:$0x4110] =	vst @!p1 v6  }
0x12c: {  	v6 =	vld @!p1 [tilespmem:s22+$0xFFFFFFD0];
	_ =	sdelay $0x4  }
0x12d: {  	vm0 =	vlt.s32 @!p1 v6, $0x3E8  }
0x12e: {  	v6 =	vnsel @!p1 vm0, $0x3E8, v6  }
0x12f: {  	[tilespmem:$0x4190] =	vst @!p1 v6  }
0x130: {  	v6 =	vld @!p1 [tilespmem:s21+$0xFFFFFFE0];
	_ =	sdelay $0x4  }
0x131: {  	[tilespmem:$0x4120] =	vst @!p1 v6  }
0x132: {  	v6 =	vld @!p1 [tilespmem:s22+$0xFFFFFFE0];
	_ =	sdelay $0x4  }
0x133: {  	vm0 =	vlt.s32 @!p1 v6, $0x3E8  }
0x134: {  	v6 =	vnsel @!p1 vm0, $0x3E8, v6  }
0x135: {  	[tilespmem:$0x41A0] =	vst @!p1 v6  }
0x136: {  	v6 =	vld @!p1 [tilespmem:s21+$0xFFFFFFF0];
	_ =	sdelay $0x4  }
0x137: {  	[tilespmem:$0x4130] =	vst @!p1 v6  }
0x138: {  	v6 =	vld @!p1 [tilespmem:s22+$0xFFFFFFF0];
	_ =	sdelay $0x4  }
0x139: {  	vm0 =	vlt.s32 @!p1 v6, $0x3E8  }
0x13a: {  	v6 =	vnsel @!p1 vm0, $0x3E8, v6  }
0x13b: {  	[tilespmem:$0x41B0] =	vst @!p1 v6  }
0x13c: {  	v6 =	vld @!p1 [tilespmem:s21+$0x0];
	_ =	sdelay $0x4  }
0x13d: {  	[tilespmem:$0x4140] =	vst @!p1 v6  }
0x13e: {  	v6 =	vld @!p1 [tilespmem:s22+$0x0];
	_ =	sdelay $0x4  }
0x13f: {  	vm0 =	vlt.s32 @!p1 v6, $0x3E8  }
0x140: {  	s23 =	simm.s32 @!p1 $0x4100;
	v6 =	vnsel @!p1 vm0, $0x3E8, v6  }
0x141: {  	s24 =	simm.s32 @!p1 $0x6A00;
	s21 =	simm.s32 @!p0 $0x1;
	s22 =	simm.s32 @!p1 $0x50;
	[tilespmem:$0x41C0] =	vst @!p1 v6  }
0x142: {  	[tilespmem:s24], [sflag:$0x2] =	stream.indirect.gather @!p1 [hbm4b:s5+s22], $0x80, s23, s22, $0xb8;
	[tilespmem:$0x11A80] =	vst v63  }
0x143: {  	_ =	swait.ge @!p0 [sflag:s21], $0x2800  }
0x144: {  	s22 =	simm.s32 @!p0 $0x4200;
	s23 =	simm.s32 @!p0 $0x4;
	[sflag:s21] =	ssyncset.done @!p0 $0x0  }
0x145: {  	s24 =	simm.s32 @!p0 $0x4080;
	[sflag:s21] =	ssyncadd.s32 @!p0 $0xFFFFD800;
	s21 =	simm.s32 @!p0 $0x50  }
0x146: {  	[spmem:s1] =	stream.indirect.scatter.add.f32 @!p0 [tilespmem:s22], [sflag:$0x4], $0x80, s24, s21, $0xb8;
	[tilespmem:$0x11A80] =	vst v63  }
0x147: {  	_ =	swait.ge @!p0 [sflag:s23], $0x2800  }
0x148: {  	[sflag:s23] =	ssyncset.done @!p0 $0x0  }
0x149: {  	s22 =	simm.s32 @!p0 $0x9200;
	[sflag:s23] =	ssyncadd.s32 @!p0 $0xFFFFD800;
	s23 =	simm.s32 @p0 $0x3  }
0x14a: {  	[spmem:s2] =	stream.indirect.scatter.add.f32 @!p0 [tilespmem:s22], [sflag:$0x4], $0x80, s24, s21, $0xb8;
	[tilespmem:$0x11A80] =	vst v63  }
0x14b: {  	_ =	swait.ge [sflag:s23], $0x2800  }
0x14c: {  	[sflag:s23] =	ssyncset.done $0x0  }
0x14d: {  	[sflag:s23] =	ssyncadd.s32 $0xFFFFD800  }
0x14e: {  	[bflag:$0x0] =	sbarrier.arrive $0xFFFF  }
0x14f: {  	[tilespmem:$0xBA00] =	vst v0  }
0x150: {  	[tilespmem:$0xBA10] =	vst v1  }
0x151: {  	[tilespmem:$0xBA20] =	vst v2  }
0x152: {  	[tilespmem:$0xBA30] =	vst v3  }
0x153: {  	[tilespmem:s15], [sflag:$0x1] =	stream.indirect.gather [spmem:s1], $0x80, s14, s13, $0xb8;
	[tilespmem:$0x11A80] =	vst v63  }
0x154: {  	_ =	swait.ge [sflag:s19], $0x2000  }
0x155: {  	[sflag:s19] =	ssyncset.done $0x0  }
0x156: {  	[sflag:s19] =	ssyncadd.s32 $0xFFFFE000  }
0x157: {  	[hbm4b:s8+s4] =	stream.linear.scatter [tilespmem:s15], [sflag:$0x3], $0x2000, $0x38;
	[tilespmem:$0x11A80] =	vst v63  }
0x158: {  	_ =	swait.ge [sflag:s11], $0x2000  }
0x159: {  	[sflag:s11] =	ssyncset.done $0x0  }
0x15a: {  	[sflag:s11] =	ssyncadd.s32 $0xFFFFE000  }
0x15b: {  	[tilespmem:$0xBA00] =	vst v0  }
0x15c: {  	[tilespmem:$0xBA10] =	vst v1  }
0x15d: {  	[tilespmem:$0xBA20] =	vst v2  }
0x15e: {  	[tilespmem:$0xBA30] =	vst v3  }
0x15f: {  	[tilespmem:s15], [sflag:$0x1] =	stream.indirect.gather [spmem:s2], $0x80, s14, s13, $0xb8;
	[tilespmem:$0x11A80] =	vst v63  }
0x160: {  	s20 =	sadd.s32 $0x1, s20;
	_ =	swait.ge [sflag:s19], $0x2000  }
0x161: {  	p0 =	sne.s32 s20, s10;
	[sflag:s19] =	ssyncset.done $0x0  }
.Ltmp3:
0x162: {  	[sflag:s19] =	ssyncadd.s32 $0xFFFFE000;
	(pc) =	sbr.rel @p0 .LBB2_1-.Ltmp3, $4  }
0x163: {  	[hbm4b:s9+s4] =	stream.linear.scatter [tilespmem:s15], [sflag:$0x3], $0x2000, $0x38;
	[tilespmem:$0x11A80] =	vst v63  }
0x164: {  	_ =	swait.ge [sflag:s11], $0x2000  }
0x165: {  	[sflag:s11] =	ssyncset.done $0x0  }
0x166: {  	[sflag:s11] =	ssyncadd.s32 $0xFFFFE000  }
0x167: {  	_ =	sfence.sel $0x180000  }
0x168: {  	[bflag:$0x0] =	sbarrier.arrive $0xFFFF  }
0x169: {  	p0 =	sne.s32 s3, $0x0;
	_ =	strace $0x9000004A  }
0x16a: {  	s0 =	sadd.s32 @!p0 $0x100000, s0;
	[bflag:$0x2] =	sbarrier.arrive $0xFFFF  }
0x16b: {  	[sflag:s0] =	ssyncadd.tile.s32 @!p0 $0x1;
	_ =	shalt  }
.Lfunc_end2:
_tile_overlayer_lowered:
.L_overlay_start_2:
0x16c: {  	(tag) =	ssettag $0x2  }
0x16d: {  	s0 =	rddreg [dreg:$0x0];
	s2 =	stileid.u32  }
0x16e: {  	s1 =	rddreg [dreg:$0x1];
	p0 =	sne.s32 s2, $0x0  }
0x16f: {  	s3 =	rddreg [dreg:$0x2];
	[bflag:$0x3] =	sbarrier.arrive $0xFFFF;
	s2 =	simm.s32 @!p0 $0x1C03  }
0x170: {  	[timem:s3], [sflag:s2] =	dma.local @!p0 [hbm:s0], s1  }
0x171: {  	s0 =	simm.s32 @!p0 $0x3  }
0x172: {  	_ =	swait.ge @!p0 [sflag:s0], s1  }
0x173: {  	s1 =	ssub.s32 @!p0 $0x0, s1;
	[sflag:s0] =	ssyncset.done @!p0 $0x0  }
0x174: {  	[sflag:s0] =	ssyncadd.s32 @!p0 s1  }
0x175: {  	[bflag:$0x3] =	sbarrier.arrive $0xFFFF  }
0x176: {  	_ =	shalt  }

</sc_bundles>
